<compile_context>
chip_gen: v7x
topology: tpu7x:2x2x1
jax: 0.10.2.dev20260603
libtpu: 0.0.44.dev20260713+nightly
codegen_flags: <defaults>
</compile_context>

<pallas_src>
import functools

import jax
import jax.numpy as jnp
from jax import lax
from jax.experimental import pallas as pl
from jax.experimental.pallas import tpu as pltpu
from jax.experimental.pallas import tpu_sc as plsc

N_NODES = 50000
E = 800000
D = 64

HALF = 25000
PAD = 88
HPAD = HALF + PAD
NPAD = 2 * HPAD
TROWS = HPAD // 16
TRASH = HPAD
SROWS = HPAD + 8

CH = 128
KCH = 2
SUPE = CH * KCH
NSUP = E // SUPE
KMAX = -(-NSUP // 16)
NB = 56
NBLK = TROWS // NB

f32 = jnp.float32
i32 = jnp.int32


def _mesh():
    return plsc.VectorSubcoreMesh(core_axis_name="c", subcore_axis_name="s")


def _rsqrt16(x):
    i = lax.bitcast_convert_type(x, i32)
    i = jnp.int32(0x5F3759DF) - lax.shift_right_logical(i, 1)
    y = lax.bitcast_convert_type(i, f32)
    for _ in range(3):
        y = y * (jnp.float32(1.5) - jnp.float32(0.5) * x * y * y)
    return jnp.where(x > jnp.float32(0.0), y, jnp.float32(0.0))


def _fill_zeros(ref, rows, width):
    def body(r, _):
        for p in range(width // 16):
            ref[r, pl.ds(p * 16, 16)] = jnp.zeros((16,), f32)
        return 0
    lax.fori_loop(0, rows, body, 0)


def _dst_local(tbuf, didx2, lo):
    for j in range(KCH):
        for p in range(CH // 16):
            v = tbuf[pl.ds(j * CH + p * 16, 16)]
            inr = (v >= lo) & (v < lo + HALF)
            didx2[j, pl.ds(p * 16, 16)] = jnp.where(inr, v - lo, TRASH)


def _prep_body(to_hbm, emb_hbm, dis_out, y0_out,
               d_sh, tbuf, didx2, ones, zblk, dblk, disblk, embblk, y0blk,
               ssem):
    c = lax.axis_index("c")
    s = lax.axis_index("s")
    lo = c * HALF

    def fill_ones(r, _):
        ones[r] = jnp.ones((16,), f32)
        return 0
    lax.fori_loop(0, CH, fill_ones, 0)
    _fill_zeros(zblk, NB, 16)

    def zero_blk(j, _):
        pltpu.sync_copy(zblk, d_sh.at[pl.ds(s * TROWS + j * NB, NB)])
        return 0
    lax.fori_loop(0, NBLK, zero_blk, 0)
    plsc.subcore_barrier()

    def edge_iter(k, _):
        sup = s + 16 * k

        @pl.when(sup < NSUP)
        def _():
            base = sup * SUPE
            pltpu.sync_copy(to_hbm.at[pl.ds(base, SUPE)], tbuf)
            _dst_local(tbuf, didx2, lo)
            copies = [
                pltpu.async_copy(ones, d_sh.at[didx2.at[j]], ssem, add=True)
                for j in range(KCH)
            ]
            for cp in copies:
                cp.wait()
        return 0
    lax.fori_loop(0, KMAX, edge_iter, 0)
    plsc.subcore_barrier()

    def node_blk(j, _):
        lb = s * TROWS + j * NB
        pb = c * HPAD + lb
        pltpu.sync_copy(d_sh.at[pl.ds(lb, NB)], dblk)
        pltpu.sync_copy(emb_hbm.at[pl.ds(pb, NB)], embblk)

        def row(r, _):
            disv = _rsqrt16(dblk[r])
            disblk[r] = disv
            for p in range(D // 16):
                sl = pl.ds(p * 16, 16)
                y0blk[r, sl] = embblk[r, sl] * disv
            return 0
        lax.fori_loop(0, NB, row, 0)
        pltpu.sync_copy(disblk, dis_out.at[pl.ds(pb, NB)])
        pltpu.sync_copy(y0blk, y0_out.at[pl.ds(pb, NB)])
        return 0
    lax.fori_loop(0, NBLK, node_blk, 0)


def _layer_body(from_hbm, to_hbm, y_hbm, dis_hbm, acc_hbm, *refs, last):
    if last:
        (out_hbm, s_sh, fbuf, tbuf, didx2, rows, sblk, disblk,
         accblk, gsem, ssem) = refs
    else:
        (y_out, acc_out, s_sh, fbuf, tbuf, didx2, rows, sblk, disblk,
         accblk, gsem, ssem) = refs
    c = lax.axis_index("c")
    s = lax.axis_index("s")
    lo = c * HALF

    _fill_zeros(sblk, NB, D)

    def zero_blk(j, _):
        pltpu.sync_copy(sblk, s_sh.at[pl.ds(s * TROWS + j * NB, NB)])
        return 0
    lax.fori_loop(0, NBLK, zero_blk, 0)
    plsc.subcore_barrier()

    def edge_iter(k, _):
        sup = s + 16 * k

        @pl.when(sup < NSUP)
        def _():
            base = sup * SUPE
            pltpu.sync_copy(from_hbm.at[pl.ds(base, SUPE)], fbuf)
            pltpu.sync_copy(to_hbm.at[pl.ds(base, SUPE)], tbuf)
            _dst_local(tbuf, didx2, lo)
            for p in range(SUPE // 16):
                sl = pl.ds(p * 16, 16)
                f = fbuf[sl]
                fbuf[sl] = jnp.where(f >= HALF, f + PAD, f)
            gathers = [
                pltpu.async_copy(y_hbm.at[fbuf.at[pl.ds(j * CH, CH)]],
                                 rows.at[j], gsem)
                for j in range(KCH)
            ]
            for cp in gathers:
                cp.wait()
            scatters = [
                pltpu.async_copy(rows.at[j], s_sh.at[didx2.at[j]], ssem,
                                 add=True)
                for j in range(KCH)
            ]
            for cp in scatters:
                cp.wait()
        return 0
    lax.fori_loop(0, KMAX, edge_iter, 0)
    plsc.subcore_barrier()

    yblk = rows.at[0, pl.ds(0, NB)]

    def node_blk(j, _):
        lb = s * TROWS + j * NB
        pb = c * HPAD + lb
        pltpu.sync_copy(s_sh.at[pl.ds(lb, NB)], sblk)
        pltpu.sync_copy(dis_hbm.at[pl.ds(pb, NB)], disblk)
        pltpu.sync_copy(acc_hbm.at[pl.ds(pb, NB)], accblk)

        def row(r, _):
            dv = disblk[r]
            d2 = dv * dv
            for p in range(D // 16):
                sl = pl.ds(p * 16, 16)
                sv = sblk[r, sl]
                a = accblk[r, sl] + sv * dv
                if last:
                    accblk[r, sl] = a * jnp.float32(0.25)
                else:
                    accblk[r, sl] = a
                    yblk[r, sl] = sv * d2
            return 0
        lax.fori_loop(0, NB, row, 0)
        if last:
            pltpu.sync_copy(accblk, out_hbm.at[pl.ds(pb, NB)])
        else:
            pltpu.sync_copy(accblk, acc_out.at[pl.ds(pb, NB)])
            pltpu.sync_copy(yblk, y_out.at[pl.ds(pb, NB)])
        return 0
    lax.fori_loop(0, NBLK, node_blk, 0)


def _sds(shape, dtype=f32):
    return jax.ShapeDtypeStruct(shape, dtype)


def _make_prep():
    return pl.kernel(
        _prep_body,
        out_type=(_sds((NPAD, 16)), _sds((NPAD, D))),
        mesh=_mesh(),
        scratch_types=[
            pltpu.VMEM_SHARED((SROWS, 16), f32),
            pltpu.VMEM((SUPE,), i32),
            pltpu.VMEM((KCH, CH), i32),
            pltpu.VMEM((CH, 16), f32),
            pltpu.VMEM((NB, 16), f32),
            pltpu.VMEM((NB, 16), f32),
            pltpu.VMEM((NB, 16), f32),
            pltpu.VMEM((NB, D), f32),
            pltpu.VMEM((NB, D), f32),
            pltpu.SemaphoreType.DMA,
        ],
        compiler_params=pltpu.CompilerParams(use_tc_tiling_on_sc=False),
        name="lightgcn_prep",
    )


def _make_layer(last):
    if last:
        outs = _sds((NPAD, D))
    else:
        outs = (_sds((NPAD, D)), _sds((NPAD, D)))
    scratch = [
        pltpu.VMEM_SHARED((SROWS, D), f32),
        pltpu.VMEM((SUPE,), i32),
        pltpu.VMEM((SUPE,), i32),
        pltpu.VMEM((KCH, CH), i32),
        pltpu.VMEM((KCH, CH, D), f32),
        pltpu.VMEM((NB, D), f32),
        pltpu.VMEM((NB, 16), f32),
        pltpu.VMEM((NB, D), f32),
        pltpu.SemaphoreType.DMA,
        pltpu.SemaphoreType.DMA,
    ]
    return pl.kernel(
        functools.partial(_layer_body, last=last),
        out_type=outs,
        mesh=_mesh(),
        scratch_types=scratch,
        compiler_params=pltpu.CompilerParams(use_tc_tiling_on_sc=False),
        name="lightgcn_last" if last else "lightgcn_layer",
    )


def kernel(emb_table, edge_attrs, scale, edge_index):
    del edge_attrs, scale
    from_ = edge_index[0]
    to_ = edge_index[1]
    zpad = jnp.zeros((PAD, D), f32)
    emb_pad = jnp.concatenate(
        [emb_table[:HALF], zpad, emb_table[HALF:], zpad], axis=0)

    dis, y0 = _make_prep()(to_, emb_pad)
    mid = _make_layer(last=False)
    y1, a1 = mid(from_, to_, y0, dis, emb_pad)
    y2, a2 = mid(from_, to_, y1, dis, a1)
    outp = _make_layer(last=True)(from_, to_, y2, dis, a2)

    return jnp.concatenate([outp[:HALF], outp[HPAD:HPAD + HALF]], axis=0)

# --- scband reference (transcript-rebuilt; emitter-appended) ---
"""Pipeline reference for scband-rec-sys-gnn-25142738551261 (READ-ONLY COPY).

The authoritative reference and input builder live on the scoring server;
editing this copy changes nothing except your own understanding.
"""

import jax, jax.numpy as jnp
import numpy as np

N_USERS = 25000
N_ITEMS = 25000
N_NODES = N_USERS + N_ITEMS
E = 800000
EMB_DIM = 64
N_LAYERS = 3


def setup_inputs(seed: int = 0) -> dict:
    key = jax.random.key(seed)
    k1, k2, k3 = jax.random.split(key, 3)
    edge_index = jax.random.randint(k1, (2, E), 0, N_NODES, dtype=jnp.int32)
    edge_attrs = jax.random.uniform(k2, (E,), dtype=jnp.float32)
    # nn.Embedding weight (normal init, as torch default for Embedding)
    emb_table = jax.random.normal(k3, (N_NODES, EMB_DIM), dtype=jnp.float32)
    scale = jnp.float32(1.0)
    return {"emb_table": emb_table, "edge_attrs": edge_attrs, "scale": scale, "edge_index": edge_index}


def reference(emb_table, edge_attrs, scale, edge_index):
    # RecSysGNN with model='lightGCN': stack of lightGCN propagation layers over
    # the user+item embedding table; output is the layer-averaged embedding
    # (standard LightGCN readout). edge_attrs and scale are unused by lightGCN.
    from_ = edge_index[0]
    to_ = edge_index[1]
    # degree of destination nodes (dtype = x.dtype)
    deg = jax.ops.segment_sum(jnp.ones((E,), dtype=emb_table.dtype), to_, num_segments=N_NODES)
    deg_inv_sqrt = jnp.where(deg > 0, deg ** -0.5, 0.0)  # inf -> 0
    norm = deg_inv_sqrt[from_] * deg_inv_sqrt[to_]
    x = emb_table
    embs = [x]
    for _ in range(N_LAYERS):
        msg = norm[:, None] * jnp.take(x, from_, axis=0)  # message: norm * x_j
        x = jax.ops.segment_sum(msg, to_, num_segments=N_NODES)  # aggr='add'
        embs.append(x)
    out = jnp.mean(jnp.stack(embs, axis=0), axis=0)
    return out

if __name__ == "__main__":
    import jax
    _d = setup_inputs()
    print(jax.jit(kernel)(*tuple(_d.values())))

</pallas_src>

<mosaic_0001>
#map = affine_map<(d0, d1) -> (0)>
#map1 = affine_map<(d0, d1) -> (0, 0)>
module attributes {stable_mosaic.version = 14 : i64} {
  func.func @lightgcn_layer(%arg0: i32, %arg1: i32, %arg2: memref<800000xi32, #tpu.memory_space<hbm>>, %arg3: memref<800000xi32, #tpu.memory_space<hbm>>, %arg4: memref<50176x64xf32, #tpu.memory_space<hbm>>, %arg5: memref<50176x16xf32, #tpu.memory_space<hbm>>, %arg6: memref<50176x64xf32, #tpu.memory_space<hbm>>, %arg7: memref<50176x64xf32, #tpu.memory_space<hbm>>, %arg8: memref<50176x64xf32, #tpu.memory_space<hbm>>, %arg9: memref<25096x64xf32, #tpu.memory_space<vmem_shared>>, %arg10: memref<256xi32, #tpu.memory_space<vmem>>, %arg11: memref<256xi32, #tpu.memory_space<vmem>>, %arg12: memref<2x128xi32, #tpu.memory_space<vmem>>, %arg13: memref<2x128x64xf32, #tpu.memory_space<vmem>>, %arg14: memref<56x64xf32, #tpu.memory_space<vmem>>, %arg15: memref<56x16xf32, #tpu.memory_space<vmem>>, %arg16: memref<56x64xf32, #tpu.memory_space<vmem>>, %arg17: memref<!tpu.dma_semaphore, #tpu.memory_space<semaphore_mem>>, %arg18: memref<!tpu.dma_semaphore, #tpu.memory_space<semaphore_mem>>) attributes {dimension_semantics = [#tpu.dimension_semantics<core_parallel>, #tpu.dimension_semantics<subcore_parallel>], iteration_bounds = array<i64: 2, 16>, scalar_prefetch = 0 : i64, scratch_operands = 10 : i64, tpu.core_type = #tpu.core_type<sc_vector_subcore>, window_params = [{transform_indices = #map}, {transform_indices = #map}, {transform_indices = #map1}, {transform_indices = #map1}, {transform_indices = #map1}, {transform_indices = #map1}, {transform_indices = #map1}]} {
    %mul3A = arith.constant 25000 : i32
    %mul3A_0 = arith.muli %arg0, %mul3A : i32
    %scan3A = arith.constant 0 : i32
    %scan3A_1 = arith.constant 0 : i32
    %scan3A_2 = arith.constant 56 : i32
    %scan3A_3 = arith.addi %scan3A_1, %scan3A_2 : i32
    %scan3A_4 = arith.constant 1 : i32
    %scan3A_5 = scf.for %scan3A_30 = %scan3A_1 to %scan3A_3 step %scan3A_4 iter_args(%scan3A_31 = %scan3A) -> (i32)  : i32 {
      %broadcast_in_dim3A = arith.constant 0.000000e+00 : f32
      %broadcast_in_dim3A_32 = vector.broadcast %broadcast_in_dim3A : f32 to vector<16xf32>
      %swap3A = arith.index_cast %scan3A_30 : i32 to index
      %swap3A_33 = arith.constant 0 : index
      %swap3A_34 = tpu.vector_load %arg14[%swap3A, %swap3A_33] {strides = array<i32>} : memref<56x64xf32, #tpu.memory_space<vmem>>, vector<1x16xf32>,
      %swap3A_35 = vector.shape_cast %swap3A_34 : vector<1x16xf32> to vector<16xf32>
      %swap3A_36 = vector.shape_cast %broadcast_in_dim3A_32 : vector<16xf32> to vector<1x16xf32>
      tpu.vector_store %arg14[%swap3A, %swap3A_33], %swap3A_36 {strides = array<i32>} : memref<56x64xf32, #tpu.memory_space<vmem>>, vector<1x16xf32>,
      %broadcast_in_dim3A_37 = arith.constant 0.000000e+00 : f32
      %broadcast_in_dim3A_38 = vector.broadcast %broadcast_in_dim3A_37 : f32 to vector<16xf32>
      %swap3A_39 = arith.index_cast %scan3A_30 : i32 to index
      %swap3A_40 = arith.constant 16 : index
      %swap3A_41 = tpu.vector_load %arg14[%swap3A_39, %swap3A_40] {strides = array<i32>} : memref<56x64xf32, #tpu.memory_space<vmem>>, vector<1x16xf32>,
      %swap3A_42 = vector.shape_cast %swap3A_41 : vector<1x16xf32> to vector<16xf32>
      %swap3A_43 = vector.shape_cast %broadcast_in_dim3A_38 : vector<16xf32> to vector<1x16xf32>
      tpu.vector_store %arg14[%swap3A_39, %swap3A_40], %swap3A_43 {strides = array<i32>} : memref<56x64xf32, #tpu.memory_space<vmem>>, vector<1x16xf32>,
      %broadcast_in_dim3A_44 = arith.constant 0.000000e+00 : f32
      %broadcast_in_dim3A_45 = vector.broadcast %broadcast_in_dim3A_44 : f32 to vector<16xf32>
      %swap3A_46 = arith.index_cast %scan3A_30 : i32 to index
      %swap3A_47 = arith.constant 32 : index
      %swap3A_48 = tpu.vector_load %arg14[%swap3A_46, %swap3A_47] {strides = array<i32>} : memref<56x64xf32, #tpu.memory_space<vmem>>, vector<1x16xf32>,
      %swap3A_49 = vector.shape_cast %swap3A_48 : vector<1x16xf32> to vector<16xf32>
      %swap3A_50 = vector.shape_cast %broadcast_in_dim3A_45 : vector<16xf32> to vector<1x16xf32>
      tpu.vector_store %arg14[%swap3A_46, %swap3A_47], %swap3A_50 {strides = array<i32>} : memref<56x64xf32, #tpu.memory_space<vmem>>, vector<1x16xf32>,
      %broadcast_in_dim3A_51 = arith.constant 0.000000e+00 : f32
      %broadcast_in_dim3A_52 = vector.broadcast %broadcast_in_dim3A_51 : f32 to vector<16xf32>
      %swap3A_53 = arith.index_cast %scan3A_30 : i32 to index
      %swap3A_54 = arith.constant 48 : index
      %swap3A_55 = tpu.vector_load %arg14[%swap3A_53, %swap3A_54] {strides = array<i32>} : memref<56x64xf32, #tpu.memory_space<vmem>>, vector<1x16xf32>,
      %swap3A_56 = vector.shape_cast %swap3A_55 : vector<1x16xf32> to vector<16xf32>
      %swap3A_57 = vector.shape_cast %broadcast_in_dim3A_52 : vector<16xf32> to vector<1x16xf32>
      tpu.vector_store %arg14[%swap3A_53, %swap3A_54], %swap3A_57 {strides = array<i32>} : memref<56x64xf32, #tpu.memory_space<vmem>>, vector<1x16xf32>,
      %scan3A_58 = arith.constant 0 : i32
      scf.yield %scan3A_58 : i32
    }
    %scan3A_6 = arith.constant 56 : i32
    %scan3A_7 = arith.constant 0 : i32
    %scan3A_8 = arith.constant 0 : i32
    %scan3A_9 = arith.constant 28 : i32
    %scan3A_10 = arith.addi %scan3A_8, %scan3A_9 : i32
    %scan3A_11 = arith.constant 1 : i32
    %scan3A_12 = scf.for %scan3A_30 = %scan3A_8 to %scan3A_10 step %scan3A_11 iter_args(%scan3A_31 = %scan3A_7) -> (i32)  : i32 {
      %mul3A_32 = arith.constant 1568 : i32
      %mul3A_33 = arith.muli %arg1, %mul3A_32 : i32
      %mul3A_34 = arith.constant 56 : i32
      %mul3A_35 = arith.muli %scan3A_30, %mul3A_34 : i32
      %add3A = arith.addi %mul3A_33, %mul3A_35 : i32
      "tpu.region"() ({
        %run_scoped3A = tpu.sem_alloc : memref<!tpu.dma_semaphore, #tpu.memory_space<semaphore_mem>>
        %dma_start3A = arith.constant 0 : i32
        %dma_start3A_37 = tpu.memref_slice %arg9[%add3A, %dma_start3A] : memref<25096x64xf32, #tpu.memory_space<vmem_shared>> -> memref<56x64xf32, #tpu.memory_space<vmem_shared>>
        %dma_start3A_38 = arith.constant 0 : i32
        %dma_start3A_39 = tpu.memref_slice %arg9[%add3A, %dma_start3A_38] : memref<25096x64xf32, #tpu.memory_space<vmem_shared>> -> memref<56x64xf32, #tpu.memory_space<vmem_shared>>
        tpu.enqueue_dma source(%arg14 : memref<56x64xf32, #tpu.memory_space<vmem>>) target(%dma_start3A_39 : memref<56x64xf32, #tpu.memory_space<vmem_shared>>) target_semaphore(%run_scoped3A : memref<!tpu.dma_semaphore, #tpu.memory_space<semaphore_mem>>)
        %dma_wait3A = arith.constant 0 : i32
        %dma_wait3A_40 = tpu.memref_slice %arg9[%add3A, %dma_wait3A] : memref<25096x64xf32, #tpu.memory_space<vmem_shared>> -> memref<56x64xf32, #tpu.memory_space<vmem_shared>>
        %dma_wait3A_41 = arith.constant 0 : i32
        %dma_wait3A_42 = tpu.memref_slice %arg9[%add3A, %dma_wait3A_41] : memref<25096x64xf32, #tpu.memory_space<vmem_shared>> -> memref<56x64xf32, #tpu.memory_space<vmem_shared>>
        tpu.wait_dma2 semaphore(%run_scoped3A : memref<!tpu.dma_semaphore, #tpu.memory_space<semaphore_mem>>) src(%arg14 : memref<56x64xf32, #tpu.memory_space<vmem>>) dst(%dma_wait3A_42 : memref<56x64xf32, #tpu.memory_space<vmem_shared>>)
        tpu.yield
      }) : () -> ()
      %scan3A_36 = arith.constant 0 : i32
      scf.yield %scan3A_36 : i32
    }
    %scan3A_13 = arith.constant 28 : i32
    %barrier3A = arith.constant 0 : index
    tpu.barrier barrier_id(%barrier3A)
    %scan3A_14 = arith.constant 0 : i32
    %scan3A_15 = arith.constant 0 : i32
    %scan3A_16 = arith.constant 196 : i32
    %scan3A_17 = arith.addi %scan3A_15, %scan3A_16 : i32
    %scan3A_18 = arith.constant 1 : i32
    %scan3A_19 = scf.for %scan3A_30 = %scan3A_15 to %scan3A_17 step %scan3A_18 iter_args(%scan3A_31 = %scan3A_14) -> (i32)  : i32 {
      %mul3A_32 = arith.constant 16 : i32
      %mul3A_33 = arith.muli %mul3A_32, %scan3A_30 : i32
      %add3A = arith.addi %arg1, %mul3A_33 : i32
      %lt3A = arith.constant 3125 : i32
      %lt3A_34 = arith.cmpi slt, %add3A, %lt3A : i32
      %convert_element_type3A = arith.extui %lt3A_34 : i1 to i32
      %cond3A = arith.constant 0 : i32
      %cond3A_35 = arith.cmpi ne, %convert_element_type3A, %cond3A : i32
      scf.if %cond3A_35 {
        %mul3A_37 = arith.constant 256 : i32
        %mul3A_38 = arith.muli %add3A, %mul3A_37 : i32
        "tpu.region"() ({
          %run_scoped3A = tpu.sem_alloc : memref<!tpu.dma_semaphore, #tpu.memory_space<semaphore_mem>>
          %dma_start3A_677 = tpu.memref_slice %arg2[%mul3A_38] : memref<800000xi32, #tpu.memory_space<hbm>> -> memref<256xi32, #tpu.memory_space<hbm>>
          %dma_start3A_678 = tpu.memref_slice %arg2[%mul3A_38] : memref<800000xi32, #tpu.memory_space<hbm>> -> memref<256xi32, #tpu.memory_space<hbm>>
          tpu.enqueue_dma source(%dma_start3A_678 : memref<256xi32, #tpu.memory_space<hbm>>) target(%arg10 : memref<256xi32, #tpu.memory_space<vmem>>) target_semaphore(%run_scoped3A : memref<!tpu.dma_semaphore, #tpu.memory_space<semaphore_mem>>)
          %dma_wait3A_679 = tpu.memref_slice %arg2[%mul3A_38] : memref<800000xi32, #tpu.memory_space<hbm>> -> memref<256xi32, #tpu.memory_space<hbm>>
          %dma_wait3A_680 = tpu.memref_slice %arg2[%mul3A_38] : memref<800000xi32, #tpu.memory_space<hbm>> -> memref<256xi32, #tpu.memory_space<hbm>>
          tpu.wait_dma2 semaphore(%run_scoped3A : memref<!tpu.dma_semaphore, #tpu.memory_space<semaphore_mem>>) src(%dma_wait3A_680 : memref<256xi32, #tpu.memory_space<hbm>>) dst(%arg10 : memref<256xi32, #tpu.memory_space<vmem>>)
          tpu.yield
        }) : () -> ()
        "tpu.region"() ({
          %run_scoped3A = tpu.sem_alloc : memref<!tpu.dma_semaphore, #tpu.memory_space<semaphore_mem>>
          %dma_start3A_677 = tpu.memref_slice %arg3[%mul3A_38] : memref<800000xi32, #tpu.memory_space<hbm>> -> memref<256xi32, #tpu.memory_space<hbm>>
          %dma_start3A_678 = tpu.memref_slice %arg3[%mul3A_38] : memref<800000xi32, #tpu.memory_space<hbm>> -> memref<256xi32, #tpu.memory_space<hbm>>
          tpu.enqueue_dma source(%dma_start3A_678 : memref<256xi32, #tpu.memory_space<hbm>>) target(%arg11 : memref<256xi32, #tpu.memory_space<vmem>>) target_semaphore(%run_scoped3A : memref<!tpu.dma_semaphore, #tpu.memory_space<semaphore_mem>>)
          %dma_wait3A_679 = tpu.memref_slice %arg3[%mul3A_38] : memref<800000xi32, #tpu.memory_space<hbm>> -> memref<256xi32, #tpu.memory_space<hbm>>
          %dma_wait3A_680 = tpu.memref_slice %arg3[%mul3A_38] : memref<800000xi32, #tpu.memory_space<hbm>> -> memref<256xi32, #tpu.memory_space<hbm>>
          tpu.wait_dma2 semaphore(%run_scoped3A : memref<!tpu.dma_semaphore, #tpu.memory_space<semaphore_mem>>) src(%dma_wait3A_680 : memref<256xi32, #tpu.memory_space<hbm>>) dst(%arg11 : memref<256xi32, #tpu.memory_space<vmem>>)
          tpu.yield
        }) : () -> ()
        %get3A = arith.constant 0 : index
        %get3A_39 = tpu.vector_load %arg11[%get3A] {strides = array<i32>} : memref<256xi32, #tpu.memory_space<vmem>>, vector<16xi32>,
        %get3A_40 = vector.shape_cast %get3A_39 : vector<16xi32> to vector<16xi32>
        %ge3A = vector.broadcast %mul3A_0 : i32 to vector<16xi32>
        %ge3A_41 = arith.cmpi sge, %get3A_40, %ge3A : vector<16xi32>
        %add3A_42 = arith.constant 25000 : i32
        %add3A_43 = arith.addi %mul3A_0, %add3A_42 : i32
        %lt3A_44 = vector.broadcast %add3A_43 : i32 to vector<16xi32>
        %lt3A_45 = arith.cmpi slt, %get3A_40, %lt3A_44 : vector<16xi32>
        %and3A = arith.andi %ge3A_41, %lt3A_45 : vector<16xi1>
        %sub3A = vector.broadcast %mul3A_0 : i32 to vector<16xi32>
        %sub3A_46 = arith.subi %get3A_40, %sub3A : vector<16xi32>
        %jit3A = arith.constant 25088 : i32
        %broadcast_in_dim3A = vector.broadcast %jit3A : i32 to vector<16xi32>
        %select_n3A = arith.select %and3A, %sub3A_46, %broadcast_in_dim3A : vector<16xi1>, vector<16xi32>
        %swap3A = arith.constant 0 : i32
        %swap3A_47 = arith.index_cast %swap3A : i32 to index
        %swap3A_48 = arith.constant 0 : index
        %swap3A_49 = tpu.vector_load %arg12[%swap3A_47, %swap3A_48] {strides = array<i32>} : memref<2x128xi32, #tpu.memory_space<vmem>>, vector<1x16xi32>,
        %swap3A_50 = vector.shape_cast %swap3A_49 : vector<1x16xi32> to vector<16xi32>
        %swap3A_51 = vector.shape_cast %select_n3A : vector<16xi32> to vector<1x16xi32>
        tpu.vector_store %arg12[%swap3A_47, %swap3A_48], %swap3A_51 {strides = array<i32>} : memref<2x128xi32, #tpu.memory_space<vmem>>, vector<1x16xi32>,
        %get3A_52 = arith.constant 16 : index
        %get3A_53 = tpu.vector_load %arg11[%get3A_52] {strides = array<i32>} : memref<256xi32, #tpu.memory_space<vmem>>, vector<16xi32>,
        %get3A_54 = vector.shape_cast %get3A_53 : vector<16xi32> to vector<16xi32>
        %ge3A_55 = vector.broadcast %mul3A_0 : i32 to vector<16xi32>
        %ge3A_56 = arith.cmpi sge, %get3A_54, %ge3A_55 : vector<16xi32>
        %add3A_57 = arith.constant 25000 : i32
        %add3A_58 = arith.addi %mul3A_0, %add3A_57 : i32
        %lt3A_59 = vector.broadcast %add3A_58 : i32 to vector<16xi32>
        %lt3A_60 = arith.cmpi slt, %get3A_54, %lt3A_59 : vector<16xi32>
        %and3A_61 = arith.andi %ge3A_56, %lt3A_60 : vector<16xi1>
        %sub3A_62 = vector.broadcast %mul3A_0 : i32 to vector<16xi32>
        %sub3A_63 = arith.subi %get3A_54, %sub3A_62 : vector<16xi32>
        %jit3A_64 = arith.constant 25088 : i32
        %broadcast_in_dim3A_65 = vector.broadcast %jit3A_64 : i32 to vector<16xi32>
        %select_n3A_66 = arith.select %and3A_61, %sub3A_63, %broadcast_in_dim3A_65 : vector<16xi1>, vector<16xi32>
        %swap3A_67 = arith.constant 0 : i32
        %swap3A_68 = arith.index_cast %swap3A_67 : i32 to index
        %swap3A_69 = arith.constant 16 : index
        %swap3A_70 = tpu.vector_load %arg12[%swap3A_68, %swap3A_69] {strides = array<i32>} : memref<2x128xi32, #tpu.memory_space<vmem>>, vector<1x16xi32>,
        %swap3A_71 = vector.shape_cast %swap3A_70 : vector<1x16xi32> to vector<16xi32>
        %swap3A_72 = vector.shape_cast %select_n3A_66 : vector<16xi32> to vector<1x16xi32>
        tpu.vector_store %arg12[%swap3A_68, %swap3A_69], %swap3A_72 {strides = array<i32>} : memref<2x128xi32, #tpu.memory_space<vmem>>, vector<1x16xi32>,
        %get3A_73 = arith.constant 32 : index
        %get3A_74 = tpu.vector_load %arg11[%get3A_73] {strides = array<i32>} : memref<256xi32, #tpu.memory_space<vmem>>, vector<16xi32>,
        %get3A_75 = vector.shape_cast %get3A_74 : vector<16xi32> to vector<16xi32>
        %ge3A_76 = vector.broadcast %mul3A_0 : i32 to vector<16xi32>
        %ge3A_77 = arith.cmpi sge, %get3A_75, %ge3A_76 : vector<16xi32>
        %add3A_78 = arith.constant 25000 : i32
        %add3A_79 = arith.addi %mul3A_0, %add3A_78 : i32
        %lt3A_80 = vector.broadcast %add3A_79 : i32 to vector<16xi32>
        %lt3A_81 = arith.cmpi slt, %get3A_75, %lt3A_80 : vector<16xi32>
        %and3A_82 = arith.andi %ge3A_77, %lt3A_81 : vector<16xi1>
        %sub3A_83 = vector.broadcast %mul3A_0 : i32 to vector<16xi32>
        %sub3A_84 = arith.subi %get3A_75, %sub3A_83 : vector<16xi32>
        %jit3A_85 = arith.constant 25088 : i32
        %broadcast_in_dim3A_86 = vector.broadcast %jit3A_85 : i32 to vector<16xi32>
        %select_n3A_87 = arith.select %and3A_82, %sub3A_84, %broadcast_in_dim3A_86 : vector<16xi1>, vector<16xi32>
        %swap3A_88 = arith.constant 0 : i32
        %swap3A_89 = arith.index_cast %swap3A_88 : i32 to index
        %swap3A_90 = arith.constant 32 : index
        %swap3A_91 = tpu.vector_load %arg12[%swap3A_89, %swap3A_90] {strides = array<i32>} : memref<2x128xi32, #tpu.memory_space<vmem>>, vector<1x16xi32>,
        %swap3A_92 = vector.shape_cast %swap3A_91 : vector<1x16xi32> to vector<16xi32>
        %swap3A_93 = vector.shape_cast %select_n3A_87 : vector<16xi32> to vector<1x16xi32>
        tpu.vector_store %arg12[%swap3A_89, %swap3A_90], %swap3A_93 {strides = array<i32>} : memref<2x128xi32, #tpu.memory_space<vmem>>, vector<1x16xi32>,
        %get3A_94 = arith.constant 48 : index
        %get3A_95 = tpu.vector_load %arg11[%get3A_94] {strides = array<i32>} : memref<256xi32, #tpu.memory_space<vmem>>, vector<16xi32>,
        %get3A_96 = vector.shape_cast %get3A_95 : vector<16xi32> to vector<16xi32>
        %ge3A_97 = vector.broadcast %mul3A_0 : i32 to vector<16xi32>
        %ge3A_98 = arith.cmpi sge, %get3A_96, %ge3A_97 : vector<16xi32>
        %add3A_99 = arith.constant 25000 : i32
        %add3A_100 = arith.addi %mul3A_0, %add3A_99 : i32
        %lt3A_101 = vector.broadcast %add3A_100 : i32 to vector<16xi32>
        %lt3A_102 = arith.cmpi slt, %get3A_96, %lt3A_101 : vector<16xi32>
        %and3A_103 = arith.andi %ge3A_98, %lt3A_102 : vector<16xi1>
        %sub3A_104 = vector.broadcast %mul3A_0 : i32 to vector<16xi32>
        %sub3A_105 = arith.subi %get3A_96, %sub3A_104 : vector<16xi32>
        %jit3A_106 = arith.constant 25088 : i32
        %broadcast_in_dim3A_107 = vector.broadcast %jit3A_106 : i32 to vector<16xi32>
        %select_n3A_108 = arith.select %and3A_103, %sub3A_105, %broadcast_in_dim3A_107 : vector<16xi1>, vector<16xi32>
        %swap3A_109 = arith.constant 0 : i32
        %swap3A_110 = arith.index_cast %swap3A_109 : i32 to index
        %swap3A_111 = arith.constant 48 : index
        %swap3A_112 = tpu.vector_load %arg12[%swap3A_110, %swap3A_111] {strides = array<i32>} : memref<2x128xi32, #tpu.memory_space<vmem>>, vector<1x16xi32>,
        %swap3A_113 = vector.shape_cast %swap3A_112 : vector<1x16xi32> to vector<16xi32>
        %swap3A_114 = vector.shape_cast %select_n3A_108 : vector<16xi32> to vector<1x16xi32>
        tpu.vector_store %arg12[%swap3A_110, %swap3A_111], %swap3A_114 {strides = array<i32>} : memref<2x128xi32, #tpu.memory_space<vmem>>, vector<1x16xi32>,
        %get3A_115 = arith.constant 64 : index
        %get3A_116 = tpu.vector_load %arg11[%get3A_115] {strides = array<i32>} : memref<256xi32, #tpu.memory_space<vmem>>, vector<16xi32>,
        %get3A_117 = vector.shape_cast %get3A_116 : vector<16xi32> to vector<16xi32>
        %ge3A_118 = vector.broadcast %mul3A_0 : i32 to vector<16xi32>
        %ge3A_119 = arith.cmpi sge, %get3A_117, %ge3A_118 : vector<16xi32>
        %add3A_120 = arith.constant 25000 : i32
        %add3A_121 = arith.addi %mul3A_0, %add3A_120 : i32
        %lt3A_122 = vector.broadcast %add3A_121 : i32 to vector<16xi32>
        %lt3A_123 = arith.cmpi slt, %get3A_117, %lt3A_122 : vector<16xi32>
        %and3A_124 = arith.andi %ge3A_119, %lt3A_123 : vector<16xi1>
        %sub3A_125 = vector.broadcast %mul3A_0 : i32 to vector<16xi32>
        %sub3A_126 = arith.subi %get3A_117, %sub3A_125 : vector<16xi32>
        %jit3A_127 = arith.constant 25088 : i32
        %broadcast_in_dim3A_128 = vector.broadcast %jit3A_127 : i32 to vector<16xi32>
        %select_n3A_129 = arith.select %and3A_124, %sub3A_126, %broadcast_in_dim3A_128 : vector<16xi1>, vector<16xi32>
        %swap3A_130 = arith.constant 0 : i32
        %swap3A_131 = arith.index_cast %swap3A_130 : i32 to index
        %swap3A_132 = arith.constant 64 : index
        %swap3A_133 = tpu.vector_load %arg12[%swap3A_131, %swap3A_132] {strides = array<i32>} : memref<2x128xi32, #tpu.memory_space<vmem>>, vector<1x16xi32>,
        %swap3A_134 = vector.shape_cast %swap3A_133 : vector<1x16xi32> to vector<16xi32>
        %swap3A_135 = vector.shape_cast %select_n3A_129 : vector<16xi32> to vector<1x16xi32>
        tpu.vector_store %arg12[%swap3A_131, %swap3A_132], %swap3A_135 {strides = array<i32>} : memref<2x128xi32, #tpu.memory_space<vmem>>, vector<1x16xi32>,
        %get3A_136 = arith.constant 80 : index
        %get3A_137 = tpu.vector_load %arg11[%get3A_136] {strides = array<i32>} : memref<256xi32, #tpu.memory_space<vmem>>, vector<16xi32>,
        %get3A_138 = vector.shape_cast %get3A_137 : vector<16xi32> to vector<16xi32>
        %ge3A_139 = vector.broadcast %mul3A_0 : i32 to vector<16xi32>
        %ge3A_140 = arith.cmpi sge, %get3A_138, %ge3A_139 : vector<16xi32>
        %add3A_141 = arith.constant 25000 : i32
        %add3A_142 = arith.addi %mul3A_0, %add3A_141 : i32
        %lt3A_143 = vector.broadcast %add3A_142 : i32 to vector<16xi32>
        %lt3A_144 = arith.cmpi slt, %get3A_138, %lt3A_143 : vector<16xi32>
        %and3A_145 = arith.andi %ge3A_140, %lt3A_144 : vector<16xi1>
        %sub3A_146 = vector.broadcast %mul3A_0 : i32 to vector<16xi32>
        %sub3A_147 = arith.subi %get3A_138, %sub3A_146 : vector<16xi32>
        %jit3A_148 = arith.constant 25088 : i32
        %broadcast_in_dim3A_149 = vector.broadcast %jit3A_148 : i32 to vector<16xi32>
        %select_n3A_150 = arith.select %and3A_145, %sub3A_147, %broadcast_in_dim3A_149 : vector<16xi1>, vector<16xi32>
        %swap3A_151 = arith.constant 0 : i32
        %swap3A_152 = arith.index_cast %swap3A_151 : i32 to index
        %swap3A_153 = arith.constant 80 : index
        %swap3A_154 = tpu.vector_load %arg12[%swap3A_152, %swap3A_153] {strides = array<i32>} : memref<2x128xi32, #tpu.memory_space<vmem>>, vector<1x16xi32>,
        %swap3A_155 = vector.shape_cast %swap3A_154 : vector<1x16xi32> to vector<16xi32>
        %swap3A_156 = vector.shape_cast %select_n3A_150 : vector<16xi32> to vector<1x16xi32>
        tpu.vector_store %arg12[%swap3A_152, %swap3A_153], %swap3A_156 {strides = array<i32>} : memref<2x128xi32, #tpu.memory_space<vmem>>, vector<1x16xi32>,
        %get3A_157 = arith.constant 96 : index
        %get3A_158 = tpu.vector_load %arg11[%get3A_157] {strides = array<i32>} : memref<256xi32, #tpu.memory_space<vmem>>, vector<16xi32>,
        %get3A_159 = vector.shape_cast %get3A_158 : vector<16xi32> to vector<16xi32>
        %ge3A_160 = vector.broadcast %mul3A_0 : i32 to vector<16xi32>
        %ge3A_161 = arith.cmpi sge, %get3A_159, %ge3A_160 : vector<16xi32>
        %add3A_162 = arith.constant 25000 : i32
        %add3A_163 = arith.addi %mul3A_0, %add3A_162 : i32
        %lt3A_164 = vector.broadcast %add3A_163 : i32 to vector<16xi32>
        %lt3A_165 = arith.cmpi slt, %get3A_159, %lt3A_164 : vector<16xi32>
        %and3A_166 = arith.andi %ge3A_161, %lt3A_165 : vector<16xi1>
        %sub3A_167 = vector.broadcast %mul3A_0 : i32 to vector<16xi32>
        %sub3A_168 = arith.subi %get3A_159, %sub3A_167 : vector<16xi32>
        %jit3A_169 = arith.constant 25088 : i32
        %broadcast_in_dim3A_170 = vector.broadcast %jit3A_169 : i32 to vector<16xi32>
        %select_n3A_171 = arith.select %and3A_166, %sub3A_168, %broadcast_in_dim3A_170 : vector<16xi1>, vector<16xi32>
        %swap3A_172 = arith.constant 0 : i32
        %swap3A_173 = arith.index_cast %swap3A_172 : i32 to index
        %swap3A_174 = arith.constant 96 : index
        %swap3A_175 = tpu.vector_load %arg12[%swap3A_173, %swap3A_174] {strides = array<i32>} : memref<2x128xi32, #tpu.memory_space<vmem>>, vector<1x16xi32>,
        %swap3A_176 = vector.shape_cast %swap3A_175 : vector<1x16xi32> to vector<16xi32>
        %swap3A_177 = vector.shape_cast %select_n3A_171 : vector<16xi32> to vector<1x16xi32>
        tpu.vector_store %arg12[%swap3A_173, %swap3A_174], %swap3A_177 {strides = array<i32>} : memref<2x128xi32, #tpu.memory_space<vmem>>, vector<1x16xi32>,
        %get3A_178 = arith.constant 112 : index
        %get3A_179 = tpu.vector_load %arg11[%get3A_178] {strides = array<i32>} : memref<256xi32, #tpu.memory_space<vmem>>, vector<16xi32>,
        %get3A_180 = vector.shape_cast %get3A_179 : vector<16xi32> to vector<16xi32>
        %ge3A_181 = vector.broadcast %mul3A_0 : i32 to vector<16xi32>
        %ge3A_182 = arith.cmpi sge, %get3A_180, %ge3A_181 : vector<16xi32>
        %add3A_183 = arith.constant 25000 : i32
        %add3A_184 = arith.addi %mul3A_0, %add3A_183 : i32
        %lt3A_185 = vector.broadcast %add3A_184 : i32 to vector<16xi32>
        %lt3A_186 = arith.cmpi slt, %get3A_180, %lt3A_185 : vector<16xi32>
        %and3A_187 = arith.andi %ge3A_182, %lt3A_186 : vector<16xi1>
        %sub3A_188 = vector.broadcast %mul3A_0 : i32 to vector<16xi32>
        %sub3A_189 = arith.subi %get3A_180, %sub3A_188 : vector<16xi32>
        %jit3A_190 = arith.constant 25088 : i32
        %broadcast_in_dim3A_191 = vector.broadcast %jit3A_190 : i32 to vector<16xi32>
        %select_n3A_192 = arith.select %and3A_187, %sub3A_189, %broadcast_in_dim3A_191 : vector<16xi1>, vector<16xi32>
        %swap3A_193 = arith.constant 0 : i32
        %swap3A_194 = arith.index_cast %swap3A_193 : i32 to index
        %swap3A_195 = arith.constant 112 : index
        %swap3A_196 = tpu.vector_load %arg12[%swap3A_194, %swap3A_195] {strides = array<i32>} : memref<2x128xi32, #tpu.memory_space<vmem>>, vector<1x16xi32>,
        %swap3A_197 = vector.shape_cast %swap3A_196 : vector<1x16xi32> to vector<16xi32>
        %swap3A_198 = vector.shape_cast %select_n3A_192 : vector<16xi32> to vector<1x16xi32>
        tpu.vector_store %arg12[%swap3A_194, %swap3A_195], %swap3A_198 {strides = array<i32>} : memref<2x128xi32, #tpu.memory_space<vmem>>, vector<1x16xi32>,
        %get3A_199 = arith.constant 128 : index
        %get3A_200 = tpu.vector_load %arg11[%get3A_199] {strides = array<i32>} : memref<256xi32, #tpu.memory_space<vmem>>, vector<16xi32>,
        %get3A_201 = vector.shape_cast %get3A_200 : vector<16xi32> to vector<16xi32>
        %ge3A_202 = vector.broadcast %mul3A_0 : i32 to vector<16xi32>
        %ge3A_203 = arith.cmpi sge, %get3A_201, %ge3A_202 : vector<16xi32>
        %add3A_204 = arith.constant 25000 : i32
        %add3A_205 = arith.addi %mul3A_0, %add3A_204 : i32
        %lt3A_206 = vector.broadcast %add3A_205 : i32 to vector<16xi32>
        %lt3A_207 = arith.cmpi slt, %get3A_201, %lt3A_206 : vector<16xi32>
        %and3A_208 = arith.andi %ge3A_203, %lt3A_207 : vector<16xi1>
        %sub3A_209 = vector.broadcast %mul3A_0 : i32 to vector<16xi32>
        %sub3A_210 = arith.subi %get3A_201, %sub3A_209 : vector<16xi32>
        %jit3A_211 = arith.constant 25088 : i32
        %broadcast_in_dim3A_212 = vector.broadcast %jit3A_211 : i32 to vector<16xi32>
        %select_n3A_213 = arith.select %and3A_208, %sub3A_210, %broadcast_in_dim3A_212 : vector<16xi1>, vector<16xi32>
        %swap3A_214 = arith.constant 1 : i32
        %swap3A_215 = arith.index_cast %swap3A_214 : i32 to index
        %swap3A_216 = arith.constant 0 : index
        %swap3A_217 = tpu.vector_load %arg12[%swap3A_215, %swap3A_216] {strides = array<i32>} : memref<2x128xi32, #tpu.memory_space<vmem>>, vector<1x16xi32>,
        %swap3A_218 = vector.shape_cast %swap3A_217 : vector<1x16xi32> to vector<16xi32>
        %swap3A_219 = vector.shape_cast %select_n3A_213 : vector<16xi32> to vector<1x16xi32>
        tpu.vector_store %arg12[%swap3A_215, %swap3A_216], %swap3A_219 {strides = array<i32>} : memref<2x128xi32, #tpu.memory_space<vmem>>, vector<1x16xi32>,
        %get3A_220 = arith.constant 144 : index
        %get3A_221 = tpu.vector_load %arg11[%get3A_220] {strides = array<i32>} : memref<256xi32, #tpu.memory_space<vmem>>, vector<16xi32>,
        %get3A_222 = vector.shape_cast %get3A_221 : vector<16xi32> to vector<16xi32>
        %ge3A_223 = vector.broadcast %mul3A_0 : i32 to vector<16xi32>
        %ge3A_224 = arith.cmpi sge, %get3A_222, %ge3A_223 : vector<16xi32>
        %add3A_225 = arith.constant 25000 : i32
        %add3A_226 = arith.addi %mul3A_0, %add3A_225 : i32
        %lt3A_227 = vector.broadcast %add3A_226 : i32 to vector<16xi32>
        %lt3A_228 = arith.cmpi slt, %get3A_222, %lt3A_227 : vector<16xi32>
        %and3A_229 = arith.andi %ge3A_224, %lt3A_228 : vector<16xi1>
        %sub3A_230 = vector.broadcast %mul3A_0 : i32 to vector<16xi32>
        %sub3A_231 = arith.subi %get3A_222, %sub3A_230 : vector<16xi32>
        %jit3A_232 = arith.constant 25088 : i32
        %broadcast_in_dim3A_233 = vector.broadcast %jit3A_232 : i32 to vector<16xi32>
        %select_n3A_234 = arith.select %and3A_229, %sub3A_231, %broadcast_in_dim3A_233 : vector<16xi1>, vector<16xi32>
        %swap3A_235 = arith.constant 1 : i32
        %swap3A_236 = arith.index_cast %swap3A_235 : i32 to index
        %swap3A_237 = arith.constant 16 : index
        %swap3A_238 = tpu.vector_load %arg12[%swap3A_236, %swap3A_237] {strides = array<i32>} : memref<2x128xi32, #tpu.memory_space<vmem>>, vector<1x16xi32>,
        %swap3A_239 = vector.shape_cast %swap3A_238 : vector<1x16xi32> to vector<16xi32>
        %swap3A_240 = vector.shape_cast %select_n3A_234 : vector<16xi32> to vector<1x16xi32>
        tpu.vector_store %arg12[%swap3A_236, %swap3A_237], %swap3A_240 {strides = array<i32>} : memref<2x128xi32, #tpu.memory_space<vmem>>, vector<1x16xi32>,
        %get3A_241 = arith.constant 160 : index
        %get3A_242 = tpu.vector_load %arg11[%get3A_241] {strides = array<i32>} : memref<256xi32, #tpu.memory_space<vmem>>, vector<16xi32>,
        %get3A_243 = vector.shape_cast %get3A_242 : vector<16xi32> to vector<16xi32>
        %ge3A_244 = vector.broadcast %mul3A_0 : i32 to vector<16xi32>
        %ge3A_245 = arith.cmpi sge, %get3A_243, %ge3A_244 : vector<16xi32>
        %add3A_246 = arith.constant 25000 : i32
        %add3A_247 = arith.addi %mul3A_0, %add3A_246 : i32
        %lt3A_248 = vector.broadcast %add3A_247 : i32 to vector<16xi32>
        %lt3A_249 = arith.cmpi slt, %get3A_243, %lt3A_248 : vector<16xi32>
        %and3A_250 = arith.andi %ge3A_245, %lt3A_249 : vector<16xi1>
        %sub3A_251 = vector.broadcast %mul3A_0 : i32 to vector<16xi32>
        %sub3A_252 = arith.subi %get3A_243, %sub3A_251 : vector<16xi32>
        %jit3A_253 = arith.constant 25088 : i32
        %broadcast_in_dim3A_254 = vector.broadcast %jit3A_253 : i32 to vector<16xi32>
        %select_n3A_255 = arith.select %and3A_250, %sub3A_252, %broadcast_in_dim3A_254 : vector<16xi1>, vector<16xi32>
        %swap3A_256 = arith.constant 1 : i32
        %swap3A_257 = arith.index_cast %swap3A_256 : i32 to index
        %swap3A_258 = arith.constant 32 : index
        %swap3A_259 = tpu.vector_load %arg12[%swap3A_257, %swap3A_258] {strides = array<i32>} : memref<2x128xi32, #tpu.memory_space<vmem>>, vector<1x16xi32>,
        %swap3A_260 = vector.shape_cast %swap3A_259 : vector<1x16xi32> to vector<16xi32>
        %swap3A_261 = vector.shape_cast %select_n3A_255 : vector<16xi32> to vector<1x16xi32>
        tpu.vector_store %arg12[%swap3A_257, %swap3A_258], %swap3A_261 {strides = array<i32>} : memref<2x128xi32, #tpu.memory_space<vmem>>, vector<1x16xi32>,
        %get3A_262 = arith.constant 176 : index
        %get3A_263 = tpu.vector_load %arg11[%get3A_262] {strides = array<i32>} : memref<256xi32, #tpu.memory_space<vmem>>, vector<16xi32>,
        %get3A_264 = vector.shape_cast %get3A_263 : vector<16xi32> to vector<16xi32>
        %ge3A_265 = vector.broadcast %mul3A_0 : i32 to vector<16xi32>
        %ge3A_266 = arith.cmpi sge, %get3A_264, %ge3A_265 : vector<16xi32>
        %add3A_267 = arith.constant 25000 : i32
        %add3A_268 = arith.addi %mul3A_0, %add3A_267 : i32
        %lt3A_269 = vector.broadcast %add3A_268 : i32 to vector<16xi32>
        %lt3A_270 = arith.cmpi slt, %get3A_264, %lt3A_269 : vector<16xi32>
        %and3A_271 = arith.andi %ge3A_266, %lt3A_270 : vector<16xi1>
        %sub3A_272 = vector.broadcast %mul3A_0 : i32 to vector<16xi32>
        %sub3A_273 = arith.subi %get3A_264, %sub3A_272 : vector<16xi32>
        %jit3A_274 = arith.constant 25088 : i32
        %broadcast_in_dim3A_275 = vector.broadcast %jit3A_274 : i32 to vector<16xi32>
        %select_n3A_276 = arith.select %and3A_271, %sub3A_273, %broadcast_in_dim3A_275 : vector<16xi1>, vector<16xi32>
        %swap3A_277 = arith.constant 1 : i32
        %swap3A_278 = arith.index_cast %swap3A_277 : i32 to index
        %swap3A_279 = arith.constant 48 : index
        %swap3A_280 = tpu.vector_load %arg12[%swap3A_278, %swap3A_279] {strides = array<i32>} : memref<2x128xi32, #tpu.memory_space<vmem>>, vector<1x16xi32>,
        %swap3A_281 = vector.shape_cast %swap3A_280 : vector<1x16xi32> to vector<16xi32>
        %swap3A_282 = vector.shape_cast %select_n3A_276 : vector<16xi32> to vector<1x16xi32>
        tpu.vector_store %arg12[%swap3A_278, %swap3A_279], %swap3A_282 {strides = array<i32>} : memref<2x128xi32, #tpu.memory_space<vmem>>, vector<1x16xi32>,
        %get3A_283 = arith.constant 192 : index
        %get3A_284 = tpu.vector_load %arg11[%get3A_283] {strides = array<i32>} : memref<256xi32, #tpu.memory_space<vmem>>, vector<16xi32>,
        %get3A_285 = vector.shape_cast %get3A_284 : vector<16xi32> to vector<16xi32>
        %ge3A_286 = vector.broadcast %mul3A_0 : i32 to vector<16xi32>
        %ge3A_287 = arith.cmpi sge, %get3A_285, %ge3A_286 : vector<16xi32>
        %add3A_288 = arith.constant 25000 : i32
        %add3A_289 = arith.addi %mul3A_0, %add3A_288 : i32
        %lt3A_290 = vector.broadcast %add3A_289 : i32 to vector<16xi32>
        %lt3A_291 = arith.cmpi slt, %get3A_285, %lt3A_290 : vector<16xi32>
        %and3A_292 = arith.andi %ge3A_287, %lt3A_291 : vector<16xi1>
        %sub3A_293 = vector.broadcast %mul3A_0 : i32 to vector<16xi32>
        %sub3A_294 = arith.subi %get3A_285, %sub3A_293 : vector<16xi32>
        %jit3A_295 = arith.constant 25088 : i32
        %broadcast_in_dim3A_296 = vector.broadcast %jit3A_295 : i32 to vector<16xi32>
        %select_n3A_297 = arith.select %and3A_292, %sub3A_294, %broadcast_in_dim3A_296 : vector<16xi1>, vector<16xi32>
        %swap3A_298 = arith.constant 1 : i32
        %swap3A_299 = arith.index_cast %swap3A_298 : i32 to index
        %swap3A_300 = arith.constant 64 : index
        %swap3A_301 = tpu.vector_load %arg12[%swap3A_299, %swap3A_300] {strides = array<i32>} : memref<2x128xi32, #tpu.memory_space<vmem>>, vector<1x16xi32>,
        %swap3A_302 = vector.shape_cast %swap3A_301 : vector<1x16xi32> to vector<16xi32>
        %swap3A_303 = vector.shape_cast %select_n3A_297 : vector<16xi32> to vector<1x16xi32>
        tpu.vector_store %arg12[%swap3A_299, %swap3A_300], %swap3A_303 {strides = array<i32>} : memref<2x128xi32, #tpu.memory_space<vmem>>, vector<1x16xi32>,
        %get3A_304 = arith.constant 208 : index
        %get3A_305 = tpu.vector_load %arg11[%get3A_304] {strides = array<i32>} : memref<256xi32, #tpu.memory_space<vmem>>, vector<16xi32>,
        %get3A_306 = vector.shape_cast %get3A_305 : vector<16xi32> to vector<16xi32>
        %ge3A_307 = vector.broadcast %mul3A_0 : i32 to vector<16xi32>
        %ge3A_308 = arith.cmpi sge, %get3A_306, %ge3A_307 : vector<16xi32>
        %add3A_309 = arith.constant 25000 : i32
        %add3A_310 = arith.addi %mul3A_0, %add3A_309 : i32
        %lt3A_311 = vector.broadcast %add3A_310 : i32 to vector<16xi32>
        %lt3A_312 = arith.cmpi slt, %get3A_306, %lt3A_311 : vector<16xi32>
        %and3A_313 = arith.andi %ge3A_308, %lt3A_312 : vector<16xi1>
        %sub3A_314 = vector.broadcast %mul3A_0 : i32 to vector<16xi32>
        %sub3A_315 = arith.subi %get3A_306, %sub3A_314 : vector<16xi32>
        %jit3A_316 = arith.constant 25088 : i32
        %broadcast_in_dim3A_317 = vector.broadcast %jit3A_316 : i32 to vector<16xi32>
        %select_n3A_318 = arith.select %and3A_313, %sub3A_315, %broadcast_in_dim3A_317 : vector<16xi1>, vector<16xi32>
        %swap3A_319 = arith.constant 1 : i32
        %swap3A_320 = arith.index_cast %swap3A_319 : i32 to index
        %swap3A_321 = arith.constant 80 : index
        %swap3A_322 = tpu.vector_load %arg12[%swap3A_320, %swap3A_321] {strides = array<i32>} : memref<2x128xi32, #tpu.memory_space<vmem>>, vector<1x16xi32>,
        %swap3A_323 = vector.shape_cast %swap3A_322 : vector<1x16xi32> to vector<16xi32>
        %swap3A_324 = vector.shape_cast %select_n3A_318 : vector<16xi32> to vector<1x16xi32>
        tpu.vector_store %arg12[%swap3A_320, %swap3A_321], %swap3A_324 {strides = array<i32>} : memref<2x128xi32, #tpu.memory_space<vmem>>, vector<1x16xi32>,
        %get3A_325 = arith.constant 224 : index
        %get3A_326 = tpu.vector_load %arg11[%get3A_325] {strides = array<i32>} : memref<256xi32, #tpu.memory_space<vmem>>, vector<16xi32>,
        %get3A_327 = vector.shape_cast %get3A_326 : vector<16xi32> to vector<16xi32>
        %ge3A_328 = vector.broadcast %mul3A_0 : i32 to vector<16xi32>
        %ge3A_329 = arith.cmpi sge, %get3A_327, %ge3A_328 : vector<16xi32>
        %add3A_330 = arith.constant 25000 : i32
        %add3A_331 = arith.addi %mul3A_0, %add3A_330 : i32
        %lt3A_332 = vector.broadcast %add3A_331 : i32 to vector<16xi32>
        %lt3A_333 = arith.cmpi slt, %get3A_327, %lt3A_332 : vector<16xi32>
        %and3A_334 = arith.andi %ge3A_329, %lt3A_333 : vector<16xi1>
        %sub3A_335 = vector.broadcast %mul3A_0 : i32 to vector<16xi32>
        %sub3A_336 = arith.subi %get3A_327, %sub3A_335 : vector<16xi32>
        %jit3A_337 = arith.constant 25088 : i32
        %broadcast_in_dim3A_338 = vector.broadcast %jit3A_337 : i32 to vector<16xi32>
        %select_n3A_339 = arith.select %and3A_334, %sub3A_336, %broadcast_in_dim3A_338 : vector<16xi1>, vector<16xi32>
        %swap3A_340 = arith.constant 1 : i32
        %swap3A_341 = arith.index_cast %swap3A_340 : i32 to index
        %swap3A_342 = arith.constant 96 : index
        %swap3A_343 = tpu.vector_load %arg12[%swap3A_341, %swap3A_342] {strides = array<i32>} : memref<2x128xi32, #tpu.memory_space<vmem>>, vector<1x16xi32>,
        %swap3A_344 = vector.shape_cast %swap3A_343 : vector<1x16xi32> to vector<16xi32>
        %swap3A_345 = vector.shape_cast %select_n3A_339 : vector<16xi32> to vector<1x16xi32>
        tpu.vector_store %arg12[%swap3A_341, %swap3A_342], %swap3A_345 {strides = array<i32>} : memref<2x128xi32, #tpu.memory_space<vmem>>, vector<1x16xi32>,
        %get3A_346 = arith.constant 240 : index
        %get3A_347 = tpu.vector_load %arg11[%get3A_346] {strides = array<i32>} : memref<256xi32, #tpu.memory_space<vmem>>, vector<16xi32>,
        %get3A_348 = vector.shape_cast %get3A_347 : vector<16xi32> to vector<16xi32>
        %ge3A_349 = vector.broadcast %mul3A_0 : i32 to vector<16xi32>
        %ge3A_350 = arith.cmpi sge, %get3A_348, %ge3A_349 : vector<16xi32>
        %add3A_351 = arith.constant 25000 : i32
        %add3A_352 = arith.addi %mul3A_0, %add3A_351 : i32
        %lt3A_353 = vector.broadcast %add3A_352 : i32 to vector<16xi32>
        %lt3A_354 = arith.cmpi slt, %get3A_348, %lt3A_353 : vector<16xi32>
        %and3A_355 = arith.andi %ge3A_350, %lt3A_354 : vector<16xi1>
        %sub3A_356 = vector.broadcast %mul3A_0 : i32 to vector<16xi32>
        %sub3A_357 = arith.subi %get3A_348, %sub3A_356 : vector<16xi32>
        %jit3A_358 = arith.constant 25088 : i32
        %broadcast_in_dim3A_359 = vector.broadcast %jit3A_358 : i32 to vector<16xi32>
        %select_n3A_360 = arith.select %and3A_355, %sub3A_357, %broadcast_in_dim3A_359 : vector<16xi1>, vector<16xi32>
        %swap3A_361 = arith.constant 1 : i32
        %swap3A_362 = arith.index_cast %swap3A_361 : i32 to index
        %swap3A_363 = arith.constant 112 : index
        %swap3A_364 = tpu.vector_load %arg12[%swap3A_362, %swap3A_363] {strides = array<i32>} : memref<2x128xi32, #tpu.memory_space<vmem>>, vector<1x16xi32>,
        %swap3A_365 = vector.shape_cast %swap3A_364 : vector<1x16xi32> to vector<16xi32>
        %swap3A_366 = vector.shape_cast %select_n3A_360 : vector<16xi32> to vector<1x16xi32>
        tpu.vector_store %arg12[%swap3A_362, %swap3A_363], %swap3A_366 {strides = array<i32>} : memref<2x128xi32, #tpu.memory_space<vmem>>, vector<1x16xi32>,
        %get3A_367 = arith.constant 0 : index
        %get3A_368 = tpu.vector_load %arg10[%get3A_367] {strides = array<i32>} : memref<256xi32, #tpu.memory_space<vmem>>, vector<16xi32>,
        %get3A_369 = vector.shape_cast %get3A_368 : vector<16xi32> to vector<16xi32>
        %ge3A_370 = arith.constant 25000 : i32
        %ge3A_371 = vector.broadcast %ge3A_370 : i32 to vector<16xi32>
        %ge3A_372 = arith.cmpi sge, %get3A_369, %ge3A_371 : vector<16xi32>
        %add3A_373 = arith.constant 88 : i32
        %add3A_374 = vector.broadcast %add3A_373 : i32 to vector<16xi32>
        %add3A_375 = arith.addi %get3A_369, %add3A_374 : vector<16xi32>
        %select_n3A_376 = arith.select %ge3A_372, %add3A_375, %get3A_369 : vector<16xi1>, vector<16xi32>
        %swap3A_377 = arith.constant 0 : index
        %swap3A_378 = tpu.vector_load %arg10[%swap3A_377] {strides = array<i32>} : memref<256xi32, #tpu.memory_space<vmem>>, vector<16xi32>,
        %swap3A_379 = vector.shape_cast %swap3A_378 : vector<16xi32> to vector<16xi32>
        %swap3A_380 = vector.shape_cast %select_n3A_376 : vector<16xi32> to vector<16xi32>
        tpu.vector_store %arg10[%swap3A_377], %swap3A_380 {strides = array<i32>} : memref<256xi32, #tpu.memory_space<vmem>>, vector<16xi32>,
        %get3A_381 = arith.constant 16 : index
        %get3A_382 = tpu.vector_load %arg10[%get3A_381] {strides = array<i32>} : memref<256xi32, #tpu.memory_space<vmem>>, vector<16xi32>,
        %get3A_383 = vector.shape_cast %get3A_382 : vector<16xi32> to vector<16xi32>
        %ge3A_384 = arith.constant 25000 : i32
        %ge3A_385 = vector.broadcast %ge3A_384 : i32 to vector<16xi32>
        %ge3A_386 = arith.cmpi sge, %get3A_383, %ge3A_385 : vector<16xi32>
        %add3A_387 = arith.constant 88 : i32
        %add3A_388 = vector.broadcast %add3A_387 : i32 to vector<16xi32>
        %add3A_389 = arith.addi %get3A_383, %add3A_388 : vector<16xi32>
        %select_n3A_390 = arith.select %ge3A_386, %add3A_389, %get3A_383 : vector<16xi1>, vector<16xi32>
        %swap3A_391 = arith.constant 16 : index
        %swap3A_392 = tpu.vector_load %arg10[%swap3A_391] {strides = array<i32>} : memref<256xi32, #tpu.memory_space<vmem>>, vector<16xi32>,
        %swap3A_393 = vector.shape_cast %swap3A_392 : vector<16xi32> to vector<16xi32>
        %swap3A_394 = vector.shape_cast %select_n3A_390 : vector<16xi32> to vector<16xi32>
        tpu.vector_store %arg10[%swap3A_391], %swap3A_394 {strides = array<i32>} : memref<256xi32, #tpu.memory_space<vmem>>, vector<16xi32>,
        %get3A_395 = arith.constant 32 : index
        %get3A_396 = tpu.vector_load %arg10[%get3A_395] {strides = array<i32>} : memref<256xi32, #tpu.memory_space<vmem>>, vector<16xi32>,
        %get3A_397 = vector.shape_cast %get3A_396 : vector<16xi32> to vector<16xi32>
        %ge3A_398 = arith.constant 25000 : i32
        %ge3A_399 = vector.broadcast %ge3A_398 : i32 to vector<16xi32>
        %ge3A_400 = arith.cmpi sge, %get3A_397, %ge3A_399 : vector<16xi32>
        %add3A_401 = arith.constant 88 : i32
        %add3A_402 = vector.broadcast %add3A_401 : i32 to vector<16xi32>
        %add3A_403 = arith.addi %get3A_397, %add3A_402 : vector<16xi32>
        %select_n3A_404 = arith.select %ge3A_400, %add3A_403, %get3A_397 : vector<16xi1>, vector<16xi32>
        %swap3A_405 = arith.constant 32 : index
        %swap3A_406 = tpu.vector_load %arg10[%swap3A_405] {strides = array<i32>} : memref<256xi32, #tpu.memory_space<vmem>>, vector<16xi32>,
        %swap3A_407 = vector.shape_cast %swap3A_406 : vector<16xi32> to vector<16xi32>
        %swap3A_408 = vector.shape_cast %select_n3A_404 : vector<16xi32> to vector<16xi32>
        tpu.vector_store %arg10[%swap3A_405], %swap3A_408 {strides = array<i32>} : memref<256xi32, #tpu.memory_space<vmem>>, vector<16xi32>,
        %get3A_409 = arith.constant 48 : index
        %get3A_410 = tpu.vector_load %arg10[%get3A_409] {strides = array<i32>} : memref<256xi32, #tpu.memory_space<vmem>>, vector<16xi32>,
        %get3A_411 = vector.shape_cast %get3A_410 : vector<16xi32> to vector<16xi32>
        %ge3A_412 = arith.constant 25000 : i32
        %ge3A_413 = vector.broadcast %ge3A_412 : i32 to vector<16xi32>
        %ge3A_414 = arith.cmpi sge, %get3A_411, %ge3A_413 : vector<16xi32>
        %add3A_415 = arith.constant 88 : i32
        %add3A_416 = vector.broadcast %add3A_415 : i32 to vector<16xi32>
        %add3A_417 = arith.addi %get3A_411, %add3A_416 : vector<16xi32>
        %select_n3A_418 = arith.select %ge3A_414, %add3A_417, %get3A_411 : vector<16xi1>, vector<16xi32>
        %swap3A_419 = arith.constant 48 : index
        %swap3A_420 = tpu.vector_load %arg10[%swap3A_419] {strides = array<i32>} : memref<256xi32, #tpu.memory_space<vmem>>, vector<16xi32>,
        %swap3A_421 = vector.shape_cast %swap3A_420 : vector<16xi32> to vector<16xi32>
        %swap3A_422 = vector.shape_cast %select_n3A_418 : vector<16xi32> to vector<16xi32>
        tpu.vector_store %arg10[%swap3A_419], %swap3A_422 {strides = array<i32>} : memref<256xi32, #tpu.memory_space<vmem>>, vector<16xi32>,
        %get3A_423 = arith.constant 64 : index
        %get3A_424 = tpu.vector_load %arg10[%get3A_423] {strides = array<i32>} : memref<256xi32, #tpu.memory_space<vmem>>, vector<16xi32>,
        %get3A_425 = vector.shape_cast %get3A_424 : vector<16xi32> to vector<16xi32>
        %ge3A_426 = arith.constant 25000 : i32
        %ge3A_427 = vector.broadcast %ge3A_426 : i32 to vector<16xi32>
        %ge3A_428 = arith.cmpi sge, %get3A_425, %ge3A_427 : vector<16xi32>
        %add3A_429 = arith.constant 88 : i32
        %add3A_430 = vector.broadcast %add3A_429 : i32 to vector<16xi32>
        %add3A_431 = arith.addi %get3A_425, %add3A_430 : vector<16xi32>
        %select_n3A_432 = arith.select %ge3A_428, %add3A_431, %get3A_425 : vector<16xi1>, vector<16xi32>
        %swap3A_433 = arith.constant 64 : index
        %swap3A_434 = tpu.vector_load %arg10[%swap3A_433] {strides = array<i32>} : memref<256xi32, #tpu.memory_space<vmem>>, vector<16xi32>,
        %swap3A_435 = vector.shape_cast %swap3A_434 : vector<16xi32> to vector<16xi32>
        %swap3A_436 = vector.shape_cast %select_n3A_432 : vector<16xi32> to vector<16xi32>
        tpu.vector_store %arg10[%swap3A_433], %swap3A_436 {strides = array<i32>} : memref<256xi32, #tpu.memory_space<vmem>>, vector<16xi32>,
        %get3A_437 = arith.constant 80 : index
        %get3A_438 = tpu.vector_load %arg10[%get3A_437] {strides = array<i32>} : memref<256xi32, #tpu.memory_space<vmem>>, vector<16xi32>,
        %get3A_439 = vector.shape_cast %get3A_438 : vector<16xi32> to vector<16xi32>
        %ge3A_440 = arith.constant 25000 : i32
        %ge3A_441 = vector.broadcast %ge3A_440 : i32 to vector<16xi32>
        %ge3A_442 = arith.cmpi sge, %get3A_439, %ge3A_441 : vector<16xi32>
        %add3A_443 = arith.constant 88 : i32
        %add3A_444 = vector.broadcast %add3A_443 : i32 to vector<16xi32>
        %add3A_445 = arith.addi %get3A_439, %add3A_444 : vector<16xi32>
        %select_n3A_446 = arith.select %ge3A_442, %add3A_445, %get3A_439 : vector<16xi1>, vector<16xi32>
        %swap3A_447 = arith.constant 80 : index
        %swap3A_448 = tpu.vector_load %arg10[%swap3A_447] {strides = array<i32>} : memref<256xi32, #tpu.memory_space<vmem>>, vector<16xi32>,
        %swap3A_449 = vector.shape_cast %swap3A_448 : vector<16xi32> to vector<16xi32>
        %swap3A_450 = vector.shape_cast %select_n3A_446 : vector<16xi32> to vector<16xi32>
        tpu.vector_store %arg10[%swap3A_447], %swap3A_450 {strides = array<i32>} : memref<256xi32, #tpu.memory_space<vmem>>, vector<16xi32>,
        %get3A_451 = arith.constant 96 : index
        %get3A_452 = tpu.vector_load %arg10[%get3A_451] {strides = array<i32>} : memref<256xi32, #tpu.memory_space<vmem>>, vector<16xi32>,
        %get3A_453 = vector.shape_cast %get3A_452 : vector<16xi32> to vector<16xi32>
        %ge3A_454 = arith.constant 25000 : i32
        %ge3A_455 = vector.broadcast %ge3A_454 : i32 to vector<16xi32>
        %ge3A_456 = arith.cmpi sge, %get3A_453, %ge3A_455 : vector<16xi32>
        %add3A_457 = arith.constant 88 : i32
        %add3A_458 = vector.broadcast %add3A_457 : i32 to vector<16xi32>
        %add3A_459 = arith.addi %get3A_453, %add3A_458 : vector<16xi32>
        %select_n3A_460 = arith.select %ge3A_456, %add3A_459, %get3A_453 : vector<16xi1>, vector<16xi32>
        %swap3A_461 = arith.constant 96 : index
        %swap3A_462 = tpu.vector_load %arg10[%swap3A_461] {strides = array<i32>} : memref<256xi32, #tpu.memory_space<vmem>>, vector<16xi32>,
        %swap3A_463 = vector.shape_cast %swap3A_462 : vector<16xi32> to vector<16xi32>
        %swap3A_464 = vector.shape_cast %select_n3A_460 : vector<16xi32> to vector<16xi32>
        tpu.vector_store %arg10[%swap3A_461], %swap3A_464 {strides = array<i32>} : memref<256xi32, #tpu.memory_space<vmem>>, vector<16xi32>,
        %get3A_465 = arith.constant 112 : index
        %get3A_466 = tpu.vector_load %arg10[%get3A_465] {strides = array<i32>} : memref<256xi32, #tpu.memory_space<vmem>>, vector<16xi32>,
        %get3A_467 = vector.shape_cast %get3A_466 : vector<16xi32> to vector<16xi32>
        %ge3A_468 = arith.constant 25000 : i32
        %ge3A_469 = vector.broadcast %ge3A_468 : i32 to vector<16xi32>
        %ge3A_470 = arith.cmpi sge, %get3A_467, %ge3A_469 : vector<16xi32>
        %add3A_471 = arith.constant 88 : i32
        %add3A_472 = vector.broadcast %add3A_471 : i32 to vector<16xi32>
        %add3A_473 = arith.addi %get3A_467, %add3A_472 : vector<16xi32>
        %select_n3A_474 = arith.select %ge3A_470, %add3A_473, %get3A_467 : vector<16xi1>, vector<16xi32>
        %swap3A_475 = arith.constant 112 : index
        %swap3A_476 = tpu.vector_load %arg10[%swap3A_475] {strides = array<i32>} : memref<256xi32, #tpu.memory_space<vmem>>, vector<16xi32>,
        %swap3A_477 = vector.shape_cast %swap3A_476 : vector<16xi32> to vector<16xi32>
        %swap3A_478 = vector.shape_cast %select_n3A_474 : vector<16xi32> to vector<16xi32>
        tpu.vector_store %arg10[%swap3A_475], %swap3A_478 {strides = array<i32>} : memref<256xi32, #tpu.memory_space<vmem>>, vector<16xi32>,
        %get3A_479 = arith.constant 128 : index
        %get3A_480 = tpu.vector_load %arg10[%get3A_479] {strides = array<i32>} : memref<256xi32, #tpu.memory_space<vmem>>, vector<16xi32>,
        %get3A_481 = vector.shape_cast %get3A_480 : vector<16xi32> to vector<16xi32>
        %ge3A_482 = arith.constant 25000 : i32
        %ge3A_483 = vector.broadcast %ge3A_482 : i32 to vector<16xi32>
        %ge3A_484 = arith.cmpi sge, %get3A_481, %ge3A_483 : vector<16xi32>
        %add3A_485 = arith.constant 88 : i32
        %add3A_486 = vector.broadcast %add3A_485 : i32 to vector<16xi32>
        %add3A_487 = arith.addi %get3A_481, %add3A_486 : vector<16xi32>
        %select_n3A_488 = arith.select %ge3A_484, %add3A_487, %get3A_481 : vector<16xi1>, vector<16xi32>
        %swap3A_489 = arith.constant 128 : index
        %swap3A_490 = tpu.vector_load %arg10[%swap3A_489] {strides = array<i32>} : memref<256xi32, #tpu.memory_space<vmem>>, vector<16xi32>,
        %swap3A_491 = vector.shape_cast %swap3A_490 : vector<16xi32> to vector<16xi32>
        %swap3A_492 = vector.shape_cast %select_n3A_488 : vector<16xi32> to vector<16xi32>
        tpu.vector_store %arg10[%swap3A_489], %swap3A_492 {strides = array<i32>} : memref<256xi32, #tpu.memory_space<vmem>>, vector<16xi32>,
        %get3A_493 = arith.constant 144 : index
        %get3A_494 = tpu.vector_load %arg10[%get3A_493] {strides = array<i32>} : memref<256xi32, #tpu.memory_space<vmem>>, vector<16xi32>,
        %get3A_495 = vector.shape_cast %get3A_494 : vector<16xi32> to vector<16xi32>
        %ge3A_496 = arith.constant 25000 : i32
        %ge3A_497 = vector.broadcast %ge3A_496 : i32 to vector<16xi32>
        %ge3A_498 = arith.cmpi sge, %get3A_495, %ge3A_497 : vector<16xi32>
        %add3A_499 = arith.constant 88 : i32
        %add3A_500 = vector.broadcast %add3A_499 : i32 to vector<16xi32>
        %add3A_501 = arith.addi %get3A_495, %add3A_500 : vector<16xi32>
        %select_n3A_502 = arith.select %ge3A_498, %add3A_501, %get3A_495 : vector<16xi1>, vector<16xi32>
        %swap3A_503 = arith.constant 144 : index
        %swap3A_504 = tpu.vector_load %arg10[%swap3A_503] {strides = array<i32>} : memref<256xi32, #tpu.memory_space<vmem>>, vector<16xi32>,
        %swap3A_505 = vector.shape_cast %swap3A_504 : vector<16xi32> to vector<16xi32>
        %swap3A_506 = vector.shape_cast %select_n3A_502 : vector<16xi32> to vector<16xi32>
        tpu.vector_store %arg10[%swap3A_503], %swap3A_506 {strides = array<i32>} : memref<256xi32, #tpu.memory_space<vmem>>, vector<16xi32>,
        %get3A_507 = arith.constant 160 : index
        %get3A_508 = tpu.vector_load %arg10[%get3A_507] {strides = array<i32>} : memref<256xi32, #tpu.memory_space<vmem>>, vector<16xi32>,
        %get3A_509 = vector.shape_cast %get3A_508 : vector<16xi32> to vector<16xi32>
        %ge3A_510 = arith.constant 25000 : i32
        %ge3A_511 = vector.broadcast %ge3A_510 : i32 to vector<16xi32>
        %ge3A_512 = arith.cmpi sge, %get3A_509, %ge3A_511 : vector<16xi32>
        %add3A_513 = arith.constant 88 : i32
        %add3A_514 = vector.broadcast %add3A_513 : i32 to vector<16xi32>
        %add3A_515 = arith.addi %get3A_509, %add3A_514 : vector<16xi32>
        %select_n3A_516 = arith.select %ge3A_512, %add3A_515, %get3A_509 : vector<16xi1>, vector<16xi32>
        %swap3A_517 = arith.constant 160 : index
        %swap3A_518 = tpu.vector_load %arg10[%swap3A_517] {strides = array<i32>} : memref<256xi32, #tpu.memory_space<vmem>>, vector<16xi32>,
        %swap3A_519 = vector.shape_cast %swap3A_518 : vector<16xi32> to vector<16xi32>
        %swap3A_520 = vector.shape_cast %select_n3A_516 : vector<16xi32> to vector<16xi32>
        tpu.vector_store %arg10[%swap3A_517], %swap3A_520 {strides = array<i32>} : memref<256xi32, #tpu.memory_space<vmem>>, vector<16xi32>,
        %get3A_521 = arith.constant 176 : index
        %get3A_522 = tpu.vector_load %arg10[%get3A_521] {strides = array<i32>} : memref<256xi32, #tpu.memory_space<vmem>>, vector<16xi32>,
        %get3A_523 = vector.shape_cast %get3A_522 : vector<16xi32> to vector<16xi32>
        %ge3A_524 = arith.constant 25000 : i32
        %ge3A_525 = vector.broadcast %ge3A_524 : i32 to vector<16xi32>
        %ge3A_526 = arith.cmpi sge, %get3A_523, %ge3A_525 : vector<16xi32>
        %add3A_527 = arith.constant 88 : i32
        %add3A_528 = vector.broadcast %add3A_527 : i32 to vector<16xi32>
        %add3A_529 = arith.addi %get3A_523, %add3A_528 : vector<16xi32>
        %select_n3A_530 = arith.select %ge3A_526, %add3A_529, %get3A_523 : vector<16xi1>, vector<16xi32>
        %swap3A_531 = arith.constant 176 : index
        %swap3A_532 = tpu.vector_load %arg10[%swap3A_531] {strides = array<i32>} : memref<256xi32, #tpu.memory_space<vmem>>, vector<16xi32>,
        %swap3A_533 = vector.shape_cast %swap3A_532 : vector<16xi32> to vector<16xi32>
        %swap3A_534 = vector.shape_cast %select_n3A_530 : vector<16xi32> to vector<16xi32>
        tpu.vector_store %arg10[%swap3A_531], %swap3A_534 {strides = array<i32>} : memref<256xi32, #tpu.memory_space<vmem>>, vector<16xi32>,
        %get3A_535 = arith.constant 192 : index
        %get3A_536 = tpu.vector_load %arg10[%get3A_535] {strides = array<i32>} : memref<256xi32, #tpu.memory_space<vmem>>, vector<16xi32>,
        %get3A_537 = vector.shape_cast %get3A_536 : vector<16xi32> to vector<16xi32>
        %ge3A_538 = arith.constant 25000 : i32
        %ge3A_539 = vector.broadcast %ge3A_538 : i32 to vector<16xi32>
        %ge3A_540 = arith.cmpi sge, %get3A_537, %ge3A_539 : vector<16xi32>
        %add3A_541 = arith.constant 88 : i32
        %add3A_542 = vector.broadcast %add3A_541 : i32 to vector<16xi32>
        %add3A_543 = arith.addi %get3A_537, %add3A_542 : vector<16xi32>
        %select_n3A_544 = arith.select %ge3A_540, %add3A_543, %get3A_537 : vector<16xi1>, vector<16xi32>
        %swap3A_545 = arith.constant 192 : index
        %swap3A_546 = tpu.vector_load %arg10[%swap3A_545] {strides = array<i32>} : memref<256xi32, #tpu.memory_space<vmem>>, vector<16xi32>,
        %swap3A_547 = vector.shape_cast %swap3A_546 : vector<16xi32> to vector<16xi32>
        %swap3A_548 = vector.shape_cast %select_n3A_544 : vector<16xi32> to vector<16xi32>
        tpu.vector_store %arg10[%swap3A_545], %swap3A_548 {strides = array<i32>} : memref<256xi32, #tpu.memory_space<vmem>>, vector<16xi32>,
        %get3A_549 = arith.constant 208 : index
        %get3A_550 = tpu.vector_load %arg10[%get3A_549] {strides = array<i32>} : memref<256xi32, #tpu.memory_space<vmem>>, vector<16xi32>,
        %get3A_551 = vector.shape_cast %get3A_550 : vector<16xi32> to vector<16xi32>
        %ge3A_552 = arith.constant 25000 : i32
        %ge3A_553 = vector.broadcast %ge3A_552 : i32 to vector<16xi32>
        %ge3A_554 = arith.cmpi sge, %get3A_551, %ge3A_553 : vector<16xi32>
        %add3A_555 = arith.constant 88 : i32
        %add3A_556 = vector.broadcast %add3A_555 : i32 to vector<16xi32>
        %add3A_557 = arith.addi %get3A_551, %add3A_556 : vector<16xi32>
        %select_n3A_558 = arith.select %ge3A_554, %add3A_557, %get3A_551 : vector<16xi1>, vector<16xi32>
        %swap3A_559 = arith.constant 208 : index
        %swap3A_560 = tpu.vector_load %arg10[%swap3A_559] {strides = array<i32>} : memref<256xi32, #tpu.memory_space<vmem>>, vector<16xi32>,
        %swap3A_561 = vector.shape_cast %swap3A_560 : vector<16xi32> to vector<16xi32>
        %swap3A_562 = vector.shape_cast %select_n3A_558 : vector<16xi32> to vector<16xi32>
        tpu.vector_store %arg10[%swap3A_559], %swap3A_562 {strides = array<i32>} : memref<256xi32, #tpu.memory_space<vmem>>, vector<16xi32>,
        %get3A_563 = arith.constant 224 : index
        %get3A_564 = tpu.vector_load %arg10[%get3A_563] {strides = array<i32>} : memref<256xi32, #tpu.memory_space<vmem>>, vector<16xi32>,
        %get3A_565 = vector.shape_cast %get3A_564 : vector<16xi32> to vector<16xi32>
        %ge3A_566 = arith.constant 25000 : i32
        %ge3A_567 = vector.broadcast %ge3A_566 : i32 to vector<16xi32>
        %ge3A_568 = arith.cmpi sge, %get3A_565, %ge3A_567 : vector<16xi32>
        %add3A_569 = arith.constant 88 : i32
        %add3A_570 = vector.broadcast %add3A_569 : i32 to vector<16xi32>
        %add3A_571 = arith.addi %get3A_565, %add3A_570 : vector<16xi32>
        %select_n3A_572 = arith.select %ge3A_568, %add3A_571, %get3A_565 : vector<16xi1>, vector<16xi32>
        %swap3A_573 = arith.constant 224 : index
        %swap3A_574 = tpu.vector_load %arg10[%swap3A_573] {strides = array<i32>} : memref<256xi32, #tpu.memory_space<vmem>>, vector<16xi32>,
        %swap3A_575 = vector.shape_cast %swap3A_574 : vector<16xi32> to vector<16xi32>
        %swap3A_576 = vector.shape_cast %select_n3A_572 : vector<16xi32> to vector<16xi32>
        tpu.vector_store %arg10[%swap3A_573], %swap3A_576 {strides = array<i32>} : memref<256xi32, #tpu.memory_space<vmem>>, vector<16xi32>,
        %get3A_577 = arith.constant 240 : index
        %get3A_578 = tpu.vector_load %arg10[%get3A_577] {strides = array<i32>} : memref<256xi32, #tpu.memory_space<vmem>>, vector<16xi32>,
        %get3A_579 = vector.shape_cast %get3A_578 : vector<16xi32> to vector<16xi32>
        %ge3A_580 = arith.constant 25000 : i32
        %ge3A_581 = vector.broadcast %ge3A_580 : i32 to vector<16xi32>
        %ge3A_582 = arith.cmpi sge, %get3A_579, %ge3A_581 : vector<16xi32>
        %add3A_583 = arith.constant 88 : i32
        %add3A_584 = vector.broadcast %add3A_583 : i32 to vector<16xi32>
        %add3A_585 = arith.addi %get3A_579, %add3A_584 : vector<16xi32>
        %select_n3A_586 = arith.select %ge3A_582, %add3A_585, %get3A_579 : vector<16xi1>, vector<16xi32>
        %swap3A_587 = arith.constant 240 : index
        %swap3A_588 = tpu.vector_load %arg10[%swap3A_587] {strides = array<i32>} : memref<256xi32, #tpu.memory_space<vmem>>, vector<16xi32>,
        %swap3A_589 = vector.shape_cast %swap3A_588 : vector<16xi32> to vector<16xi32>
        %swap3A_590 = vector.shape_cast %select_n3A_586 : vector<16xi32> to vector<16xi32>
        tpu.vector_store %arg10[%swap3A_587], %swap3A_590 {strides = array<i32>} : memref<256xi32, #tpu.memory_space<vmem>>, vector<16xi32>,
        %dma_start3A = arith.constant 0 : i32
        %dma_start3A_591 = arith.constant 0 : i32
        %dma_start3A_592 = arith.constant 0 : i32
        %dma_start3A_593 = tpu.memref_slice %arg13[%dma_start3A, %dma_start3A_591, %dma_start3A_592] : memref<2x128x64xf32, #tpu.memory_space<vmem>> -> memref<1x128x64xf32, #tpu.memory_space<vmem>>
        %dma_start3A_594 = tpu.memref_squeeze %dma_start3A_593 : memref<1x128x64xf32, #tpu.memory_space<vmem>> -> memref<128x64xf32, #tpu.memory_space<vmem>>
        %dma_start3A_595 = arith.constant 0 : i32
        %dma_start3A_596 = tpu.memref_slice %arg10[%dma_start3A_595] : memref<256xi32, #tpu.memory_space<vmem>> -> memref<128xi32, #tpu.memory_space<vmem>>
        %dma_start3A_597 = arith.constant 0 : i32
        %dma_start3A_598 = arith.constant 0 : i32
        %dma_start3A_599 = tpu.memref_slice %arg4[%dma_start3A_597, %dma_start3A_598] : memref<50176x64xf32, #tpu.memory_space<hbm>> -> memref<50176x64xf32, #tpu.memory_space<hbm>>
        tpu.enqueue_indirect_dma source(%dma_start3A_599 : memref<50176x64xf32, #tpu.memory_space<hbm>>) target(%dma_start3A_594 : memref<128x64xf32, #tpu.memory_space<vmem>>) offsets(%dma_start3A_596 : memref<128xi32, #tpu.memory_space<vmem>>) semaphore(%arg17 : memref<!tpu.dma_semaphore, #tpu.memory_space<semaphore_mem>>)
        %dma_start3A_600 = arith.constant 1 : i32
        %dma_start3A_601 = arith.constant 0 : i32
        %dma_start3A_602 = arith.constant 0 : i32
        %dma_start3A_603 = tpu.memref_slice %arg13[%dma_start3A_600, %dma_start3A_601, %dma_start3A_602] : memref<2x128x64xf32, #tpu.memory_space<vmem>> -> memref<1x128x64xf32, #tpu.memory_space<vmem>>
        %dma_start3A_604 = tpu.memref_squeeze %dma_start3A_603 : memref<1x128x64xf32, #tpu.memory_space<vmem>> -> memref<128x64xf32, #tpu.memory_space<vmem>>
        %dma_start3A_605 = arith.constant 128 : i32
        %dma_start3A_606 = tpu.memref_slice %arg10[%dma_start3A_605] : memref<256xi32, #tpu.memory_space<vmem>> -> memref<128xi32, #tpu.memory_space<vmem>>
        %dma_start3A_607 = arith.constant 0 : i32
        %dma_start3A_608 = arith.constant 0 : i32
        %dma_start3A_609 = tpu.memref_slice %arg4[%dma_start3A_607, %dma_start3A_608] : memref<50176x64xf32, #tpu.memory_space<hbm>> -> memref<50176x64xf32, #tpu.memory_space<hbm>>
        tpu.enqueue_indirect_dma source(%dma_start3A_609 : memref<50176x64xf32, #tpu.memory_space<hbm>>) target(%dma_start3A_604 : memref<128x64xf32, #tpu.memory_space<vmem>>) offsets(%dma_start3A_606 : memref<128xi32, #tpu.memory_space<vmem>>) semaphore(%arg17 : memref<!tpu.dma_semaphore, #tpu.memory_space<semaphore_mem>>)
        %dma_wait3A = arith.constant 0 : i32
        %dma_wait3A_610 = arith.constant 0 : i32
        %dma_wait3A_611 = arith.constant 0 : i32
        %dma_wait3A_612 = tpu.memref_slice %arg13[%dma_wait3A, %dma_wait3A_610, %dma_wait3A_611] : memref<2x128x64xf32, #tpu.memory_space<vmem>> -> memref<1x128x64xf32, #tpu.memory_space<vmem>>
        %dma_wait3A_613 = tpu.memref_squeeze %dma_wait3A_612 : memref<1x128x64xf32, #tpu.memory_space<vmem>> -> memref<128x64xf32, #tpu.memory_space<vmem>>
        %dma_wait3A_614 = arith.constant 0 : i32
        %dma_wait3A_615 = tpu.memref_slice %arg10[%dma_wait3A_614] : memref<256xi32, #tpu.memory_space<vmem>> -> memref<128xi32, #tpu.memory_space<vmem>>
        %dma_wait3A_616 = arith.constant 0 : i32
        %dma_wait3A_617 = arith.constant 0 : i32
        %dma_wait3A_618 = tpu.memref_slice %arg4[%dma_wait3A_616, %dma_wait3A_617] : memref<50176x64xf32, #tpu.memory_space<hbm>> -> memref<50176x64xf32, #tpu.memory_space<hbm>>
        tpu.wait_indirect_dma semaphore(%arg17 : memref<!tpu.dma_semaphore, #tpu.memory_space<semaphore_mem>>) src(%dma_wait3A_618 : memref<50176x64xf32, #tpu.memory_space<hbm>>) dst(%dma_wait3A_613 : memref<128x64xf32, #tpu.memory_space<vmem>>)
        %dma_wait3A_619 = arith.constant 1 : i32
        %dma_wait3A_620 = arith.constant 0 : i32
        %dma_wait3A_621 = arith.constant 0 : i32
        %dma_wait3A_622 = tpu.memref_slice %arg13[%dma_wait3A_619, %dma_wait3A_620, %dma_wait3A_621] : memref<2x128x64xf32, #tpu.memory_space<vmem>> -> memref<1x128x64xf32, #tpu.memory_space<vmem>>
        %dma_wait3A_623 = tpu.memref_squeeze %dma_wait3A_622 : memref<1x128x64xf32, #tpu.memory_space<vmem>> -> memref<128x64xf32, #tpu.memory_space<vmem>>
        %dma_wait3A_624 = arith.constant 128 : i32
        %dma_wait3A_625 = tpu.memref_slice %arg10[%dma_wait3A_624] : memref<256xi32, #tpu.memory_space<vmem>> -> memref<128xi32, #tpu.memory_space<vmem>>
        %dma_wait3A_626 = arith.constant 0 : i32
        %dma_wait3A_627 = arith.constant 0 : i32
        %dma_wait3A_628 = tpu.memref_slice %arg4[%dma_wait3A_626, %dma_wait3A_627] : memref<50176x64xf32, #tpu.memory_space<hbm>> -> memref<50176x64xf32, #tpu.memory_space<hbm>>
        tpu.wait_indirect_dma semaphore(%arg17 : memref<!tpu.dma_semaphore, #tpu.memory_space<semaphore_mem>>) src(%dma_wait3A_628 : memref<50176x64xf32, #tpu.memory_space<hbm>>) dst(%dma_wait3A_623 : memref<128x64xf32, #tpu.memory_space<vmem>>)
        %dma_start3A_629 = arith.constant 0 : i32
        %dma_start3A_630 = arith.constant 0 : i32
        %dma_start3A_631 = arith.constant 0 : i32
        %dma_start3A_632 = arith.constant 0 : i32
        %dma_start3A_633 = tpu.memref_slice %arg13[%dma_start3A_629, %dma_start3A_631, %dma_start3A_632] : memref<2x128x64xf32, #tpu.memory_space<vmem>> -> memref<1x128x64xf32, #tpu.memory_space<vmem>>
        %dma_start3A_634 = tpu.memref_squeeze %dma_start3A_633 : memref<1x128x64xf32, #tpu.memory_space<vmem>> -> memref<128x64xf32, #tpu.memory_space<vmem>>
        %dma_start3A_635 = arith.constant 0 : i32
        %dma_start3A_636 = tpu.memref_slice %arg12[%dma_start3A_630, %dma_start3A_635] : memref<2x128xi32, #tpu.memory_space<vmem>> -> memref<1x128xi32, #tpu.memory_space<vmem>>
        %dma_start3A_637 = tpu.memref_squeeze %dma_start3A_636 : memref<1x128xi32, #tpu.memory_space<vmem>> -> memref<128xi32, #tpu.memory_space<vmem>>
        %dma_start3A_638 = arith.constant 0 : i32
        %dma_start3A_639 = arith.constant 0 : i32
        %dma_start3A_640 = tpu.memref_slice %arg9[%dma_start3A_638, %dma_start3A_639] : memref<25096x64xf32, #tpu.memory_space<vmem_shared>> -> memref<25096x64xf32, #tpu.memory_space<vmem_shared>>
        tpu.enqueue_indirect_dma source(%dma_start3A_634 : memref<128x64xf32, #tpu.memory_space<vmem>>) target(%dma_start3A_640 : memref<25096x64xf32, #tpu.memory_space<vmem_shared>>) offsets(%dma_start3A_637 : memref<128xi32, #tpu.memory_space<vmem>>) semaphore(%arg18 : memref<!tpu.dma_semaphore, #tpu.memory_space<semaphore_mem>>) {add = true}
        %dma_start3A_641 = arith.constant 1 : i32
        %dma_start3A_642 = arith.constant 1 : i32
        %dma_start3A_643 = arith.constant 0 : i32
        %dma_start3A_644 = arith.constant 0 : i32
        %dma_start3A_645 = tpu.memref_slice %arg13[%dma_start3A_641, %dma_start3A_643, %dma_start3A_644] : memref<2x128x64xf32, #tpu.memory_space<vmem>> -> memref<1x128x64xf32, #tpu.memory_space<vmem>>
        %dma_start3A_646 = tpu.memref_squeeze %dma_start3A_645 : memref<1x128x64xf32, #tpu.memory_space<vmem>> -> memref<128x64xf32, #tpu.memory_space<vmem>>
        %dma_start3A_647 = arith.constant 0 : i32
        %dma_start3A_648 = tpu.memref_slice %arg12[%dma_start3A_642, %dma_start3A_647] : memref<2x128xi32, #tpu.memory_space<vmem>> -> memref<1x128xi32, #tpu.memory_space<vmem>>
        %dma_start3A_649 = tpu.memref_squeeze %dma_start3A_648 : memref<1x128xi32, #tpu.memory_space<vmem>> -> memref<128xi32, #tpu.memory_space<vmem>>
        %dma_start3A_650 = arith.constant 0 : i32
        %dma_start3A_651 = arith.constant 0 : i32
        %dma_start3A_652 = tpu.memref_slice %arg9[%dma_start3A_650, %dma_start3A_651] : memref<25096x64xf32, #tpu.memory_space<vmem_shared>> -> memref<25096x64xf32, #tpu.memory_space<vmem_shared>>
        tpu.enqueue_indirect_dma source(%dma_start3A_646 : memref<128x64xf32, #tpu.memory_space<vmem>>) target(%dma_start3A_652 : memref<25096x64xf32, #tpu.memory_space<vmem_shared>>) offsets(%dma_start3A_649 : memref<128xi32, #tpu.memory_space<vmem>>) semaphore(%arg18 : memref<!tpu.dma_semaphore, #tpu.memory_space<semaphore_mem>>) {add = true}
        %dma_wait3A_653 = arith.constant 0 : i32
        %dma_wait3A_654 = arith.constant 0 : i32
        %dma_wait3A_655 = arith.constant 0 : i32
        %dma_wait3A_656 = arith.constant 0 : i32
        %dma_wait3A_657 = tpu.memref_slice %arg13[%dma_wait3A_653, %dma_wait3A_655, %dma_wait3A_656] : memref<2x128x64xf32, #tpu.memory_space<vmem>> -> memref<1x128x64xf32, #tpu.memory_space<vmem>>
        %dma_wait3A_658 = tpu.memref_squeeze %dma_wait3A_657 : memref<1x128x64xf32, #tpu.memory_space<vmem>> -> memref<128x64xf32, #tpu.memory_space<vmem>>
        %dma_wait3A_659 = arith.constant 0 : i32
        %dma_wait3A_660 = tpu.memref_slice %arg12[%dma_wait3A_654, %dma_wait3A_659] : memref<2x128xi32, #tpu.memory_space<vmem>> -> memref<1x128xi32, #tpu.memory_space<vmem>>
        %dma_wait3A_661 = tpu.memref_squeeze %dma_wait3A_660 : memref<1x128xi32, #tpu.memory_space<vmem>> -> memref<128xi32, #tpu.memory_space<vmem>>
        %dma_wait3A_662 = arith.constant 0 : i32
        %dma_wait3A_663 = arith.constant 0 : i32
        %dma_wait3A_664 = tpu.memref_slice %arg9[%dma_wait3A_662, %dma_wait3A_663] : memref<25096x64xf32, #tpu.memory_space<vmem_shared>> -> memref<25096x64xf32, #tpu.memory_space<vmem_shared>>
        tpu.wait_indirect_dma semaphore(%arg18 : memref<!tpu.dma_semaphore, #tpu.memory_space<semaphore_mem>>) src(%dma_wait3A_658 : memref<128x64xf32, #tpu.memory_space<vmem>>) dst(%dma_wait3A_664 : memref<25096x64xf32, #tpu.memory_space<vmem_shared>>)
        %dma_wait3A_665 = arith.constant 1 : i32
        %dma_wait3A_666 = arith.constant 1 : i32
        %dma_wait3A_667 = arith.constant 0 : i32
        %dma_wait3A_668 = arith.constant 0 : i32
        %dma_wait3A_669 = tpu.memref_slice %arg13[%dma_wait3A_665, %dma_wait3A_667, %dma_wait3A_668] : memref<2x128x64xf32, #tpu.memory_space<vmem>> -> memref<1x128x64xf32, #tpu.memory_space<vmem>>
        %dma_wait3A_670 = tpu.memref_squeeze %dma_wait3A_669 : memref<1x128x64xf32, #tpu.memory_space<vmem>> -> memref<128x64xf32, #tpu.memory_space<vmem>>
        %dma_wait3A_671 = arith.constant 0 : i32
        %dma_wait3A_672 = tpu.memref_slice %arg12[%dma_wait3A_666, %dma_wait3A_671] : memref<2x128xi32, #tpu.memory_space<vmem>> -> memref<1x128xi32, #tpu.memory_space<vmem>>
        %dma_wait3A_673 = tpu.memref_squeeze %dma_wait3A_672 : memref<1x128xi32, #tpu.memory_space<vmem>> -> memref<128xi32, #tpu.memory_space<vmem>>
        %dma_wait3A_674 = arith.constant 0 : i32
        %dma_wait3A_675 = arith.constant 0 : i32
        %dma_wait3A_676 = tpu.memref_slice %arg9[%dma_wait3A_674, %dma_wait3A_675] : memref<25096x64xf32, #tpu.memory_space<vmem_shared>> -> memref<25096x64xf32, #tpu.memory_space<vmem_shared>>
        tpu.wait_indirect_dma semaphore(%arg18 : memref<!tpu.dma_semaphore, #tpu.memory_space<semaphore_mem>>) src(%dma_wait3A_670 : memref<128x64xf32, #tpu.memory_space<vmem>>) dst(%dma_wait3A_676 : memref<25096x64xf32, #tpu.memory_space<vmem_shared>>)
      } else {
      }
      %scan3A_36 = arith.constant 0 : i32
      scf.yield %scan3A_36 : i32
    }
    %scan3A_20 = arith.constant 196 : i32
    %barrier3A_21 = arith.constant 0 : index
    tpu.barrier barrier_id(%barrier3A_21)
    %scan3A_22 = arith.constant 0 : i32
    %scan3A_23 = arith.constant 0 : i32
    %scan3A_24 = arith.constant 0 : i32
    %scan3A_25 = arith.constant 28 : i32
    %scan3A_26 = arith.addi %scan3A_24, %scan3A_25 : i32
    %scan3A_27 = arith.constant 1 : i32
    %scan3A_28 = scf.for %scan3A_30 = %scan3A_24 to %scan3A_26 step %scan3A_27 iter_args(%scan3A_31 = %scan3A_23) -> (i32)  : i32 {
      %mul3A_32 = arith.constant 1568 : i32
      %mul3A_33 = arith.muli %arg1, %mul3A_32 : i32
      %mul3A_34 = arith.constant 56 : i32
      %mul3A_35 = arith.muli %scan3A_30, %mul3A_34 : i32
      %add3A = arith.addi %mul3A_33, %mul3A_35 : i32
      %mul3A_36 = arith.constant 25088 : i32
      %mul3A_37 = arith.muli %arg0, %mul3A_36 : i32
      %add3A_38 = arith.addi %mul3A_37, %add3A : i32
      "tpu.region"() ({
        %run_scoped3A = tpu.sem_alloc : memref<!tpu.dma_semaphore, #tpu.memory_space<semaphore_mem>>
        %dma_start3A = arith.constant 0 : i32
        %dma_start3A_47 = tpu.memref_slice %arg9[%add3A, %dma_start3A] : memref<25096x64xf32, #tpu.memory_space<vmem_shared>> -> memref<56x64xf32, #tpu.memory_space<vmem_shared>>
        %dma_start3A_48 = arith.constant 0 : i32
        %dma_start3A_49 = tpu.memref_slice %arg9[%add3A, %dma_start3A_48] : memref<25096x64xf32, #tpu.memory_space<vmem_shared>> -> memref<56x64xf32, #tpu.memory_space<vmem_shared>>
        tpu.enqueue_dma source(%dma_start3A_49 : memref<56x64xf32, #tpu.memory_space<vmem_shared>>) target(%arg14 : memref<56x64xf32, #tpu.memory_space<vmem>>) target_semaphore(%run_scoped3A : memref<!tpu.dma_semaphore, #tpu.memory_space<semaphore_mem>>)
        %dma_wait3A = arith.constant 0 : i32
        %dma_wait3A_50 = tpu.memref_slice %arg9[%add3A, %dma_wait3A] : memref<25096x64xf32, #tpu.memory_space<vmem_shared>> -> memref<56x64xf32, #tpu.memory_space<vmem_shared>>
        %dma_wait3A_51 = arith.constant 0 : i32
        %dma_wait3A_52 = tpu.memref_slice %arg9[%add3A, %dma_wait3A_51] : memref<25096x64xf32, #tpu.memory_space<vmem_shared>> -> memref<56x64xf32, #tpu.memory_space<vmem_shared>>
        tpu.wait_dma2 semaphore(%run_scoped3A : memref<!tpu.dma_semaphore, #tpu.memory_space<semaphore_mem>>) src(%dma_wait3A_52 : memref<56x64xf32, #tpu.memory_space<vmem_shared>>) dst(%arg14 : memref<56x64xf32, #tpu.memory_space<vmem>>)
        tpu.yield
      }) : () -> ()
      "tpu.region"() ({
        %run_scoped3A = tpu.sem_alloc : memref<!tpu.dma_semaphore, #tpu.memory_space<semaphore_mem>>
        %dma_start3A = arith.constant 0 : i32
        %dma_start3A_47 = tpu.memref_slice %arg5[%add3A_38, %dma_start3A] : memref<50176x16xf32, #tpu.memory_space<hbm>> -> memref<56x16xf32, #tpu.memory_space<hbm>>
        %dma_start3A_48 = arith.constant 0 : i32
        %dma_start3A_49 = tpu.memref_slice %arg5[%add3A_38, %dma_start3A_48] : memref<50176x16xf32, #tpu.memory_space<hbm>> -> memref<56x16xf32, #tpu.memory_space<hbm>>
        tpu.enqueue_dma source(%dma_start3A_49 : memref<56x16xf32, #tpu.memory_space<hbm>>) target(%arg15 : memref<56x16xf32, #tpu.memory_space<vmem>>) target_semaphore(%run_scoped3A : memref<!tpu.dma_semaphore, #tpu.memory_space<semaphore_mem>>)
        %dma_wait3A = arith.constant 0 : i32
        %dma_wait3A_50 = tpu.memref_slice %arg5[%add3A_38, %dma_wait3A] : memref<50176x16xf32, #tpu.memory_space<hbm>> -> memref<56x16xf32, #tpu.memory_space<hbm>>
        %dma_wait3A_51 = arith.constant 0 : i32
        %dma_wait3A_52 = tpu.memref_slice %arg5[%add3A_38, %dma_wait3A_51] : memref<50176x16xf32, #tpu.memory_space<hbm>> -> memref<56x16xf32, #tpu.memory_space<hbm>>
        tpu.wait_dma2 semaphore(%run_scoped3A : memref<!tpu.dma_semaphore, #tpu.memory_space<semaphore_mem>>) src(%dma_wait3A_52 : memref<56x16xf32, #tpu.memory_space<hbm>>) dst(%arg15 : memref<56x16xf32, #tpu.memory_space<vmem>>)
        tpu.yield
      }) : () -> ()
      "tpu.region"() ({
        %run_scoped3A = tpu.sem_alloc : memref<!tpu.dma_semaphore, #tpu.memory_space<semaphore_mem>>
        %dma_start3A = arith.constant 0 : i32
        %dma_start3A_47 = tpu.memref_slice %arg6[%add3A_38, %dma_start3A] : memref<50176x64xf32, #tpu.memory_space<hbm>> -> memref<56x64xf32, #tpu.memory_space<hbm>>
        %dma_start3A_48 = arith.constant 0 : i32
        %dma_start3A_49 = tpu.memref_slice %arg6[%add3A_38, %dma_start3A_48] : memref<50176x64xf32, #tpu.memory_space<hbm>> -> memref<56x64xf32, #tpu.memory_space<hbm>>
        tpu.enqueue_dma source(%dma_start3A_49 : memref<56x64xf32, #tpu.memory_space<hbm>>) target(%arg16 : memref<56x64xf32, #tpu.memory_space<vmem>>) target_semaphore(%run_scoped3A : memref<!tpu.dma_semaphore, #tpu.memory_space<semaphore_mem>>)
        %dma_wait3A = arith.constant 0 : i32
        %dma_wait3A_50 = tpu.memref_slice %arg6[%add3A_38, %dma_wait3A] : memref<50176x64xf32, #tpu.memory_space<hbm>> -> memref<56x64xf32, #tpu.memory_space<hbm>>
        %dma_wait3A_51 = arith.constant 0 : i32
        %dma_wait3A_52 = tpu.memref_slice %arg6[%add3A_38, %dma_wait3A_51] : memref<50176x64xf32, #tpu.memory_space<hbm>> -> memref<56x64xf32, #tpu.memory_space<hbm>>
        tpu.wait_dma2 semaphore(%run_scoped3A : memref<!tpu.dma_semaphore, #tpu.memory_space<semaphore_mem>>) src(%dma_wait3A_52 : memref<56x64xf32, #tpu.memory_space<hbm>>) dst(%arg16 : memref<56x64xf32, #tpu.memory_space<vmem>>)
        tpu.yield
      }) : () -> ()
      %scan3A_39 = arith.constant 0 : i32
      %scan3A_40 = arith.constant 0 : i32
      %scan3A_41 = arith.constant 56 : i32
      %scan3A_42 = arith.addi %scan3A_40, %scan3A_41 : i32
      %scan3A_43 = arith.constant 1 : i32
      %scan3A_44 = scf.for %scan3A_47 = %scan3A_40 to %scan3A_42 step %scan3A_43 iter_args(%scan3A_48 = %scan3A_39) -> (i32)  : i32 {
        %get3A = arith.index_cast %scan3A_47 : i32 to index
        %get3A_49 = arith.constant 0 : index
        %get3A_50 = tpu.vector_load %arg15[%get3A, %get3A_49] {strides = array<i32>} : memref<56x16xf32, #tpu.memory_space<vmem>>, vector<1x16xf32>,
        %get3A_51 = vector.shape_cast %get3A_50 : vector<1x16xf32> to vector<16xf32>
        %mul3A_52 = arith.mulf %get3A_51, %get3A_51 : vector<16xf32>
        %get3A_53 = arith.index_cast %scan3A_47 : i32 to index
        %get3A_54 = arith.constant 0 : index
        %get3A_55 = tpu.vector_load %arg14[%get3A_53, %get3A_54] {strides = array<i32>} : memref<56x64xf32, #tpu.memory_space<vmem>>, vector<1x16xf32>,
        %get3A_56 = vector.shape_cast %get3A_55 : vector<1x16xf32> to vector<16xf32>
        %get3A_57 = arith.index_cast %scan3A_47 : i32 to index
        %get3A_58 = arith.constant 0 : index
        %get3A_59 = tpu.vector_load %arg16[%get3A_57, %get3A_58] {strides = array<i32>} : memref<56x64xf32, #tpu.memory_space<vmem>>, vector<1x16xf32>,
        %get3A_60 = vector.shape_cast %get3A_59 : vector<1x16xf32> to vector<16xf32>
        %mul3A_61 = arith.mulf %get3A_56, %get3A_51 : vector<16xf32>
        %add3A_62 = arith.addf %get3A_60, %mul3A_61 : vector<16xf32>
        %swap3A = arith.index_cast %scan3A_47 : i32 to index
        %swap3A_63 = arith.constant 0 : index
        %swap3A_64 = tpu.vector_load %arg16[%swap3A, %swap3A_63] {strides = array<i32>} : memref<56x64xf32, #tpu.memory_space<vmem>>, vector<1x16xf32>,
        %swap3A_65 = vector.shape_cast %swap3A_64 : vector<1x16xf32> to vector<16xf32>
        %swap3A_66 = vector.shape_cast %add3A_62 : vector<16xf32> to vector<1x16xf32>
        tpu.vector_store %arg16[%swap3A, %swap3A_63], %swap3A_66 {strides = array<i32>} : memref<56x64xf32, #tpu.memory_space<vmem>>, vector<1x16xf32>,
        %mul3A_67 = arith.mulf %get3A_56, %mul3A_52 : vector<16xf32>
        %swap3A_68 = arith.constant 0 : i32
        %swap3A_69 = arith.constant 0 : i32
        %swap3A_70 = tpu.memref_slice %arg13[%scan3A_22, %swap3A_68, %swap3A_69] : memref<2x128x64xf32, #tpu.memory_space<vmem>> -> memref<1x56x64xf32, #tpu.memory_space<vmem>>
        %swap3A_71 = tpu.memref_squeeze %swap3A_70 : memref<1x56x64xf32, #tpu.memory_space<vmem>> -> memref<56x64xf32, #tpu.memory_space<vmem>>
        %swap3A_72 = arith.index_cast %scan3A_47 : i32 to index
        %swap3A_73 = arith.constant 0 : index
        %swap3A_74 = tpu.vector_load %swap3A_71[%swap3A_72, %swap3A_73] {strides = array<i32>} : memref<56x64xf32, #tpu.memory_space<vmem>>, vector<1x16xf32>,
        %swap3A_75 = vector.shape_cast %swap3A_74 : vector<1x16xf32> to vector<16xf32>
        %swap3A_76 = vector.shape_cast %mul3A_67 : vector<16xf32> to vector<1x16xf32>
        tpu.vector_store %swap3A_71[%swap3A_72, %swap3A_73], %swap3A_76 {strides = array<i32>} : memref<56x64xf32, #tpu.memory_space<vmem>>, vector<1x16xf32>,
        %get3A_77 = arith.index_cast %scan3A_47 : i32 to index
        %get3A_78 = arith.constant 16 : index
        %get3A_79 = tpu.vector_load %arg14[%get3A_77, %get3A_78] {strides = array<i32>} : memref<56x64xf32, #tpu.memory_space<vmem>>, vector<1x16xf32>,
        %get3A_80 = vector.shape_cast %get3A_79 : vector<1x16xf32> to vector<16xf32>
        %get3A_81 = arith.index_cast %scan3A_47 : i32 to index
        %get3A_82 = arith.constant 16 : index
        %get3A_83 = tpu.vector_load %arg16[%get3A_81, %get3A_82] {strides = array<i32>} : memref<56x64xf32, #tpu.memory_space<vmem>>, vector<1x16xf32>,
        %get3A_84 = vector.shape_cast %get3A_83 : vector<1x16xf32> to vector<16xf32>
        %mul3A_85 = arith.mulf %get3A_80, %get3A_51 : vector<16xf32>
        %add3A_86 = arith.addf %get3A_84, %mul3A_85 : vector<16xf32>
        %swap3A_87 = arith.index_cast %scan3A_47 : i32 to index
        %swap3A_88 = arith.constant 16 : index
        %swap3A_89 = tpu.vector_load %arg16[%swap3A_87, %swap3A_88] {strides = array<i32>} : memref<56x64xf32, #tpu.memory_space<vmem>>, vector<1x16xf32>,
        %swap3A_90 = vector.shape_cast %swap3A_89 : vector<1x16xf32> to vector<16xf32>
        %swap3A_91 = vector.shape_cast %add3A_86 : vector<16xf32> to vector<1x16xf32>
        tpu.vector_store %arg16[%swap3A_87, %swap3A_88], %swap3A_91 {strides = array<i32>} : memref<56x64xf32, #tpu.memory_space<vmem>>, vector<1x16xf32>,
        %mul3A_92 = arith.mulf %get3A_80, %mul3A_52 : vector<16xf32>
        %swap3A_93 = arith.constant 0 : i32
        %swap3A_94 = arith.constant 0 : i32
        %swap3A_95 = tpu.memref_slice %arg13[%scan3A_22, %swap3A_93, %swap3A_94] : memref<2x128x64xf32, #tpu.memory_space<vmem>> -> memref<1x56x64xf32, #tpu.memory_space<vmem>>
        %swap3A_96 = tpu.memref_squeeze %swap3A_95 : memref<1x56x64xf32, #tpu.memory_space<vmem>> -> memref<56x64xf32, #tpu.memory_space<vmem>>
        %swap3A_97 = arith.index_cast %scan3A_47 : i32 to index
        %swap3A_98 = arith.constant 16 : index
        %swap3A_99 = tpu.vector_load %swap3A_96[%swap3A_97, %swap3A_98] {strides = array<i32>} : memref<56x64xf32, #tpu.memory_space<vmem>>, vector<1x16xf32>,
        %swap3A_100 = vector.shape_cast %swap3A_99 : vector<1x16xf32> to vector<16xf32>
        %swap3A_101 = vector.shape_cast %mul3A_92 : vector<16xf32> to vector<1x16xf32>
        tpu.vector_store %swap3A_96[%swap3A_97, %swap3A_98], %swap3A_101 {strides = array<i32>} : memref<56x64xf32, #tpu.memory_space<vmem>>, vector<1x16xf32>,
        %get3A_102 = arith.index_cast %scan3A_47 : i32 to index
        %get3A_103 = arith.constant 32 : index
        %get3A_104 = tpu.vector_load %arg14[%get3A_102, %get3A_103] {strides = array<i32>} : memref<56x64xf32, #tpu.memory_space<vmem>>, vector<1x16xf32>,
        %get3A_105 = vector.shape_cast %get3A_104 : vector<1x16xf32> to vector<16xf32>
        %get3A_106 = arith.index_cast %scan3A_47 : i32 to index
        %get3A_107 = arith.constant 32 : index
        %get3A_108 = tpu.vector_load %arg16[%get3A_106, %get3A_107] {strides = array<i32>} : memref<56x64xf32, #tpu.memory_space<vmem>>, vector<1x16xf32>,
        %get3A_109 = vector.shape_cast %get3A_108 : vector<1x16xf32> to vector<16xf32>
        %mul3A_110 = arith.mulf %get3A_105, %get3A_51 : vector<16xf32>
        %add3A_111 = arith.addf %get3A_109, %mul3A_110 : vector<16xf32>
        %swap3A_112 = arith.index_cast %scan3A_47 : i32 to index
        %swap3A_113 = arith.constant 32 : index
        %swap3A_114 = tpu.vector_load %arg16[%swap3A_112, %swap3A_113] {strides = array<i32>} : memref<56x64xf32, #tpu.memory_space<vmem>>, vector<1x16xf32>,
        %swap3A_115 = vector.shape_cast %swap3A_114 : vector<1x16xf32> to vector<16xf32>
        %swap3A_116 = vector.shape_cast %add3A_111 : vector<16xf32> to vector<1x16xf32>
        tpu.vector_store %arg16[%swap3A_112, %swap3A_113], %swap3A_116 {strides = array<i32>} : memref<56x64xf32, #tpu.memory_space<vmem>>, vector<1x16xf32>,
        %mul3A_117 = arith.mulf %get3A_105, %mul3A_52 : vector<16xf32>
        %swap3A_118 = arith.constant 0 : i32
        %swap3A_119 = arith.constant 0 : i32
        %swap3A_120 = tpu.memref_slice %arg13[%scan3A_22, %swap3A_118, %swap3A_119] : memref<2x128x64xf32, #tpu.memory_space<vmem>> -> memref<1x56x64xf32, #tpu.memory_space<vmem>>
        %swap3A_121 = tpu.memref_squeeze %swap3A_120 : memref<1x56x64xf32, #tpu.memory_space<vmem>> -> memref<56x64xf32, #tpu.memory_space<vmem>>
        %swap3A_122 = arith.index_cast %scan3A_47 : i32 to index
        %swap3A_123 = arith.constant 32 : index
        %swap3A_124 = tpu.vector_load %swap3A_121[%swap3A_122, %swap3A_123] {strides = array<i32>} : memref<56x64xf32, #tpu.memory_space<vmem>>, vector<1x16xf32>,
        %swap3A_125 = vector.shape_cast %swap3A_124 : vector<1x16xf32> to vector<16xf32>
        %swap3A_126 = vector.shape_cast %mul3A_117 : vector<16xf32> to vector<1x16xf32>
        tpu.vector_store %swap3A_121[%swap3A_122, %swap3A_123], %swap3A_126 {strides = array<i32>} : memref<56x64xf32, #tpu.memory_space<vmem>>, vector<1x16xf32>,
        %get3A_127 = arith.index_cast %scan3A_47 : i32 to index
        %get3A_128 = arith.constant 48 : index
        %get3A_129 = tpu.vector_load %arg14[%get3A_127, %get3A_128] {strides = array<i32>} : memref<56x64xf32, #tpu.memory_space<vmem>>, vector<1x16xf32>,
        %get3A_130 = vector.shape_cast %get3A_129 : vector<1x16xf32> to vector<16xf32>
        %get3A_131 = arith.index_cast %scan3A_47 : i32 to index
        %get3A_132 = arith.constant 48 : index
        %get3A_133 = tpu.vector_load %arg16[%get3A_131, %get3A_132] {strides = array<i32>} : memref<56x64xf32, #tpu.memory_space<vmem>>, vector<1x16xf32>,
        %get3A_134 = vector.shape_cast %get3A_133 : vector<1x16xf32> to vector<16xf32>
        %mul3A_135 = arith.mulf %get3A_130, %get3A_51 : vector<16xf32>
        %add3A_136 = arith.addf %get3A_134, %mul3A_135 : vector<16xf32>
        %swap3A_137 = arith.index_cast %scan3A_47 : i32 to index
        %swap3A_138 = arith.constant 48 : index
        %swap3A_139 = tpu.vector_load %arg16[%swap3A_137, %swap3A_138] {strides = array<i32>} : memref<56x64xf32, #tpu.memory_space<vmem>>, vector<1x16xf32>,
        %swap3A_140 = vector.shape_cast %swap3A_139 : vector<1x16xf32> to vector<16xf32>
        %swap3A_141 = vector.shape_cast %add3A_136 : vector<16xf32> to vector<1x16xf32>
        tpu.vector_store %arg16[%swap3A_137, %swap3A_138], %swap3A_141 {strides = array<i32>} : memref<56x64xf32, #tpu.memory_space<vmem>>, vector<1x16xf32>,
        %mul3A_142 = arith.mulf %get3A_130, %mul3A_52 : vector<16xf32>
        %swap3A_143 = arith.constant 0 : i32
        %swap3A_144 = arith.constant 0 : i32
        %swap3A_145 = tpu.memref_slice %arg13[%scan3A_22, %swap3A_143, %swap3A_144] : memref<2x128x64xf32, #tpu.memory_space<vmem>> -> memref<1x56x64xf32, #tpu.memory_space<vmem>>
        %swap3A_146 = tpu.memref_squeeze %swap3A_145 : memref<1x56x64xf32, #tpu.memory_space<vmem>> -> memref<56x64xf32, #tpu.memory_space<vmem>>
        %swap3A_147 = arith.index_cast %scan3A_47 : i32 to index
        %swap3A_148 = arith.constant 48 : index
        %swap3A_149 = tpu.vector_load %swap3A_146[%swap3A_147, %swap3A_148] {strides = array<i32>} : memref<56x64xf32, #tpu.memory_space<vmem>>, vector<1x16xf32>,
        %swap3A_150 = vector.shape_cast %swap3A_149 : vector<1x16xf32> to vector<16xf32>
        %swap3A_151 = vector.shape_cast %mul3A_142 : vector<16xf32> to vector<1x16xf32>
        tpu.vector_store %swap3A_146[%swap3A_147, %swap3A_148], %swap3A_151 {strides = array<i32>} : memref<56x64xf32, #tpu.memory_space<vmem>>, vector<1x16xf32>,
        %scan3A_152 = arith.constant 0 : i32
        scf.yield %scan3A_152 : i32
      }
      %scan3A_45 = arith.constant 56 : i32
      "tpu.region"() ({
        %run_scoped3A = tpu.sem_alloc : memref<!tpu.dma_semaphore, #tpu.memory_space<semaphore_mem>>
        %dma_start3A = arith.constant 0 : i32
        %dma_start3A_47 = tpu.memref_slice %arg8[%add3A_38, %dma_start3A] : memref<50176x64xf32, #tpu.memory_space<hbm>> -> memref<56x64xf32, #tpu.memory_space<hbm>>
        %dma_start3A_48 = arith.constant 0 : i32
        %dma_start3A_49 = tpu.memref_slice %arg8[%add3A_38, %dma_start3A_48] : memref<50176x64xf32, #tpu.memory_space<hbm>> -> memref<56x64xf32, #tpu.memory_space<hbm>>
        tpu.enqueue_dma source(%arg16 : memref<56x64xf32, #tpu.memory_space<vmem>>) target(%dma_start3A_49 : memref<56x64xf32, #tpu.memory_space<hbm>>) target_semaphore(%run_scoped3A : memref<!tpu.dma_semaphore, #tpu.memory_space<semaphore_mem>>)
        %dma_wait3A = arith.constant 0 : i32
        %dma_wait3A_50 = tpu.memref_slice %arg8[%add3A_38, %dma_wait3A] : memref<50176x64xf32, #tpu.memory_space<hbm>> -> memref<56x64xf32, #tpu.memory_space<hbm>>
        %dma_wait3A_51 = arith.constant 0 : i32
        %dma_wait3A_52 = tpu.memref_slice %arg8[%add3A_38, %dma_wait3A_51] : memref<50176x64xf32, #tpu.memory_space<hbm>> -> memref<56x64xf32, #tpu.memory_space<hbm>>
        tpu.wait_dma2 semaphore(%run_scoped3A : memref<!tpu.dma_semaphore, #tpu.memory_space<semaphore_mem>>) src(%arg16 : memref<56x64xf32, #tpu.memory_space<vmem>>) dst(%dma_wait3A_52 : memref<56x64xf32, #tpu.memory_space<hbm>>)
        tpu.yield
      }) : () -> ()
      "tpu.region"() ({
        %run_scoped3A = tpu.sem_alloc : memref<!tpu.dma_semaphore, #tpu.memory_space<semaphore_mem>>
        %dma_start3A = arith.constant 0 : i32
        %dma_start3A_47 = arith.constant 0 : i32
        %dma_start3A_48 = tpu.memref_slice %arg13[%scan3A_22, %dma_start3A, %dma_start3A_47] : memref<2x128x64xf32, #tpu.memory_space<vmem>> -> memref<1x56x64xf32, #tpu.memory_space<vmem>>
        %dma_start3A_49 = tpu.memref_squeeze %dma_start3A_48 : memref<1x56x64xf32, #tpu.memory_space<vmem>> -> memref<56x64xf32, #tpu.memory_space<vmem>>
        %dma_start3A_50 = arith.constant 0 : i32
        %dma_start3A_51 = tpu.memref_slice %arg7[%add3A_38, %dma_start3A_50] : memref<50176x64xf32, #tpu.memory_space<hbm>> -> memref<56x64xf32, #tpu.memory_space<hbm>>
        %dma_start3A_52 = arith.constant 0 : i32
        %dma_start3A_53 = tpu.memref_slice %arg7[%add3A_38, %dma_start3A_52] : memref<50176x64xf32, #tpu.memory_space<hbm>> -> memref<56x64xf32, #tpu.memory_space<hbm>>
        %dma_start3A_54 = arith.constant 0 : i32
        %dma_start3A_55 = arith.constant 0 : i32
        %dma_start3A_56 = tpu.memref_slice %arg13[%scan3A_22, %dma_start3A_54, %dma_start3A_55] : memref<2x128x64xf32, #tpu.memory_space<vmem>> -> memref<1x56x64xf32, #tpu.memory_space<vmem>>
        %dma_start3A_57 = tpu.memref_squeeze %dma_start3A_56 : memref<1x56x64xf32, #tpu.memory_space<vmem>> -> memref<56x64xf32, #tpu.memory_space<vmem>>
        tpu.enqueue_dma source(%dma_start3A_57 : memref<56x64xf32, #tpu.memory_space<vmem>>) target(%dma_start3A_53 : memref<56x64xf32, #tpu.memory_space<hbm>>) target_semaphore(%run_scoped3A : memref<!tpu.dma_semaphore, #tpu.memory_space<semaphore_mem>>)
        %dma_wait3A = arith.constant 0 : i32
        %dma_wait3A_58 = arith.constant 0 : i32
        %dma_wait3A_59 = tpu.memref_slice %arg13[%scan3A_22, %dma_wait3A, %dma_wait3A_58] : memref<2x128x64xf32, #tpu.memory_space<vmem>> -> memref<1x56x64xf32, #tpu.memory_space<vmem>>
        %dma_wait3A_60 = tpu.memref_squeeze %dma_wait3A_59 : memref<1x56x64xf32, #tpu.memory_space<vmem>> -> memref<56x64xf32, #tpu.memory_space<vmem>>
        %dma_wait3A_61 = arith.constant 0 : i32
        %dma_wait3A_62 = tpu.memref_slice %arg7[%add3A_38, %dma_wait3A_61] : memref<50176x64xf32, #tpu.memory_space<hbm>> -> memref<56x64xf32, #tpu.memory_space<hbm>>
        %dma_wait3A_63 = arith.constant 0 : i32
        %dma_wait3A_64 = tpu.memref_slice %arg7[%add3A_38, %dma_wait3A_63] : memref<50176x64xf32, #tpu.memory_space<hbm>> -> memref<56x64xf32, #tpu.memory_space<hbm>>
        %dma_wait3A_65 = arith.constant 0 : i32
        %dma_wait3A_66 = arith.constant 0 : i32
        %dma_wait3A_67 = tpu.memref_slice %arg13[%scan3A_22, %dma_wait3A_65, %dma_wait3A_66] : memref<2x128x64xf32, #tpu.memory_space<vmem>> -> memref<1x56x64xf32, #tpu.memory_space<vmem>>
        %dma_wait3A_68 = tpu.memref_squeeze %dma_wait3A_67 : memref<1x56x64xf32, #tpu.memory_space<vmem>> -> memref<56x64xf32, #tpu.memory_space<vmem>>
        tpu.wait_dma2 semaphore(%run_scoped3A : memref<!tpu.dma_semaphore, #tpu.memory_space<semaphore_mem>>) src(%dma_wait3A_68 : memref<56x64xf32, #tpu.memory_space<vmem>>) dst(%dma_wait3A_64 : memref<56x64xf32, #tpu.memory_space<hbm>>)
        tpu.yield
      }) : () -> ()
      %scan3A_46 = arith.constant 0 : i32
      scf.yield %scan3A_46 : i32
    }
    %scan3A_29 = arith.constant 28 : i32
    return
  }
}

#map = affine_map<(d0, d1) -> (0)>
#map1 = affine_map<(d0, d1) -> (0, 0)>
module attributes {stable_mosaic.version = 14 : i64} {
  func.func @lightgcn_prep(%arg0: i32, %arg1: i32, %arg2: memref<800000xi32, #tpu.memory_space<hbm>>, %arg3: memref<50176x64xf32, #tpu.memory_space<hbm>>, %arg4: memref<50176x16xf32, #tpu.memory_space<hbm>>, %arg5: memref<50176x64xf32, #tpu.memory_space<hbm>>, %arg6: memref<25096x16xf32, #tpu.memory_space<vmem_shared>>, %arg7: memref<256xi32, #tpu.memory_space<vmem>>, %arg8: memref<2x128xi32, #tpu.memory_space<vmem>>, %arg9: memref<128x16xf32, #tpu.memory_space<vmem>>, %arg10: memref<56x16xf32, #tpu.memory_space<vmem>>, %arg11: memref<56x16xf32, #tpu.memory_space<vmem>>, %arg12: memref<56x16xf32, #tpu.memory_space<vmem>>, %arg13: memref<56x64xf32, #tpu.memory_space<vmem>>, %arg14: memref<56x64xf32, #tpu.memory_space<vmem>>, %arg15: memref<!tpu.dma_semaphore, #tpu.memory_space<semaphore_mem>>) attributes {dimension_semantics = [#tpu.dimension_semantics<core_parallel>, #tpu.dimension_semantics<subcore_parallel>], iteration_bounds = array<i64: 2, 16>, scalar_prefetch = 0 : i64, scratch_operands = 10 : i64, tpu.core_type = #tpu.core_type<sc_vector_subcore>, window_params = [{transform_indices = #map}, {transform_indices = #map1}, {transform_indices = #map1}, {transform_indices = #map1}]} {
    %mul3A = arith.constant 25000 : i32
    %mul3A_0 = arith.muli %arg0, %mul3A : i32
    %scan3A = arith.constant 0 : i32
    %scan3A_1 = arith.constant 0 : i32
    %scan3A_2 = arith.constant 128 : i32
    %scan3A_3 = arith.addi %scan3A_1, %scan3A_2 : i32
    %scan3A_4 = arith.constant 1 : i32
    %scan3A_5 = scf.for %scan3A_36 = %scan3A_1 to %scan3A_3 step %scan3A_4 iter_args(%scan3A_37 = %scan3A) -> (i32)  : i32 {
      %broadcast_in_dim3A = arith.constant 1.000000e+00 : f32
      %broadcast_in_dim3A_38 = vector.broadcast %broadcast_in_dim3A : f32 to vector<16xf32>
      %swap3A = arith.index_cast %scan3A_36 : i32 to index
      %swap3A_39 = arith.constant 0 : index
      %swap3A_40 = tpu.vector_load %arg9[%swap3A, %swap3A_39] {strides = array<i32>} : memref<128x16xf32, #tpu.memory_space<vmem>>, vector<1x16xf32>,
      %swap3A_41 = vector.shape_cast %swap3A_40 : vector<1x16xf32> to vector<16xf32>
      %swap3A_42 = vector.shape_cast %broadcast_in_dim3A_38 : vector<16xf32> to vector<1x16xf32>
      tpu.vector_store %arg9[%swap3A, %swap3A_39], %swap3A_42 {strides = array<i32>} : memref<128x16xf32, #tpu.memory_space<vmem>>, vector<1x16xf32>,
      %scan3A_43 = arith.constant 0 : i32
      scf.yield %scan3A_43 : i32
    }
    %scan3A_6 = arith.constant 128 : i32
    %scan3A_7 = arith.constant 0 : i32
    %scan3A_8 = arith.constant 0 : i32
    %scan3A_9 = arith.constant 56 : i32
    %scan3A_10 = arith.addi %scan3A_8, %scan3A_9 : i32
    %scan3A_11 = arith.constant 1 : i32
    %scan3A_12 = scf.for %scan3A_36 = %scan3A_8 to %scan3A_10 step %scan3A_11 iter_args(%scan3A_37 = %scan3A_7) -> (i32)  : i32 {
      %broadcast_in_dim3A = arith.constant 0.000000e+00 : f32
      %broadcast_in_dim3A_38 = vector.broadcast %broadcast_in_dim3A : f32 to vector<16xf32>
      %swap3A = arith.index_cast %scan3A_36 : i32 to index
      %swap3A_39 = arith.constant 0 : index
      %swap3A_40 = tpu.vector_load %arg10[%swap3A, %swap3A_39] {strides = array<i32>} : memref<56x16xf32, #tpu.memory_space<vmem>>, vector<1x16xf32>,
      %swap3A_41 = vector.shape_cast %swap3A_40 : vector<1x16xf32> to vector<16xf32>
      %swap3A_42 = vector.shape_cast %broadcast_in_dim3A_38 : vector<16xf32> to vector<1x16xf32>
      tpu.vector_store %arg10[%swap3A, %swap3A_39], %swap3A_42 {strides = array<i32>} : memref<56x16xf32, #tpu.memory_space<vmem>>, vector<1x16xf32>,
      %scan3A_43 = arith.constant 0 : i32
      scf.yield %scan3A_43 : i32
    }
    %scan3A_13 = arith.constant 56 : i32
    %scan3A_14 = arith.constant 0 : i32
    %scan3A_15 = arith.constant 0 : i32
    %scan3A_16 = arith.constant 28 : i32
    %scan3A_17 = arith.addi %scan3A_15, %scan3A_16 : i32
    %scan3A_18 = arith.constant 1 : i32
    %scan3A_19 = scf.for %scan3A_36 = %scan3A_15 to %scan3A_17 step %scan3A_18 iter_args(%scan3A_37 = %scan3A_14) -> (i32)  : i32 {
      %mul3A_38 = arith.constant 1568 : i32
      %mul3A_39 = arith.muli %arg1, %mul3A_38 : i32
      %mul3A_40 = arith.constant 56 : i32
      %mul3A_41 = arith.muli %scan3A_36, %mul3A_40 : i32
      %add3A = arith.addi %mul3A_39, %mul3A_41 : i32
      "tpu.region"() ({
        %run_scoped3A = tpu.sem_alloc : memref<!tpu.dma_semaphore, #tpu.memory_space<semaphore_mem>>
        %dma_start3A = arith.constant 0 : i32
        %dma_start3A_43 = tpu.memref_slice %arg6[%add3A, %dma_start3A] : memref<25096x16xf32, #tpu.memory_space<vmem_shared>> -> memref<56x16xf32, #tpu.memory_space<vmem_shared>>
        %dma_start3A_44 = arith.constant 0 : i32
        %dma_start3A_45 = tpu.memref_slice %arg6[%add3A, %dma_start3A_44] : memref<25096x16xf32, #tpu.memory_space<vmem_shared>> -> memref<56x16xf32, #tpu.memory_space<vmem_shared>>
        tpu.enqueue_dma source(%arg10 : memref<56x16xf32, #tpu.memory_space<vmem>>) target(%dma_start3A_45 : memref<56x16xf32, #tpu.memory_space<vmem_shared>>) target_semaphore(%run_scoped3A : memref<!tpu.dma_semaphore, #tpu.memory_space<semaphore_mem>>)
        %dma_wait3A = arith.constant 0 : i32
        %dma_wait3A_46 = tpu.memref_slice %arg6[%add3A, %dma_wait3A] : memref<25096x16xf32, #tpu.memory_space<vmem_shared>> -> memref<56x16xf32, #tpu.memory_space<vmem_shared>>
        %dma_wait3A_47 = arith.constant 0 : i32
        %dma_wait3A_48 = tpu.memref_slice %arg6[%add3A, %dma_wait3A_47] : memref<25096x16xf32, #tpu.memory_space<vmem_shared>> -> memref<56x16xf32, #tpu.memory_space<vmem_shared>>
        tpu.wait_dma2 semaphore(%run_scoped3A : memref<!tpu.dma_semaphore, #tpu.memory_space<semaphore_mem>>) src(%arg10 : memref<56x16xf32, #tpu.memory_space<vmem>>) dst(%dma_wait3A_48 : memref<56x16xf32, #tpu.memory_space<vmem_shared>>)
        tpu.yield
      }) : () -> ()
      %scan3A_42 = arith.constant 0 : i32
      scf.yield %scan3A_42 : i32
    }
    %scan3A_20 = arith.constant 28 : i32
    %barrier3A = arith.constant 0 : index
    tpu.barrier barrier_id(%barrier3A)
    %scan3A_21 = arith.constant 0 : i32
    %scan3A_22 = arith.constant 0 : i32
    %scan3A_23 = arith.constant 196 : i32
    %scan3A_24 = arith.addi %scan3A_22, %scan3A_23 : i32
    %scan3A_25 = arith.constant 1 : i32
    %scan3A_26 = scf.for %scan3A_36 = %scan3A_22 to %scan3A_24 step %scan3A_25 iter_args(%scan3A_37 = %scan3A_21) -> (i32)  : i32 {
      %mul3A_38 = arith.constant 16 : i32
      %mul3A_39 = arith.muli %mul3A_38, %scan3A_36 : i32
      %add3A = arith.addi %arg1, %mul3A_39 : i32
      %lt3A = arith.constant 3125 : i32
      %lt3A_40 = arith.cmpi slt, %add3A, %lt3A : i32
      %convert_element_type3A = arith.extui %lt3A_40 : i1 to i32
      %cond3A = arith.constant 0 : i32
      %cond3A_41 = arith.cmpi ne, %convert_element_type3A, %cond3A : i32
      scf.if %cond3A_41 {
        %mul3A_43 = arith.constant 256 : i32
        %mul3A_44 = arith.muli %add3A, %mul3A_43 : i32
        "tpu.region"() ({
          %run_scoped3A = tpu.sem_alloc : memref<!tpu.dma_semaphore, #tpu.memory_space<semaphore_mem>>
          %dma_start3A_399 = tpu.memref_slice %arg2[%mul3A_44] : memref<800000xi32, #tpu.memory_space<hbm>> -> memref<256xi32, #tpu.memory_space<hbm>>
          %dma_start3A_400 = tpu.memref_slice %arg2[%mul3A_44] : memref<800000xi32, #tpu.memory_space<hbm>> -> memref<256xi32, #tpu.memory_space<hbm>>
          tpu.enqueue_dma source(%dma_start3A_400 : memref<256xi32, #tpu.memory_space<hbm>>) target(%arg7 : memref<256xi32, #tpu.memory_space<vmem>>) target_semaphore(%run_scoped3A : memref<!tpu.dma_semaphore, #tpu.memory_space<semaphore_mem>>)
          %dma_wait3A_401 = tpu.memref_slice %arg2[%mul3A_44] : memref<800000xi32, #tpu.memory_space<hbm>> -> memref<256xi32, #tpu.memory_space<hbm>>
          %dma_wait3A_402 = tpu.memref_slice %arg2[%mul3A_44] : memref<800000xi32, #tpu.memory_space<hbm>> -> memref<256xi32, #tpu.memory_space<hbm>>
          tpu.wait_dma2 semaphore(%run_scoped3A : memref<!tpu.dma_semaphore, #tpu.memory_space<semaphore_mem>>) src(%dma_wait3A_402 : memref<256xi32, #tpu.memory_space<hbm>>) dst(%arg7 : memref<256xi32, #tpu.memory_space<vmem>>)
          tpu.yield
        }) : () -> ()
        %get3A = arith.constant 0 : index
        %get3A_45 = tpu.vector_load %arg7[%get3A] {strides = array<i32>} : memref<256xi32, #tpu.memory_space<vmem>>, vector<16xi32>,
        %get3A_46 = vector.shape_cast %get3A_45 : vector<16xi32> to vector<16xi32>
        %ge3A = vector.broadcast %mul3A_0 : i32 to vector<16xi32>
        %ge3A_47 = arith.cmpi sge, %get3A_46, %ge3A : vector<16xi32>
        %add3A_48 = arith.constant 25000 : i32
        %add3A_49 = arith.addi %mul3A_0, %add3A_48 : i32
        %lt3A_50 = vector.broadcast %add3A_49 : i32 to vector<16xi32>
        %lt3A_51 = arith.cmpi slt, %get3A_46, %lt3A_50 : vector<16xi32>
        %and3A = arith.andi %ge3A_47, %lt3A_51 : vector<16xi1>
        %sub3A = vector.broadcast %mul3A_0 : i32 to vector<16xi32>
        %sub3A_52 = arith.subi %get3A_46, %sub3A : vector<16xi32>
        %jit3A = arith.constant 25088 : i32
        %broadcast_in_dim3A = vector.broadcast %jit3A : i32 to vector<16xi32>
        %select_n3A = arith.select %and3A, %sub3A_52, %broadcast_in_dim3A : vector<16xi1>, vector<16xi32>
        %swap3A = arith.constant 0 : i32
        %swap3A_53 = arith.index_cast %swap3A : i32 to index
        %swap3A_54 = arith.constant 0 : index
        %swap3A_55 = tpu.vector_load %arg8[%swap3A_53, %swap3A_54] {strides = array<i32>} : memref<2x128xi32, #tpu.memory_space<vmem>>, vector<1x16xi32>,
        %swap3A_56 = vector.shape_cast %swap3A_55 : vector<1x16xi32> to vector<16xi32>
        %swap3A_57 = vector.shape_cast %select_n3A : vector<16xi32> to vector<1x16xi32>
        tpu.vector_store %arg8[%swap3A_53, %swap3A_54], %swap3A_57 {strides = array<i32>} : memref<2x128xi32, #tpu.memory_space<vmem>>, vector<1x16xi32>,
        %get3A_58 = arith.constant 16 : index
        %get3A_59 = tpu.vector_load %arg7[%get3A_58] {strides = array<i32>} : memref<256xi32, #tpu.memory_space<vmem>>, vector<16xi32>,
        %get3A_60 = vector.shape_cast %get3A_59 : vector<16xi32> to vector<16xi32>
        %ge3A_61 = vector.broadcast %mul3A_0 : i32 to vector<16xi32>
        %ge3A_62 = arith.cmpi sge, %get3A_60, %ge3A_61 : vector<16xi32>
        %add3A_63 = arith.constant 25000 : i32
        %add3A_64 = arith.addi %mul3A_0, %add3A_63 : i32
        %lt3A_65 = vector.broadcast %add3A_64 : i32 to vector<16xi32>
        %lt3A_66 = arith.cmpi slt, %get3A_60, %lt3A_65 : vector<16xi32>
        %and3A_67 = arith.andi %ge3A_62, %lt3A_66 : vector<16xi1>
        %sub3A_68 = vector.broadcast %mul3A_0 : i32 to vector<16xi32>
        %sub3A_69 = arith.subi %get3A_60, %sub3A_68 : vector<16xi32>
        %jit3A_70 = arith.constant 25088 : i32
        %broadcast_in_dim3A_71 = vector.broadcast %jit3A_70 : i32 to vector<16xi32>
        %select_n3A_72 = arith.select %and3A_67, %sub3A_69, %broadcast_in_dim3A_71 : vector<16xi1>, vector<16xi32>
        %swap3A_73 = arith.constant 0 : i32
        %swap3A_74 = arith.index_cast %swap3A_73 : i32 to index
        %swap3A_75 = arith.constant 16 : index
        %swap3A_76 = tpu.vector_load %arg8[%swap3A_74, %swap3A_75] {strides = array<i32>} : memref<2x128xi32, #tpu.memory_space<vmem>>, vector<1x16xi32>,
        %swap3A_77 = vector.shape_cast %swap3A_76 : vector<1x16xi32> to vector<16xi32>
        %swap3A_78 = vector.shape_cast %select_n3A_72 : vector<16xi32> to vector<1x16xi32>
        tpu.vector_store %arg8[%swap3A_74, %swap3A_75], %swap3A_78 {strides = array<i32>} : memref<2x128xi32, #tpu.memory_space<vmem>>, vector<1x16xi32>,
        %get3A_79 = arith.constant 32 : index
        %get3A_80 = tpu.vector_load %arg7[%get3A_79] {strides = array<i32>} : memref<256xi32, #tpu.memory_space<vmem>>, vector<16xi32>,
        %get3A_81 = vector.shape_cast %get3A_80 : vector<16xi32> to vector<16xi32>
        %ge3A_82 = vector.broadcast %mul3A_0 : i32 to vector<16xi32>
        %ge3A_83 = arith.cmpi sge, %get3A_81, %ge3A_82 : vector<16xi32>
        %add3A_84 = arith.constant 25000 : i32
        %add3A_85 = arith.addi %mul3A_0, %add3A_84 : i32
        %lt3A_86 = vector.broadcast %add3A_85 : i32 to vector<16xi32>
        %lt3A_87 = arith.cmpi slt, %get3A_81, %lt3A_86 : vector<16xi32>
        %and3A_88 = arith.andi %ge3A_83, %lt3A_87 : vector<16xi1>
        %sub3A_89 = vector.broadcast %mul3A_0 : i32 to vector<16xi32>
        %sub3A_90 = arith.subi %get3A_81, %sub3A_89 : vector<16xi32>
        %jit3A_91 = arith.constant 25088 : i32
        %broadcast_in_dim3A_92 = vector.broadcast %jit3A_91 : i32 to vector<16xi32>
        %select_n3A_93 = arith.select %and3A_88, %sub3A_90, %broadcast_in_dim3A_92 : vector<16xi1>, vector<16xi32>
        %swap3A_94 = arith.constant 0 : i32
        %swap3A_95 = arith.index_cast %swap3A_94 : i32 to index
        %swap3A_96 = arith.constant 32 : index
        %swap3A_97 = tpu.vector_load %arg8[%swap3A_95, %swap3A_96] {strides = array<i32>} : memref<2x128xi32, #tpu.memory_space<vmem>>, vector<1x16xi32>,
        %swap3A_98 = vector.shape_cast %swap3A_97 : vector<1x16xi32> to vector<16xi32>
        %swap3A_99 = vector.shape_cast %select_n3A_93 : vector<16xi32> to vector<1x16xi32>
        tpu.vector_store %arg8[%swap3A_95, %swap3A_96], %swap3A_99 {strides = array<i32>} : memref<2x128xi32, #tpu.memory_space<vmem>>, vector<1x16xi32>,
        %get3A_100 = arith.constant 48 : index
        %get3A_101 = tpu.vector_load %arg7[%get3A_100] {strides = array<i32>} : memref<256xi32, #tpu.memory_space<vmem>>, vector<16xi32>,
        %get3A_102 = vector.shape_cast %get3A_101 : vector<16xi32> to vector<16xi32>
        %ge3A_103 = vector.broadcast %mul3A_0 : i32 to vector<16xi32>
        %ge3A_104 = arith.cmpi sge, %get3A_102, %ge3A_103 : vector<16xi32>
        %add3A_105 = arith.constant 25000 : i32
        %add3A_106 = arith.addi %mul3A_0, %add3A_105 : i32
        %lt3A_107 = vector.broadcast %add3A_106 : i32 to vector<16xi32>
        %lt3A_108 = arith.cmpi slt, %get3A_102, %lt3A_107 : vector<16xi32>
        %and3A_109 = arith.andi %ge3A_104, %lt3A_108 : vector<16xi1>
        %sub3A_110 = vector.broadcast %mul3A_0 : i32 to vector<16xi32>
        %sub3A_111 = arith.subi %get3A_102, %sub3A_110 : vector<16xi32>
        %jit3A_112 = arith.constant 25088 : i32
        %broadcast_in_dim3A_113 = vector.broadcast %jit3A_112 : i32 to vector<16xi32>
        %select_n3A_114 = arith.select %and3A_109, %sub3A_111, %broadcast_in_dim3A_113 : vector<16xi1>, vector<16xi32>
        %swap3A_115 = arith.constant 0 : i32
        %swap3A_116 = arith.index_cast %swap3A_115 : i32 to index
        %swap3A_117 = arith.constant 48 : index
        %swap3A_118 = tpu.vector_load %arg8[%swap3A_116, %swap3A_117] {strides = array<i32>} : memref<2x128xi32, #tpu.memory_space<vmem>>, vector<1x16xi32>,
        %swap3A_119 = vector.shape_cast %swap3A_118 : vector<1x16xi32> to vector<16xi32>
        %swap3A_120 = vector.shape_cast %select_n3A_114 : vector<16xi32> to vector<1x16xi32>
        tpu.vector_store %arg8[%swap3A_116, %swap3A_117], %swap3A_120 {strides = array<i32>} : memref<2x128xi32, #tpu.memory_space<vmem>>, vector<1x16xi32>,
        %get3A_121 = arith.constant 64 : index
        %get3A_122 = tpu.vector_load %arg7[%get3A_121] {strides = array<i32>} : memref<256xi32, #tpu.memory_space<vmem>>, vector<16xi32>,
        %get3A_123 = vector.shape_cast %get3A_122 : vector<16xi32> to vector<16xi32>
        %ge3A_124 = vector.broadcast %mul3A_0 : i32 to vector<16xi32>
        %ge3A_125 = arith.cmpi sge, %get3A_123, %ge3A_124 : vector<16xi32>
        %add3A_126 = arith.constant 25000 : i32
        %add3A_127 = arith.addi %mul3A_0, %add3A_126 : i32
        %lt3A_128 = vector.broadcast %add3A_127 : i32 to vector<16xi32>
        %lt3A_129 = arith.cmpi slt, %get3A_123, %lt3A_128 : vector<16xi32>
        %and3A_130 = arith.andi %ge3A_125, %lt3A_129 : vector<16xi1>
        %sub3A_131 = vector.broadcast %mul3A_0 : i32 to vector<16xi32>
        %sub3A_132 = arith.subi %get3A_123, %sub3A_131 : vector<16xi32>
        %jit3A_133 = arith.constant 25088 : i32
        %broadcast_in_dim3A_134 = vector.broadcast %jit3A_133 : i32 to vector<16xi32>
        %select_n3A_135 = arith.select %and3A_130, %sub3A_132, %broadcast_in_dim3A_134 : vector<16xi1>, vector<16xi32>
        %swap3A_136 = arith.constant 0 : i32
        %swap3A_137 = arith.index_cast %swap3A_136 : i32 to index
        %swap3A_138 = arith.constant 64 : index
        %swap3A_139 = tpu.vector_load %arg8[%swap3A_137, %swap3A_138] {strides = array<i32>} : memref<2x128xi32, #tpu.memory_space<vmem>>, vector<1x16xi32>,
        %swap3A_140 = vector.shape_cast %swap3A_139 : vector<1x16xi32> to vector<16xi32>
        %swap3A_141 = vector.shape_cast %select_n3A_135 : vector<16xi32> to vector<1x16xi32>
        tpu.vector_store %arg8[%swap3A_137, %swap3A_138], %swap3A_141 {strides = array<i32>} : memref<2x128xi32, #tpu.memory_space<vmem>>, vector<1x16xi32>,
        %get3A_142 = arith.constant 80 : index
        %get3A_143 = tpu.vector_load %arg7[%get3A_142] {strides = array<i32>} : memref<256xi32, #tpu.memory_space<vmem>>, vector<16xi32>,
        %get3A_144 = vector.shape_cast %get3A_143 : vector<16xi32> to vector<16xi32>
        %ge3A_145 = vector.broadcast %mul3A_0 : i32 to vector<16xi32>
        %ge3A_146 = arith.cmpi sge, %get3A_144, %ge3A_145 : vector<16xi32>
        %add3A_147 = arith.constant 25000 : i32
        %add3A_148 = arith.addi %mul3A_0, %add3A_147 : i32
        %lt3A_149 = vector.broadcast %add3A_148 : i32 to vector<16xi32>
        %lt3A_150 = arith.cmpi slt, %get3A_144, %lt3A_149 : vector<16xi32>
        %and3A_151 = arith.andi %ge3A_146, %lt3A_150 : vector<16xi1>
        %sub3A_152 = vector.broadcast %mul3A_0 : i32 to vector<16xi32>
        %sub3A_153 = arith.subi %get3A_144, %sub3A_152 : vector<16xi32>
        %jit3A_154 = arith.constant 25088 : i32
        %broadcast_in_dim3A_155 = vector.broadcast %jit3A_154 : i32 to vector<16xi32>
        %select_n3A_156 = arith.select %and3A_151, %sub3A_153, %broadcast_in_dim3A_155 : vector<16xi1>, vector<16xi32>
        %swap3A_157 = arith.constant 0 : i32
        %swap3A_158 = arith.index_cast %swap3A_157 : i32 to index
        %swap3A_159 = arith.constant 80 : index
        %swap3A_160 = tpu.vector_load %arg8[%swap3A_158, %swap3A_159] {strides = array<i32>} : memref<2x128xi32, #tpu.memory_space<vmem>>, vector<1x16xi32>,
        %swap3A_161 = vector.shape_cast %swap3A_160 : vector<1x16xi32> to vector<16xi32>
        %swap3A_162 = vector.shape_cast %select_n3A_156 : vector<16xi32> to vector<1x16xi32>
        tpu.vector_store %arg8[%swap3A_158, %swap3A_159], %swap3A_162 {strides = array<i32>} : memref<2x128xi32, #tpu.memory_space<vmem>>, vector<1x16xi32>,
        %get3A_163 = arith.constant 96 : index
        %get3A_164 = tpu.vector_load %arg7[%get3A_163] {strides = array<i32>} : memref<256xi32, #tpu.memory_space<vmem>>, vector<16xi32>,
        %get3A_165 = vector.shape_cast %get3A_164 : vector<16xi32> to vector<16xi32>
        %ge3A_166 = vector.broadcast %mul3A_0 : i32 to vector<16xi32>
        %ge3A_167 = arith.cmpi sge, %get3A_165, %ge3A_166 : vector<16xi32>
        %add3A_168 = arith.constant 25000 : i32
        %add3A_169 = arith.addi %mul3A_0, %add3A_168 : i32
        %lt3A_170 = vector.broadcast %add3A_169 : i32 to vector<16xi32>
        %lt3A_171 = arith.cmpi slt, %get3A_165, %lt3A_170 : vector<16xi32>
        %and3A_172 = arith.andi %ge3A_167, %lt3A_171 : vector<16xi1>
        %sub3A_173 = vector.broadcast %mul3A_0 : i32 to vector<16xi32>
        %sub3A_174 = arith.subi %get3A_165, %sub3A_173 : vector<16xi32>
        %jit3A_175 = arith.constant 25088 : i32
        %broadcast_in_dim3A_176 = vector.broadcast %jit3A_175 : i32 to vector<16xi32>
        %select_n3A_177 = arith.select %and3A_172, %sub3A_174, %broadcast_in_dim3A_176 : vector<16xi1>, vector<16xi32>
        %swap3A_178 = arith.constant 0 : i32
        %swap3A_179 = arith.index_cast %swap3A_178 : i32 to index
        %swap3A_180 = arith.constant 96 : index
        %swap3A_181 = tpu.vector_load %arg8[%swap3A_179, %swap3A_180] {strides = array<i32>} : memref<2x128xi32, #tpu.memory_space<vmem>>, vector<1x16xi32>,
        %swap3A_182 = vector.shape_cast %swap3A_181 : vector<1x16xi32> to vector<16xi32>
        %swap3A_183 = vector.shape_cast %select_n3A_177 : vector<16xi32> to vector<1x16xi32>
        tpu.vector_store %arg8[%swap3A_179, %swap3A_180], %swap3A_183 {strides = array<i32>} : memref<2x128xi32, #tpu.memory_space<vmem>>, vector<1x16xi32>,
        %get3A_184 = arith.constant 112 : index
        %get3A_185 = tpu.vector_load %arg7[%get3A_184] {strides = array<i32>} : memref<256xi32, #tpu.memory_space<vmem>>, vector<16xi32>,
        %get3A_186 = vector.shape_cast %get3A_185 : vector<16xi32> to vector<16xi32>
        %ge3A_187 = vector.broadcast %mul3A_0 : i32 to vector<16xi32>
        %ge3A_188 = arith.cmpi sge, %get3A_186, %ge3A_187 : vector<16xi32>
        %add3A_189 = arith.constant 25000 : i32
        %add3A_190 = arith.addi %mul3A_0, %add3A_189 : i32
        %lt3A_191 = vector.broadcast %add3A_190 : i32 to vector<16xi32>
        %lt3A_192 = arith.cmpi slt, %get3A_186, %lt3A_191 : vector<16xi32>
        %and3A_193 = arith.andi %ge3A_188, %lt3A_192 : vector<16xi1>
        %sub3A_194 = vector.broadcast %mul3A_0 : i32 to vector<16xi32>
        %sub3A_195 = arith.subi %get3A_186, %sub3A_194 : vector<16xi32>
        %jit3A_196 = arith.constant 25088 : i32
        %broadcast_in_dim3A_197 = vector.broadcast %jit3A_196 : i32 to vector<16xi32>
        %select_n3A_198 = arith.select %and3A_193, %sub3A_195, %broadcast_in_dim3A_197 : vector<16xi1>, vector<16xi32>
        %swap3A_199 = arith.constant 0 : i32
        %swap3A_200 = arith.index_cast %swap3A_199 : i32 to index
        %swap3A_201 = arith.constant 112 : index
        %swap3A_202 = tpu.vector_load %arg8[%swap3A_200, %swap3A_201] {strides = array<i32>} : memref<2x128xi32, #tpu.memory_space<vmem>>, vector<1x16xi32>,
        %swap3A_203 = vector.shape_cast %swap3A_202 : vector<1x16xi32> to vector<16xi32>
        %swap3A_204 = vector.shape_cast %select_n3A_198 : vector<16xi32> to vector<1x16xi32>
        tpu.vector_store %arg8[%swap3A_200, %swap3A_201], %swap3A_204 {strides = array<i32>} : memref<2x128xi32, #tpu.memory_space<vmem>>, vector<1x16xi32>,
        %get3A_205 = arith.constant 128 : index
        %get3A_206 = tpu.vector_load %arg7[%get3A_205] {strides = array<i32>} : memref<256xi32, #tpu.memory_space<vmem>>, vector<16xi32>,
        %get3A_207 = vector.shape_cast %get3A_206 : vector<16xi32> to vector<16xi32>
        %ge3A_208 = vector.broadcast %mul3A_0 : i32 to vector<16xi32>
        %ge3A_209 = arith.cmpi sge, %get3A_207, %ge3A_208 : vector<16xi32>
        %add3A_210 = arith.constant 25000 : i32
        %add3A_211 = arith.addi %mul3A_0, %add3A_210 : i32
        %lt3A_212 = vector.broadcast %add3A_211 : i32 to vector<16xi32>
        %lt3A_213 = arith.cmpi slt, %get3A_207, %lt3A_212 : vector<16xi32>
        %and3A_214 = arith.andi %ge3A_209, %lt3A_213 : vector<16xi1>
        %sub3A_215 = vector.broadcast %mul3A_0 : i32 to vector<16xi32>
        %sub3A_216 = arith.subi %get3A_207, %sub3A_215 : vector<16xi32>
        %jit3A_217 = arith.constant 25088 : i32
        %broadcast_in_dim3A_218 = vector.broadcast %jit3A_217 : i32 to vector<16xi32>
        %select_n3A_219 = arith.select %and3A_214, %sub3A_216, %broadcast_in_dim3A_218 : vector<16xi1>, vector<16xi32>
        %swap3A_220 = arith.constant 1 : i32
        %swap3A_221 = arith.index_cast %swap3A_220 : i32 to index
        %swap3A_222 = arith.constant 0 : index
        %swap3A_223 = tpu.vector_load %arg8[%swap3A_221, %swap3A_222] {strides = array<i32>} : memref<2x128xi32, #tpu.memory_space<vmem>>, vector<1x16xi32>,
        %swap3A_224 = vector.shape_cast %swap3A_223 : vector<1x16xi32> to vector<16xi32>
        %swap3A_225 = vector.shape_cast %select_n3A_219 : vector<16xi32> to vector<1x16xi32>
        tpu.vector_store %arg8[%swap3A_221, %swap3A_222], %swap3A_225 {strides = array<i32>} : memref<2x128xi32, #tpu.memory_space<vmem>>, vector<1x16xi32>,
        %get3A_226 = arith.constant 144 : index
        %get3A_227 = tpu.vector_load %arg7[%get3A_226] {strides = array<i32>} : memref<256xi32, #tpu.memory_space<vmem>>, vector<16xi32>,
        %get3A_228 = vector.shape_cast %get3A_227 : vector<16xi32> to vector<16xi32>
        %ge3A_229 = vector.broadcast %mul3A_0 : i32 to vector<16xi32>
        %ge3A_230 = arith.cmpi sge, %get3A_228, %ge3A_229 : vector<16xi32>
        %add3A_231 = arith.constant 25000 : i32
        %add3A_232 = arith.addi %mul3A_0, %add3A_231 : i32
        %lt3A_233 = vector.broadcast %add3A_232 : i32 to vector<16xi32>
        %lt3A_234 = arith.cmpi slt, %get3A_228, %lt3A_233 : vector<16xi32>
        %and3A_235 = arith.andi %ge3A_230, %lt3A_234 : vector<16xi1>
        %sub3A_236 = vector.broadcast %mul3A_0 : i32 to vector<16xi32>
        %sub3A_237 = arith.subi %get3A_228, %sub3A_236 : vector<16xi32>
        %jit3A_238 = arith.constant 25088 : i32
        %broadcast_in_dim3A_239 = vector.broadcast %jit3A_238 : i32 to vector<16xi32>
        %select_n3A_240 = arith.select %and3A_235, %sub3A_237, %broadcast_in_dim3A_239 : vector<16xi1>, vector<16xi32>
        %swap3A_241 = arith.constant 1 : i32
        %swap3A_242 = arith.index_cast %swap3A_241 : i32 to index
        %swap3A_243 = arith.constant 16 : index
        %swap3A_244 = tpu.vector_load %arg8[%swap3A_242, %swap3A_243] {strides = array<i32>} : memref<2x128xi32, #tpu.memory_space<vmem>>, vector<1x16xi32>,
        %swap3A_245 = vector.shape_cast %swap3A_244 : vector<1x16xi32> to vector<16xi32>
        %swap3A_246 = vector.shape_cast %select_n3A_240 : vector<16xi32> to vector<1x16xi32>
        tpu.vector_store %arg8[%swap3A_242, %swap3A_243], %swap3A_246 {strides = array<i32>} : memref<2x128xi32, #tpu.memory_space<vmem>>, vector<1x16xi32>,
        %get3A_247 = arith.constant 160 : index
        %get3A_248 = tpu.vector_load %arg7[%get3A_247] {strides = array<i32>} : memref<256xi32, #tpu.memory_space<vmem>>, vector<16xi32>,
        %get3A_249 = vector.shape_cast %get3A_248 : vector<16xi32> to vector<16xi32>
        %ge3A_250 = vector.broadcast %mul3A_0 : i32 to vector<16xi32>
        %ge3A_251 = arith.cmpi sge, %get3A_249, %ge3A_250 : vector<16xi32>
        %add3A_252 = arith.constant 25000 : i32
        %add3A_253 = arith.addi %mul3A_0, %add3A_252 : i32
        %lt3A_254 = vector.broadcast %add3A_253 : i32 to vector<16xi32>
        %lt3A_255 = arith.cmpi slt, %get3A_249, %lt3A_254 : vector<16xi32>
        %and3A_256 = arith.andi %ge3A_251, %lt3A_255 : vector<16xi1>
        %sub3A_257 = vector.broadcast %mul3A_0 : i32 to vector<16xi32>
        %sub3A_258 = arith.subi %get3A_249, %sub3A_257 : vector<16xi32>
        %jit3A_259 = arith.constant 25088 : i32
        %broadcast_in_dim3A_260 = vector.broadcast %jit3A_259 : i32 to vector<16xi32>
        %select_n3A_261 = arith.select %and3A_256, %sub3A_258, %broadcast_in_dim3A_260 : vector<16xi1>, vector<16xi32>
        %swap3A_262 = arith.constant 1 : i32
        %swap3A_263 = arith.index_cast %swap3A_262 : i32 to index
        %swap3A_264 = arith.constant 32 : index
        %swap3A_265 = tpu.vector_load %arg8[%swap3A_263, %swap3A_264] {strides = array<i32>} : memref<2x128xi32, #tpu.memory_space<vmem>>, vector<1x16xi32>,
        %swap3A_266 = vector.shape_cast %swap3A_265 : vector<1x16xi32> to vector<16xi32>
        %swap3A_267 = vector.shape_cast %select_n3A_261 : vector<16xi32> to vector<1x16xi32>
        tpu.vector_store %arg8[%swap3A_263, %swap3A_264], %swap3A_267 {strides = array<i32>} : memref<2x128xi32, #tpu.memory_space<vmem>>, vector<1x16xi32>,
        %get3A_268 = arith.constant 176 : index
        %get3A_269 = tpu.vector_load %arg7[%get3A_268] {strides = array<i32>} : memref<256xi32, #tpu.memory_space<vmem>>, vector<16xi32>,
        %get3A_270 = vector.shape_cast %get3A_269 : vector<16xi32> to vector<16xi32>
        %ge3A_271 = vector.broadcast %mul3A_0 : i32 to vector<16xi32>
        %ge3A_272 = arith.cmpi sge, %get3A_270, %ge3A_271 : vector<16xi32>
        %add3A_273 = arith.constant 25000 : i32
        %add3A_274 = arith.addi %mul3A_0, %add3A_273 : i32
        %lt3A_275 = vector.broadcast %add3A_274 : i32 to vector<16xi32>
        %lt3A_276 = arith.cmpi slt, %get3A_270, %lt3A_275 : vector<16xi32>
        %and3A_277 = arith.andi %ge3A_272, %lt3A_276 : vector<16xi1>
        %sub3A_278 = vector.broadcast %mul3A_0 : i32 to vector<16xi32>
        %sub3A_279 = arith.subi %get3A_270, %sub3A_278 : vector<16xi32>
        %jit3A_280 = arith.constant 25088 : i32
        %broadcast_in_dim3A_281 = vector.broadcast %jit3A_280 : i32 to vector<16xi32>
        %select_n3A_282 = arith.select %and3A_277, %sub3A_279, %broadcast_in_dim3A_281 : vector<16xi1>, vector<16xi32>
        %swap3A_283 = arith.constant 1 : i32
        %swap3A_284 = arith.index_cast %swap3A_283 : i32 to index
        %swap3A_285 = arith.constant 48 : index
        %swap3A_286 = tpu.vector_load %arg8[%swap3A_284, %swap3A_285] {strides = array<i32>} : memref<2x128xi32, #tpu.memory_space<vmem>>, vector<1x16xi32>,
        %swap3A_287 = vector.shape_cast %swap3A_286 : vector<1x16xi32> to vector<16xi32>
        %swap3A_288 = vector.shape_cast %select_n3A_282 : vector<16xi32> to vector<1x16xi32>
        tpu.vector_store %arg8[%swap3A_284, %swap3A_285], %swap3A_288 {strides = array<i32>} : memref<2x128xi32, #tpu.memory_space<vmem>>, vector<1x16xi32>,
        %get3A_289 = arith.constant 192 : index
        %get3A_290 = tpu.vector_load %arg7[%get3A_289] {strides = array<i32>} : memref<256xi32, #tpu.memory_space<vmem>>, vector<16xi32>,
        %get3A_291 = vector.shape_cast %get3A_290 : vector<16xi32> to vector<16xi32>
        %ge3A_292 = vector.broadcast %mul3A_0 : i32 to vector<16xi32>
        %ge3A_293 = arith.cmpi sge, %get3A_291, %ge3A_292 : vector<16xi32>
        %add3A_294 = arith.constant 25000 : i32
        %add3A_295 = arith.addi %mul3A_0, %add3A_294 : i32
        %lt3A_296 = vector.broadcast %add3A_295 : i32 to vector<16xi32>
        %lt3A_297 = arith.cmpi slt, %get3A_291, %lt3A_296 : vector<16xi32>
        %and3A_298 = arith.andi %ge3A_293, %lt3A_297 : vector<16xi1>
        %sub3A_299 = vector.broadcast %mul3A_0 : i32 to vector<16xi32>
        %sub3A_300 = arith.subi %get3A_291, %sub3A_299 : vector<16xi32>
        %jit3A_301 = arith.constant 25088 : i32
        %broadcast_in_dim3A_302 = vector.broadcast %jit3A_301 : i32 to vector<16xi32>
        %select_n3A_303 = arith.select %and3A_298, %sub3A_300, %broadcast_in_dim3A_302 : vector<16xi1>, vector<16xi32>
        %swap3A_304 = arith.constant 1 : i32
        %swap3A_305 = arith.index_cast %swap3A_304 : i32 to index
        %swap3A_306 = arith.constant 64 : index
        %swap3A_307 = tpu.vector_load %arg8[%swap3A_305, %swap3A_306] {strides = array<i32>} : memref<2x128xi32, #tpu.memory_space<vmem>>, vector<1x16xi32>,
        %swap3A_308 = vector.shape_cast %swap3A_307 : vector<1x16xi32> to vector<16xi32>
        %swap3A_309 = vector.shape_cast %select_n3A_303 : vector<16xi32> to vector<1x16xi32>
        tpu.vector_store %arg8[%swap3A_305, %swap3A_306], %swap3A_309 {strides = array<i32>} : memref<2x128xi32, #tpu.memory_space<vmem>>, vector<1x16xi32>,
        %get3A_310 = arith.constant 208 : index
        %get3A_311 = tpu.vector_load %arg7[%get3A_310] {strides = array<i32>} : memref<256xi32, #tpu.memory_space<vmem>>, vector<16xi32>,
        %get3A_312 = vector.shape_cast %get3A_311 : vector<16xi32> to vector<16xi32>
        %ge3A_313 = vector.broadcast %mul3A_0 : i32 to vector<16xi32>
        %ge3A_314 = arith.cmpi sge, %get3A_312, %ge3A_313 : vector<16xi32>
        %add3A_315 = arith.constant 25000 : i32
        %add3A_316 = arith.addi %mul3A_0, %add3A_315 : i32
        %lt3A_317 = vector.broadcast %add3A_316 : i32 to vector<16xi32>
        %lt3A_318 = arith.cmpi slt, %get3A_312, %lt3A_317 : vector<16xi32>
        %and3A_319 = arith.andi %ge3A_314, %lt3A_318 : vector<16xi1>
        %sub3A_320 = vector.broadcast %mul3A_0 : i32 to vector<16xi32>
        %sub3A_321 = arith.subi %get3A_312, %sub3A_320 : vector<16xi32>
        %jit3A_322 = arith.constant 25088 : i32
        %broadcast_in_dim3A_323 = vector.broadcast %jit3A_322 : i32 to vector<16xi32>
        %select_n3A_324 = arith.select %and3A_319, %sub3A_321, %broadcast_in_dim3A_323 : vector<16xi1>, vector<16xi32>
        %swap3A_325 = arith.constant 1 : i32
        %swap3A_326 = arith.index_cast %swap3A_325 : i32 to index
        %swap3A_327 = arith.constant 80 : index
        %swap3A_328 = tpu.vector_load %arg8[%swap3A_326, %swap3A_327] {strides = array<i32>} : memref<2x128xi32, #tpu.memory_space<vmem>>, vector<1x16xi32>,
        %swap3A_329 = vector.shape_cast %swap3A_328 : vector<1x16xi32> to vector<16xi32>
        %swap3A_330 = vector.shape_cast %select_n3A_324 : vector<16xi32> to vector<1x16xi32>
        tpu.vector_store %arg8[%swap3A_326, %swap3A_327], %swap3A_330 {strides = array<i32>} : memref<2x128xi32, #tpu.memory_space<vmem>>, vector<1x16xi32>,
        %get3A_331 = arith.constant 224 : index
        %get3A_332 = tpu.vector_load %arg7[%get3A_331] {strides = array<i32>} : memref<256xi32, #tpu.memory_space<vmem>>, vector<16xi32>,
        %get3A_333 = vector.shape_cast %get3A_332 : vector<16xi32> to vector<16xi32>
        %ge3A_334 = vector.broadcast %mul3A_0 : i32 to vector<16xi32>
        %ge3A_335 = arith.cmpi sge, %get3A_333, %ge3A_334 : vector<16xi32>
        %add3A_336 = arith.constant 25000 : i32
        %add3A_337 = arith.addi %mul3A_0, %add3A_336 : i32
        %lt3A_338 = vector.broadcast %add3A_337 : i32 to vector<16xi32>
        %lt3A_339 = arith.cmpi slt, %get3A_333, %lt3A_338 : vector<16xi32>
        %and3A_340 = arith.andi %ge3A_335, %lt3A_339 : vector<16xi1>
        %sub3A_341 = vector.broadcast %mul3A_0 : i32 to vector<16xi32>
        %sub3A_342 = arith.subi %get3A_333, %sub3A_341 : vector<16xi32>
        %jit3A_343 = arith.constant 25088 : i32
        %broadcast_in_dim3A_344 = vector.broadcast %jit3A_343 : i32 to vector<16xi32>
        %select_n3A_345 = arith.select %and3A_340, %sub3A_342, %broadcast_in_dim3A_344 : vector<16xi1>, vector<16xi32>
        %swap3A_346 = arith.constant 1 : i32
        %swap3A_347 = arith.index_cast %swap3A_346 : i32 to index
        %swap3A_348 = arith.constant 96 : index
        %swap3A_349 = tpu.vector_load %arg8[%swap3A_347, %swap3A_348] {strides = array<i32>} : memref<2x128xi32, #tpu.memory_space<vmem>>, vector<1x16xi32>,
        %swap3A_350 = vector.shape_cast %swap3A_349 : vector<1x16xi32> to vector<16xi32>
        %swap3A_351 = vector.shape_cast %select_n3A_345 : vector<16xi32> to vector<1x16xi32>
        tpu.vector_store %arg8[%swap3A_347, %swap3A_348], %swap3A_351 {strides = array<i32>} : memref<2x128xi32, #tpu.memory_space<vmem>>, vector<1x16xi32>,
        %get3A_352 = arith.constant 240 : index
        %get3A_353 = tpu.vector_load %arg7[%get3A_352] {strides = array<i32>} : memref<256xi32, #tpu.memory_space<vmem>>, vector<16xi32>,
        %get3A_354 = vector.shape_cast %get3A_353 : vector<16xi32> to vector<16xi32>
        %ge3A_355 = vector.broadcast %mul3A_0 : i32 to vector<16xi32>
        %ge3A_356 = arith.cmpi sge, %get3A_354, %ge3A_355 : vector<16xi32>
        %add3A_357 = arith.constant 25000 : i32
        %add3A_358 = arith.addi %mul3A_0, %add3A_357 : i32
        %lt3A_359 = vector.broadcast %add3A_358 : i32 to vector<16xi32>
        %lt3A_360 = arith.cmpi slt, %get3A_354, %lt3A_359 : vector<16xi32>
        %and3A_361 = arith.andi %ge3A_356, %lt3A_360 : vector<16xi1>
        %sub3A_362 = vector.broadcast %mul3A_0 : i32 to vector<16xi32>
        %sub3A_363 = arith.subi %get3A_354, %sub3A_362 : vector<16xi32>
        %jit3A_364 = arith.constant 25088 : i32
        %broadcast_in_dim3A_365 = vector.broadcast %jit3A_364 : i32 to vector<16xi32>
        %select_n3A_366 = arith.select %and3A_361, %sub3A_363, %broadcast_in_dim3A_365 : vector<16xi1>, vector<16xi32>
        %swap3A_367 = arith.constant 1 : i32
        %swap3A_368 = arith.index_cast %swap3A_367 : i32 to index
        %swap3A_369 = arith.constant 112 : index
        %swap3A_370 = tpu.vector_load %arg8[%swap3A_368, %swap3A_369] {strides = array<i32>} : memref<2x128xi32, #tpu.memory_space<vmem>>, vector<1x16xi32>,
        %swap3A_371 = vector.shape_cast %swap3A_370 : vector<1x16xi32> to vector<16xi32>
        %swap3A_372 = vector.shape_cast %select_n3A_366 : vector<16xi32> to vector<1x16xi32>
        tpu.vector_store %arg8[%swap3A_368, %swap3A_369], %swap3A_372 {strides = array<i32>} : memref<2x128xi32, #tpu.memory_space<vmem>>, vector<1x16xi32>,
        %dma_start3A = arith.constant 0 : i32
        %dma_start3A_373 = arith.constant 0 : i32
        %dma_start3A_374 = tpu.memref_slice %arg8[%dma_start3A, %dma_start3A_373] : memref<2x128xi32, #tpu.memory_space<vmem>> -> memref<1x128xi32, #tpu.memory_space<vmem>>
        %dma_start3A_375 = tpu.memref_squeeze %dma_start3A_374 : memref<1x128xi32, #tpu.memory_space<vmem>> -> memref<128xi32, #tpu.memory_space<vmem>>
        %dma_start3A_376 = arith.constant 0 : i32
        %dma_start3A_377 = arith.constant 0 : i32
        %dma_start3A_378 = tpu.memref_slice %arg6[%dma_start3A_376, %dma_start3A_377] : memref<25096x16xf32, #tpu.memory_space<vmem_shared>> -> memref<25096x16xf32, #tpu.memory_space<vmem_shared>>
        tpu.enqueue_indirect_dma source(%arg9 : memref<128x16xf32, #tpu.memory_space<vmem>>) target(%dma_start3A_378 : memref<25096x16xf32, #tpu.memory_space<vmem_shared>>) offsets(%dma_start3A_375 : memref<128xi32, #tpu.memory_space<vmem>>) semaphore(%arg15 : memref<!tpu.dma_semaphore, #tpu.memory_space<semaphore_mem>>) {add = true}
        %dma_start3A_379 = arith.constant 1 : i32
        %dma_start3A_380 = arith.constant 0 : i32
        %dma_start3A_381 = tpu.memref_slice %arg8[%dma_start3A_379, %dma_start3A_380] : memref<2x128xi32, #tpu.memory_space<vmem>> -> memref<1x128xi32, #tpu.memory_space<vmem>>
        %dma_start3A_382 = tpu.memref_squeeze %dma_start3A_381 : memref<1x128xi32, #tpu.memory_space<vmem>> -> memref<128xi32, #tpu.memory_space<vmem>>
        %dma_start3A_383 = arith.constant 0 : i32
        %dma_start3A_384 = arith.constant 0 : i32
        %dma_start3A_385 = tpu.memref_slice %arg6[%dma_start3A_383, %dma_start3A_384] : memref<25096x16xf32, #tpu.memory_space<vmem_shared>> -> memref<25096x16xf32, #tpu.memory_space<vmem_shared>>
        tpu.enqueue_indirect_dma source(%arg9 : memref<128x16xf32, #tpu.memory_space<vmem>>) target(%dma_start3A_385 : memref<25096x16xf32, #tpu.memory_space<vmem_shared>>) offsets(%dma_start3A_382 : memref<128xi32, #tpu.memory_space<vmem>>) semaphore(%arg15 : memref<!tpu.dma_semaphore, #tpu.memory_space<semaphore_mem>>) {add = true}
        %dma_wait3A = arith.constant 0 : i32
        %dma_wait3A_386 = arith.constant 0 : i32
        %dma_wait3A_387 = tpu.memref_slice %arg8[%dma_wait3A, %dma_wait3A_386] : memref<2x128xi32, #tpu.memory_space<vmem>> -> memref<1x128xi32, #tpu.memory_space<vmem>>
        %dma_wait3A_388 = tpu.memref_squeeze %dma_wait3A_387 : memref<1x128xi32, #tpu.memory_space<vmem>> -> memref<128xi32, #tpu.memory_space<vmem>>
        %dma_wait3A_389 = arith.constant 0 : i32
        %dma_wait3A_390 = arith.constant 0 : i32
        %dma_wait3A_391 = tpu.memref_slice %arg6[%dma_wait3A_389, %dma_wait3A_390] : memref<25096x16xf32, #tpu.memory_space<vmem_shared>> -> memref<25096x16xf32, #tpu.memory_space<vmem_shared>>
        tpu.wait_indirect_dma semaphore(%arg15 : memref<!tpu.dma_semaphore, #tpu.memory_space<semaphore_mem>>) src(%arg9 : memref<128x16xf32, #tpu.memory_space<vmem>>) dst(%dma_wait3A_391 : memref<25096x16xf32, #tpu.memory_space<vmem_shared>>)
        %dma_wait3A_392 = arith.constant 1 : i32
        %dma_wait3A_393 = arith.constant 0 : i32
        %dma_wait3A_394 = tpu.memref_slice %arg8[%dma_wait3A_392, %dma_wait3A_393] : memref<2x128xi32, #tpu.memory_space<vmem>> -> memref<1x128xi32, #tpu.memory_space<vmem>>
        %dma_wait3A_395 = tpu.memref_squeeze %dma_wait3A_394 : memref<1x128xi32, #tpu.memory_space<vmem>> -> memref<128xi32, #tpu.memory_space<vmem>>
        %dma_wait3A_396 = arith.constant 0 : i32
        %dma_wait3A_397 = arith.constant 0 : i32
        %dma_wait3A_398 = tpu.memref_slice %arg6[%dma_wait3A_396, %dma_wait3A_397] : memref<25096x16xf32, #tpu.memory_space<vmem_shared>> -> memref<25096x16xf32, #tpu.memory_space<vmem_shared>>
        tpu.wait_indirect_dma semaphore(%arg15 : memref<!tpu.dma_semaphore, #tpu.memory_space<semaphore_mem>>) src(%arg9 : memref<128x16xf32, #tpu.memory_space<vmem>>) dst(%dma_wait3A_398 : memref<25096x16xf32, #tpu.memory_space<vmem_shared>>)
      } else {
      }
      %scan3A_42 = arith.constant 0 : i32
      scf.yield %scan3A_42 : i32
    }
    %scan3A_27 = arith.constant 196 : i32
    %barrier3A_28 = arith.constant 0 : index
    tpu.barrier barrier_id(%barrier3A_28)
    %scan3A_29 = arith.constant 0 : i32
    %scan3A_30 = arith.constant 0 : i32
    %scan3A_31 = arith.constant 28 : i32
    %scan3A_32 = arith.addi %scan3A_30, %scan3A_31 : i32
    %scan3A_33 = arith.constant 1 : i32
    %scan3A_34 = scf.for %scan3A_36 = %scan3A_30 to %scan3A_32 step %scan3A_33 iter_args(%scan3A_37 = %scan3A_29) -> (i32)  : i32 {
      %mul3A_38 = arith.constant 1568 : i32
      %mul3A_39 = arith.muli %arg1, %mul3A_38 : i32
      %mul3A_40 = arith.constant 56 : i32
      %mul3A_41 = arith.muli %scan3A_36, %mul3A_40 : i32
      %add3A = arith.addi %mul3A_39, %mul3A_41 : i32
      %mul3A_42 = arith.constant 25088 : i32
      %mul3A_43 = arith.muli %arg0, %mul3A_42 : i32
      %add3A_44 = arith.addi %mul3A_43, %add3A : i32
      "tpu.region"() ({
        %run_scoped3A = tpu.sem_alloc : memref<!tpu.dma_semaphore, #tpu.memory_space<semaphore_mem>>
        %dma_start3A = arith.constant 0 : i32
        %dma_start3A_53 = tpu.memref_slice %arg6[%add3A, %dma_start3A] : memref<25096x16xf32, #tpu.memory_space<vmem_shared>> -> memref<56x16xf32, #tpu.memory_space<vmem_shared>>
        %dma_start3A_54 = arith.constant 0 : i32
        %dma_start3A_55 = tpu.memref_slice %arg6[%add3A, %dma_start3A_54] : memref<25096x16xf32, #tpu.memory_space<vmem_shared>> -> memref<56x16xf32, #tpu.memory_space<vmem_shared>>
        tpu.enqueue_dma source(%dma_start3A_55 : memref<56x16xf32, #tpu.memory_space<vmem_shared>>) target(%arg11 : memref<56x16xf32, #tpu.memory_space<vmem>>) target_semaphore(%run_scoped3A : memref<!tpu.dma_semaphore, #tpu.memory_space<semaphore_mem>>)
        %dma_wait3A = arith.constant 0 : i32
        %dma_wait3A_56 = tpu.memref_slice %arg6[%add3A, %dma_wait3A] : memref<25096x16xf32, #tpu.memory_space<vmem_shared>> -> memref<56x16xf32, #tpu.memory_space<vmem_shared>>
        %dma_wait3A_57 = arith.constant 0 : i32
        %dma_wait3A_58 = tpu.memref_slice %arg6[%add3A, %dma_wait3A_57] : memref<25096x16xf32, #tpu.memory_space<vmem_shared>> -> memref<56x16xf32, #tpu.memory_space<vmem_shared>>
        tpu.wait_dma2 semaphore(%run_scoped3A : memref<!tpu.dma_semaphore, #tpu.memory_space<semaphore_mem>>) src(%dma_wait3A_58 : memref<56x16xf32, #tpu.memory_space<vmem_shared>>) dst(%arg11 : memref<56x16xf32, #tpu.memory_space<vmem>>)
        tpu.yield
      }) : () -> ()
      "tpu.region"() ({
        %run_scoped3A = tpu.sem_alloc : memref<!tpu.dma_semaphore, #tpu.memory_space<semaphore_mem>>
        %dma_start3A = arith.constant 0 : i32
        %dma_start3A_53 = tpu.memref_slice %arg3[%add3A_44, %dma_start3A] : memref<50176x64xf32, #tpu.memory_space<hbm>> -> memref<56x64xf32, #tpu.memory_space<hbm>>
        %dma_start3A_54 = arith.constant 0 : i32
        %dma_start3A_55 = tpu.memref_slice %arg3[%add3A_44, %dma_start3A_54] : memref<50176x64xf32, #tpu.memory_space<hbm>> -> memref<56x64xf32, #tpu.memory_space<hbm>>
        tpu.enqueue_dma source(%dma_start3A_55 : memref<56x64xf32, #tpu.memory_space<hbm>>) target(%arg13 : memref<56x64xf32, #tpu.memory_space<vmem>>) target_semaphore(%run_scoped3A : memref<!tpu.dma_semaphore, #tpu.memory_space<semaphore_mem>>)
        %dma_wait3A = arith.constant 0 : i32
        %dma_wait3A_56 = tpu.memref_slice %arg3[%add3A_44, %dma_wait3A] : memref<50176x64xf32, #tpu.memory_space<hbm>> -> memref<56x64xf32, #tpu.memory_space<hbm>>
        %dma_wait3A_57 = arith.constant 0 : i32
        %dma_wait3A_58 = tpu.memref_slice %arg3[%add3A_44, %dma_wait3A_57] : memref<50176x64xf32, #tpu.memory_space<hbm>> -> memref<56x64xf32, #tpu.memory_space<hbm>>
        tpu.wait_dma2 semaphore(%run_scoped3A : memref<!tpu.dma_semaphore, #tpu.memory_space<semaphore_mem>>) src(%dma_wait3A_58 : memref<56x64xf32, #tpu.memory_space<hbm>>) dst(%arg13 : memref<56x64xf32, #tpu.memory_space<vmem>>)
        tpu.yield
      }) : () -> ()
      %scan3A_45 = arith.constant 0 : i32
      %scan3A_46 = arith.constant 0 : i32
      %scan3A_47 = arith.constant 56 : i32
      %scan3A_48 = arith.addi %scan3A_46, %scan3A_47 : i32
      %scan3A_49 = arith.constant 1 : i32
      %scan3A_50 = scf.for %scan3A_53 = %scan3A_46 to %scan3A_48 step %scan3A_49 iter_args(%scan3A_54 = %scan3A_45) -> (i32)  : i32 {
        %get3A = arith.index_cast %scan3A_53 : i32 to index
        %get3A_55 = arith.constant 0 : index
        %get3A_56 = tpu.vector_load %arg11[%get3A, %get3A_55] {strides = array<i32>} : memref<56x16xf32, #tpu.memory_space<vmem>>, vector<1x16xf32>,
        %get3A_57 = vector.shape_cast %get3A_56 : vector<1x16xf32> to vector<16xf32>
        %bitcast_convert_type3A = tpu.bitcast %get3A_57 : vector<16xf32> -> vector<16xi32>
        %shift_right_logical3A = arith.constant 1 : i32
        %shift_right_logical3A_58 = vector.broadcast %shift_right_logical3A : i32 to vector<16xi32>
        %shift_right_logical3A_59 = arith.shrui %bitcast_convert_type3A, %shift_right_logical3A_58 : vector<16xi32>
        %sub3A = arith.constant 1597463007 : i32
        %sub3A_60 = vector.broadcast %sub3A : i32 to vector<16xi32>
        %sub3A_61 = arith.subi %sub3A_60, %shift_right_logical3A_59 : vector<16xi32>
        %bitcast_convert_type3A_62 = tpu.bitcast %sub3A_61 : vector<16xi32> -> vector<16xf32>
        %mul3A_63 = arith.constant 5.000000e-01 : f32
        %mul3A_64 = vector.broadcast %mul3A_63 : f32 to vector<16xf32>
        %mul3A_65 = arith.mulf %mul3A_64, %get3A_57 : vector<16xf32>
        %mul3A_66 = arith.mulf %mul3A_65, %bitcast_convert_type3A_62 : vector<16xf32>
        %mul3A_67 = arith.mulf %mul3A_66, %bitcast_convert_type3A_62 : vector<16xf32>
        %sub3A_68 = arith.constant 1.500000e+00 : f32
        %sub3A_69 = vector.broadcast %sub3A_68 : f32 to vector<16xf32>
        %sub3A_70 = arith.subf %sub3A_69, %mul3A_67 : vector<16xf32>
        %mul3A_71 = arith.mulf %bitcast_convert_type3A_62, %sub3A_70 : vector<16xf32>
        %mul3A_72 = arith.constant 5.000000e-01 : f32
        %mul3A_73 = vector.broadcast %mul3A_72 : f32 to vector<16xf32>
        %mul3A_74 = arith.mulf %mul3A_73, %get3A_57 : vector<16xf32>
        %mul3A_75 = arith.mulf %mul3A_74, %mul3A_71 : vector<16xf32>
        %mul3A_76 = arith.mulf %mul3A_75, %mul3A_71 : vector<16xf32>
        %sub3A_77 = arith.constant 1.500000e+00 : f32
        %sub3A_78 = vector.broadcast %sub3A_77 : f32 to vector<16xf32>
        %sub3A_79 = arith.subf %sub3A_78, %mul3A_76 : vector<16xf32>
        %mul3A_80 = arith.mulf %mul3A_71, %sub3A_79 : vector<16xf32>
        %mul3A_81 = arith.constant 5.000000e-01 : f32
        %mul3A_82 = vector.broadcast %mul3A_81 : f32 to vector<16xf32>
        %mul3A_83 = arith.mulf %mul3A_82, %get3A_57 : vector<16xf32>
        %mul3A_84 = arith.mulf %mul3A_83, %mul3A_80 : vector<16xf32>
        %mul3A_85 = arith.mulf %mul3A_84, %mul3A_80 : vector<16xf32>
        %sub3A_86 = arith.constant 1.500000e+00 : f32
        %sub3A_87 = vector.broadcast %sub3A_86 : f32 to vector<16xf32>
        %sub3A_88 = arith.subf %sub3A_87, %mul3A_85 : vector<16xf32>
        %mul3A_89 = arith.mulf %mul3A_80, %sub3A_88 : vector<16xf32>
        %gt3A = arith.constant 0.000000e+00 : f32
        %gt3A_90 = vector.broadcast %gt3A : f32 to vector<16xf32>
        %gt3A_91 = arith.cmpf ogt, %get3A_57, %gt3A_90 : vector<16xf32>
        %jit3A = arith.constant 0.000000e+00 : f32
        %broadcast_in_dim3A = vector.broadcast %jit3A : f32 to vector<16xf32>
        %select_n3A = arith.select %gt3A_91, %mul3A_89, %broadcast_in_dim3A : vector<16xi1>, vector<16xf32>
        %swap3A = arith.index_cast %scan3A_53 : i32 to index
        %swap3A_92 = arith.constant 0 : index
        %swap3A_93 = tpu.vector_load %arg12[%swap3A, %swap3A_92] {strides = array<i32>} : memref<56x16xf32, #tpu.memory_space<vmem>>, vector<1x16xf32>,
        %swap3A_94 = vector.shape_cast %swap3A_93 : vector<1x16xf32> to vector<16xf32>
        %swap3A_95 = vector.shape_cast %select_n3A : vector<16xf32> to vector<1x16xf32>
        tpu.vector_store %arg12[%swap3A, %swap3A_92], %swap3A_95 {strides = array<i32>} : memref<56x16xf32, #tpu.memory_space<vmem>>, vector<1x16xf32>,
        %get3A_96 = arith.index_cast %scan3A_53 : i32 to index
        %get3A_97 = arith.constant 0 : index
        %get3A_98 = tpu.vector_load %arg13[%get3A_96, %get3A_97] {strides = array<i32>} : memref<56x64xf32, #tpu.memory_space<vmem>>, vector<1x16xf32>,
        %get3A_99 = vector.shape_cast %get3A_98 : vector<1x16xf32> to vector<16xf32>
        %mul3A_100 = arith.mulf %get3A_99, %select_n3A : vector<16xf32>
        %swap3A_101 = arith.index_cast %scan3A_53 : i32 to index
        %swap3A_102 = arith.constant 0 : index
        %swap3A_103 = tpu.vector_load %arg14[%swap3A_101, %swap3A_102] {strides = array<i32>} : memref<56x64xf32, #tpu.memory_space<vmem>>, vector<1x16xf32>,
        %swap3A_104 = vector.shape_cast %swap3A_103 : vector<1x16xf32> to vector<16xf32>
        %swap3A_105 = vector.shape_cast %mul3A_100 : vector<16xf32> to vector<1x16xf32>
        tpu.vector_store %arg14[%swap3A_101, %swap3A_102], %swap3A_105 {strides = array<i32>} : memref<56x64xf32, #tpu.memory_space<vmem>>, vector<1x16xf32>,
        %get3A_106 = arith.index_cast %scan3A_53 : i32 to index
        %get3A_107 = arith.constant 16 : index
        %get3A_108 = tpu.vector_load %arg13[%get3A_106, %get3A_107] {strides = array<i32>} : memref<56x64xf32, #tpu.memory_space<vmem>>, vector<1x16xf32>,
        %get3A_109 = vector.shape_cast %get3A_108 : vector<1x16xf32> to vector<16xf32>
        %mul3A_110 = arith.mulf %get3A_109, %select_n3A : vector<16xf32>
        %swap3A_111 = arith.index_cast %scan3A_53 : i32 to index
        %swap3A_112 = arith.constant 16 : index
        %swap3A_113 = tpu.vector_load %arg14[%swap3A_111, %swap3A_112] {strides = array<i32>} : memref<56x64xf32, #tpu.memory_space<vmem>>, vector<1x16xf32>,
        %swap3A_114 = vector.shape_cast %swap3A_113 : vector<1x16xf32> to vector<16xf32>
        %swap3A_115 = vector.shape_cast %mul3A_110 : vector<16xf32> to vector<1x16xf32>
        tpu.vector_store %arg14[%swap3A_111, %swap3A_112], %swap3A_115 {strides = array<i32>} : memref<56x64xf32, #tpu.memory_space<vmem>>, vector<1x16xf32>,
        %get3A_116 = arith.index_cast %scan3A_53 : i32 to index
        %get3A_117 = arith.constant 32 : index
        %get3A_118 = tpu.vector_load %arg13[%get3A_116, %get3A_117] {strides = array<i32>} : memref<56x64xf32, #tpu.memory_space<vmem>>, vector<1x16xf32>,
        %get3A_119 = vector.shape_cast %get3A_118 : vector<1x16xf32> to vector<16xf32>
        %mul3A_120 = arith.mulf %get3A_119, %select_n3A : vector<16xf32>
        %swap3A_121 = arith.index_cast %scan3A_53 : i32 to index
        %swap3A_122 = arith.constant 32 : index
        %swap3A_123 = tpu.vector_load %arg14[%swap3A_121, %swap3A_122] {strides = array<i32>} : memref<56x64xf32, #tpu.memory_space<vmem>>, vector<1x16xf32>,
        %swap3A_124 = vector.shape_cast %swap3A_123 : vector<1x16xf32> to vector<16xf32>
        %swap3A_125 = vector.shape_cast %mul3A_120 : vector<16xf32> to vector<1x16xf32>
        tpu.vector_store %arg14[%swap3A_121, %swap3A_122], %swap3A_125 {strides = array<i32>} : memref<56x64xf32, #tpu.memory_space<vmem>>, vector<1x16xf32>,
        %get3A_126 = arith.index_cast %scan3A_53 : i32 to index
        %get3A_127 = arith.constant 48 : index
        %get3A_128 = tpu.vector_load %arg13[%get3A_126, %get3A_127] {strides = array<i32>} : memref<56x64xf32, #tpu.memory_space<vmem>>, vector<1x16xf32>,
        %get3A_129 = vector.shape_cast %get3A_128 : vector<1x16xf32> to vector<16xf32>
        %mul3A_130 = arith.mulf %get3A_129, %select_n3A : vector<16xf32>
        %swap3A_131 = arith.index_cast %scan3A_53 : i32 to index
        %swap3A_132 = arith.constant 48 : index
        %swap3A_133 = tpu.vector_load %arg14[%swap3A_131, %swap3A_132] {strides = array<i32>} : memref<56x64xf32, #tpu.memory_space<vmem>>, vector<1x16xf32>,
        %swap3A_134 = vector.shape_cast %swap3A_133 : vector<1x16xf32> to vector<16xf32>
        %swap3A_135 = vector.shape_cast %mul3A_130 : vector<16xf32> to vector<1x16xf32>
        tpu.vector_store %arg14[%swap3A_131, %swap3A_132], %swap3A_135 {strides = array<i32>} : memref<56x64xf32, #tpu.memory_space<vmem>>, vector<1x16xf32>,
        %scan3A_136 = arith.constant 0 : i32
        scf.yield %scan3A_136 : i32
      }
      %scan3A_51 = arith.constant 56 : i32
      "tpu.region"() ({
        %run_scoped3A = tpu.sem_alloc : memref<!tpu.dma_semaphore, #tpu.memory_space<semaphore_mem>>
        %dma_start3A = arith.constant 0 : i32
        %dma_start3A_53 = tpu.memref_slice %arg4[%add3A_44, %dma_start3A] : memref<50176x16xf32, #tpu.memory_space<hbm>> -> memref<56x16xf32, #tpu.memory_space<hbm>>
        %dma_start3A_54 = arith.constant 0 : i32
        %dma_start3A_55 = tpu.memref_slice %arg4[%add3A_44, %dma_start3A_54] : memref<50176x16xf32, #tpu.memory_space<hbm>> -> memref<56x16xf32, #tpu.memory_space<hbm>>
        tpu.enqueue_dma source(%arg12 : memref<56x16xf32, #tpu.memory_space<vmem>>) target(%dma_start3A_55 : memref<56x16xf32, #tpu.memory_space<hbm>>) target_semaphore(%run_scoped3A : memref<!tpu.dma_semaphore, #tpu.memory_space<semaphore_mem>>)
        %dma_wait3A = arith.constant 0 : i32
        %dma_wait3A_56 = tpu.memref_slice %arg4[%add3A_44, %dma_wait3A] : memref<50176x16xf32, #tpu.memory_space<hbm>> -> memref<56x16xf32, #tpu.memory_space<hbm>>
        %dma_wait3A_57 = arith.constant 0 : i32
        %dma_wait3A_58 = tpu.memref_slice %arg4[%add3A_44, %dma_wait3A_57] : memref<50176x16xf32, #tpu.memory_space<hbm>> -> memref<56x16xf32, #tpu.memory_space<hbm>>
        tpu.wait_dma2 semaphore(%run_scoped3A : memref<!tpu.dma_semaphore, #tpu.memory_space<semaphore_mem>>) src(%arg12 : memref<56x16xf32, #tpu.memory_space<vmem>>) dst(%dma_wait3A_58 : memref<56x16xf32, #tpu.memory_space<hbm>>)
        tpu.yield
      }) : () -> ()
      "tpu.region"() ({
        %run_scoped3A = tpu.sem_alloc : memref<!tpu.dma_semaphore, #tpu.memory_space<semaphore_mem>>
        %dma_start3A = arith.constant 0 : i32
        %dma_start3A_53 = tpu.memref_slice %arg5[%add3A_44, %dma_start3A] : memref<50176x64xf32, #tpu.memory_space<hbm>> -> memref<56x64xf32, #tpu.memory_space<hbm>>
        %dma_start3A_54 = arith.constant 0 : i32
        %dma_start3A_55 = tpu.memref_slice %arg5[%add3A_44, %dma_start3A_54] : memref<50176x64xf32, #tpu.memory_space<hbm>> -> memref<56x64xf32, #tpu.memory_space<hbm>>
        tpu.enqueue_dma source(%arg14 : memref<56x64xf32, #tpu.memory_space<vmem>>) target(%dma_start3A_55 : memref<56x64xf32, #tpu.memory_space<hbm>>) target_semaphore(%run_scoped3A : memref<!tpu.dma_semaphore, #tpu.memory_space<semaphore_mem>>)
        %dma_wait3A = arith.constant 0 : i32
        %dma_wait3A_56 = tpu.memref_slice %arg5[%add3A_44, %dma_wait3A] : memref<50176x64xf32, #tpu.memory_space<hbm>> -> memref<56x64xf32, #tpu.memory_space<hbm>>
        %dma_wait3A_57 = arith.constant 0 : i32
        %dma_wait3A_58 = tpu.memref_slice %arg5[%add3A_44, %dma_wait3A_57] : memref<50176x64xf32, #tpu.memory_space<hbm>> -> memref<56x64xf32, #tpu.memory_space<hbm>>
        tpu.wait_dma2 semaphore(%run_scoped3A : memref<!tpu.dma_semaphore, #tpu.memory_space<semaphore_mem>>) src(%arg14 : memref<56x64xf32, #tpu.memory_space<vmem>>) dst(%dma_wait3A_58 : memref<56x64xf32, #tpu.memory_space<hbm>>)
        tpu.yield
      }) : () -> ()
      %scan3A_52 = arith.constant 0 : i32
      scf.yield %scan3A_52 : i32
    }
    %scan3A_35 = arith.constant 28 : i32
    return
  }
}

#map = affine_map<(d0, d1) -> (0)>
#map1 = affine_map<(d0, d1) -> (0, 0)>
module attributes {stable_mosaic.version = 14 : i64} {
  func.func @lightgcn_layer(%arg0: i32, %arg1: i32, %arg2: memref<800000xi32, #tpu.memory_space<hbm>>, %arg3: memref<800000xi32, #tpu.memory_space<hbm>>, %arg4: memref<50176x64xf32, #tpu.memory_space<hbm>>, %arg5: memref<50176x16xf32, #tpu.memory_space<hbm>>, %arg6: memref<50176x64xf32, #tpu.memory_space<hbm>>, %arg7: memref<50176x64xf32, #tpu.memory_space<hbm>>, %arg8: memref<50176x64xf32, #tpu.memory_space<hbm>>, %arg9: memref<25096x64xf32, #tpu.memory_space<vmem_shared>>, %arg10: memref<256xi32, #tpu.memory_space<vmem>>, %arg11: memref<256xi32, #tpu.memory_space<vmem>>, %arg12: memref<2x128xi32, #tpu.memory_space<vmem>>, %arg13: memref<2x128x64xf32, #tpu.memory_space<vmem>>, %arg14: memref<56x64xf32, #tpu.memory_space<vmem>>, %arg15: memref<56x16xf32, #tpu.memory_space<vmem>>, %arg16: memref<56x64xf32, #tpu.memory_space<vmem>>, %arg17: memref<!tpu.dma_semaphore, #tpu.memory_space<semaphore_mem>>, %arg18: memref<!tpu.dma_semaphore, #tpu.memory_space<semaphore_mem>>) attributes {dimension_semantics = [#tpu.dimension_semantics<core_parallel>, #tpu.dimension_semantics<subcore_parallel>], iteration_bounds = array<i64: 2, 16>, scalar_prefetch = 0 : i64, scratch_operands = 10 : i64, tpu.core_type = #tpu.core_type<sc_vector_subcore>, window_params = [{transform_indices = #map}, {transform_indices = #map}, {transform_indices = #map1}, {transform_indices = #map1}, {transform_indices = #map1}, {transform_indices = #map1}, {transform_indices = #map1}]} {
    %mul3A = arith.constant 25000 : i32
    %mul3A_0 = arith.muli %arg0, %mul3A : i32
    %scan3A = arith.constant 0 : i32
    %scan3A_1 = arith.constant 0 : i32
    %scan3A_2 = arith.constant 56 : i32
    %scan3A_3 = arith.addi %scan3A_1, %scan3A_2 : i32
    %scan3A_4 = arith.constant 1 : i32
    %scan3A_5 = scf.for %scan3A_30 = %scan3A_1 to %scan3A_3 step %scan3A_4 iter_args(%scan3A_31 = %scan3A) -> (i32)  : i32 {
      %broadcast_in_dim3A = arith.constant 0.000000e+00 : f32
      %broadcast_in_dim3A_32 = vector.broadcast %broadcast_in_dim3A : f32 to vector<16xf32>
      %swap3A = arith.index_cast %scan3A_30 : i32 to index
      %swap3A_33 = arith.constant 0 : index
      %swap3A_34 = tpu.vector_load %arg14[%swap3A, %swap3A_33] {strides = array<i32>} : memref<56x64xf32, #tpu.memory_space<vmem>>, vector<1x16xf32>,
      %swap3A_35 = vector.shape_cast %swap3A_34 : vector<1x16xf32> to vector<16xf32>
      %swap3A_36 = vector.shape_cast %broadcast_in_dim3A_32 : vector<16xf32> to vector<1x16xf32>
      tpu.vector_store %arg14[%swap3A, %swap3A_33], %swap3A_36 {strides = array<i32>} : memref<56x64xf32, #tpu.memory_space<vmem>>, vector<1x16xf32>,
      %broadcast_in_dim3A_37 = arith.constant 0.000000e+00 : f32
      %broadcast_in_dim3A_38 = vector.broadcast %broadcast_in_dim3A_37 : f32 to vector<16xf32>
      %swap3A_39 = arith.index_cast %scan3A_30 : i32 to index
      %swap3A_40 = arith.constant 16 : index
      %swap3A_41 = tpu.vector_load %arg14[%swap3A_39, %swap3A_40] {strides = array<i32>} : memref<56x64xf32, #tpu.memory_space<vmem>>, vector<1x16xf32>,
      %swap3A_42 = vector.shape_cast %swap3A_41 : vector<1x16xf32> to vector<16xf32>
      %swap3A_43 = vector.shape_cast %broadcast_in_dim3A_38 : vector<16xf32> to vector<1x16xf32>
      tpu.vector_store %arg14[%swap3A_39, %swap3A_40], %swap3A_43 {strides = array<i32>} : memref<56x64xf32, #tpu.memory_space<vmem>>, vector<1x16xf32>,
      %broadcast_in_dim3A_44 = arith.constant 0.000000e+00 : f32
      %broadcast_in_dim3A_45 = vector.broadcast %broadcast_in_dim3A_44 : f32 to vector<16xf32>
      %swap3A_46 = arith.index_cast %scan3A_30 : i32 to index
      %swap3A_47 = arith.constant 32 : index
      %swap3A_48 = tpu.vector_load %arg14[%swap3A_46, %swap3A_47] {strides = array<i32>} : memref<56x64xf32, #tpu.memory_space<vmem>>, vector<1x16xf32>,
      %swap3A_49 = vector.shape_cast %swap3A_48 : vector<1x16xf32> to vector<16xf32>
      %swap3A_50 = vector.shape_cast %broadcast_in_dim3A_45 : vector<16xf32> to vector<1x16xf32>
      tpu.vector_store %arg14[%swap3A_46, %swap3A_47], %swap3A_50 {strides = array<i32>} : memref<56x64xf32, #tpu.memory_space<vmem>>, vector<1x16xf32>,
      %broadcast_in_dim3A_51 = arith.constant 0.000000e+00 : f32
      %broadcast_in_dim3A_52 = vector.broadcast %broadcast_in_dim3A_51 : f32 to vector<16xf32>
      %swap3A_53 = arith.index_cast %scan3A_30 : i32 to index
      %swap3A_54 = arith.constant 48 : index
      %swap3A_55 = tpu.vector_load %arg14[%swap3A_53, %swap3A_54] {strides = array<i32>} : memref<56x64xf32, #tpu.memory_space<vmem>>, vector<1x16xf32>,
      %swap3A_56 = vector.shape_cast %swap3A_55 : vector<1x16xf32> to vector<16xf32>
      %swap3A_57 = vector.shape_cast %broadcast_in_dim3A_52 : vector<16xf32> to vector<1x16xf32>
      tpu.vector_store %arg14[%swap3A_53, %swap3A_54], %swap3A_57 {strides = array<i32>} : memref<56x64xf32, #tpu.memory_space<vmem>>, vector<1x16xf32>,
      %scan3A_58 = arith.constant 0 : i32
      scf.yield %scan3A_58 : i32
    }
    %scan3A_6 = arith.constant 56 : i32
    %scan3A_7 = arith.constant 0 : i32
    %scan3A_8 = arith.constant 0 : i32
    %scan3A_9 = arith.constant 28 : i32
    %scan3A_10 = arith.addi %scan3A_8, %scan3A_9 : i32
    %scan3A_11 = arith.constant 1 : i32
    %scan3A_12 = scf.for %scan3A_30 = %scan3A_8 to %scan3A_10 step %scan3A_11 iter_args(%scan3A_31 = %scan3A_7) -> (i32)  : i32 {
      %mul3A_32 = arith.constant 1568 : i32
      %mul3A_33 = arith.muli %arg1, %mul3A_32 : i32
      %mul3A_34 = arith.constant 56 : i32
      %mul3A_35 = arith.muli %scan3A_30, %mul3A_34 : i32
      %add3A = arith.addi %mul3A_33, %mul3A_35 : i32
      "tpu.region"() ({
        %run_scoped3A = tpu.sem_alloc : memref<!tpu.dma_semaphore, #tpu.memory_space<semaphore_mem>>
        %dma_start3A = arith.constant 0 : i32
        %dma_start3A_37 = tpu.memref_slice %arg9[%add3A, %dma_start3A] : memref<25096x64xf32, #tpu.memory_space<vmem_shared>> -> memref<56x64xf32, #tpu.memory_space<vmem_shared>>
        %dma_start3A_38 = arith.constant 0 : i32
        %dma_start3A_39 = tpu.memref_slice %arg9[%add3A, %dma_start3A_38] : memref<25096x64xf32, #tpu.memory_space<vmem_shared>> -> memref<56x64xf32, #tpu.memory_space<vmem_shared>>
        tpu.enqueue_dma source(%arg14 : memref<56x64xf32, #tpu.memory_space<vmem>>) target(%dma_start3A_39 : memref<56x64xf32, #tpu.memory_space<vmem_shared>>) target_semaphore(%run_scoped3A : memref<!tpu.dma_semaphore, #tpu.memory_space<semaphore_mem>>)
        %dma_wait3A = arith.constant 0 : i32
        %dma_wait3A_40 = tpu.memref_slice %arg9[%add3A, %dma_wait3A] : memref<25096x64xf32, #tpu.memory_space<vmem_shared>> -> memref<56x64xf32, #tpu.memory_space<vmem_shared>>
        %dma_wait3A_41 = arith.constant 0 : i32
        %dma_wait3A_42 = tpu.memref_slice %arg9[%add3A, %dma_wait3A_41] : memref<25096x64xf32, #tpu.memory_space<vmem_shared>> -> memref<56x64xf32, #tpu.memory_space<vmem_shared>>
        tpu.wait_dma2 semaphore(%run_scoped3A : memref<!tpu.dma_semaphore, #tpu.memory_space<semaphore_mem>>) src(%arg14 : memref<56x64xf32, #tpu.memory_space<vmem>>) dst(%dma_wait3A_42 : memref<56x64xf32, #tpu.memory_space<vmem_shared>>)
        tpu.yield
      }) : () -> ()
      %scan3A_36 = arith.constant 0 : i32
      scf.yield %scan3A_36 : i32
    }
    %scan3A_13 = arith.constant 28 : i32
    %barrier3A = arith.constant 0 : index
    tpu.barrier barrier_id(%barrier3A)
    %scan3A_14 = arith.constant 0 : i32
    %scan3A_15 = arith.constant 0 : i32
    %scan3A_16 = arith.constant 196 : i32
    %scan3A_17 = arith.addi %scan3A_15, %scan3A_16 : i32
    %scan3A_18 = arith.constant 1 : i32
    %scan3A_19 = scf.for %scan3A_30 = %scan3A_15 to %scan3A_17 step %scan3A_18 iter_args(%scan3A_31 = %scan3A_14) -> (i32)  : i32 {
      %mul3A_32 = arith.constant 16 : i32
      %mul3A_33 = arith.muli %mul3A_32, %scan3A_30 : i32
      %add3A = arith.addi %arg1, %mul3A_33 : i32
      %lt3A = arith.constant 3125 : i32
      %lt3A_34 = arith.cmpi slt, %add3A, %lt3A : i32
      %convert_element_type3A = arith.extui %lt3A_34 : i1 to i32
      %cond3A = arith.constant 0 : i32
      %cond3A_35 = arith.cmpi ne, %convert_element_type3A, %cond3A : i32
      scf.if %cond3A_35 {
        %mul3A_37 = arith.constant 256 : i32
        %mul3A_38 = arith.muli %add3A, %mul3A_37 : i32
        "tpu.region"() ({
          %run_scoped3A = tpu.sem_alloc : memref<!tpu.dma_semaphore, #tpu.memory_space<semaphore_mem>>
          %dma_start3A_677 = tpu.memref_slice %arg2[%mul3A_38] : memref<800000xi32, #tpu.memory_space<hbm>> -> memref<256xi32, #tpu.memory_space<hbm>>
          %dma_start3A_678 = tpu.memref_slice %arg2[%mul3A_38] : memref<800000xi32, #tpu.memory_space<hbm>> -> memref<256xi32, #tpu.memory_space<hbm>>
          tpu.enqueue_dma source(%dma_start3A_678 : memref<256xi32, #tpu.memory_space<hbm>>) target(%arg10 : memref<256xi32, #tpu.memory_space<vmem>>) target_semaphore(%run_scoped3A : memref<!tpu.dma_semaphore, #tpu.memory_space<semaphore_mem>>)
          %dma_wait3A_679 = tpu.memref_slice %arg2[%mul3A_38] : memref<800000xi32, #tpu.memory_space<hbm>> -> memref<256xi32, #tpu.memory_space<hbm>>
          %dma_wait3A_680 = tpu.memref_slice %arg2[%mul3A_38] : memref<800000xi32, #tpu.memory_space<hbm>> -> memref<256xi32, #tpu.memory_space<hbm>>
          tpu.wait_dma2 semaphore(%run_scoped3A : memref<!tpu.dma_semaphore, #tpu.memory_space<semaphore_mem>>) src(%dma_wait3A_680 : memref<256xi32, #tpu.memory_space<hbm>>) dst(%arg10 : memref<256xi32, #tpu.memory_space<vmem>>)
          tpu.yield
        }) : () -> ()
        "tpu.region"() ({
          %run_scoped3A = tpu.sem_alloc : memref<!tpu.dma_semaphore, #tpu.memory_space<semaphore_mem>>
          %dma_start3A_677 = tpu.memref_slice %arg3[%mul3A_38] : memref<800000xi32, #tpu.memory_space<hbm>> -> memref<256xi32, #tpu.memory_space<hbm>>
          %dma_start3A_678 = tpu.memref_slice %arg3[%mul3A_38] : memref<800000xi32, #tpu.memory_space<hbm>> -> memref<256xi32, #tpu.memory_space<hbm>>
          tpu.enqueue_dma source(%dma_start3A_678 : memref<256xi32, #tpu.memory_space<hbm>>) target(%arg11 : memref<256xi32, #tpu.memory_space<vmem>>) target_semaphore(%run_scoped3A : memref<!tpu.dma_semaphore, #tpu.memory_space<semaphore_mem>>)
          %dma_wait3A_679 = tpu.memref_slice %arg3[%mul3A_38] : memref<800000xi32, #tpu.memory_space<hbm>> -> memref<256xi32, #tpu.memory_space<hbm>>
          %dma_wait3A_680 = tpu.memref_slice %arg3[%mul3A_38] : memref<800000xi32, #tpu.memory_space<hbm>> -> memref<256xi32, #tpu.memory_space<hbm>>
          tpu.wait_dma2 semaphore(%run_scoped3A : memref<!tpu.dma_semaphore, #tpu.memory_space<semaphore_mem>>) src(%dma_wait3A_680 : memref<256xi32, #tpu.memory_space<hbm>>) dst(%arg11 : memref<256xi32, #tpu.memory_space<vmem>>)
          tpu.yield
        }) : () -> ()
        %get3A = arith.constant 0 : index
        %get3A_39 = tpu.vector_load %arg11[%get3A] {strides = array<i32>} : memref<256xi32, #tpu.memory_space<vmem>>, vector<16xi32>,
        %get3A_40 = vector.shape_cast %get3A_39 : vector<16xi32> to vector<16xi32>
        %ge3A = vector.broadcast %mul3A_0 : i32 to vector<16xi32>
        %ge3A_41 = arith.cmpi sge, %get3A_40, %ge3A : vector<16xi32>
        %add3A_42 = arith.constant 25000 : i32
        %add3A_43 = arith.addi %mul3A_0, %add3A_42 : i32
        %lt3A_44 = vector.broadcast %add3A_43 : i32 to vector<16xi32>
        %lt3A_45 = arith.cmpi slt, %get3A_40, %lt3A_44 : vector<16xi32>
        %and3A = arith.andi %ge3A_41, %lt3A_45 : vector<16xi1>
        %sub3A = vector.broadcast %mul3A_0 : i32 to vector<16xi32>
        %sub3A_46 = arith.subi %get3A_40, %sub3A : vector<16xi32>
        %jit3A = arith.constant 25088 : i32
        %broadcast_in_dim3A = vector.broadcast %jit3A : i32 to vector<16xi32>
        %select_n3A = arith.select %and3A, %sub3A_46, %broadcast_in_dim3A : vector<16xi1>, vector<16xi32>
        %swap3A = arith.constant 0 : i32
        %swap3A_47 = arith.index_cast %swap3A : i32 to index
        %swap3A_48 = arith.constant 0 : index
        %swap3A_49 = tpu.vector_load %arg12[%swap3A_47, %swap3A_48] {strides = array<i32>} : memref<2x128xi32, #tpu.memory_space<vmem>>, vector<1x16xi32>,
        %swap3A_50 = vector.shape_cast %swap3A_49 : vector<1x16xi32> to vector<16xi32>
        %swap3A_51 = vector.shape_cast %select_n3A : vector<16xi32> to vector<1x16xi32>
        tpu.vector_store %arg12[%swap3A_47, %swap3A_48], %swap3A_51 {strides = array<i32>} : memref<2x128xi32, #tpu.memory_space<vmem>>, vector<1x16xi32>,
        %get3A_52 = arith.constant 16 : index
        %get3A_53 = tpu.vector_load %arg11[%get3A_52] {strides = array<i32>} : memref<256xi32, #tpu.memory_space<vmem>>, vector<16xi32>,
        %get3A_54 = vector.shape_cast %get3A_53 : vector<16xi32> to vector<16xi32>
        %ge3A_55 = vector.broadcast %mul3A_0 : i32 to vector<16xi32>
        %ge3A_56 = arith.cmpi sge, %get3A_54, %ge3A_55 : vector<16xi32>
        %add3A_57 = arith.constant 25000 : i32
        %add3A_58 = arith.addi %mul3A_0, %add3A_57 : i32
        %lt3A_59 = vector.broadcast %add3A_58 : i32 to vector<16xi32>
        %lt3A_60 = arith.cmpi slt, %get3A_54, %lt3A_59 : vector<16xi32>
        %and3A_61 = arith.andi %ge3A_56, %lt3A_60 : vector<16xi1>
        %sub3A_62 = vector.broadcast %mul3A_0 : i32 to vector<16xi32>
        %sub3A_63 = arith.subi %get3A_54, %sub3A_62 : vector<16xi32>
        %jit3A_64 = arith.constant 25088 : i32
        %broadcast_in_dim3A_65 = vector.broadcast %jit3A_64 : i32 to vector<16xi32>
        %select_n3A_66 = arith.select %and3A_61, %sub3A_63, %broadcast_in_dim3A_65 : vector<16xi1>, vector<16xi32>
        %swap3A_67 = arith.constant 0 : i32
        %swap3A_68 = arith.index_cast %swap3A_67 : i32 to index
        %swap3A_69 = arith.constant 16 : index
        %swap3A_70 = tpu.vector_load %arg12[%swap3A_68, %swap3A_69] {strides = array<i32>} : memref<2x128xi32, #tpu.memory_space<vmem>>, vector<1x16xi32>,
        %swap3A_71 = vector.shape_cast %swap3A_70 : vector<1x16xi32> to vector<16xi32>
        %swap3A_72 = vector.shape_cast %select_n3A_66 : vector<16xi32> to vector<1x16xi32>
        tpu.vector_store %arg12[%swap3A_68, %swap3A_69], %swap3A_72 {strides = array<i32>} : memref<2x128xi32, #tpu.memory_space<vmem>>, vector<1x16xi32>,
        %get3A_73 = arith.constant 32 : index
        %get3A_74 = tpu.vector_load %arg11[%get3A_73] {strides = array<i32>} : memref<256xi32, #tpu.memory_space<vmem>>, vector<16xi32>,
        %get3A_75 = vector.shape_cast %get3A_74 : vector<16xi32> to vector<16xi32>
        %ge3A_76 = vector.broadcast %mul3A_0 : i32 to vector<16xi32>
        %ge3A_77 = arith.cmpi sge, %get3A_75, %ge3A_76 : vector<16xi32>
        %add3A_78 = arith.constant 25000 : i32
        %add3A_79 = arith.addi %mul3A_0, %add3A_78 : i32
        %lt3A_80 = vector.broadcast %add3A_79 : i32 to vector<16xi32>
        %lt3A_81 = arith.cmpi slt, %get3A_75, %lt3A_80 : vector<16xi32>
        %and3A_82 = arith.andi %ge3A_77, %lt3A_81 : vector<16xi1>
        %sub3A_83 = vector.broadcast %mul3A_0 : i32 to vector<16xi32>
        %sub3A_84 = arith.subi %get3A_75, %sub3A_83 : vector<16xi32>
        %jit3A_85 = arith.constant 25088 : i32
        %broadcast_in_dim3A_86 = vector.broadcast %jit3A_85 : i32 to vector<16xi32>
        %select_n3A_87 = arith.select %and3A_82, %sub3A_84, %broadcast_in_dim3A_86 : vector<16xi1>, vector<16xi32>
        %swap3A_88 = arith.constant 0 : i32
        %swap3A_89 = arith.index_cast %swap3A_88 : i32 to index
        %swap3A_90 = arith.constant 32 : index
        %swap3A_91 = tpu.vector_load %arg12[%swap3A_89, %swap3A_90] {strides = array<i32>} : memref<2x128xi32, #tpu.memory_space<vmem>>, vector<1x16xi32>,
        %swap3A_92 = vector.shape_cast %swap3A_91 : vector<1x16xi32> to vector<16xi32>
        %swap3A_93 = vector.shape_cast %select_n3A_87 : vector<16xi32> to vector<1x16xi32>
        tpu.vector_store %arg12[%swap3A_89, %swap3A_90], %swap3A_93 {strides = array<i32>} : memref<2x128xi32, #tpu.memory_space<vmem>>, vector<1x16xi32>,
        %get3A_94 = arith.constant 48 : index
        %get3A_95 = tpu.vector_load %arg11[%get3A_94] {strides = array<i32>} : memref<256xi32, #tpu.memory_space<vmem>>, vector<16xi32>,
        %get3A_96 = vector.shape_cast %get3A_95 : vector<16xi32> to vector<16xi32>
        %ge3A_97 = vector.broadcast %mul3A_0 : i32 to vector<16xi32>
        %ge3A_98 = arith.cmpi sge, %get3A_96, %ge3A_97 : vector<16xi32>
        %add3A_99 = arith.constant 25000 : i32
        %add3A_100 = arith.addi %mul3A_0, %add3A_99 : i32
        %lt3A_101 = vector.broadcast %add3A_100 : i32 to vector<16xi32>
        %lt3A_102 = arith.cmpi slt, %get3A_96, %lt3A_101 : vector<16xi32>
        %and3A_103 = arith.andi %ge3A_98, %lt3A_102 : vector<16xi1>
        %sub3A_104 = vector.broadcast %mul3A_0 : i32 to vector<16xi32>
        %sub3A_105 = arith.subi %get3A_96, %sub3A_104 : vector<16xi32>
        %jit3A_106 = arith.constant 25088 : i32
        %broadcast_in_dim3A_107 = vector.broadcast %jit3A_106 : i32 to vector<16xi32>
        %select_n3A_108 = arith.select %and3A_103, %sub3A_105, %broadcast_in_dim3A_107 : vector<16xi1>, vector<16xi32>
        %swap3A_109 = arith.constant 0 : i32
        %swap3A_110 = arith.index_cast %swap3A_109 : i32 to index
        %swap3A_111 = arith.constant 48 : index
        %swap3A_112 = tpu.vector_load %arg12[%swap3A_110, %swap3A_111] {strides = array<i32>} : memref<2x128xi32, #tpu.memory_space<vmem>>, vector<1x16xi32>,
        %swap3A_113 = vector.shape_cast %swap3A_112 : vector<1x16xi32> to vector<16xi32>
        %swap3A_114 = vector.shape_cast %select_n3A_108 : vector<16xi32> to vector<1x16xi32>
        tpu.vector_store %arg12[%swap3A_110, %swap3A_111], %swap3A_114 {strides = array<i32>} : memref<2x128xi32, #tpu.memory_space<vmem>>, vector<1x16xi32>,
        %get3A_115 = arith.constant 64 : index
        %get3A_116 = tpu.vector_load %arg11[%get3A_115] {strides = array<i32>} : memref<256xi32, #tpu.memory_space<vmem>>, vector<16xi32>,
        %get3A_117 = vector.shape_cast %get3A_116 : vector<16xi32> to vector<16xi32>
        %ge3A_118 = vector.broadcast %mul3A_0 : i32 to vector<16xi32>
        %ge3A_119 = arith.cmpi sge, %get3A_117, %ge3A_118 : vector<16xi32>
        %add3A_120 = arith.constant 25000 : i32
        %add3A_121 = arith.addi %mul3A_0, %add3A_120 : i32
        %lt3A_122 = vector.broadcast %add3A_121 : i32 to vector<16xi32>
        %lt3A_123 = arith.cmpi slt, %get3A_117, %lt3A_122 : vector<16xi32>
        %and3A_124 = arith.andi %ge3A_119, %lt3A_123 : vector<16xi1>
        %sub3A_125 = vector.broadcast %mul3A_0 : i32 to vector<16xi32>
        %sub3A_126 = arith.subi %get3A_117, %sub3A_125 : vector<16xi32>
        %jit3A_127 = arith.constant 25088 : i32
        %broadcast_in_dim3A_128 = vector.broadcast %jit3A_127 : i32 to vector<16xi32>
        %select_n3A_129 = arith.select %and3A_124, %sub3A_126, %broadcast_in_dim3A_128 : vector<16xi1>, vector<16xi32>
        %swap3A_130 = arith.constant 0 : i32
        %swap3A_131 = arith.index_cast %swap3A_130 : i32 to index
        %swap3A_132 = arith.constant 64 : index
        %swap3A_133 = tpu.vector_load %arg12[%swap3A_131, %swap3A_132] {strides = array<i32>} : memref<2x128xi32, #tpu.memory_space<vmem>>, vector<1x16xi32>,
        %swap3A_134 = vector.shape_cast %swap3A_133 : vector<1x16xi32> to vector<16xi32>
        %swap3A_135 = vector.shape_cast %select_n3A_129 : vector<16xi32> to vector<1x16xi32>
        tpu.vector_store %arg12[%swap3A_131, %swap3A_132], %swap3A_135 {strides = array<i32>} : memref<2x128xi32, #tpu.memory_space<vmem>>, vector<1x16xi32>,
        %get3A_136 = arith.constant 80 : index
        %get3A_137 = tpu.vector_load %arg11[%get3A_136] {strides = array<i32>} : memref<256xi32, #tpu.memory_space<vmem>>, vector<16xi32>,
        %get3A_138 = vector.shape_cast %get3A_137 : vector<16xi32> to vector<16xi32>
        %ge3A_139 = vector.broadcast %mul3A_0 : i32 to vector<16xi32>
        %ge3A_140 = arith.cmpi sge, %get3A_138, %ge3A_139 : vector<16xi32>
        %add3A_141 = arith.constant 25000 : i32
        %add3A_142 = arith.addi %mul3A_0, %add3A_141 : i32
        %lt3A_143 = vector.broadcast %add3A_142 : i32 to vector<16xi32>
        %lt3A_144 = arith.cmpi slt, %get3A_138, %lt3A_143 : vector<16xi32>
        %and3A_145 = arith.andi %ge3A_140, %lt3A_144 : vector<16xi1>
        %sub3A_146 = vector.broadcast %mul3A_0 : i32 to vector<16xi32>
        %sub3A_147 = arith.subi %get3A_138, %sub3A_146 : vector<16xi32>
        %jit3A_148 = arith.constant 25088 : i32
        %broadcast_in_dim3A_149 = vector.broadcast %jit3A_148 : i32 to vector<16xi32>
        %select_n3A_150 = arith.select %and3A_145, %sub3A_147, %broadcast_in_dim3A_149 : vector<16xi1>, vector<16xi32>
        %swap3A_151 = arith.constant 0 : i32
        %swap3A_152 = arith.index_cast %swap3A_151 : i32 to index
        %swap3A_153 = arith.constant 80 : index
        %swap3A_154 = tpu.vector_load %arg12[%swap3A_152, %swap3A_153] {strides = array<i32>} : memref<2x128xi32, #tpu.memory_space<vmem>>, vector<1x16xi32>,
        %swap3A_155 = vector.shape_cast %swap3A_154 : vector<1x16xi32> to vector<16xi32>
        %swap3A_156 = vector.shape_cast %select_n3A_150 : vector<16xi32> to vector<1x16xi32>
        tpu.vector_store %arg12[%swap3A_152, %swap3A_153], %swap3A_156 {strides = array<i32>} : memref<2x128xi32, #tpu.memory_space<vmem>>, vector<1x16xi32>,
        %get3A_157 = arith.constant 96 : index
        %get3A_158 = tpu.vector_load %arg11[%get3A_157] {strides = array<i32>} : memref<256xi32, #tpu.memory_space<vmem>>, vector<16xi32>,
        %get3A_159 = vector.shape_cast %get3A_158 : vector<16xi32> to vector<16xi32>
        %ge3A_160 = vector.broadcast %mul3A_0 : i32 to vector<16xi32>
        %ge3A_161 = arith.cmpi sge, %get3A_159, %ge3A_160 : vector<16xi32>
        %add3A_162 = arith.constant 25000 : i32
        %add3A_163 = arith.addi %mul3A_0, %add3A_162 : i32
        %lt3A_164 = vector.broadcast %add3A_163 : i32 to vector<16xi32>
        %lt3A_165 = arith.cmpi slt, %get3A_159, %lt3A_164 : vector<16xi32>
        %and3A_166 = arith.andi %ge3A_161, %lt3A_165 : vector<16xi1>
        %sub3A_167 = vector.broadcast %mul3A_0 : i32 to vector<16xi32>
        %sub3A_168 = arith.subi %get3A_159, %sub3A_167 : vector<16xi32>
        %jit3A_169 = arith.constant 25088 : i32
        %broadcast_in_dim3A_170 = vector.broadcast %jit3A_169 : i32 to vector<16xi32>
        %select_n3A_171 = arith.select %and3A_166, %sub3A_168, %broadcast_in_dim3A_170 : vector<16xi1>, vector<16xi32>
        %swap3A_172 = arith.constant 0 : i32
        %swap3A_173 = arith.index_cast %swap3A_172 : i32 to index
        %swap3A_174 = arith.constant 96 : index
        %swap3A_175 = tpu.vector_load %arg12[%swap3A_173, %swap3A_174] {strides = array<i32>} : memref<2x128xi32, #tpu.memory_space<vmem>>, vector<1x16xi32>,
        %swap3A_176 = vector.shape_cast %swap3A_175 : vector<1x16xi32> to vector<16xi32>
        %swap3A_177 = vector.shape_cast %select_n3A_171 : vector<16xi32> to vector<1x16xi32>
        tpu.vector_store %arg12[%swap3A_173, %swap3A_174], %swap3A_177 {strides = array<i32>} : memref<2x128xi32, #tpu.memory_space<vmem>>, vector<1x16xi32>,
        %get3A_178 = arith.constant 112 : index
        %get3A_179 = tpu.vector_load %arg11[%get3A_178] {strides = array<i32>} : memref<256xi32, #tpu.memory_space<vmem>>, vector<16xi32>,
        %get3A_180 = vector.shape_cast %get3A_179 : vector<16xi32> to vector<16xi32>
        %ge3A_181 = vector.broadcast %mul3A_0 : i32 to vector<16xi32>
        %ge3A_182 = arith.cmpi sge, %get3A_180, %ge3A_181 : vector<16xi32>
        %add3A_183 = arith.constant 25000 : i32
        %add3A_184 = arith.addi %mul3A_0, %add3A_183 : i32
        %lt3A_185 = vector.broadcast %add3A_184 : i32 to vector<16xi32>
        %lt3A_186 = arith.cmpi slt, %get3A_180, %lt3A_185 : vector<16xi32>
        %and3A_187 = arith.andi %ge3A_182, %lt3A_186 : vector<16xi1>
        %sub3A_188 = vector.broadcast %mul3A_0 : i32 to vector<16xi32>
        %sub3A_189 = arith.subi %get3A_180, %sub3A_188 : vector<16xi32>
        %jit3A_190 = arith.constant 25088 : i32
        %broadcast_in_dim3A_191 = vector.broadcast %jit3A_190 : i32 to vector<16xi32>
        %select_n3A_192 = arith.select %and3A_187, %sub3A_189, %broadcast_in_dim3A_191 : vector<16xi1>, vector<16xi32>
        %swap3A_193 = arith.constant 0 : i32
        %swap3A_194 = arith.index_cast %swap3A_193 : i32 to index
        %swap3A_195 = arith.constant 112 : index
        %swap3A_196 = tpu.vector_load %arg12[%swap3A_194, %swap3A_195] {strides = array<i32>} : memref<2x128xi32, #tpu.memory_space<vmem>>, vector<1x16xi32>,
        %swap3A_197 = vector.shape_cast %swap3A_196 : vector<1x16xi32> to vector<16xi32>
        %swap3A_198 = vector.shape_cast %select_n3A_192 : vector<16xi32> to vector<1x16xi32>
        tpu.vector_store %arg12[%swap3A_194, %swap3A_195], %swap3A_198 {strides = array<i32>} : memref<2x128xi32, #tpu.memory_space<vmem>>, vector<1x16xi32>,
        %get3A_199 = arith.constant 128 : index
        %get3A_200 = tpu.vector_load %arg11[%get3A_199] {strides = array<i32>} : memref<256xi32, #tpu.memory_space<vmem>>, vector<16xi32>,
        %get3A_201 = vector.shape_cast %get3A_200 : vector<16xi32> to vector<16xi32>
        %ge3A_202 = vector.broadcast %mul3A_0 : i32 to vector<16xi32>
        %ge3A_203 = arith.cmpi sge, %get3A_201, %ge3A_202 : vector<16xi32>
        %add3A_204 = arith.constant 25000 : i32
        %add3A_205 = arith.addi %mul3A_0, %add3A_204 : i32
        %lt3A_206 = vector.broadcast %add3A_205 : i32 to vector<16xi32>
        %lt3A_207 = arith.cmpi slt, %get3A_201, %lt3A_206 : vector<16xi32>
        %and3A_208 = arith.andi %ge3A_203, %lt3A_207 : vector<16xi1>
        %sub3A_209 = vector.broadcast %mul3A_0 : i32 to vector<16xi32>
        %sub3A_210 = arith.subi %get3A_201, %sub3A_209 : vector<16xi32>
        %jit3A_211 = arith.constant 25088 : i32
        %broadcast_in_dim3A_212 = vector.broadcast %jit3A_211 : i32 to vector<16xi32>
        %select_n3A_213 = arith.select %and3A_208, %sub3A_210, %broadcast_in_dim3A_212 : vector<16xi1>, vector<16xi32>
        %swap3A_214 = arith.constant 1 : i32
        %swap3A_215 = arith.index_cast %swap3A_214 : i32 to index
        %swap3A_216 = arith.constant 0 : index
        %swap3A_217 = tpu.vector_load %arg12[%swap3A_215, %swap3A_216] {strides = array<i32>} : memref<2x128xi32, #tpu.memory_space<vmem>>, vector<1x16xi32>,
        %swap3A_218 = vector.shape_cast %swap3A_217 : vector<1x16xi32> to vector<16xi32>
        %swap3A_219 = vector.shape_cast %select_n3A_213 : vector<16xi32> to vector<1x16xi32>
        tpu.vector_store %arg12[%swap3A_215, %swap3A_216], %swap3A_219 {strides = array<i32>} : memref<2x128xi32, #tpu.memory_space<vmem>>, vector<1x16xi32>,
        %get3A_220 = arith.constant 144 : index
        %get3A_221 = tpu.vector_load %arg11[%get3A_220] {strides = array<i32>} : memref<256xi32, #tpu.memory_space<vmem>>, vector<16xi32>,
        %get3A_222 = vector.shape_cast %get3A_221 : vector<16xi32> to vector<16xi32>
        %ge3A_223 = vector.broadcast %mul3A_0 : i32 to vector<16xi32>
        %ge3A_224 = arith.cmpi sge, %get3A_222, %ge3A_223 : vector<16xi32>
        %add3A_225 = arith.constant 25000 : i32
        %add3A_226 = arith.addi %mul3A_0, %add3A_225 : i32
        %lt3A_227 = vector.broadcast %add3A_226 : i32 to vector<16xi32>
        %lt3A_228 = arith.cmpi slt, %get3A_222, %lt3A_227 : vector<16xi32>
        %and3A_229 = arith.andi %ge3A_224, %lt3A_228 : vector<16xi1>
        %sub3A_230 = vector.broadcast %mul3A_0 : i32 to vector<16xi32>
        %sub3A_231 = arith.subi %get3A_222, %sub3A_230 : vector<16xi32>
        %jit3A_232 = arith.constant 25088 : i32
        %broadcast_in_dim3A_233 = vector.broadcast %jit3A_232 : i32 to vector<16xi32>
        %select_n3A_234 = arith.select %and3A_229, %sub3A_231, %broadcast_in_dim3A_233 : vector<16xi1>, vector<16xi32>
        %swap3A_235 = arith.constant 1 : i32
        %swap3A_236 = arith.index_cast %swap3A_235 : i32 to index
        %swap3A_237 = arith.constant 16 : index
        %swap3A_238 = tpu.vector_load %arg12[%swap3A_236, %swap3A_237] {strides = array<i32>} : memref<2x128xi32, #tpu.memory_space<vmem>>, vector<1x16xi32>,
        %swap3A_239 = vector.shape_cast %swap3A_238 : vector<1x16xi32> to vector<16xi32>
        %swap3A_240 = vector.shape_cast %select_n3A_234 : vector<16xi32> to vector<1x16xi32>
        tpu.vector_store %arg12[%swap3A_236, %swap3A_237], %swap3A_240 {strides = array<i32>} : memref<2x128xi32, #tpu.memory_space<vmem>>, vector<1x16xi32>,
        %get3A_241 = arith.constant 160 : index
        %get3A_242 = tpu.vector_load %arg11[%get3A_241] {strides = array<i32>} : memref<256xi32, #tpu.memory_space<vmem>>, vector<16xi32>,
        %get3A_243 = vector.shape_cast %get3A_242 : vector<16xi32> to vector<16xi32>
        %ge3A_244 = vector.broadcast %mul3A_0 : i32 to vector<16xi32>
        %ge3A_245 = arith.cmpi sge, %get3A_243, %ge3A_244 : vector<16xi32>
        %add3A_246 = arith.constant 25000 : i32
        %add3A_247 = arith.addi %mul3A_0, %add3A_246 : i32
        %lt3A_248 = vector.broadcast %add3A_247 : i32 to vector<16xi32>
        %lt3A_249 = arith.cmpi slt, %get3A_243, %lt3A_248 : vector<16xi32>
        %and3A_250 = arith.andi %ge3A_245, %lt3A_249 : vector<16xi1>
        %sub3A_251 = vector.broadcast %mul3A_0 : i32 to vector<16xi32>
        %sub3A_252 = arith.subi %get3A_243, %sub3A_251 : vector<16xi32>
        %jit3A_253 = arith.constant 25088 : i32
        %broadcast_in_dim3A_254 = vector.broadcast %jit3A_253 : i32 to vector<16xi32>
        %select_n3A_255 = arith.select %and3A_250, %sub3A_252, %broadcast_in_dim3A_254 : vector<16xi1>, vector<16xi32>
        %swap3A_256 = arith.constant 1 : i32
        %swap3A_257 = arith.index_cast %swap3A_256 : i32 to index
        %swap3A_258 = arith.constant 32 : index
        %swap3A_259 = tpu.vector_load %arg12[%swap3A_257, %swap3A_258] {strides = array<i32>} : memref<2x128xi32, #tpu.memory_space<vmem>>, vector<1x16xi32>,
        %swap3A_260 = vector.shape_cast %swap3A_259 : vector<1x16xi32> to vector<16xi32>
        %swap3A_261 = vector.shape_cast %select_n3A_255 : vector<16xi32> to vector<1x16xi32>
        tpu.vector_store %arg12[%swap3A_257, %swap3A_258], %swap3A_261 {strides = array<i32>} : memref<2x128xi32, #tpu.memory_space<vmem>>, vector<1x16xi32>,
        %get3A_262 = arith.constant 176 : index
        %get3A_263 = tpu.vector_load %arg11[%get3A_262] {strides = array<i32>} : memref<256xi32, #tpu.memory_space<vmem>>, vector<16xi32>,
        %get3A_264 = vector.shape_cast %get3A_263 : vector<16xi32> to vector<16xi32>
        %ge3A_265 = vector.broadcast %mul3A_0 : i32 to vector<16xi32>
        %ge3A_266 = arith.cmpi sge, %get3A_264, %ge3A_265 : vector<16xi32>
        %add3A_267 = arith.constant 25000 : i32
        %add3A_268 = arith.addi %mul3A_0, %add3A_267 : i32
        %lt3A_269 = vector.broadcast %add3A_268 : i32 to vector<16xi32>
        %lt3A_270 = arith.cmpi slt, %get3A_264, %lt3A_269 : vector<16xi32>
        %and3A_271 = arith.andi %ge3A_266, %lt3A_270 : vector<16xi1>
        %sub3A_272 = vector.broadcast %mul3A_0 : i32 to vector<16xi32>
        %sub3A_273 = arith.subi %get3A_264, %sub3A_272 : vector<16xi32>
        %jit3A_274 = arith.constant 25088 : i32
        %broadcast_in_dim3A_275 = vector.broadcast %jit3A_274 : i32 to vector<16xi32>
        %select_n3A_276 = arith.select %and3A_271, %sub3A_273, %broadcast_in_dim3A_275 : vector<16xi1>, vector<16xi32>
        %swap3A_277 = arith.constant 1 : i32
        %swap3A_278 = arith.index_cast %swap3A_277 : i32 to index
        %swap3A_279 = arith.constant 48 : index
        %swap3A_280 = tpu.vector_load %arg12[%swap3A_278, %swap3A_279] {strides = array<i32>} : memref<2x128xi32, #tpu.memory_space<vmem>>, vector<1x16xi32>,
        %swap3A_281 = vector.shape_cast %swap3A_280 : vector<1x16xi32> to vector<16xi32>
        %swap3A_282 = vector.shape_cast %select_n3A_276 : vector<16xi32> to vector<1x16xi32>
        tpu.vector_store %arg12[%swap3A_278, %swap3A_279], %swap3A_282 {strides = array<i32>} : memref<2x128xi32, #tpu.memory_space<vmem>>, vector<1x16xi32>,
        %get3A_283 = arith.constant 192 : index
        %get3A_284 = tpu.vector_load %arg11[%get3A_283] {strides = array<i32>} : memref<256xi32, #tpu.memory_space<vmem>>, vector<16xi32>,
        %get3A_285 = vector.shape_cast %get3A_284 : vector<16xi32> to vector<16xi32>
        %ge3A_286 = vector.broadcast %mul3A_0 : i32 to vector<16xi32>
        %ge3A_287 = arith.cmpi sge, %get3A_285, %ge3A_286 : vector<16xi32>
        %add3A_288 = arith.constant 25000 : i32
        %add3A_289 = arith.addi %mul3A_0, %add3A_288 : i32
        %lt3A_290 = vector.broadcast %add3A_289 : i32 to vector<16xi32>
        %lt3A_291 = arith.cmpi slt, %get3A_285, %lt3A_290 : vector<16xi32>
        %and3A_292 = arith.andi %ge3A_287, %lt3A_291 : vector<16xi1>
        %sub3A_293 = vector.broadcast %mul3A_0 : i32 to vector<16xi32>
        %sub3A_294 = arith.subi %get3A_285, %sub3A_293 : vector<16xi32>
        %jit3A_295 = arith.constant 25088 : i32
        %broadcast_in_dim3A_296 = vector.broadcast %jit3A_295 : i32 to vector<16xi32>
        %select_n3A_297 = arith.select %and3A_292, %sub3A_294, %broadcast_in_dim3A_296 : vector<16xi1>, vector<16xi32>
        %swap3A_298 = arith.constant 1 : i32
        %swap3A_299 = arith.index_cast %swap3A_298 : i32 to index
        %swap3A_300 = arith.constant 64 : index
        %swap3A_301 = tpu.vector_load %arg12[%swap3A_299, %swap3A_300] {strides = array<i32>} : memref<2x128xi32, #tpu.memory_space<vmem>>, vector<1x16xi32>,
        %swap3A_302 = vector.shape_cast %swap3A_301 : vector<1x16xi32> to vector<16xi32>
        %swap3A_303 = vector.shape_cast %select_n3A_297 : vector<16xi32> to vector<1x16xi32>
        tpu.vector_store %arg12[%swap3A_299, %swap3A_300], %swap3A_303 {strides = array<i32>} : memref<2x128xi32, #tpu.memory_space<vmem>>, vector<1x16xi32>,
        %get3A_304 = arith.constant 208 : index
        %get3A_305 = tpu.vector_load %arg11[%get3A_304] {strides = array<i32>} : memref<256xi32, #tpu.memory_space<vmem>>, vector<16xi32>,
        %get3A_306 = vector.shape_cast %get3A_305 : vector<16xi32> to vector<16xi32>
        %ge3A_307 = vector.broadcast %mul3A_0 : i32 to vector<16xi32>
        %ge3A_308 = arith.cmpi sge, %get3A_306, %ge3A_307 : vector<16xi32>
        %add3A_309 = arith.constant 25000 : i32
        %add3A_310 = arith.addi %mul3A_0, %add3A_309 : i32
        %lt3A_311 = vector.broadcast %add3A_310 : i32 to vector<16xi32>
        %lt3A_312 = arith.cmpi slt, %get3A_306, %lt3A_311 : vector<16xi32>
        %and3A_313 = arith.andi %ge3A_308, %lt3A_312 : vector<16xi1>
        %sub3A_314 = vector.broadcast %mul3A_0 : i32 to vector<16xi32>
        %sub3A_315 = arith.subi %get3A_306, %sub3A_314 : vector<16xi32>
        %jit3A_316 = arith.constant 25088 : i32
        %broadcast_in_dim3A_317 = vector.broadcast %jit3A_316 : i32 to vector<16xi32>
        %select_n3A_318 = arith.select %and3A_313, %sub3A_315, %broadcast_in_dim3A_317 : vector<16xi1>, vector<16xi32>
        %swap3A_319 = arith.constant 1 : i32
        %swap3A_320 = arith.index_cast %swap3A_319 : i32 to index
        %swap3A_321 = arith.constant 80 : index
        %swap3A_322 = tpu.vector_load %arg12[%swap3A_320, %swap3A_321] {strides = array<i32>} : memref<2x128xi32, #tpu.memory_space<vmem>>, vector<1x16xi32>,
        %swap3A_323 = vector.shape_cast %swap3A_322 : vector<1x16xi32> to vector<16xi32>
        %swap3A_324 = vector.shape_cast %select_n3A_318 : vector<16xi32> to vector<1x16xi32>
        tpu.vector_store %arg12[%swap3A_320, %swap3A_321], %swap3A_324 {strides = array<i32>} : memref<2x128xi32, #tpu.memory_space<vmem>>, vector<1x16xi32>,
        %get3A_325 = arith.constant 224 : index
        %get3A_326 = tpu.vector_load %arg11[%get3A_325] {strides = array<i32>} : memref<256xi32, #tpu.memory_space<vmem>>, vector<16xi32>,
        %get3A_327 = vector.shape_cast %get3A_326 : vector<16xi32> to vector<16xi32>
        %ge3A_328 = vector.broadcast %mul3A_0 : i32 to vector<16xi32>
        %ge3A_329 = arith.cmpi sge, %get3A_327, %ge3A_328 : vector<16xi32>
        %add3A_330 = arith.constant 25000 : i32
        %add3A_331 = arith.addi %mul3A_0, %add3A_330 : i32
        %lt3A_332 = vector.broadcast %add3A_331 : i32 to vector<16xi32>
        %lt3A_333 = arith.cmpi slt, %get3A_327, %lt3A_332 : vector<16xi32>
        %and3A_334 = arith.andi %ge3A_329, %lt3A_333 : vector<16xi1>
        %sub3A_335 = vector.broadcast %mul3A_0 : i32 to vector<16xi32>
        %sub3A_336 = arith.subi %get3A_327, %sub3A_335 : vector<16xi32>
        %jit3A_337 = arith.constant 25088 : i32
        %broadcast_in_dim3A_338 = vector.broadcast %jit3A_337 : i32 to vector<16xi32>
        %select_n3A_339 = arith.select %and3A_334, %sub3A_336, %broadcast_in_dim3A_338 : vector<16xi1>, vector<16xi32>
        %swap3A_340 = arith.constant 1 : i32
        %swap3A_341 = arith.index_cast %swap3A_340 : i32 to index
        %swap3A_342 = arith.constant 96 : index
        %swap3A_343 = tpu.vector_load %arg12[%swap3A_341, %swap3A_342] {strides = array<i32>} : memref<2x128xi32, #tpu.memory_space<vmem>>, vector<1x16xi32>,
        %swap3A_344 = vector.shape_cast %swap3A_343 : vector<1x16xi32> to vector<16xi32>
        %swap3A_345 = vector.shape_cast %select_n3A_339 : vector<16xi32> to vector<1x16xi32>
        tpu.vector_store %arg12[%swap3A_341, %swap3A_342], %swap3A_345 {strides = array<i32>} : memref<2x128xi32, #tpu.memory_space<vmem>>, vector<1x16xi32>,
        %get3A_346 = arith.constant 240 : index
        %get3A_347 = tpu.vector_load %arg11[%get3A_346] {strides = array<i32>} : memref<256xi32, #tpu.memory_space<vmem>>, vector<16xi32>,
        %get3A_348 = vector.shape_cast %get3A_347 : vector<16xi32> to vector<16xi32>
        %ge3A_349 = vector.broadcast %mul3A_0 : i32 to vector<16xi32>
        %ge3A_350 = arith.cmpi sge, %get3A_348, %ge3A_349 : vector<16xi32>
        %add3A_351 = arith.constant 25000 : i32
        %add3A_352 = arith.addi %mul3A_0, %add3A_351 : i32
        %lt3A_353 = vector.broadcast %add3A_352 : i32 to vector<16xi32>
        %lt3A_354 = arith.cmpi slt, %get3A_348, %lt3A_353 : vector<16xi32>
        %and3A_355 = arith.andi %ge3A_350, %lt3A_354 : vector<16xi1>
        %sub3A_356 = vector.broadcast %mul3A_0 : i32 to vector<16xi32>
        %sub3A_357 = arith.subi %get3A_348, %sub3A_356 : vector<16xi32>
        %jit3A_358 = arith.constant 25088 : i32
        %broadcast_in_dim3A_359 = vector.broadcast %jit3A_358 : i32 to vector<16xi32>
        %select_n3A_360 = arith.select %and3A_355, %sub3A_357, %broadcast_in_dim3A_359 : vector<16xi1>, vector<16xi32>
        %swap3A_361 = arith.constant 1 : i32
        %swap3A_362 = arith.index_cast %swap3A_361 : i32 to index
        %swap3A_363 = arith.constant 112 : index
        %swap3A_364 = tpu.vector_load %arg12[%swap3A_362, %swap3A_363] {strides = array<i32>} : memref<2x128xi32, #tpu.memory_space<vmem>>, vector<1x16xi32>,
        %swap3A_365 = vector.shape_cast %swap3A_364 : vector<1x16xi32> to vector<16xi32>
        %swap3A_366 = vector.shape_cast %select_n3A_360 : vector<16xi32> to vector<1x16xi32>
        tpu.vector_store %arg12[%swap3A_362, %swap3A_363], %swap3A_366 {strides = array<i32>} : memref<2x128xi32, #tpu.memory_space<vmem>>, vector<1x16xi32>,
        %get3A_367 = arith.constant 0 : index
        %get3A_368 = tpu.vector_load %arg10[%get3A_367] {strides = array<i32>} : memref<256xi32, #tpu.memory_space<vmem>>, vector<16xi32>,
        %get3A_369 = vector.shape_cast %get3A_368 : vector<16xi32> to vector<16xi32>
        %ge3A_370 = arith.constant 25000 : i32
        %ge3A_371 = vector.broadcast %ge3A_370 : i32 to vector<16xi32>
        %ge3A_372 = arith.cmpi sge, %get3A_369, %ge3A_371 : vector<16xi32>
        %add3A_373 = arith.constant 88 : i32
        %add3A_374 = vector.broadcast %add3A_373 : i32 to vector<16xi32>
        %add3A_375 = arith.addi %get3A_369, %add3A_374 : vector<16xi32>
        %select_n3A_376 = arith.select %ge3A_372, %add3A_375, %get3A_369 : vector<16xi1>, vector<16xi32>
        %swap3A_377 = arith.constant 0 : index
        %swap3A_378 = tpu.vector_load %arg10[%swap3A_377] {strides = array<i32>} : memref<256xi32, #tpu.memory_space<vmem>>, vector<16xi32>,
        %swap3A_379 = vector.shape_cast %swap3A_378 : vector<16xi32> to vector<16xi32>
        %swap3A_380 = vector.shape_cast %select_n3A_376 : vector<16xi32> to vector<16xi32>
        tpu.vector_store %arg10[%swap3A_377], %swap3A_380 {strides = array<i32>} : memref<256xi32, #tpu.memory_space<vmem>>, vector<16xi32>,
        %get3A_381 = arith.constant 16 : index
        %get3A_382 = tpu.vector_load %arg10[%get3A_381] {strides = array<i32>} : memref<256xi32, #tpu.memory_space<vmem>>, vector<16xi32>,
        %get3A_383 = vector.shape_cast %get3A_382 : vector<16xi32> to vector<16xi32>
        %ge3A_384 = arith.constant 25000 : i32
        %ge3A_385 = vector.broadcast %ge3A_384 : i32 to vector<16xi32>
        %ge3A_386 = arith.cmpi sge, %get3A_383, %ge3A_385 : vector<16xi32>
        %add3A_387 = arith.constant 88 : i32
        %add3A_388 = vector.broadcast %add3A_387 : i32 to vector<16xi32>
        %add3A_389 = arith.addi %get3A_383, %add3A_388 : vector<16xi32>
        %select_n3A_390 = arith.select %ge3A_386, %add3A_389, %get3A_383 : vector<16xi1>, vector<16xi32>
        %swap3A_391 = arith.constant 16 : index
        %swap3A_392 = tpu.vector_load %arg10[%swap3A_391] {strides = array<i32>} : memref<256xi32, #tpu.memory_space<vmem>>, vector<16xi32>,
        %swap3A_393 = vector.shape_cast %swap3A_392 : vector<16xi32> to vector<16xi32>
        %swap3A_394 = vector.shape_cast %select_n3A_390 : vector<16xi32> to vector<16xi32>
        tpu.vector_store %arg10[%swap3A_391], %swap3A_394 {strides = array<i32>} : memref<256xi32, #tpu.memory_space<vmem>>, vector<16xi32>,
        %get3A_395 = arith.constant 32 : index
        %get3A_396 = tpu.vector_load %arg10[%get3A_395] {strides = array<i32>} : memref<256xi32, #tpu.memory_space<vmem>>, vector<16xi32>,
        %get3A_397 = vector.shape_cast %get3A_396 : vector<16xi32> to vector<16xi32>
        %ge3A_398 = arith.constant 25000 : i32
        %ge3A_399 = vector.broadcast %ge3A_398 : i32 to vector<16xi32>
        %ge3A_400 = arith.cmpi sge, %get3A_397, %ge3A_399 : vector<16xi32>
        %add3A_401 = arith.constant 88 : i32
        %add3A_402 = vector.broadcast %add3A_401 : i32 to vector<16xi32>
        %add3A_403 = arith.addi %get3A_397, %add3A_402 : vector<16xi32>
        %select_n3A_404 = arith.select %ge3A_400, %add3A_403, %get3A_397 : vector<16xi1>, vector<16xi32>
        %swap3A_405 = arith.constant 32 : index
        %swap3A_406 = tpu.vector_load %arg10[%swap3A_405] {strides = array<i32>} : memref<256xi32, #tpu.memory_space<vmem>>, vector<16xi32>,
        %swap3A_407 = vector.shape_cast %swap3A_406 : vector<16xi32> to vector<16xi32>
        %swap3A_408 = vector.shape_cast %select_n3A_404 : vector<16xi32> to vector<16xi32>
        tpu.vector_store %arg10[%swap3A_405], %swap3A_408 {strides = array<i32>} : memref<256xi32, #tpu.memory_space<vmem>>, vector<16xi32>,
        %get3A_409 = arith.constant 48 : index
        %get3A_410 = tpu.vector_load %arg10[%get3A_409] {strides = array<i32>} : memref<256xi32, #tpu.memory_space<vmem>>, vector<16xi32>,
        %get3A_411 = vector.shape_cast %get3A_410 : vector<16xi32> to vector<16xi32>
        %ge3A_412 = arith.constant 25000 : i32
        %ge3A_413 = vector.broadcast %ge3A_412 : i32 to vector<16xi32>
        %ge3A_414 = arith.cmpi sge, %get3A_411, %ge3A_413 : vector<16xi32>
        %add3A_415 = arith.constant 88 : i32
        %add3A_416 = vector.broadcast %add3A_415 : i32 to vector<16xi32>
        %add3A_417 = arith.addi %get3A_411, %add3A_416 : vector<16xi32>
        %select_n3A_418 = arith.select %ge3A_414, %add3A_417, %get3A_411 : vector<16xi1>, vector<16xi32>
        %swap3A_419 = arith.constant 48 : index
        %swap3A_420 = tpu.vector_load %arg10[%swap3A_419] {strides = array<i32>} : memref<256xi32, #tpu.memory_space<vmem>>, vector<16xi32>,
        %swap3A_421 = vector.shape_cast %swap3A_420 : vector<16xi32> to vector<16xi32>
        %swap3A_422 = vector.shape_cast %select_n3A_418 : vector<16xi32> to vector<16xi32>
        tpu.vector_store %arg10[%swap3A_419], %swap3A_422 {strides = array<i32>} : memref<256xi32, #tpu.memory_space<vmem>>, vector<16xi32>,
        %get3A_423 = arith.constant 64 : index
        %get3A_424 = tpu.vector_load %arg10[%get3A_423] {strides = array<i32>} : memref<256xi32, #tpu.memory_space<vmem>>, vector<16xi32>,
        %get3A_425 = vector.shape_cast %get3A_424 : vector<16xi32> to vector<16xi32>
        %ge3A_426 = arith.constant 25000 : i32
        %ge3A_427 = vector.broadcast %ge3A_426 : i32 to vector<16xi32>
        %ge3A_428 = arith.cmpi sge, %get3A_425, %ge3A_427 : vector<16xi32>
        %add3A_429 = arith.constant 88 : i32
        %add3A_430 = vector.broadcast %add3A_429 : i32 to vector<16xi32>
        %add3A_431 = arith.addi %get3A_425, %add3A_430 : vector<16xi32>
        %select_n3A_432 = arith.select %ge3A_428, %add3A_431, %get3A_425 : vector<16xi1>, vector<16xi32>
        %swap3A_433 = arith.constant 64 : index
        %swap3A_434 = tpu.vector_load %arg10[%swap3A_433] {strides = array<i32>} : memref<256xi32, #tpu.memory_space<vmem>>, vector<16xi32>,
        %swap3A_435 = vector.shape_cast %swap3A_434 : vector<16xi32> to vector<16xi32>
        %swap3A_436 = vector.shape_cast %select_n3A_432 : vector<16xi32> to vector<16xi32>
        tpu.vector_store %arg10[%swap3A_433], %swap3A_436 {strides = array<i32>} : memref<256xi32, #tpu.memory_space<vmem>>, vector<16xi32>,
        %get3A_437 = arith.constant 80 : index
        %get3A_438 = tpu.vector_load %arg10[%get3A_437] {strides = array<i32>} : memref<256xi32, #tpu.memory_space<vmem>>, vector<16xi32>,
        %get3A_439 = vector.shape_cast %get3A_438 : vector<16xi32> to vector<16xi32>
        %ge3A_440 = arith.constant 25000 : i32
        %ge3A_441 = vector.broadcast %ge3A_440 : i32 to vector<16xi32>
        %ge3A_442 = arith.cmpi sge, %get3A_439, %ge3A_441 : vector<16xi32>
        %add3A_443 = arith.constant 88 : i32
        %add3A_444 = vector.broadcast %add3A_443 : i32 to vector<16xi32>
        %add3A_445 = arith.addi %get3A_439, %add3A_444 : vector<16xi32>
        %select_n3A_446 = arith.select %ge3A_442, %add3A_445, %get3A_439 : vector<16xi1>, vector<16xi32>
        %swap3A_447 = arith.constant 80 : index
        %swap3A_448 = tpu.vector_load %arg10[%swap3A_447] {strides = array<i32>} : memref<256xi32, #tpu.memory_space<vmem>>, vector<16xi32>,
        %swap3A_449 = vector.shape_cast %swap3A_448 : vector<16xi32> to vector<16xi32>
        %swap3A_450 = vector.shape_cast %select_n3A_446 : vector<16xi32> to vector<16xi32>
        tpu.vector_store %arg10[%swap3A_447], %swap3A_450 {strides = array<i32>} : memref<256xi32, #tpu.memory_space<vmem>>, vector<16xi32>,
        %get3A_451 = arith.constant 96 : index
        %get3A_452 = tpu.vector_load %arg10[%get3A_451] {strides = array<i32>} : memref<256xi32, #tpu.memory_space<vmem>>, vector<16xi32>,
        %get3A_453 = vector.shape_cast %get3A_452 : vector<16xi32> to vector<16xi32>
        %ge3A_454 = arith.constant 25000 : i32
        %ge3A_455 = vector.broadcast %ge3A_454 : i32 to vector<16xi32>
        %ge3A_456 = arith.cmpi sge, %get3A_453, %ge3A_455 : vector<16xi32>
        %add3A_457 = arith.constant 88 : i32
        %add3A_458 = vector.broadcast %add3A_457 : i32 to vector<16xi32>
        %add3A_459 = arith.addi %get3A_453, %add3A_458 : vector<16xi32>
        %select_n3A_460 = arith.select %ge3A_456, %add3A_459, %get3A_453 : vector<16xi1>, vector<16xi32>
        %swap3A_461 = arith.constant 96 : index
        %swap3A_462 = tpu.vector_load %arg10[%swap3A_461] {strides = array<i32>} : memref<256xi32, #tpu.memory_space<vmem>>, vector<16xi32>,
        %swap3A_463 = vector.shape_cast %swap3A_462 : vector<16xi32> to vector<16xi32>
        %swap3A_464 = vector.shape_cast %select_n3A_460 : vector<16xi32> to vector<16xi32>
        tpu.vector_store %arg10[%swap3A_461], %swap3A_464 {strides = array<i32>} : memref<256xi32, #tpu.memory_space<vmem>>, vector<16xi32>,
        %get3A_465 = arith.constant 112 : index
        %get3A_466 = tpu.vector_load %arg10[%get3A_465] {strides = array<i32>} : memref<256xi32, #tpu.memory_space<vmem>>, vector<16xi32>,
        %get3A_467 = vector.shape_cast %get3A_466 : vector<16xi32> to vector<16xi32>
        %ge3A_468 = arith.constant 25000 : i32
        %ge3A_469 = vector.broadcast %ge3A_468 : i32 to vector<16xi32>
        %ge3A_470 = arith.cmpi sge, %get3A_467, %ge3A_469 : vector<16xi32>
        %add3A_471 = arith.constant 88 : i32
        %add3A_472 = vector.broadcast %add3A_471 : i32 to vector<16xi32>
        %add3A_473 = arith.addi %get3A_467, %add3A_472 : vector<16xi32>
        %select_n3A_474 = arith.select %ge3A_470, %add3A_473, %get3A_467 : vector<16xi1>, vector<16xi32>
        %swap3A_475 = arith.constant 112 : index
        %swap3A_476 = tpu.vector_load %arg10[%swap3A_475] {strides = array<i32>} : memref<256xi32, #tpu.memory_space<vmem>>, vector<16xi32>,
        %swap3A_477 = vector.shape_cast %swap3A_476 : vector<16xi32> to vector<16xi32>
        %swap3A_478 = vector.shape_cast %select_n3A_474 : vector<16xi32> to vector<16xi32>
        tpu.vector_store %arg10[%swap3A_475], %swap3A_478 {strides = array<i32>} : memref<256xi32, #tpu.memory_space<vmem>>, vector<16xi32>,
        %get3A_479 = arith.constant 128 : index
        %get3A_480 = tpu.vector_load %arg10[%get3A_479] {strides = array<i32>} : memref<256xi32, #tpu.memory_space<vmem>>, vector<16xi32>,
        %get3A_481 = vector.shape_cast %get3A_480 : vector<16xi32> to vector<16xi32>
        %ge3A_482 = arith.constant 25000 : i32
        %ge3A_483 = vector.broadcast %ge3A_482 : i32 to vector<16xi32>
        %ge3A_484 = arith.cmpi sge, %get3A_481, %ge3A_483 : vector<16xi32>
        %add3A_485 = arith.constant 88 : i32
        %add3A_486 = vector.broadcast %add3A_485 : i32 to vector<16xi32>
        %add3A_487 = arith.addi %get3A_481, %add3A_486 : vector<16xi32>
        %select_n3A_488 = arith.select %ge3A_484, %add3A_487, %get3A_481 : vector<16xi1>, vector<16xi32>
        %swap3A_489 = arith.constant 128 : index
        %swap3A_490 = tpu.vector_load %arg10[%swap3A_489] {strides = array<i32>} : memref<256xi32, #tpu.memory_space<vmem>>, vector<16xi32>,
        %swap3A_491 = vector.shape_cast %swap3A_490 : vector<16xi32> to vector<16xi32>
        %swap3A_492 = vector.shape_cast %select_n3A_488 : vector<16xi32> to vector<16xi32>
        tpu.vector_store %arg10[%swap3A_489], %swap3A_492 {strides = array<i32>} : memref<256xi32, #tpu.memory_space<vmem>>, vector<16xi32>,
        %get3A_493 = arith.constant 144 : index
        %get3A_494 = tpu.vector_load %arg10[%get3A_493] {strides = array<i32>} : memref<256xi32, #tpu.memory_space<vmem>>, vector<16xi32>,
        %get3A_495 = vector.shape_cast %get3A_494 : vector<16xi32> to vector<16xi32>
        %ge3A_496 = arith.constant 25000 : i32
        %ge3A_497 = vector.broadcast %ge3A_496 : i32 to vector<16xi32>
        %ge3A_498 = arith.cmpi sge, %get3A_495, %ge3A_497 : vector<16xi32>
        %add3A_499 = arith.constant 88 : i32
        %add3A_500 = vector.broadcast %add3A_499 : i32 to vector<16xi32>
        %add3A_501 = arith.addi %get3A_495, %add3A_500 : vector<16xi32>
        %select_n3A_502 = arith.select %ge3A_498, %add3A_501, %get3A_495 : vector<16xi1>, vector<16xi32>
        %swap3A_503 = arith.constant 144 : index
        %swap3A_504 = tpu.vector_load %arg10[%swap3A_503] {strides = array<i32>} : memref<256xi32, #tpu.memory_space<vmem>>, vector<16xi32>,
        %swap3A_505 = vector.shape_cast %swap3A_504 : vector<16xi32> to vector<16xi32>
        %swap3A_506 = vector.shape_cast %select_n3A_502 : vector<16xi32> to vector<16xi32>
        tpu.vector_store %arg10[%swap3A_503], %swap3A_506 {strides = array<i32>} : memref<256xi32, #tpu.memory_space<vmem>>, vector<16xi32>,
        %get3A_507 = arith.constant 160 : index
        %get3A_508 = tpu.vector_load %arg10[%get3A_507] {strides = array<i32>} : memref<256xi32, #tpu.memory_space<vmem>>, vector<16xi32>,
        %get3A_509 = vector.shape_cast %get3A_508 : vector<16xi32> to vector<16xi32>
        %ge3A_510 = arith.constant 25000 : i32
        %ge3A_511 = vector.broadcast %ge3A_510 : i32 to vector<16xi32>
        %ge3A_512 = arith.cmpi sge, %get3A_509, %ge3A_511 : vector<16xi32>
        %add3A_513 = arith.constant 88 : i32
        %add3A_514 = vector.broadcast %add3A_513 : i32 to vector<16xi32>
        %add3A_515 = arith.addi %get3A_509, %add3A_514 : vector<16xi32>
        %select_n3A_516 = arith.select %ge3A_512, %add3A_515, %get3A_509 : vector<16xi1>, vector<16xi32>
        %swap3A_517 = arith.constant 160 : index
        %swap3A_518 = tpu.vector_load %arg10[%swap3A_517] {strides = array<i32>} : memref<256xi32, #tpu.memory_space<vmem>>, vector<16xi32>,
        %swap3A_519 = vector.shape_cast %swap3A_518 : vector<16xi32> to vector<16xi32>
        %swap3A_520 = vector.shape_cast %select_n3A_516 : vector<16xi32> to vector<16xi32>
        tpu.vector_store %arg10[%swap3A_517], %swap3A_520 {strides = array<i32>} : memref<256xi32, #tpu.memory_space<vmem>>, vector<16xi32>,
        %get3A_521 = arith.constant 176 : index
        %get3A_522 = tpu.vector_load %arg10[%get3A_521] {strides = array<i32>} : memref<256xi32, #tpu.memory_space<vmem>>, vector<16xi32>,
        %get3A_523 = vector.shape_cast %get3A_522 : vector<16xi32> to vector<16xi32>
        %ge3A_524 = arith.constant 25000 : i32
        %ge3A_525 = vector.broadcast %ge3A_524 : i32 to vector<16xi32>
        %ge3A_526 = arith.cmpi sge, %get3A_523, %ge3A_525 : vector<16xi32>
        %add3A_527 = arith.constant 88 : i32
        %add3A_528 = vector.broadcast %add3A_527 : i32 to vector<16xi32>
        %add3A_529 = arith.addi %get3A_523, %add3A_528 : vector<16xi32>
        %select_n3A_530 = arith.select %ge3A_526, %add3A_529, %get3A_523 : vector<16xi1>, vector<16xi32>
        %swap3A_531 = arith.constant 176 : index
        %swap3A_532 = tpu.vector_load %arg10[%swap3A_531] {strides = array<i32>} : memref<256xi32, #tpu.memory_space<vmem>>, vector<16xi32>,
        %swap3A_533 = vector.shape_cast %swap3A_532 : vector<16xi32> to vector<16xi32>
        %swap3A_534 = vector.shape_cast %select_n3A_530 : vector<16xi32> to vector<16xi32>
        tpu.vector_store %arg10[%swap3A_531], %swap3A_534 {strides = array<i32>} : memref<256xi32, #tpu.memory_space<vmem>>, vector<16xi32>,
        %get3A_535 = arith.constant 192 : index
        %get3A_536 = tpu.vector_load %arg10[%get3A_535] {strides = array<i32>} : memref<256xi32, #tpu.memory_space<vmem>>, vector<16xi32>,
        %get3A_537 = vector.shape_cast %get3A_536 : vector<16xi32> to vector<16xi32>
        %ge3A_538 = arith.constant 25000 : i32
        %ge3A_539 = vector.broadcast %ge3A_538 : i32 to vector<16xi32>
        %ge3A_540 = arith.cmpi sge, %get3A_537, %ge3A_539 : vector<16xi32>
        %add3A_541 = arith.constant 88 : i32
        %add3A_542 = vector.broadcast %add3A_541 : i32 to vector<16xi32>
        %add3A_543 = arith.addi %get3A_537, %add3A_542 : vector<16xi32>
        %select_n3A_544 = arith.select %ge3A_540, %add3A_543, %get3A_537 : vector<16xi1>, vector<16xi32>
        %swap3A_545 = arith.constant 192 : index
        %swap3A_546 = tpu.vector_load %arg10[%swap3A_545] {strides = array<i32>} : memref<256xi32, #tpu.memory_space<vmem>>, vector<16xi32>,
        %swap3A_547 = vector.shape_cast %swap3A_546 : vector<16xi32> to vector<16xi32>
        %swap3A_548 = vector.shape_cast %select_n3A_544 : vector<16xi32> to vector<16xi32>
        tpu.vector_store %arg10[%swap3A_545], %swap3A_548 {strides = array<i32>} : memref<256xi32, #tpu.memory_space<vmem>>, vector<16xi32>,
        %get3A_549 = arith.constant 208 : index
        %get3A_550 = tpu.vector_load %arg10[%get3A_549] {strides = array<i32>} : memref<256xi32, #tpu.memory_space<vmem>>, vector<16xi32>,
        %get3A_551 = vector.shape_cast %get3A_550 : vector<16xi32> to vector<16xi32>
        %ge3A_552 = arith.constant 25000 : i32
        %ge3A_553 = vector.broadcast %ge3A_552 : i32 to vector<16xi32>
        %ge3A_554 = arith.cmpi sge, %get3A_551, %ge3A_553 : vector<16xi32>
        %add3A_555 = arith.constant 88 : i32
        %add3A_556 = vector.broadcast %add3A_555 : i32 to vector<16xi32>
        %add3A_557 = arith.addi %get3A_551, %add3A_556 : vector<16xi32>
        %select_n3A_558 = arith.select %ge3A_554, %add3A_557, %get3A_551 : vector<16xi1>, vector<16xi32>
        %swap3A_559 = arith.constant 208 : index
        %swap3A_560 = tpu.vector_load %arg10[%swap3A_559] {strides = array<i32>} : memref<256xi32, #tpu.memory_space<vmem>>, vector<16xi32>,
        %swap3A_561 = vector.shape_cast %swap3A_560 : vector<16xi32> to vector<16xi32>
        %swap3A_562 = vector.shape_cast %select_n3A_558 : vector<16xi32> to vector<16xi32>
        tpu.vector_store %arg10[%swap3A_559], %swap3A_562 {strides = array<i32>} : memref<256xi32, #tpu.memory_space<vmem>>, vector<16xi32>,
        %get3A_563 = arith.constant 224 : index
        %get3A_564 = tpu.vector_load %arg10[%get3A_563] {strides = array<i32>} : memref<256xi32, #tpu.memory_space<vmem>>, vector<16xi32>,
        %get3A_565 = vector.shape_cast %get3A_564 : vector<16xi32> to vector<16xi32>
        %ge3A_566 = arith.constant 25000 : i32
        %ge3A_567 = vector.broadcast %ge3A_566 : i32 to vector<16xi32>
        %ge3A_568 = arith.cmpi sge, %get3A_565, %ge3A_567 : vector<16xi32>
        %add3A_569 = arith.constant 88 : i32
        %add3A_570 = vector.broadcast %add3A_569 : i32 to vector<16xi32>
        %add3A_571 = arith.addi %get3A_565, %add3A_570 : vector<16xi32>
        %select_n3A_572 = arith.select %ge3A_568, %add3A_571, %get3A_565 : vector<16xi1>, vector<16xi32>
        %swap3A_573 = arith.constant 224 : index
        %swap3A_574 = tpu.vector_load %arg10[%swap3A_573] {strides = array<i32>} : memref<256xi32, #tpu.memory_space<vmem>>, vector<16xi32>,
        %swap3A_575 = vector.shape_cast %swap3A_574 : vector<16xi32> to vector<16xi32>
        %swap3A_576 = vector.shape_cast %select_n3A_572 : vector<16xi32> to vector<16xi32>
        tpu.vector_store %arg10[%swap3A_573], %swap3A_576 {strides = array<i32>} : memref<256xi32, #tpu.memory_space<vmem>>, vector<16xi32>,
        %get3A_577 = arith.constant 240 : index
        %get3A_578 = tpu.vector_load %arg10[%get3A_577] {strides = array<i32>} : memref<256xi32, #tpu.memory_space<vmem>>, vector<16xi32>,
        %get3A_579 = vector.shape_cast %get3A_578 : vector<16xi32> to vector<16xi32>
        %ge3A_580 = arith.constant 25000 : i32
        %ge3A_581 = vector.broadcast %ge3A_580 : i32 to vector<16xi32>
        %ge3A_582 = arith.cmpi sge, %get3A_579, %ge3A_581 : vector<16xi32>
        %add3A_583 = arith.constant 88 : i32
        %add3A_584 = vector.broadcast %add3A_583 : i32 to vector<16xi32>
        %add3A_585 = arith.addi %get3A_579, %add3A_584 : vector<16xi32>
        %select_n3A_586 = arith.select %ge3A_582, %add3A_585, %get3A_579 : vector<16xi1>, vector<16xi32>
        %swap3A_587 = arith.constant 240 : index
        %swap3A_588 = tpu.vector_load %arg10[%swap3A_587] {strides = array<i32>} : memref<256xi32, #tpu.memory_space<vmem>>, vector<16xi32>,
        %swap3A_589 = vector.shape_cast %swap3A_588 : vector<16xi32> to vector<16xi32>
        %swap3A_590 = vector.shape_cast %select_n3A_586 : vector<16xi32> to vector<16xi32>
        tpu.vector_store %arg10[%swap3A_587], %swap3A_590 {strides = array<i32>} : memref<256xi32, #tpu.memory_space<vmem>>, vector<16xi32>,
        %dma_start3A = arith.constant 0 : i32
        %dma_start3A_591 = arith.constant 0 : i32
        %dma_start3A_592 = arith.constant 0 : i32
        %dma_start3A_593 = tpu.memref_slice %arg13[%dma_start3A, %dma_start3A_591, %dma_start3A_592] : memref<2x128x64xf32, #tpu.memory_space<vmem>> -> memref<1x128x64xf32, #tpu.memory_space<vmem>>
        %dma_start3A_594 = tpu.memref_squeeze %dma_start3A_593 : memref<1x128x64xf32, #tpu.memory_space<vmem>> -> memref<128x64xf32, #tpu.memory_space<vmem>>
        %dma_start3A_595 = arith.constant 0 : i32
        %dma_start3A_596 = tpu.memref_slice %arg10[%dma_start3A_595] : memref<256xi32, #tpu.memory_space<vmem>> -> memref<128xi32, #tpu.memory_space<vmem>>
        %dma_start3A_597 = arith.constant 0 : i32
        %dma_start3A_598 = arith.constant 0 : i32
        %dma_start3A_599 = tpu.memref_slice %arg4[%dma_start3A_597, %dma_start3A_598] : memref<50176x64xf32, #tpu.memory_space<hbm>> -> memref<50176x64xf32, #tpu.memory_space<hbm>>
        tpu.enqueue_indirect_dma source(%dma_start3A_599 : memref<50176x64xf32, #tpu.memory_space<hbm>>) target(%dma_start3A_594 : memref<128x64xf32, #tpu.memory_space<vmem>>) offsets(%dma_start3A_596 : memref<128xi32, #tpu.memory_space<vmem>>) semaphore(%arg17 : memref<!tpu.dma_semaphore, #tpu.memory_space<semaphore_mem>>)
        %dma_start3A_600 = arith.constant 1 : i32
        %dma_start3A_601 = arith.constant 0 : i32
        %dma_start3A_602 = arith.constant 0 : i32
        %dma_start3A_603 = tpu.memref_slice %arg13[%dma_start3A_600, %dma_start3A_601, %dma_start3A_602] : memref<2x128x64xf32, #tpu.memory_space<vmem>> -> memref<1x128x64xf32, #tpu.memory_space<vmem>>
        %dma_start3A_604 = tpu.memref_squeeze %dma_start3A_603 : memref<1x128x64xf32, #tpu.memory_space<vmem>> -> memref<128x64xf32, #tpu.memory_space<vmem>>
        %dma_start3A_605 = arith.constant 128 : i32
        %dma_start3A_606 = tpu.memref_slice %arg10[%dma_start3A_605] : memref<256xi32, #tpu.memory_space<vmem>> -> memref<128xi32, #tpu.memory_space<vmem>>
        %dma_start3A_607 = arith.constant 0 : i32
        %dma_start3A_608 = arith.constant 0 : i32
        %dma_start3A_609 = tpu.memref_slice %arg4[%dma_start3A_607, %dma_start3A_608] : memref<50176x64xf32, #tpu.memory_space<hbm>> -> memref<50176x64xf32, #tpu.memory_space<hbm>>
        tpu.enqueue_indirect_dma source(%dma_start3A_609 : memref<50176x64xf32, #tpu.memory_space<hbm>>) target(%dma_start3A_604 : memref<128x64xf32, #tpu.memory_space<vmem>>) offsets(%dma_start3A_606 : memref<128xi32, #tpu.memory_space<vmem>>) semaphore(%arg17 : memref<!tpu.dma_semaphore, #tpu.memory_space<semaphore_mem>>)
        %dma_wait3A = arith.constant 0 : i32
        %dma_wait3A_610 = arith.constant 0 : i32
        %dma_wait3A_611 = arith.constant 0 : i32
        %dma_wait3A_612 = tpu.memref_slice %arg13[%dma_wait3A, %dma_wait3A_610, %dma_wait3A_611] : memref<2x128x64xf32, #tpu.memory_space<vmem>> -> memref<1x128x64xf32, #tpu.memory_space<vmem>>
        %dma_wait3A_613 = tpu.memref_squeeze %dma_wait3A_612 : memref<1x128x64xf32, #tpu.memory_space<vmem>> -> memref<128x64xf32, #tpu.memory_space<vmem>>
        %dma_wait3A_614 = arith.constant 0 : i32
        %dma_wait3A_615 = tpu.memref_slice %arg10[%dma_wait3A_614] : memref<256xi32, #tpu.memory_space<vmem>> -> memref<128xi32, #tpu.memory_space<vmem>>
        %dma_wait3A_616 = arith.constant 0 : i32
        %dma_wait3A_617 = arith.constant 0 : i32
        %dma_wait3A_618 = tpu.memref_slice %arg4[%dma_wait3A_616, %dma_wait3A_617] : memref<50176x64xf32, #tpu.memory_space<hbm>> -> memref<50176x64xf32, #tpu.memory_space<hbm>>
        tpu.wait_indirect_dma semaphore(%arg17 : memref<!tpu.dma_semaphore, #tpu.memory_space<semaphore_mem>>) src(%dma_wait3A_618 : memref<50176x64xf32, #tpu.memory_space<hbm>>) dst(%dma_wait3A_613 : memref<128x64xf32, #tpu.memory_space<vmem>>)
        %dma_wait3A_619 = arith.constant 1 : i32
        %dma_wait3A_620 = arith.constant 0 : i32
        %dma_wait3A_621 = arith.constant 0 : i32
        %dma_wait3A_622 = tpu.memref_slice %arg13[%dma_wait3A_619, %dma_wait3A_620, %dma_wait3A_621] : memref<2x128x64xf32, #tpu.memory_space<vmem>> -> memref<1x128x64xf32, #tpu.memory_space<vmem>>
        %dma_wait3A_623 = tpu.memref_squeeze %dma_wait3A_622 : memref<1x128x64xf32, #tpu.memory_space<vmem>> -> memref<128x64xf32, #tpu.memory_space<vmem>>
        %dma_wait3A_624 = arith.constant 128 : i32
        %dma_wait3A_625 = tpu.memref_slice %arg10[%dma_wait3A_624] : memref<256xi32, #tpu.memory_space<vmem>> -> memref<128xi32, #tpu.memory_space<vmem>>
        %dma_wait3A_626 = arith.constant 0 : i32
        %dma_wait3A_627 = arith.constant 0 : i32
        %dma_wait3A_628 = tpu.memref_slice %arg4[%dma_wait3A_626, %dma_wait3A_627] : memref<50176x64xf32, #tpu.memory_space<hbm>> -> memref<50176x64xf32, #tpu.memory_space<hbm>>
        tpu.wait_indirect_dma semaphore(%arg17 : memref<!tpu.dma_semaphore, #tpu.memory_space<semaphore_mem>>) src(%dma_wait3A_628 : memref<50176x64xf32, #tpu.memory_space<hbm>>) dst(%dma_wait3A_623 : memref<128x64xf32, #tpu.memory_space<vmem>>)
        %dma_start3A_629 = arith.constant 0 : i32
        %dma_start3A_630 = arith.constant 0 : i32
        %dma_start3A_631 = arith.constant 0 : i32
        %dma_start3A_632 = arith.constant 0 : i32
        %dma_start3A_633 = tpu.memref_slice %arg13[%dma_start3A_629, %dma_start3A_631, %dma_start3A_632] : memref<2x128x64xf32, #tpu.memory_space<vmem>> -> memref<1x128x64xf32, #tpu.memory_space<vmem>>
        %dma_start3A_634 = tpu.memref_squeeze %dma_start3A_633 : memref<1x128x64xf32, #tpu.memory_space<vmem>> -> memref<128x64xf32, #tpu.memory_space<vmem>>
        %dma_start3A_635 = arith.constant 0 : i32
        %dma_start3A_636 = tpu.memref_slice %arg12[%dma_start3A_630, %dma_start3A_635] : memref<2x128xi32, #tpu.memory_space<vmem>> -> memref<1x128xi32, #tpu.memory_space<vmem>>
        %dma_start3A_637 = tpu.memref_squeeze %dma_start3A_636 : memref<1x128xi32, #tpu.memory_space<vmem>> -> memref<128xi32, #tpu.memory_space<vmem>>
        %dma_start3A_638 = arith.constant 0 : i32
        %dma_start3A_639 = arith.constant 0 : i32
        %dma_start3A_640 = tpu.memref_slice %arg9[%dma_start3A_638, %dma_start3A_639] : memref<25096x64xf32, #tpu.memory_space<vmem_shared>> -> memref<25096x64xf32, #tpu.memory_space<vmem_shared>>
        tpu.enqueue_indirect_dma source(%dma_start3A_634 : memref<128x64xf32, #tpu.memory_space<vmem>>) target(%dma_start3A_640 : memref<25096x64xf32, #tpu.memory_space<vmem_shared>>) offsets(%dma_start3A_637 : memref<128xi32, #tpu.memory_space<vmem>>) semaphore(%arg18 : memref<!tpu.dma_semaphore, #tpu.memory_space<semaphore_mem>>) {add = true}
        %dma_start3A_641 = arith.constant 1 : i32
        %dma_start3A_642 = arith.constant 1 : i32
        %dma_start3A_643 = arith.constant 0 : i32
        %dma_start3A_644 = arith.constant 0 : i32
        %dma_start3A_645 = tpu.memref_slice %arg13[%dma_start3A_641, %dma_start3A_643, %dma_start3A_644] : memref<2x128x64xf32, #tpu.memory_space<vmem>> -> memref<1x128x64xf32, #tpu.memory_space<vmem>>
        %dma_start3A_646 = tpu.memref_squeeze %dma_start3A_645 : memref<1x128x64xf32, #tpu.memory_space<vmem>> -> memref<128x64xf32, #tpu.memory_space<vmem>>
        %dma_start3A_647 = arith.constant 0 : i32
        %dma_start3A_648 = tpu.memref_slice %arg12[%dma_start3A_642, %dma_start3A_647] : memref<2x128xi32, #tpu.memory_space<vmem>> -> memref<1x128xi32, #tpu.memory_space<vmem>>
        %dma_start3A_649 = tpu.memref_squeeze %dma_start3A_648 : memref<1x128xi32, #tpu.memory_space<vmem>> -> memref<128xi32, #tpu.memory_space<vmem>>
        %dma_start3A_650 = arith.constant 0 : i32
        %dma_start3A_651 = arith.constant 0 : i32
        %dma_start3A_652 = tpu.memref_slice %arg9[%dma_start3A_650, %dma_start3A_651] : memref<25096x64xf32, #tpu.memory_space<vmem_shared>> -> memref<25096x64xf32, #tpu.memory_space<vmem_shared>>
        tpu.enqueue_indirect_dma source(%dma_start3A_646 : memref<128x64xf32, #tpu.memory_space<vmem>>) target(%dma_start3A_652 : memref<25096x64xf32, #tpu.memory_space<vmem_shared>>) offsets(%dma_start3A_649 : memref<128xi32, #tpu.memory_space<vmem>>) semaphore(%arg18 : memref<!tpu.dma_semaphore, #tpu.memory_space<semaphore_mem>>) {add = true}
        %dma_wait3A_653 = arith.constant 0 : i32
        %dma_wait3A_654 = arith.constant 0 : i32
        %dma_wait3A_655 = arith.constant 0 : i32
        %dma_wait3A_656 = arith.constant 0 : i32
        %dma_wait3A_657 = tpu.memref_slice %arg13[%dma_wait3A_653, %dma_wait3A_655, %dma_wait3A_656] : memref<2x128x64xf32, #tpu.memory_space<vmem>> -> memref<1x128x64xf32, #tpu.memory_space<vmem>>
        %dma_wait3A_658 = tpu.memref_squeeze %dma_wait3A_657 : memref<1x128x64xf32, #tpu.memory_space<vmem>> -> memref<128x64xf32, #tpu.memory_space<vmem>>
        %dma_wait3A_659 = arith.constant 0 : i32
        %dma_wait3A_660 = tpu.memref_slice %arg12[%dma_wait3A_654, %dma_wait3A_659] : memref<2x128xi32, #tpu.memory_space<vmem>> -> memref<1x128xi32, #tpu.memory_space<vmem>>
        %dma_wait3A_661 = tpu.memref_squeeze %dma_wait3A_660 : memref<1x128xi32, #tpu.memory_space<vmem>> -> memref<128xi32, #tpu.memory_space<vmem>>
        %dma_wait3A_662 = arith.constant 0 : i32
        %dma_wait3A_663 = arith.constant 0 : i32
        %dma_wait3A_664 = tpu.memref_slice %arg9[%dma_wait3A_662, %dma_wait3A_663] : memref<25096x64xf32, #tpu.memory_space<vmem_shared>> -> memref<25096x64xf32, #tpu.memory_space<vmem_shared>>
        tpu.wait_indirect_dma semaphore(%arg18 : memref<!tpu.dma_semaphore, #tpu.memory_space<semaphore_mem>>) src(%dma_wait3A_658 : memref<128x64xf32, #tpu.memory_space<vmem>>) dst(%dma_wait3A_664 : memref<25096x64xf32, #tpu.memory_space<vmem_shared>>)
        %dma_wait3A_665 = arith.constant 1 : i32
        %dma_wait3A_666 = arith.constant 1 : i32
        %dma_wait3A_667 = arith.constant 0 : i32
        %dma_wait3A_668 = arith.constant 0 : i32
        %dma_wait3A_669 = tpu.memref_slice %arg13[%dma_wait3A_665, %dma_wait3A_667, %dma_wait3A_668] : memref<2x128x64xf32, #tpu.memory_space<vmem>> -> memref<1x128x64xf32, #tpu.memory_space<vmem>>
        %dma_wait3A_670 = tpu.memref_squeeze %dma_wait3A_669 : memref<1x128x64xf32, #tpu.memory_space<vmem>> -> memref<128x64xf32, #tpu.memory_space<vmem>>
        %dma_wait3A_671 = arith.constant 0 : i32
        %dma_wait3A_672 = tpu.memref_slice %arg12[%dma_wait3A_666, %dma_wait3A_671] : memref<2x128xi32, #tpu.memory_space<vmem>> -> memref<1x128xi32, #tpu.memory_space<vmem>>
        %dma_wait3A_673 = tpu.memref_squeeze %dma_wait3A_672 : memref<1x128xi32, #tpu.memory_space<vmem>> -> memref<128xi32, #tpu.memory_space<vmem>>
        %dma_wait3A_674 = arith.constant 0 : i32
        %dma_wait3A_675 = arith.constant 0 : i32
        %dma_wait3A_676 = tpu.memref_slice %arg9[%dma_wait3A_674, %dma_wait3A_675] : memref<25096x64xf32, #tpu.memory_space<vmem_shared>> -> memref<25096x64xf32, #tpu.memory_space<vmem_shared>>
        tpu.wait_indirect_dma semaphore(%arg18 : memref<!tpu.dma_semaphore, #tpu.memory_space<semaphore_mem>>) src(%dma_wait3A_670 : memref<128x64xf32, #tpu.memory_space<vmem>>) dst(%dma_wait3A_676 : memref<25096x64xf32, #tpu.memory_space<vmem_shared>>)
      } else {
      }
      %scan3A_36 = arith.constant 0 : i32
      scf.yield %scan3A_36 : i32
    }
    %scan3A_20 = arith.constant 196 : i32
    %barrier3A_21 = arith.constant 0 : index
    tpu.barrier barrier_id(%barrier3A_21)
    %scan3A_22 = arith.constant 0 : i32
    %scan3A_23 = arith.constant 0 : i32
    %scan3A_24 = arith.constant 0 : i32
    %scan3A_25 = arith.constant 28 : i32
    %scan3A_26 = arith.addi %scan3A_24, %scan3A_25 : i32
    %scan3A_27 = arith.constant 1 : i32
    %scan3A_28 = scf.for %scan3A_30 = %scan3A_24 to %scan3A_26 step %scan3A_27 iter_args(%scan3A_31 = %scan3A_23) -> (i32)  : i32 {
      %mul3A_32 = arith.constant 1568 : i32
      %mul3A_33 = arith.muli %arg1, %mul3A_32 : i32
      %mul3A_34 = arith.constant 56 : i32
      %mul3A_35 = arith.muli %scan3A_30, %mul3A_34 : i32
      %add3A = arith.addi %mul3A_33, %mul3A_35 : i32
      %mul3A_36 = arith.constant 25088 : i32
      %mul3A_37 = arith.muli %arg0, %mul3A_36 : i32
      %add3A_38 = arith.addi %mul3A_37, %add3A : i32
      "tpu.region"() ({
        %run_scoped3A = tpu.sem_alloc : memref<!tpu.dma_semaphore, #tpu.memory_space<semaphore_mem>>
        %dma_start3A = arith.constant 0 : i32
        %dma_start3A_47 = tpu.memref_slice %arg9[%add3A, %dma_start3A] : memref<25096x64xf32, #tpu.memory_space<vmem_shared>> -> memref<56x64xf32, #tpu.memory_space<vmem_shared>>
        %dma_start3A_48 = arith.constant 0 : i32
        %dma_start3A_49 = tpu.memref_slice %arg9[%add3A, %dma_start3A_48] : memref<25096x64xf32, #tpu.memory_space<vmem_shared>> -> memref<56x64xf32, #tpu.memory_space<vmem_shared>>
        tpu.enqueue_dma source(%dma_start3A_49 : memref<56x64xf32, #tpu.memory_space<vmem_shared>>) target(%arg14 : memref<56x64xf32, #tpu.memory_space<vmem>>) target_semaphore(%run_scoped3A : memref<!tpu.dma_semaphore, #tpu.memory_space<semaphore_mem>>)
        %dma_wait3A = arith.constant 0 : i32
        %dma_wait3A_50 = tpu.memref_slice %arg9[%add3A, %dma_wait3A] : memref<25096x64xf32, #tpu.memory_space<vmem_shared>> -> memref<56x64xf32, #tpu.memory_space<vmem_shared>>
        %dma_wait3A_51 = arith.constant 0 : i32
        %dma_wait3A_52 = tpu.memref_slice %arg9[%add3A, %dma_wait3A_51] : memref<25096x64xf32, #tpu.memory_space<vmem_shared>> -> memref<56x64xf32, #tpu.memory_space<vmem_shared>>
        tpu.wait_dma2 semaphore(%run_scoped3A : memref<!tpu.dma_semaphore, #tpu.memory_space<semaphore_mem>>) src(%dma_wait3A_52 : memref<56x64xf32, #tpu.memory_space<vmem_shared>>) dst(%arg14 : memref<56x64xf32, #tpu.memory_space<vmem>>)
        tpu.yield
      }) : () -> ()
      "tpu.region"() ({
        %run_scoped3A = tpu.sem_alloc : memref<!tpu.dma_semaphore, #tpu.memory_space<semaphore_mem>>
        %dma_start3A = arith.constant 0 : i32
        %dma_start3A_47 = tpu.memref_slice %arg5[%add3A_38, %dma_start3A] : memref<50176x16xf32, #tpu.memory_space<hbm>> -> memref<56x16xf32, #tpu.memory_space<hbm>>
        %dma_start3A_48 = arith.constant 0 : i32
        %dma_start3A_49 = tpu.memref_slice %arg5[%add3A_38, %dma_start3A_48] : memref<50176x16xf32, #tpu.memory_space<hbm>> -> memref<56x16xf32, #tpu.memory_space<hbm>>
        tpu.enqueue_dma source(%dma_start3A_49 : memref<56x16xf32, #tpu.memory_space<hbm>>) target(%arg15 : memref<56x16xf32, #tpu.memory_space<vmem>>) target_semaphore(%run_scoped3A : memref<!tpu.dma_semaphore, #tpu.memory_space<semaphore_mem>>)
        %dma_wait3A = arith.constant 0 : i32
        %dma_wait3A_50 = tpu.memref_slice %arg5[%add3A_38, %dma_wait3A] : memref<50176x16xf32, #tpu.memory_space<hbm>> -> memref<56x16xf32, #tpu.memory_space<hbm>>
        %dma_wait3A_51 = arith.constant 0 : i32
        %dma_wait3A_52 = tpu.memref_slice %arg5[%add3A_38, %dma_wait3A_51] : memref<50176x16xf32, #tpu.memory_space<hbm>> -> memref<56x16xf32, #tpu.memory_space<hbm>>
        tpu.wait_dma2 semaphore(%run_scoped3A : memref<!tpu.dma_semaphore, #tpu.memory_space<semaphore_mem>>) src(%dma_wait3A_52 : memref<56x16xf32, #tpu.memory_space<hbm>>) dst(%arg15 : memref<56x16xf32, #tpu.memory_space<vmem>>)
        tpu.yield
      }) : () -> ()
      "tpu.region"() ({
        %run_scoped3A = tpu.sem_alloc : memref<!tpu.dma_semaphore, #tpu.memory_space<semaphore_mem>>
        %dma_start3A = arith.constant 0 : i32
        %dma_start3A_47 = tpu.memref_slice %arg6[%add3A_38, %dma_start3A] : memref<50176x64xf32, #tpu.memory_space<hbm>> -> memref<56x64xf32, #tpu.memory_space<hbm>>
        %dma_start3A_48 = arith.constant 0 : i32
        %dma_start3A_49 = tpu.memref_slice %arg6[%add3A_38, %dma_start3A_48] : memref<50176x64xf32, #tpu.memory_space<hbm>> -> memref<56x64xf32, #tpu.memory_space<hbm>>
        tpu.enqueue_dma source(%dma_start3A_49 : memref<56x64xf32, #tpu.memory_space<hbm>>) target(%arg16 : memref<56x64xf32, #tpu.memory_space<vmem>>) target_semaphore(%run_scoped3A : memref<!tpu.dma_semaphore, #tpu.memory_space<semaphore_mem>>)
        %dma_wait3A = arith.constant 0 : i32
        %dma_wait3A_50 = tpu.memref_slice %arg6[%add3A_38, %dma_wait3A] : memref<50176x64xf32, #tpu.memory_space<hbm>> -> memref<56x64xf32, #tpu.memory_space<hbm>>
        %dma_wait3A_51 = arith.constant 0 : i32
        %dma_wait3A_52 = tpu.memref_slice %arg6[%add3A_38, %dma_wait3A_51] : memref<50176x64xf32, #tpu.memory_space<hbm>> -> memref<56x64xf32, #tpu.memory_space<hbm>>
        tpu.wait_dma2 semaphore(%run_scoped3A : memref<!tpu.dma_semaphore, #tpu.memory_space<semaphore_mem>>) src(%dma_wait3A_52 : memref<56x64xf32, #tpu.memory_space<hbm>>) dst(%arg16 : memref<56x64xf32, #tpu.memory_space<vmem>>)
        tpu.yield
      }) : () -> ()
      %scan3A_39 = arith.constant 0 : i32
      %scan3A_40 = arith.constant 0 : i32
      %scan3A_41 = arith.constant 56 : i32
      %scan3A_42 = arith.addi %scan3A_40, %scan3A_41 : i32
      %scan3A_43 = arith.constant 1 : i32
      %scan3A_44 = scf.for %scan3A_47 = %scan3A_40 to %scan3A_42 step %scan3A_43 iter_args(%scan3A_48 = %scan3A_39) -> (i32)  : i32 {
        %get3A = arith.index_cast %scan3A_47 : i32 to index
        %get3A_49 = arith.constant 0 : index
        %get3A_50 = tpu.vector_load %arg15[%get3A, %get3A_49] {strides = array<i32>} : memref<56x16xf32, #tpu.memory_space<vmem>>, vector<1x16xf32>,
        %get3A_51 = vector.shape_cast %get3A_50 : vector<1x16xf32> to vector<16xf32>
        %mul3A_52 = arith.mulf %get3A_51, %get3A_51 : vector<16xf32>
        %get3A_53 = arith.index_cast %scan3A_47 : i32 to index
        %get3A_54 = arith.constant 0 : index
        %get3A_55 = tpu.vector_load %arg14[%get3A_53, %get3A_54] {strides = array<i32>} : memref<56x64xf32, #tpu.memory_space<vmem>>, vector<1x16xf32>,
        %get3A_56 = vector.shape_cast %get3A_55 : vector<1x16xf32> to vector<16xf32>
        %get3A_57 = arith.index_cast %scan3A_47 : i32 to index
        %get3A_58 = arith.constant 0 : index
        %get3A_59 = tpu.vector_load %arg16[%get3A_57, %get3A_58] {strides = array<i32>} : memref<56x64xf32, #tpu.memory_space<vmem>>, vector<1x16xf32>,
        %get3A_60 = vector.shape_cast %get3A_59 : vector<1x16xf32> to vector<16xf32>
        %mul3A_61 = arith.mulf %get3A_56, %get3A_51 : vector<16xf32>
        %add3A_62 = arith.addf %get3A_60, %mul3A_61 : vector<16xf32>
        %swap3A = arith.index_cast %scan3A_47 : i32 to index
        %swap3A_63 = arith.constant 0 : index
        %swap3A_64 = tpu.vector_load %arg16[%swap3A, %swap3A_63] {strides = array<i32>} : memref<56x64xf32, #tpu.memory_space<vmem>>, vector<1x16xf32>,
        %swap3A_65 = vector.shape_cast %swap3A_64 : vector<1x16xf32> to vector<16xf32>
        %swap3A_66 = vector.shape_cast %add3A_62 : vector<16xf32> to vector<1x16xf32>
        tpu.vector_store %arg16[%swap3A, %swap3A_63], %swap3A_66 {strides = array<i32>} : memref<56x64xf32, #tpu.memory_space<vmem>>, vector<1x16xf32>,
        %mul3A_67 = arith.mulf %get3A_56, %mul3A_52 : vector<16xf32>
        %swap3A_68 = arith.constant 0 : i32
        %swap3A_69 = arith.constant 0 : i32
        %swap3A_70 = tpu.memref_slice %arg13[%scan3A_22, %swap3A_68, %swap3A_69] : memref<2x128x64xf32, #tpu.memory_space<vmem>> -> memref<1x56x64xf32, #tpu.memory_space<vmem>>
        %swap3A_71 = tpu.memref_squeeze %swap3A_70 : memref<1x56x64xf32, #tpu.memory_space<vmem>> -> memref<56x64xf32, #tpu.memory_space<vmem>>
        %swap3A_72 = arith.index_cast %scan3A_47 : i32 to index
        %swap3A_73 = arith.constant 0 : index
        %swap3A_74 = tpu.vector_load %swap3A_71[%swap3A_72, %swap3A_73] {strides = array<i32>} : memref<56x64xf32, #tpu.memory_space<vmem>>, vector<1x16xf32>,
        %swap3A_75 = vector.shape_cast %swap3A_74 : vector<1x16xf32> to vector<16xf32>
        %swap3A_76 = vector.shape_cast %mul3A_67 : vector<16xf32> to vector<1x16xf32>
        tpu.vector_store %swap3A_71[%swap3A_72, %swap3A_73], %swap3A_76 {strides = array<i32>} : memref<56x64xf32, #tpu.memory_space<vmem>>, vector<1x16xf32>,
        %get3A_77 = arith.index_cast %scan3A_47 : i32 to index
        %get3A_78 = arith.constant 16 : index
        %get3A_79 = tpu.vector_load %arg14[%get3A_77, %get3A_78] {strides = array<i32>} : memref<56x64xf32, #tpu.memory_space<vmem>>, vector<1x16xf32>,
        %get3A_80 = vector.shape_cast %get3A_79 : vector<1x16xf32> to vector<16xf32>
        %get3A_81 = arith.index_cast %scan3A_47 : i32 to index
        %get3A_82 = arith.constant 16 : index
        %get3A_83 = tpu.vector_load %arg16[%get3A_81, %get3A_82] {strides = array<i32>} : memref<56x64xf32, #tpu.memory_space<vmem>>, vector<1x16xf32>,
        %get3A_84 = vector.shape_cast %get3A_83 : vector<1x16xf32> to vector<16xf32>
        %mul3A_85 = arith.mulf %get3A_80, %get3A_51 : vector<16xf32>
        %add3A_86 = arith.addf %get3A_84, %mul3A_85 : vector<16xf32>
        %swap3A_87 = arith.index_cast %scan3A_47 : i32 to index
        %swap3A_88 = arith.constant 16 : index
        %swap3A_89 = tpu.vector_load %arg16[%swap3A_87, %swap3A_88] {strides = array<i32>} : memref<56x64xf32, #tpu.memory_space<vmem>>, vector<1x16xf32>,
        %swap3A_90 = vector.shape_cast %swap3A_89 : vector<1x16xf32> to vector<16xf32>
        %swap3A_91 = vector.shape_cast %add3A_86 : vector<16xf32> to vector<1x16xf32>
        tpu.vector_store %arg16[%swap3A_87, %swap3A_88], %swap3A_91 {strides = array<i32>} : memref<56x64xf32, #tpu.memory_space<vmem>>, vector<1x16xf32>,
        %mul3A_92 = arith.mulf %get3A_80, %mul3A_52 : vector<16xf32>
        %swap3A_93 = arith.constant 0 : i32
        %swap3A_94 = arith.constant 0 : i32
        %swap3A_95 = tpu.memref_slice %arg13[%scan3A_22, %swap3A_93, %swap3A_94] : memref<2x128x64xf32, #tpu.memory_space<vmem>> -> memref<1x56x64xf32, #tpu.memory_space<vmem>>
        %swap3A_96 = tpu.memref_squeeze %swap3A_95 : memref<1x56x64xf32, #tpu.memory_space<vmem>> -> memref<56x64xf32, #tpu.memory_space<vmem>>
        %swap3A_97 = arith.index_cast %scan3A_47 : i32 to index
        %swap3A_98 = arith.constant 16 : index
        %swap3A_99 = tpu.vector_load %swap3A_96[%swap3A_97, %swap3A_98] {strides = array<i32>} : memref<56x64xf32, #tpu.memory_space<vmem>>, vector<1x16xf32>,
        %swap3A_100 = vector.shape_cast %swap3A_99 : vector<1x16xf32> to vector<16xf32>
        %swap3A_101 = vector.shape_cast %mul3A_92 : vector<16xf32> to vector<1x16xf32>
        tpu.vector_store %swap3A_96[%swap3A_97, %swap3A_98], %swap3A_101 {strides = array<i32>} : memref<56x64xf32, #tpu.memory_space<vmem>>, vector<1x16xf32>,
        %get3A_102 = arith.index_cast %scan3A_47 : i32 to index
        %get3A_103 = arith.constant 32 : index
        %get3A_104 = tpu.vector_load %arg14[%get3A_102, %get3A_103] {strides = array<i32>} : memref<56x64xf32, #tpu.memory_space<vmem>>, vector<1x16xf32>,
        %get3A_105 = vector.shape_cast %get3A_104 : vector<1x16xf32> to vector<16xf32>
        %get3A_106 = arith.index_cast %scan3A_47 : i32 to index
        %get3A_107 = arith.constant 32 : index
        %get3A_108 = tpu.vector_load %arg16[%get3A_106, %get3A_107] {strides = array<i32>} : memref<56x64xf32, #tpu.memory_space<vmem>>, vector<1x16xf32>,
        %get3A_109 = vector.shape_cast %get3A_108 : vector<1x16xf32> to vector<16xf32>
        %mul3A_110 = arith.mulf %get3A_105, %get3A_51 : vector<16xf32>
        %add3A_111 = arith.addf %get3A_109, %mul3A_110 : vector<16xf32>
        %swap3A_112 = arith.index_cast %scan3A_47 : i32 to index
        %swap3A_113 = arith.constant 32 : index
        %swap3A_114 = tpu.vector_load %arg16[%swap3A_112, %swap3A_113] {strides = array<i32>} : memref<56x64xf32, #tpu.memory_space<vmem>>, vector<1x16xf32>,
        %swap3A_115 = vector.shape_cast %swap3A_114 : vector<1x16xf32> to vector<16xf32>
        %swap3A_116 = vector.shape_cast %add3A_111 : vector<16xf32> to vector<1x16xf32>
        tpu.vector_store %arg16[%swap3A_112, %swap3A_113], %swap3A_116 {strides = array<i32>} : memref<56x64xf32, #tpu.memory_space<vmem>>, vector<1x16xf32>,
        %mul3A_117 = arith.mulf %get3A_105, %mul3A_52 : vector<16xf32>
        %swap3A_118 = arith.constant 0 : i32
        %swap3A_119 = arith.constant 0 : i32
        %swap3A_120 = tpu.memref_slice %arg13[%scan3A_22, %swap3A_118, %swap3A_119] : memref<2x128x64xf32, #tpu.memory_space<vmem>> -> memref<1x56x64xf32, #tpu.memory_space<vmem>>
        %swap3A_121 = tpu.memref_squeeze %swap3A_120 : memref<1x56x64xf32, #tpu.memory_space<vmem>> -> memref<56x64xf32, #tpu.memory_space<vmem>>
        %swap3A_122 = arith.index_cast %scan3A_47 : i32 to index
        %swap3A_123 = arith.constant 32 : index
        %swap3A_124 = tpu.vector_load %swap3A_121[%swap3A_122, %swap3A_123] {strides = array<i32>} : memref<56x64xf32, #tpu.memory_space<vmem>>, vector<1x16xf32>,
        %swap3A_125 = vector.shape_cast %swap3A_124 : vector<1x16xf32> to vector<16xf32>
        %swap3A_126 = vector.shape_cast %mul3A_117 : vector<16xf32> to vector<1x16xf32>
        tpu.vector_store %swap3A_121[%swap3A_122, %swap3A_123], %swap3A_126 {strides = array<i32>} : memref<56x64xf32, #tpu.memory_space<vmem>>, vector<1x16xf32>,
        %get3A_127 = arith.index_cast %scan3A_47 : i32 to index
        %get3A_128 = arith.constant 48 : index
        %get3A_129 = tpu.vector_load %arg14[%get3A_127, %get3A_128] {strides = array<i32>} : memref<56x64xf32, #tpu.memory_space<vmem>>, vector<1x16xf32>,
        %get3A_130 = vector.shape_cast %get3A_129 : vector<1x16xf32> to vector<16xf32>
        %get3A_131 = arith.index_cast %scan3A_47 : i32 to index
        %get3A_132 = arith.constant 48 : index
        %get3A_133 = tpu.vector_load %arg16[%get3A_131, %get3A_132] {strides = array<i32>} : memref<56x64xf32, #tpu.memory_space<vmem>>, vector<1x16xf32>,
        %get3A_134 = vector.shape_cast %get3A_133 : vector<1x16xf32> to vector<16xf32>
        %mul3A_135 = arith.mulf %get3A_130, %get3A_51 : vector<16xf32>
        %add3A_136 = arith.addf %get3A_134, %mul3A_135 : vector<16xf32>
        %swap3A_137 = arith.index_cast %scan3A_47 : i32 to index
        %swap3A_138 = arith.constant 48 : index
        %swap3A_139 = tpu.vector_load %arg16[%swap3A_137, %swap3A_138] {strides = array<i32>} : memref<56x64xf32, #tpu.memory_space<vmem>>, vector<1x16xf32>,
        %swap3A_140 = vector.shape_cast %swap3A_139 : vector<1x16xf32> to vector<16xf32>
        %swap3A_141 = vector.shape_cast %add3A_136 : vector<16xf32> to vector<1x16xf32>
        tpu.vector_store %arg16[%swap3A_137, %swap3A_138], %swap3A_141 {strides = array<i32>} : memref<56x64xf32, #tpu.memory_space<vmem>>, vector<1x16xf32>,
        %mul3A_142 = arith.mulf %get3A_130, %mul3A_52 : vector<16xf32>
        %swap3A_143 = arith.constant 0 : i32
        %swap3A_144 = arith.constant 0 : i32
        %swap3A_145 = tpu.memref_slice %arg13[%scan3A_22, %swap3A_143, %swap3A_144] : memref<2x128x64xf32, #tpu.memory_space<vmem>> -> memref<1x56x64xf32, #tpu.memory_space<vmem>>
        %swap3A_146 = tpu.memref_squeeze %swap3A_145 : memref<1x56x64xf32, #tpu.memory_space<vmem>> -> memref<56x64xf32, #tpu.memory_space<vmem>>
        %swap3A_147 = arith.index_cast %scan3A_47 : i32 to index
        %swap3A_148 = arith.constant 48 : index
        %swap3A_149 = tpu.vector_load %swap3A_146[%swap3A_147, %swap3A_148] {strides = array<i32>} : memref<56x64xf32, #tpu.memory_space<vmem>>, vector<1x16xf32>,
        %swap3A_150 = vector.shape_cast %swap3A_149 : vector<1x16xf32> to vector<16xf32>
        %swap3A_151 = vector.shape_cast %mul3A_142 : vector<16xf32> to vector<1x16xf32>
        tpu.vector_store %swap3A_146[%swap3A_147, %swap3A_148], %swap3A_151 {strides = array<i32>} : memref<56x64xf32, #tpu.memory_space<vmem>>, vector<1x16xf32>,
        %scan3A_152 = arith.constant 0 : i32
        scf.yield %scan3A_152 : i32
      }
      %scan3A_45 = arith.constant 56 : i32
      "tpu.region"() ({
        %run_scoped3A = tpu.sem_alloc : memref<!tpu.dma_semaphore, #tpu.memory_space<semaphore_mem>>
        %dma_start3A = arith.constant 0 : i32
        %dma_start3A_47 = tpu.memref_slice %arg8[%add3A_38, %dma_start3A] : memref<50176x64xf32, #tpu.memory_space<hbm>> -> memref<56x64xf32, #tpu.memory_space<hbm>>
        %dma_start3A_48 = arith.constant 0 : i32
        %dma_start3A_49 = tpu.memref_slice %arg8[%add3A_38, %dma_start3A_48] : memref<50176x64xf32, #tpu.memory_space<hbm>> -> memref<56x64xf32, #tpu.memory_space<hbm>>
        tpu.enqueue_dma source(%arg16 : memref<56x64xf32, #tpu.memory_space<vmem>>) target(%dma_start3A_49 : memref<56x64xf32, #tpu.memory_space<hbm>>) target_semaphore(%run_scoped3A : memref<!tpu.dma_semaphore, #tpu.memory_space<semaphore_mem>>)
        %dma_wait3A = arith.constant 0 : i32
        %dma_wait3A_50 = tpu.memref_slice %arg8[%add3A_38, %dma_wait3A] : memref<50176x64xf32, #tpu.memory_space<hbm>> -> memref<56x64xf32, #tpu.memory_space<hbm>>
        %dma_wait3A_51 = arith.constant 0 : i32
        %dma_wait3A_52 = tpu.memref_slice %arg8[%add3A_38, %dma_wait3A_51] : memref<50176x64xf32, #tpu.memory_space<hbm>> -> memref<56x64xf32, #tpu.memory_space<hbm>>
        tpu.wait_dma2 semaphore(%run_scoped3A : memref<!tpu.dma_semaphore, #tpu.memory_space<semaphore_mem>>) src(%arg16 : memref<56x64xf32, #tpu.memory_space<vmem>>) dst(%dma_wait3A_52 : memref<56x64xf32, #tpu.memory_space<hbm>>)
        tpu.yield
      }) : () -> ()
      "tpu.region"() ({
        %run_scoped3A = tpu.sem_alloc : memref<!tpu.dma_semaphore, #tpu.memory_space<semaphore_mem>>
        %dma_start3A = arith.constant 0 : i32
        %dma_start3A_47 = arith.constant 0 : i32
        %dma_start3A_48 = tpu.memref_slice %arg13[%scan3A_22, %dma_start3A, %dma_start3A_47] : memref<2x128x64xf32, #tpu.memory_space<vmem>> -> memref<1x56x64xf32, #tpu.memory_space<vmem>>
        %dma_start3A_49 = tpu.memref_squeeze %dma_start3A_48 : memref<1x56x64xf32, #tpu.memory_space<vmem>> -> memref<56x64xf32, #tpu.memory_space<vmem>>
        %dma_start3A_50 = arith.constant 0 : i32
        %dma_start3A_51 = tpu.memref_slice %arg7[%add3A_38, %dma_start3A_50] : memref<50176x64xf32, #tpu.memory_space<hbm>> -> memref<56x64xf32, #tpu.memory_space<hbm>>
        %dma_start3A_52 = arith.constant 0 : i32
        %dma_start3A_53 = tpu.memref_slice %arg7[%add3A_38, %dma_start3A_52] : memref<50176x64xf32, #tpu.memory_space<hbm>> -> memref<56x64xf32, #tpu.memory_space<hbm>>
        %dma_start3A_54 = arith.constant 0 : i32
        %dma_start3A_55 = arith.constant 0 : i32
        %dma_start3A_56 = tpu.memref_slice %arg13[%scan3A_22, %dma_start3A_54, %dma_start3A_55] : memref<2x128x64xf32, #tpu.memory_space<vmem>> -> memref<1x56x64xf32, #tpu.memory_space<vmem>>
        %dma_start3A_57 = tpu.memref_squeeze %dma_start3A_56 : memref<1x56x64xf32, #tpu.memory_space<vmem>> -> memref<56x64xf32, #tpu.memory_space<vmem>>
        tpu.enqueue_dma source(%dma_start3A_57 : memref<56x64xf32, #tpu.memory_space<vmem>>) target(%dma_start3A_53 : memref<56x64xf32, #tpu.memory_space<hbm>>) target_semaphore(%run_scoped3A : memref<!tpu.dma_semaphore, #tpu.memory_space<semaphore_mem>>)
        %dma_wait3A = arith.constant 0 : i32
        %dma_wait3A_58 = arith.constant 0 : i32
        %dma_wait3A_59 = tpu.memref_slice %arg13[%scan3A_22, %dma_wait3A, %dma_wait3A_58] : memref<2x128x64xf32, #tpu.memory_space<vmem>> -> memref<1x56x64xf32, #tpu.memory_space<vmem>>
        %dma_wait3A_60 = tpu.memref_squeeze %dma_wait3A_59 : memref<1x56x64xf32, #tpu.memory_space<vmem>> -> memref<56x64xf32, #tpu.memory_space<vmem>>
        %dma_wait3A_61 = arith.constant 0 : i32
        %dma_wait3A_62 = tpu.memref_slice %arg7[%add3A_38, %dma_wait3A_61] : memref<50176x64xf32, #tpu.memory_space<hbm>> -> memref<56x64xf32, #tpu.memory_space<hbm>>
        %dma_wait3A_63 = arith.constant 0 : i32
        %dma_wait3A_64 = tpu.memref_slice %arg7[%add3A_38, %dma_wait3A_63] : memref<50176x64xf32, #tpu.memory_space<hbm>> -> memref<56x64xf32, #tpu.memory_space<hbm>>
        %dma_wait3A_65 = arith.constant 0 : i32
        %dma_wait3A_66 = arith.constant 0 : i32
        %dma_wait3A_67 = tpu.memref_slice %arg13[%scan3A_22, %dma_wait3A_65, %dma_wait3A_66] : memref<2x128x64xf32, #tpu.memory_space<vmem>> -> memref<1x56x64xf32, #tpu.memory_space<vmem>>
        %dma_wait3A_68 = tpu.memref_squeeze %dma_wait3A_67 : memref<1x56x64xf32, #tpu.memory_space<vmem>> -> memref<56x64xf32, #tpu.memory_space<vmem>>
        tpu.wait_dma2 semaphore(%run_scoped3A : memref<!tpu.dma_semaphore, #tpu.memory_space<semaphore_mem>>) src(%dma_wait3A_68 : memref<56x64xf32, #tpu.memory_space<vmem>>) dst(%dma_wait3A_64 : memref<56x64xf32, #tpu.memory_space<hbm>>)
        tpu.yield
      }) : () -> ()
      %scan3A_46 = arith.constant 0 : i32
      scf.yield %scan3A_46 : i32
    }
    %scan3A_29 = arith.constant 28 : i32
    return
  }
}

#map = affine_map<(d0, d1) -> (0)>
#map1 = affine_map<(d0, d1) -> (0, 0)>
module attributes {stable_mosaic.version = 14 : i64} {
  func.func @lightgcn_last(%arg0: i32, %arg1: i32, %arg2: memref<800000xi32, #tpu.memory_space<hbm>>, %arg3: memref<800000xi32, #tpu.memory_space<hbm>>, %arg4: memref<50176x64xf32, #tpu.memory_space<hbm>>, %arg5: memref<50176x16xf32, #tpu.memory_space<hbm>>, %arg6: memref<50176x64xf32, #tpu.memory_space<hbm>>, %arg7: memref<50176x64xf32, #tpu.memory_space<hbm>>, %arg8: memref<25096x64xf32, #tpu.memory_space<vmem_shared>>, %arg9: memref<256xi32, #tpu.memory_space<vmem>>, %arg10: memref<256xi32, #tpu.memory_space<vmem>>, %arg11: memref<2x128xi32, #tpu.memory_space<vmem>>, %arg12: memref<2x128x64xf32, #tpu.memory_space<vmem>>, %arg13: memref<56x64xf32, #tpu.memory_space<vmem>>, %arg14: memref<56x16xf32, #tpu.memory_space<vmem>>, %arg15: memref<56x64xf32, #tpu.memory_space<vmem>>, %arg16: memref<!tpu.dma_semaphore, #tpu.memory_space<semaphore_mem>>, %arg17: memref<!tpu.dma_semaphore, #tpu.memory_space<semaphore_mem>>) attributes {dimension_semantics = [#tpu.dimension_semantics<core_parallel>, #tpu.dimension_semantics<subcore_parallel>], iteration_bounds = array<i64: 2, 16>, scalar_prefetch = 0 : i64, scratch_operands = 10 : i64, tpu.core_type = #tpu.core_type<sc_vector_subcore>, window_params = [{transform_indices = #map}, {transform_indices = #map}, {transform_indices = #map1}, {transform_indices = #map1}, {transform_indices = #map1}, {transform_indices = #map1}]} {
    %mul3A = arith.constant 25000 : i32
    %mul3A_0 = arith.muli %arg0, %mul3A : i32
    %scan3A = arith.constant 0 : i32
    %scan3A_1 = arith.constant 0 : i32
    %scan3A_2 = arith.constant 56 : i32
    %scan3A_3 = arith.addi %scan3A_1, %scan3A_2 : i32
    %scan3A_4 = arith.constant 1 : i32
    %scan3A_5 = scf.for %scan3A_29 = %scan3A_1 to %scan3A_3 step %scan3A_4 iter_args(%scan3A_30 = %scan3A) -> (i32)  : i32 {
      %broadcast_in_dim3A = arith.constant 0.000000e+00 : f32
      %broadcast_in_dim3A_31 = vector.broadcast %broadcast_in_dim3A : f32 to vector<16xf32>
      %swap3A = arith.index_cast %scan3A_29 : i32 to index
      %swap3A_32 = arith.constant 0 : index
      %swap3A_33 = tpu.vector_load %arg13[%swap3A, %swap3A_32] {strides = array<i32>} : memref<56x64xf32, #tpu.memory_space<vmem>>, vector<1x16xf32>,
      %swap3A_34 = vector.shape_cast %swap3A_33 : vector<1x16xf32> to vector<16xf32>
      %swap3A_35 = vector.shape_cast %broadcast_in_dim3A_31 : vector<16xf32> to vector<1x16xf32>
      tpu.vector_store %arg13[%swap3A, %swap3A_32], %swap3A_35 {strides = array<i32>} : memref<56x64xf32, #tpu.memory_space<vmem>>, vector<1x16xf32>,
      %broadcast_in_dim3A_36 = arith.constant 0.000000e+00 : f32
      %broadcast_in_dim3A_37 = vector.broadcast %broadcast_in_dim3A_36 : f32 to vector<16xf32>
      %swap3A_38 = arith.index_cast %scan3A_29 : i32 to index
      %swap3A_39 = arith.constant 16 : index
      %swap3A_40 = tpu.vector_load %arg13[%swap3A_38, %swap3A_39] {strides = array<i32>} : memref<56x64xf32, #tpu.memory_space<vmem>>, vector<1x16xf32>,
      %swap3A_41 = vector.shape_cast %swap3A_40 : vector<1x16xf32> to vector<16xf32>
      %swap3A_42 = vector.shape_cast %broadcast_in_dim3A_37 : vector<16xf32> to vector<1x16xf32>
      tpu.vector_store %arg13[%swap3A_38, %swap3A_39], %swap3A_42 {strides = array<i32>} : memref<56x64xf32, #tpu.memory_space<vmem>>, vector<1x16xf32>,
      %broadcast_in_dim3A_43 = arith.constant 0.000000e+00 : f32
      %broadcast_in_dim3A_44 = vector.broadcast %broadcast_in_dim3A_43 : f32 to vector<16xf32>
      %swap3A_45 = arith.index_cast %scan3A_29 : i32 to index
      %swap3A_46 = arith.constant 32 : index
      %swap3A_47 = tpu.vector_load %arg13[%swap3A_45, %swap3A_46] {strides = array<i32>} : memref<56x64xf32, #tpu.memory_space<vmem>>, vector<1x16xf32>,
      %swap3A_48 = vector.shape_cast %swap3A_47 : vector<1x16xf32> to vector<16xf32>
      %swap3A_49 = vector.shape_cast %broadcast_in_dim3A_44 : vector<16xf32> to vector<1x16xf32>
      tpu.vector_store %arg13[%swap3A_45, %swap3A_46], %swap3A_49 {strides = array<i32>} : memref<56x64xf32, #tpu.memory_space<vmem>>, vector<1x16xf32>,
      %broadcast_in_dim3A_50 = arith.constant 0.000000e+00 : f32
      %broadcast_in_dim3A_51 = vector.broadcast %broadcast_in_dim3A_50 : f32 to vector<16xf32>
      %swap3A_52 = arith.index_cast %scan3A_29 : i32 to index
      %swap3A_53 = arith.constant 48 : index
      %swap3A_54 = tpu.vector_load %arg13[%swap3A_52, %swap3A_53] {strides = array<i32>} : memref<56x64xf32, #tpu.memory_space<vmem>>, vector<1x16xf32>,
      %swap3A_55 = vector.shape_cast %swap3A_54 : vector<1x16xf32> to vector<16xf32>
      %swap3A_56 = vector.shape_cast %broadcast_in_dim3A_51 : vector<16xf32> to vector<1x16xf32>
      tpu.vector_store %arg13[%swap3A_52, %swap3A_53], %swap3A_56 {strides = array<i32>} : memref<56x64xf32, #tpu.memory_space<vmem>>, vector<1x16xf32>,
      %scan3A_57 = arith.constant 0 : i32
      scf.yield %scan3A_57 : i32
    }
    %scan3A_6 = arith.constant 56 : i32
    %scan3A_7 = arith.constant 0 : i32
    %scan3A_8 = arith.constant 0 : i32
    %scan3A_9 = arith.constant 28 : i32
    %scan3A_10 = arith.addi %scan3A_8, %scan3A_9 : i32
    %scan3A_11 = arith.constant 1 : i32
    %scan3A_12 = scf.for %scan3A_29 = %scan3A_8 to %scan3A_10 step %scan3A_11 iter_args(%scan3A_30 = %scan3A_7) -> (i32)  : i32 {
      %mul3A_31 = arith.constant 1568 : i32
      %mul3A_32 = arith.muli %arg1, %mul3A_31 : i32
      %mul3A_33 = arith.constant 56 : i32
      %mul3A_34 = arith.muli %scan3A_29, %mul3A_33 : i32
      %add3A = arith.addi %mul3A_32, %mul3A_34 : i32
      "tpu.region"() ({
        %run_scoped3A = tpu.sem_alloc : memref<!tpu.dma_semaphore, #tpu.memory_space<semaphore_mem>>
        %dma_start3A = arith.constant 0 : i32
        %dma_start3A_36 = tpu.memref_slice %arg8[%add3A, %dma_start3A] : memref<25096x64xf32, #tpu.memory_space<vmem_shared>> -> memref<56x64xf32, #tpu.memory_space<vmem_shared>>
        %dma_start3A_37 = arith.constant 0 : i32
        %dma_start3A_38 = tpu.memref_slice %arg8[%add3A, %dma_start3A_37] : memref<25096x64xf32, #tpu.memory_space<vmem_shared>> -> memref<56x64xf32, #tpu.memory_space<vmem_shared>>
        tpu.enqueue_dma source(%arg13 : memref<56x64xf32, #tpu.memory_space<vmem>>) target(%dma_start3A_38 : memref<56x64xf32, #tpu.memory_space<vmem_shared>>) target_semaphore(%run_scoped3A : memref<!tpu.dma_semaphore, #tpu.memory_space<semaphore_mem>>)
        %dma_wait3A = arith.constant 0 : i32
        %dma_wait3A_39 = tpu.memref_slice %arg8[%add3A, %dma_wait3A] : memref<25096x64xf32, #tpu.memory_space<vmem_shared>> -> memref<56x64xf32, #tpu.memory_space<vmem_shared>>
        %dma_wait3A_40 = arith.constant 0 : i32
        %dma_wait3A_41 = tpu.memref_slice %arg8[%add3A, %dma_wait3A_40] : memref<25096x64xf32, #tpu.memory_space<vmem_shared>> -> memref<56x64xf32, #tpu.memory_space<vmem_shared>>
        tpu.wait_dma2 semaphore(%run_scoped3A : memref<!tpu.dma_semaphore, #tpu.memory_space<semaphore_mem>>) src(%arg13 : memref<56x64xf32, #tpu.memory_space<vmem>>) dst(%dma_wait3A_41 : memref<56x64xf32, #tpu.memory_space<vmem_shared>>)
        tpu.yield
      }) : () -> ()
      %scan3A_35 = arith.constant 0 : i32
      scf.yield %scan3A_35 : i32
    }
    %scan3A_13 = arith.constant 28 : i32
    %barrier3A = arith.constant 0 : index
    tpu.barrier barrier_id(%barrier3A)
    %scan3A_14 = arith.constant 0 : i32
    %scan3A_15 = arith.constant 0 : i32
    %scan3A_16 = arith.constant 196 : i32
    %scan3A_17 = arith.addi %scan3A_15, %scan3A_16 : i32
    %scan3A_18 = arith.constant 1 : i32
    %scan3A_19 = scf.for %scan3A_29 = %scan3A_15 to %scan3A_17 step %scan3A_18 iter_args(%scan3A_30 = %scan3A_14) -> (i32)  : i32 {
      %mul3A_31 = arith.constant 16 : i32
      %mul3A_32 = arith.muli %mul3A_31, %scan3A_29 : i32
      %add3A = arith.addi %arg1, %mul3A_32 : i32
      %lt3A = arith.constant 3125 : i32
      %lt3A_33 = arith.cmpi slt, %add3A, %lt3A : i32
      %convert_element_type3A = arith.extui %lt3A_33 : i1 to i32
      %cond3A = arith.constant 0 : i32
      %cond3A_34 = arith.cmpi ne, %convert_element_type3A, %cond3A : i32
      scf.if %cond3A_34 {
        %mul3A_36 = arith.constant 256 : i32
        %mul3A_37 = arith.muli %add3A, %mul3A_36 : i32
        "tpu.region"() ({
          %run_scoped3A = tpu.sem_alloc : memref<!tpu.dma_semaphore, #tpu.memory_space<semaphore_mem>>
          %dma_start3A_676 = tpu.memref_slice %arg2[%mul3A_37] : memref<800000xi32, #tpu.memory_space<hbm>> -> memref<256xi32, #tpu.memory_space<hbm>>
          %dma_start3A_677 = tpu.memref_slice %arg2[%mul3A_37] : memref<800000xi32, #tpu.memory_space<hbm>> -> memref<256xi32, #tpu.memory_space<hbm>>
          tpu.enqueue_dma source(%dma_start3A_677 : memref<256xi32, #tpu.memory_space<hbm>>) target(%arg9 : memref<256xi32, #tpu.memory_space<vmem>>) target_semaphore(%run_scoped3A : memref<!tpu.dma_semaphore, #tpu.memory_space<semaphore_mem>>)
          %dma_wait3A_678 = tpu.memref_slice %arg2[%mul3A_37] : memref<800000xi32, #tpu.memory_space<hbm>> -> memref<256xi32, #tpu.memory_space<hbm>>
          %dma_wait3A_679 = tpu.memref_slice %arg2[%mul3A_37] : memref<800000xi32, #tpu.memory_space<hbm>> -> memref<256xi32, #tpu.memory_space<hbm>>
          tpu.wait_dma2 semaphore(%run_scoped3A : memref<!tpu.dma_semaphore, #tpu.memory_space<semaphore_mem>>) src(%dma_wait3A_679 : memref<256xi32, #tpu.memory_space<hbm>>) dst(%arg9 : memref<256xi32, #tpu.memory_space<vmem>>)
          tpu.yield
        }) : () -> ()
        "tpu.region"() ({
          %run_scoped3A = tpu.sem_alloc : memref<!tpu.dma_semaphore, #tpu.memory_space<semaphore_mem>>
          %dma_start3A_676 = tpu.memref_slice %arg3[%mul3A_37] : memref<800000xi32, #tpu.memory_space<hbm>> -> memref<256xi32, #tpu.memory_space<hbm>>
          %dma_start3A_677 = tpu.memref_slice %arg3[%mul3A_37] : memref<800000xi32, #tpu.memory_space<hbm>> -> memref<256xi32, #tpu.memory_space<hbm>>
          tpu.enqueue_dma source(%dma_start3A_677 : memref<256xi32, #tpu.memory_space<hbm>>) target(%arg10 : memref<256xi32, #tpu.memory_space<vmem>>) target_semaphore(%run_scoped3A : memref<!tpu.dma_semaphore, #tpu.memory_space<semaphore_mem>>)
          %dma_wait3A_678 = tpu.memref_slice %arg3[%mul3A_37] : memref<800000xi32, #tpu.memory_space<hbm>> -> memref<256xi32, #tpu.memory_space<hbm>>
          %dma_wait3A_679 = tpu.memref_slice %arg3[%mul3A_37] : memref<800000xi32, #tpu.memory_space<hbm>> -> memref<256xi32, #tpu.memory_space<hbm>>
          tpu.wait_dma2 semaphore(%run_scoped3A : memref<!tpu.dma_semaphore, #tpu.memory_space<semaphore_mem>>) src(%dma_wait3A_679 : memref<256xi32, #tpu.memory_space<hbm>>) dst(%arg10 : memref<256xi32, #tpu.memory_space<vmem>>)
          tpu.yield
        }) : () -> ()
        %get3A = arith.constant 0 : index
        %get3A_38 = tpu.vector_load %arg10[%get3A] {strides = array<i32>} : memref<256xi32, #tpu.memory_space<vmem>>, vector<16xi32>,
        %get3A_39 = vector.shape_cast %get3A_38 : vector<16xi32> to vector<16xi32>
        %ge3A = vector.broadcast %mul3A_0 : i32 to vector<16xi32>
        %ge3A_40 = arith.cmpi sge, %get3A_39, %ge3A : vector<16xi32>
        %add3A_41 = arith.constant 25000 : i32
        %add3A_42 = arith.addi %mul3A_0, %add3A_41 : i32
        %lt3A_43 = vector.broadcast %add3A_42 : i32 to vector<16xi32>
        %lt3A_44 = arith.cmpi slt, %get3A_39, %lt3A_43 : vector<16xi32>
        %and3A = arith.andi %ge3A_40, %lt3A_44 : vector<16xi1>
        %sub3A = vector.broadcast %mul3A_0 : i32 to vector<16xi32>
        %sub3A_45 = arith.subi %get3A_39, %sub3A : vector<16xi32>
        %jit3A = arith.constant 25088 : i32
        %broadcast_in_dim3A = vector.broadcast %jit3A : i32 to vector<16xi32>
        %select_n3A = arith.select %and3A, %sub3A_45, %broadcast_in_dim3A : vector<16xi1>, vector<16xi32>
        %swap3A = arith.constant 0 : i32
        %swap3A_46 = arith.index_cast %swap3A : i32 to index
        %swap3A_47 = arith.constant 0 : index
        %swap3A_48 = tpu.vector_load %arg11[%swap3A_46, %swap3A_47] {strides = array<i32>} : memref<2x128xi32, #tpu.memory_space<vmem>>, vector<1x16xi32>,
        %swap3A_49 = vector.shape_cast %swap3A_48 : vector<1x16xi32> to vector<16xi32>
        %swap3A_50 = vector.shape_cast %select_n3A : vector<16xi32> to vector<1x16xi32>
        tpu.vector_store %arg11[%swap3A_46, %swap3A_47], %swap3A_50 {strides = array<i32>} : memref<2x128xi32, #tpu.memory_space<vmem>>, vector<1x16xi32>,
        %get3A_51 = arith.constant 16 : index
        %get3A_52 = tpu.vector_load %arg10[%get3A_51] {strides = array<i32>} : memref<256xi32, #tpu.memory_space<vmem>>, vector<16xi32>,
        %get3A_53 = vector.shape_cast %get3A_52 : vector<16xi32> to vector<16xi32>
        %ge3A_54 = vector.broadcast %mul3A_0 : i32 to vector<16xi32>
        %ge3A_55 = arith.cmpi sge, %get3A_53, %ge3A_54 : vector<16xi32>
        %add3A_56 = arith.constant 25000 : i32
        %add3A_57 = arith.addi %mul3A_0, %add3A_56 : i32
        %lt3A_58 = vector.broadcast %add3A_57 : i32 to vector<16xi32>
        %lt3A_59 = arith.cmpi slt, %get3A_53, %lt3A_58 : vector<16xi32>
        %and3A_60 = arith.andi %ge3A_55, %lt3A_59 : vector<16xi1>
        %sub3A_61 = vector.broadcast %mul3A_0 : i32 to vector<16xi32>
        %sub3A_62 = arith.subi %get3A_53, %sub3A_61 : vector<16xi32>
        %jit3A_63 = arith.constant 25088 : i32
        %broadcast_in_dim3A_64 = vector.broadcast %jit3A_63 : i32 to vector<16xi32>
        %select_n3A_65 = arith.select %and3A_60, %sub3A_62, %broadcast_in_dim3A_64 : vector<16xi1>, vector<16xi32>
        %swap3A_66 = arith.constant 0 : i32
        %swap3A_67 = arith.index_cast %swap3A_66 : i32 to index
        %swap3A_68 = arith.constant 16 : index
        %swap3A_69 = tpu.vector_load %arg11[%swap3A_67, %swap3A_68] {strides = array<i32>} : memref<2x128xi32, #tpu.memory_space<vmem>>, vector<1x16xi32>,
        %swap3A_70 = vector.shape_cast %swap3A_69 : vector<1x16xi32> to vector<16xi32>
        %swap3A_71 = vector.shape_cast %select_n3A_65 : vector<16xi32> to vector<1x16xi32>
        tpu.vector_store %arg11[%swap3A_67, %swap3A_68], %swap3A_71 {strides = array<i32>} : memref<2x128xi32, #tpu.memory_space<vmem>>, vector<1x16xi32>,
        %get3A_72 = arith.constant 32 : index
        %get3A_73 = tpu.vector_load %arg10[%get3A_72] {strides = array<i32>} : memref<256xi32, #tpu.memory_space<vmem>>, vector<16xi32>,
        %get3A_74 = vector.shape_cast %get3A_73 : vector<16xi32> to vector<16xi32>
        %ge3A_75 = vector.broadcast %mul3A_0 : i32 to vector<16xi32>
        %ge3A_76 = arith.cmpi sge, %get3A_74, %ge3A_75 : vector<16xi32>
        %add3A_77 = arith.constant 25000 : i32
        %add3A_78 = arith.addi %mul3A_0, %add3A_77 : i32
        %lt3A_79 = vector.broadcast %add3A_78 : i32 to vector<16xi32>
        %lt3A_80 = arith.cmpi slt, %get3A_74, %lt3A_79 : vector<16xi32>
        %and3A_81 = arith.andi %ge3A_76, %lt3A_80 : vector<16xi1>
        %sub3A_82 = vector.broadcast %mul3A_0 : i32 to vector<16xi32>
        %sub3A_83 = arith.subi %get3A_74, %sub3A_82 : vector<16xi32>
        %jit3A_84 = arith.constant 25088 : i32
        %broadcast_in_dim3A_85 = vector.broadcast %jit3A_84 : i32 to vector<16xi32>
        %select_n3A_86 = arith.select %and3A_81, %sub3A_83, %broadcast_in_dim3A_85 : vector<16xi1>, vector<16xi32>
        %swap3A_87 = arith.constant 0 : i32
        %swap3A_88 = arith.index_cast %swap3A_87 : i32 to index
        %swap3A_89 = arith.constant 32 : index
        %swap3A_90 = tpu.vector_load %arg11[%swap3A_88, %swap3A_89] {strides = array<i32>} : memref<2x128xi32, #tpu.memory_space<vmem>>, vector<1x16xi32>,
        %swap3A_91 = vector.shape_cast %swap3A_90 : vector<1x16xi32> to vector<16xi32>
        %swap3A_92 = vector.shape_cast %select_n3A_86 : vector<16xi32> to vector<1x16xi32>
        tpu.vector_store %arg11[%swap3A_88, %swap3A_89], %swap3A_92 {strides = array<i32>} : memref<2x128xi32, #tpu.memory_space<vmem>>, vector<1x16xi32>,
        %get3A_93 = arith.constant 48 : index
        %get3A_94 = tpu.vector_load %arg10[%get3A_93] {strides = array<i32>} : memref<256xi32, #tpu.memory_space<vmem>>, vector<16xi32>,
        %get3A_95 = vector.shape_cast %get3A_94 : vector<16xi32> to vector<16xi32>
        %ge3A_96 = vector.broadcast %mul3A_0 : i32 to vector<16xi32>
        %ge3A_97 = arith.cmpi sge, %get3A_95, %ge3A_96 : vector<16xi32>
        %add3A_98 = arith.constant 25000 : i32
        %add3A_99 = arith.addi %mul3A_0, %add3A_98 : i32
        %lt3A_100 = vector.broadcast %add3A_99 : i32 to vector<16xi32>
        %lt3A_101 = arith.cmpi slt, %get3A_95, %lt3A_100 : vector<16xi32>
        %and3A_102 = arith.andi %ge3A_97, %lt3A_101 : vector<16xi1>
        %sub3A_103 = vector.broadcast %mul3A_0 : i32 to vector<16xi32>
        %sub3A_104 = arith.subi %get3A_95, %sub3A_103 : vector<16xi32>
        %jit3A_105 = arith.constant 25088 : i32
        %broadcast_in_dim3A_106 = vector.broadcast %jit3A_105 : i32 to vector<16xi32>
        %select_n3A_107 = arith.select %and3A_102, %sub3A_104, %broadcast_in_dim3A_106 : vector<16xi1>, vector<16xi32>
        %swap3A_108 = arith.constant 0 : i32
        %swap3A_109 = arith.index_cast %swap3A_108 : i32 to index
        %swap3A_110 = arith.constant 48 : index
        %swap3A_111 = tpu.vector_load %arg11[%swap3A_109, %swap3A_110] {strides = array<i32>} : memref<2x128xi32, #tpu.memory_space<vmem>>, vector<1x16xi32>,
        %swap3A_112 = vector.shape_cast %swap3A_111 : vector<1x16xi32> to vector<16xi32>
        %swap3A_113 = vector.shape_cast %select_n3A_107 : vector<16xi32> to vector<1x16xi32>
        tpu.vector_store %arg11[%swap3A_109, %swap3A_110], %swap3A_113 {strides = array<i32>} : memref<2x128xi32, #tpu.memory_space<vmem>>, vector<1x16xi32>,
        %get3A_114 = arith.constant 64 : index
        %get3A_115 = tpu.vector_load %arg10[%get3A_114] {strides = array<i32>} : memref<256xi32, #tpu.memory_space<vmem>>, vector<16xi32>,
        %get3A_116 = vector.shape_cast %get3A_115 : vector<16xi32> to vector<16xi32>
        %ge3A_117 = vector.broadcast %mul3A_0 : i32 to vector<16xi32>
        %ge3A_118 = arith.cmpi sge, %get3A_116, %ge3A_117 : vector<16xi32>
        %add3A_119 = arith.constant 25000 : i32
        %add3A_120 = arith.addi %mul3A_0, %add3A_119 : i32
        %lt3A_121 = vector.broadcast %add3A_120 : i32 to vector<16xi32>
        %lt3A_122 = arith.cmpi slt, %get3A_116, %lt3A_121 : vector<16xi32>
        %and3A_123 = arith.andi %ge3A_118, %lt3A_122 : vector<16xi1>
        %sub3A_124 = vector.broadcast %mul3A_0 : i32 to vector<16xi32>
        %sub3A_125 = arith.subi %get3A_116, %sub3A_124 : vector<16xi32>
        %jit3A_126 = arith.constant 25088 : i32
        %broadcast_in_dim3A_127 = vector.broadcast %jit3A_126 : i32 to vector<16xi32>
        %select_n3A_128 = arith.select %and3A_123, %sub3A_125, %broadcast_in_dim3A_127 : vector<16xi1>, vector<16xi32>
        %swap3A_129 = arith.constant 0 : i32
        %swap3A_130 = arith.index_cast %swap3A_129 : i32 to index
        %swap3A_131 = arith.constant 64 : index
        %swap3A_132 = tpu.vector_load %arg11[%swap3A_130, %swap3A_131] {strides = array<i32>} : memref<2x128xi32, #tpu.memory_space<vmem>>, vector<1x16xi32>,
        %swap3A_133 = vector.shape_cast %swap3A_132 : vector<1x16xi32> to vector<16xi32>
        %swap3A_134 = vector.shape_cast %select_n3A_128 : vector<16xi32> to vector<1x16xi32>
        tpu.vector_store %arg11[%swap3A_130, %swap3A_131], %swap3A_134 {strides = array<i32>} : memref<2x128xi32, #tpu.memory_space<vmem>>, vector<1x16xi32>,
        %get3A_135 = arith.constant 80 : index
        %get3A_136 = tpu.vector_load %arg10[%get3A_135] {strides = array<i32>} : memref<256xi32, #tpu.memory_space<vmem>>, vector<16xi32>,
        %get3A_137 = vector.shape_cast %get3A_136 : vector<16xi32> to vector<16xi32>
        %ge3A_138 = vector.broadcast %mul3A_0 : i32 to vector<16xi32>
        %ge3A_139 = arith.cmpi sge, %get3A_137, %ge3A_138 : vector<16xi32>
        %add3A_140 = arith.constant 25000 : i32
        %add3A_141 = arith.addi %mul3A_0, %add3A_140 : i32
        %lt3A_142 = vector.broadcast %add3A_141 : i32 to vector<16xi32>
        %lt3A_143 = arith.cmpi slt, %get3A_137, %lt3A_142 : vector<16xi32>
        %and3A_144 = arith.andi %ge3A_139, %lt3A_143 : vector<16xi1>
        %sub3A_145 = vector.broadcast %mul3A_0 : i32 to vector<16xi32>
        %sub3A_146 = arith.subi %get3A_137, %sub3A_145 : vector<16xi32>
        %jit3A_147 = arith.constant 25088 : i32
        %broadcast_in_dim3A_148 = vector.broadcast %jit3A_147 : i32 to vector<16xi32>
        %select_n3A_149 = arith.select %and3A_144, %sub3A_146, %broadcast_in_dim3A_148 : vector<16xi1>, vector<16xi32>
        %swap3A_150 = arith.constant 0 : i32
        %swap3A_151 = arith.index_cast %swap3A_150 : i32 to index
        %swap3A_152 = arith.constant 80 : index
        %swap3A_153 = tpu.vector_load %arg11[%swap3A_151, %swap3A_152] {strides = array<i32>} : memref<2x128xi32, #tpu.memory_space<vmem>>, vector<1x16xi32>,
        %swap3A_154 = vector.shape_cast %swap3A_153 : vector<1x16xi32> to vector<16xi32>
        %swap3A_155 = vector.shape_cast %select_n3A_149 : vector<16xi32> to vector<1x16xi32>
        tpu.vector_store %arg11[%swap3A_151, %swap3A_152], %swap3A_155 {strides = array<i32>} : memref<2x128xi32, #tpu.memory_space<vmem>>, vector<1x16xi32>,
        %get3A_156 = arith.constant 96 : index
        %get3A_157 = tpu.vector_load %arg10[%get3A_156] {strides = array<i32>} : memref<256xi32, #tpu.memory_space<vmem>>, vector<16xi32>,
        %get3A_158 = vector.shape_cast %get3A_157 : vector<16xi32> to vector<16xi32>
        %ge3A_159 = vector.broadcast %mul3A_0 : i32 to vector<16xi32>
        %ge3A_160 = arith.cmpi sge, %get3A_158, %ge3A_159 : vector<16xi32>
        %add3A_161 = arith.constant 25000 : i32
        %add3A_162 = arith.addi %mul3A_0, %add3A_161 : i32
        %lt3A_163 = vector.broadcast %add3A_162 : i32 to vector<16xi32>
        %lt3A_164 = arith.cmpi slt, %get3A_158, %lt3A_163 : vector<16xi32>
        %and3A_165 = arith.andi %ge3A_160, %lt3A_164 : vector<16xi1>
        %sub3A_166 = vector.broadcast %mul3A_0 : i32 to vector<16xi32>
        %sub3A_167 = arith.subi %get3A_158, %sub3A_166 : vector<16xi32>
        %jit3A_168 = arith.constant 25088 : i32
        %broadcast_in_dim3A_169 = vector.broadcast %jit3A_168 : i32 to vector<16xi32>
        %select_n3A_170 = arith.select %and3A_165, %sub3A_167, %broadcast_in_dim3A_169 : vector<16xi1>, vector<16xi32>
        %swap3A_171 = arith.constant 0 : i32
        %swap3A_172 = arith.index_cast %swap3A_171 : i32 to index
        %swap3A_173 = arith.constant 96 : index
        %swap3A_174 = tpu.vector_load %arg11[%swap3A_172, %swap3A_173] {strides = array<i32>} : memref<2x128xi32, #tpu.memory_space<vmem>>, vector<1x16xi32>,
        %swap3A_175 = vector.shape_cast %swap3A_174 : vector<1x16xi32> to vector<16xi32>
        %swap3A_176 = vector.shape_cast %select_n3A_170 : vector<16xi32> to vector<1x16xi32>
        tpu.vector_store %arg11[%swap3A_172, %swap3A_173], %swap3A_176 {strides = array<i32>} : memref<2x128xi32, #tpu.memory_space<vmem>>, vector<1x16xi32>,
        %get3A_177 = arith.constant 112 : index
        %get3A_178 = tpu.vector_load %arg10[%get3A_177] {strides = array<i32>} : memref<256xi32, #tpu.memory_space<vmem>>, vector<16xi32>,
        %get3A_179 = vector.shape_cast %get3A_178 : vector<16xi32> to vector<16xi32>
        %ge3A_180 = vector.broadcast %mul3A_0 : i32 to vector<16xi32>
        %ge3A_181 = arith.cmpi sge, %get3A_179, %ge3A_180 : vector<16xi32>
        %add3A_182 = arith.constant 25000 : i32
        %add3A_183 = arith.addi %mul3A_0, %add3A_182 : i32
        %lt3A_184 = vector.broadcast %add3A_183 : i32 to vector<16xi32>
        %lt3A_185 = arith.cmpi slt, %get3A_179, %lt3A_184 : vector<16xi32>
        %and3A_186 = arith.andi %ge3A_181, %lt3A_185 : vector<16xi1>
        %sub3A_187 = vector.broadcast %mul3A_0 : i32 to vector<16xi32>
        %sub3A_188 = arith.subi %get3A_179, %sub3A_187 : vector<16xi32>
        %jit3A_189 = arith.constant 25088 : i32
        %broadcast_in_dim3A_190 = vector.broadcast %jit3A_189 : i32 to vector<16xi32>
        %select_n3A_191 = arith.select %and3A_186, %sub3A_188, %broadcast_in_dim3A_190 : vector<16xi1>, vector<16xi32>
        %swap3A_192 = arith.constant 0 : i32
        %swap3A_193 = arith.index_cast %swap3A_192 : i32 to index
        %swap3A_194 = arith.constant 112 : index
        %swap3A_195 = tpu.vector_load %arg11[%swap3A_193, %swap3A_194] {strides = array<i32>} : memref<2x128xi32, #tpu.memory_space<vmem>>, vector<1x16xi32>,
        %swap3A_196 = vector.shape_cast %swap3A_195 : vector<1x16xi32> to vector<16xi32>
        %swap3A_197 = vector.shape_cast %select_n3A_191 : vector<16xi32> to vector<1x16xi32>
        tpu.vector_store %arg11[%swap3A_193, %swap3A_194], %swap3A_197 {strides = array<i32>} : memref<2x128xi32, #tpu.memory_space<vmem>>, vector<1x16xi32>,
        %get3A_198 = arith.constant 128 : index
        %get3A_199 = tpu.vector_load %arg10[%get3A_198] {strides = array<i32>} : memref<256xi32, #tpu.memory_space<vmem>>, vector<16xi32>,
        %get3A_200 = vector.shape_cast %get3A_199 : vector<16xi32> to vector<16xi32>
        %ge3A_201 = vector.broadcast %mul3A_0 : i32 to vector<16xi32>
        %ge3A_202 = arith.cmpi sge, %get3A_200, %ge3A_201 : vector<16xi32>
        %add3A_203 = arith.constant 25000 : i32
        %add3A_204 = arith.addi %mul3A_0, %add3A_203 : i32
        %lt3A_205 = vector.broadcast %add3A_204 : i32 to vector<16xi32>
        %lt3A_206 = arith.cmpi slt, %get3A_200, %lt3A_205 : vector<16xi32>
        %and3A_207 = arith.andi %ge3A_202, %lt3A_206 : vector<16xi1>
        %sub3A_208 = vector.broadcast %mul3A_0 : i32 to vector<16xi32>
        %sub3A_209 = arith.subi %get3A_200, %sub3A_208 : vector<16xi32>
        %jit3A_210 = arith.constant 25088 : i32
        %broadcast_in_dim3A_211 = vector.broadcast %jit3A_210 : i32 to vector<16xi32>
        %select_n3A_212 = arith.select %and3A_207, %sub3A_209, %broadcast_in_dim3A_211 : vector<16xi1>, vector<16xi32>
        %swap3A_213 = arith.constant 1 : i32
        %swap3A_214 = arith.index_cast %swap3A_213 : i32 to index
        %swap3A_215 = arith.constant 0 : index
        %swap3A_216 = tpu.vector_load %arg11[%swap3A_214, %swap3A_215] {strides = array<i32>} : memref<2x128xi32, #tpu.memory_space<vmem>>, vector<1x16xi32>,
        %swap3A_217 = vector.shape_cast %swap3A_216 : vector<1x16xi32> to vector<16xi32>
        %swap3A_218 = vector.shape_cast %select_n3A_212 : vector<16xi32> to vector<1x16xi32>
        tpu.vector_store %arg11[%swap3A_214, %swap3A_215], %swap3A_218 {strides = array<i32>} : memref<2x128xi32, #tpu.memory_space<vmem>>, vector<1x16xi32>,
        %get3A_219 = arith.constant 144 : index
        %get3A_220 = tpu.vector_load %arg10[%get3A_219] {strides = array<i32>} : memref<256xi32, #tpu.memory_space<vmem>>, vector<16xi32>,
        %get3A_221 = vector.shape_cast %get3A_220 : vector<16xi32> to vector<16xi32>
        %ge3A_222 = vector.broadcast %mul3A_0 : i32 to vector<16xi32>
        %ge3A_223 = arith.cmpi sge, %get3A_221, %ge3A_222 : vector<16xi32>
        %add3A_224 = arith.constant 25000 : i32
        %add3A_225 = arith.addi %mul3A_0, %add3A_224 : i32
        %lt3A_226 = vector.broadcast %add3A_225 : i32 to vector<16xi32>
        %lt3A_227 = arith.cmpi slt, %get3A_221, %lt3A_226 : vector<16xi32>
        %and3A_228 = arith.andi %ge3A_223, %lt3A_227 : vector<16xi1>
        %sub3A_229 = vector.broadcast %mul3A_0 : i32 to vector<16xi32>
        %sub3A_230 = arith.subi %get3A_221, %sub3A_229 : vector<16xi32>
        %jit3A_231 = arith.constant 25088 : i32
        %broadcast_in_dim3A_232 = vector.broadcast %jit3A_231 : i32 to vector<16xi32>
        %select_n3A_233 = arith.select %and3A_228, %sub3A_230, %broadcast_in_dim3A_232 : vector<16xi1>, vector<16xi32>
        %swap3A_234 = arith.constant 1 : i32
        %swap3A_235 = arith.index_cast %swap3A_234 : i32 to index
        %swap3A_236 = arith.constant 16 : index
        %swap3A_237 = tpu.vector_load %arg11[%swap3A_235, %swap3A_236] {strides = array<i32>} : memref<2x128xi32, #tpu.memory_space<vmem>>, vector<1x16xi32>,
        %swap3A_238 = vector.shape_cast %swap3A_237 : vector<1x16xi32> to vector<16xi32>
        %swap3A_239 = vector.shape_cast %select_n3A_233 : vector<16xi32> to vector<1x16xi32>
        tpu.vector_store %arg11[%swap3A_235, %swap3A_236], %swap3A_239 {strides = array<i32>} : memref<2x128xi32, #tpu.memory_space<vmem>>, vector<1x16xi32>,
        %get3A_240 = arith.constant 160 : index
        %get3A_241 = tpu.vector_load %arg10[%get3A_240] {strides = array<i32>} : memref<256xi32, #tpu.memory_space<vmem>>, vector<16xi32>,
        %get3A_242 = vector.shape_cast %get3A_241 : vector<16xi32> to vector<16xi32>
        %ge3A_243 = vector.broadcast %mul3A_0 : i32 to vector<16xi32>
        %ge3A_244 = arith.cmpi sge, %get3A_242, %ge3A_243 : vector<16xi32>
        %add3A_245 = arith.constant 25000 : i32
        %add3A_246 = arith.addi %mul3A_0, %add3A_245 : i32
        %lt3A_247 = vector.broadcast %add3A_246 : i32 to vector<16xi32>
        %lt3A_248 = arith.cmpi slt, %get3A_242, %lt3A_247 : vector<16xi32>
        %and3A_249 = arith.andi %ge3A_244, %lt3A_248 : vector<16xi1>
        %sub3A_250 = vector.broadcast %mul3A_0 : i32 to vector<16xi32>
        %sub3A_251 = arith.subi %get3A_242, %sub3A_250 : vector<16xi32>
        %jit3A_252 = arith.constant 25088 : i32
        %broadcast_in_dim3A_253 = vector.broadcast %jit3A_252 : i32 to vector<16xi32>
        %select_n3A_254 = arith.select %and3A_249, %sub3A_251, %broadcast_in_dim3A_253 : vector<16xi1>, vector<16xi32>
        %swap3A_255 = arith.constant 1 : i32
        %swap3A_256 = arith.index_cast %swap3A_255 : i32 to index
        %swap3A_257 = arith.constant 32 : index
        %swap3A_258 = tpu.vector_load %arg11[%swap3A_256, %swap3A_257] {strides = array<i32>} : memref<2x128xi32, #tpu.memory_space<vmem>>, vector<1x16xi32>,
        %swap3A_259 = vector.shape_cast %swap3A_258 : vector<1x16xi32> to vector<16xi32>
        %swap3A_260 = vector.shape_cast %select_n3A_254 : vector<16xi32> to vector<1x16xi32>
        tpu.vector_store %arg11[%swap3A_256, %swap3A_257], %swap3A_260 {strides = array<i32>} : memref<2x128xi32, #tpu.memory_space<vmem>>, vector<1x16xi32>,
        %get3A_261 = arith.constant 176 : index
        %get3A_262 = tpu.vector_load %arg10[%get3A_261] {strides = array<i32>} : memref<256xi32, #tpu.memory_space<vmem>>, vector<16xi32>,
        %get3A_263 = vector.shape_cast %get3A_262 : vector<16xi32> to vector<16xi32>
        %ge3A_264 = vector.broadcast %mul3A_0 : i32 to vector<16xi32>
        %ge3A_265 = arith.cmpi sge, %get3A_263, %ge3A_264 : vector<16xi32>
        %add3A_266 = arith.constant 25000 : i32
        %add3A_267 = arith.addi %mul3A_0, %add3A_266 : i32
        %lt3A_268 = vector.broadcast %add3A_267 : i32 to vector<16xi32>
        %lt3A_269 = arith.cmpi slt, %get3A_263, %lt3A_268 : vector<16xi32>
        %and3A_270 = arith.andi %ge3A_265, %lt3A_269 : vector<16xi1>
        %sub3A_271 = vector.broadcast %mul3A_0 : i32 to vector<16xi32>
        %sub3A_272 = arith.subi %get3A_263, %sub3A_271 : vector<16xi32>
        %jit3A_273 = arith.constant 25088 : i32
        %broadcast_in_dim3A_274 = vector.broadcast %jit3A_273 : i32 to vector<16xi32>
        %select_n3A_275 = arith.select %and3A_270, %sub3A_272, %broadcast_in_dim3A_274 : vector<16xi1>, vector<16xi32>
        %swap3A_276 = arith.constant 1 : i32
        %swap3A_277 = arith.index_cast %swap3A_276 : i32 to index
        %swap3A_278 = arith.constant 48 : index
        %swap3A_279 = tpu.vector_load %arg11[%swap3A_277, %swap3A_278] {strides = array<i32>} : memref<2x128xi32, #tpu.memory_space<vmem>>, vector<1x16xi32>,
        %swap3A_280 = vector.shape_cast %swap3A_279 : vector<1x16xi32> to vector<16xi32>
        %swap3A_281 = vector.shape_cast %select_n3A_275 : vector<16xi32> to vector<1x16xi32>
        tpu.vector_store %arg11[%swap3A_277, %swap3A_278], %swap3A_281 {strides = array<i32>} : memref<2x128xi32, #tpu.memory_space<vmem>>, vector<1x16xi32>,
        %get3A_282 = arith.constant 192 : index
        %get3A_283 = tpu.vector_load %arg10[%get3A_282] {strides = array<i32>} : memref<256xi32, #tpu.memory_space<vmem>>, vector<16xi32>,
        %get3A_284 = vector.shape_cast %get3A_283 : vector<16xi32> to vector<16xi32>
        %ge3A_285 = vector.broadcast %mul3A_0 : i32 to vector<16xi32>
        %ge3A_286 = arith.cmpi sge, %get3A_284, %ge3A_285 : vector<16xi32>
        %add3A_287 = arith.constant 25000 : i32
        %add3A_288 = arith.addi %mul3A_0, %add3A_287 : i32
        %lt3A_289 = vector.broadcast %add3A_288 : i32 to vector<16xi32>
        %lt3A_290 = arith.cmpi slt, %get3A_284, %lt3A_289 : vector<16xi32>
        %and3A_291 = arith.andi %ge3A_286, %lt3A_290 : vector<16xi1>
        %sub3A_292 = vector.broadcast %mul3A_0 : i32 to vector<16xi32>
        %sub3A_293 = arith.subi %get3A_284, %sub3A_292 : vector<16xi32>
        %jit3A_294 = arith.constant 25088 : i32
        %broadcast_in_dim3A_295 = vector.broadcast %jit3A_294 : i32 to vector<16xi32>
        %select_n3A_296 = arith.select %and3A_291, %sub3A_293, %broadcast_in_dim3A_295 : vector<16xi1>, vector<16xi32>
        %swap3A_297 = arith.constant 1 : i32
        %swap3A_298 = arith.index_cast %swap3A_297 : i32 to index
        %swap3A_299 = arith.constant 64 : index
        %swap3A_300 = tpu.vector_load %arg11[%swap3A_298, %swap3A_299] {strides = array<i32>} : memref<2x128xi32, #tpu.memory_space<vmem>>, vector<1x16xi32>,
        %swap3A_301 = vector.shape_cast %swap3A_300 : vector<1x16xi32> to vector<16xi32>
        %swap3A_302 = vector.shape_cast %select_n3A_296 : vector<16xi32> to vector<1x16xi32>
        tpu.vector_store %arg11[%swap3A_298, %swap3A_299], %swap3A_302 {strides = array<i32>} : memref<2x128xi32, #tpu.memory_space<vmem>>, vector<1x16xi32>,
        %get3A_303 = arith.constant 208 : index
        %get3A_304 = tpu.vector_load %arg10[%get3A_303] {strides = array<i32>} : memref<256xi32, #tpu.memory_space<vmem>>, vector<16xi32>,
        %get3A_305 = vector.shape_cast %get3A_304 : vector<16xi32> to vector<16xi32>
        %ge3A_306 = vector.broadcast %mul3A_0 : i32 to vector<16xi32>
        %ge3A_307 = arith.cmpi sge, %get3A_305, %ge3A_306 : vector<16xi32>
        %add3A_308 = arith.constant 25000 : i32
        %add3A_309 = arith.addi %mul3A_0, %add3A_308 : i32
        %lt3A_310 = vector.broadcast %add3A_309 : i32 to vector<16xi32>
        %lt3A_311 = arith.cmpi slt, %get3A_305, %lt3A_310 : vector<16xi32>
        %and3A_312 = arith.andi %ge3A_307, %lt3A_311 : vector<16xi1>
        %sub3A_313 = vector.broadcast %mul3A_0 : i32 to vector<16xi32>
        %sub3A_314 = arith.subi %get3A_305, %sub3A_313 : vector<16xi32>
        %jit3A_315 = arith.constant 25088 : i32
        %broadcast_in_dim3A_316 = vector.broadcast %jit3A_315 : i32 to vector<16xi32>
        %select_n3A_317 = arith.select %and3A_312, %sub3A_314, %broadcast_in_dim3A_316 : vector<16xi1>, vector<16xi32>
        %swap3A_318 = arith.constant 1 : i32
        %swap3A_319 = arith.index_cast %swap3A_318 : i32 to index
        %swap3A_320 = arith.constant 80 : index
        %swap3A_321 = tpu.vector_load %arg11[%swap3A_319, %swap3A_320] {strides = array<i32>} : memref<2x128xi32, #tpu.memory_space<vmem>>, vector<1x16xi32>,
        %swap3A_322 = vector.shape_cast %swap3A_321 : vector<1x16xi32> to vector<16xi32>
        %swap3A_323 = vector.shape_cast %select_n3A_317 : vector<16xi32> to vector<1x16xi32>
        tpu.vector_store %arg11[%swap3A_319, %swap3A_320], %swap3A_323 {strides = array<i32>} : memref<2x128xi32, #tpu.memory_space<vmem>>, vector<1x16xi32>,
        %get3A_324 = arith.constant 224 : index
        %get3A_325 = tpu.vector_load %arg10[%get3A_324] {strides = array<i32>} : memref<256xi32, #tpu.memory_space<vmem>>, vector<16xi32>,
        %get3A_326 = vector.shape_cast %get3A_325 : vector<16xi32> to vector<16xi32>
        %ge3A_327 = vector.broadcast %mul3A_0 : i32 to vector<16xi32>
        %ge3A_328 = arith.cmpi sge, %get3A_326, %ge3A_327 : vector<16xi32>
        %add3A_329 = arith.constant 25000 : i32
        %add3A_330 = arith.addi %mul3A_0, %add3A_329 : i32
        %lt3A_331 = vector.broadcast %add3A_330 : i32 to vector<16xi32>
        %lt3A_332 = arith.cmpi slt, %get3A_326, %lt3A_331 : vector<16xi32>
        %and3A_333 = arith.andi %ge3A_328, %lt3A_332 : vector<16xi1>
        %sub3A_334 = vector.broadcast %mul3A_0 : i32 to vector<16xi32>
        %sub3A_335 = arith.subi %get3A_326, %sub3A_334 : vector<16xi32>
        %jit3A_336 = arith.constant 25088 : i32
        %broadcast_in_dim3A_337 = vector.broadcast %jit3A_336 : i32 to vector<16xi32>
        %select_n3A_338 = arith.select %and3A_333, %sub3A_335, %broadcast_in_dim3A_337 : vector<16xi1>, vector<16xi32>
        %swap3A_339 = arith.constant 1 : i32
        %swap3A_340 = arith.index_cast %swap3A_339 : i32 to index
        %swap3A_341 = arith.constant 96 : index
        %swap3A_342 = tpu.vector_load %arg11[%swap3A_340, %swap3A_341] {strides = array<i32>} : memref<2x128xi32, #tpu.memory_space<vmem>>, vector<1x16xi32>,
        %swap3A_343 = vector.shape_cast %swap3A_342 : vector<1x16xi32> to vector<16xi32>
        %swap3A_344 = vector.shape_cast %select_n3A_338 : vector<16xi32> to vector<1x16xi32>
        tpu.vector_store %arg11[%swap3A_340, %swap3A_341], %swap3A_344 {strides = array<i32>} : memref<2x128xi32, #tpu.memory_space<vmem>>, vector<1x16xi32>,
        %get3A_345 = arith.constant 240 : index
        %get3A_346 = tpu.vector_load %arg10[%get3A_345] {strides = array<i32>} : memref<256xi32, #tpu.memory_space<vmem>>, vector<16xi32>,
        %get3A_347 = vector.shape_cast %get3A_346 : vector<16xi32> to vector<16xi32>
        %ge3A_348 = vector.broadcast %mul3A_0 : i32 to vector<16xi32>
        %ge3A_349 = arith.cmpi sge, %get3A_347, %ge3A_348 : vector<16xi32>
        %add3A_350 = arith.constant 25000 : i32
        %add3A_351 = arith.addi %mul3A_0, %add3A_350 : i32
        %lt3A_352 = vector.broadcast %add3A_351 : i32 to vector<16xi32>
        %lt3A_353 = arith.cmpi slt, %get3A_347, %lt3A_352 : vector<16xi32>
        %and3A_354 = arith.andi %ge3A_349, %lt3A_353 : vector<16xi1>
        %sub3A_355 = vector.broadcast %mul3A_0 : i32 to vector<16xi32>
        %sub3A_356 = arith.subi %get3A_347, %sub3A_355 : vector<16xi32>
        %jit3A_357 = arith.constant 25088 : i32
        %broadcast_in_dim3A_358 = vector.broadcast %jit3A_357 : i32 to vector<16xi32>
        %select_n3A_359 = arith.select %and3A_354, %sub3A_356, %broadcast_in_dim3A_358 : vector<16xi1>, vector<16xi32>
        %swap3A_360 = arith.constant 1 : i32
        %swap3A_361 = arith.index_cast %swap3A_360 : i32 to index
        %swap3A_362 = arith.constant 112 : index
        %swap3A_363 = tpu.vector_load %arg11[%swap3A_361, %swap3A_362] {strides = array<i32>} : memref<2x128xi32, #tpu.memory_space<vmem>>, vector<1x16xi32>,
        %swap3A_364 = vector.shape_cast %swap3A_363 : vector<1x16xi32> to vector<16xi32>
        %swap3A_365 = vector.shape_cast %select_n3A_359 : vector<16xi32> to vector<1x16xi32>
        tpu.vector_store %arg11[%swap3A_361, %swap3A_362], %swap3A_365 {strides = array<i32>} : memref<2x128xi32, #tpu.memory_space<vmem>>, vector<1x16xi32>,
        %get3A_366 = arith.constant 0 : index
        %get3A_367 = tpu.vector_load %arg9[%get3A_366] {strides = array<i32>} : memref<256xi32, #tpu.memory_space<vmem>>, vector<16xi32>,
        %get3A_368 = vector.shape_cast %get3A_367 : vector<16xi32> to vector<16xi32>
        %ge3A_369 = arith.constant 25000 : i32
        %ge3A_370 = vector.broadcast %ge3A_369 : i32 to vector<16xi32>
        %ge3A_371 = arith.cmpi sge, %get3A_368, %ge3A_370 : vector<16xi32>
        %add3A_372 = arith.constant 88 : i32
        %add3A_373 = vector.broadcast %add3A_372 : i32 to vector<16xi32>
        %add3A_374 = arith.addi %get3A_368, %add3A_373 : vector<16xi32>
        %select_n3A_375 = arith.select %ge3A_371, %add3A_374, %get3A_368 : vector<16xi1>, vector<16xi32>
        %swap3A_376 = arith.constant 0 : index
        %swap3A_377 = tpu.vector_load %arg9[%swap3A_376] {strides = array<i32>} : memref<256xi32, #tpu.memory_space<vmem>>, vector<16xi32>,
        %swap3A_378 = vector.shape_cast %swap3A_377 : vector<16xi32> to vector<16xi32>
        %swap3A_379 = vector.shape_cast %select_n3A_375 : vector<16xi32> to vector<16xi32>
        tpu.vector_store %arg9[%swap3A_376], %swap3A_379 {strides = array<i32>} : memref<256xi32, #tpu.memory_space<vmem>>, vector<16xi32>,
        %get3A_380 = arith.constant 16 : index
        %get3A_381 = tpu.vector_load %arg9[%get3A_380] {strides = array<i32>} : memref<256xi32, #tpu.memory_space<vmem>>, vector<16xi32>,
        %get3A_382 = vector.shape_cast %get3A_381 : vector<16xi32> to vector<16xi32>
        %ge3A_383 = arith.constant 25000 : i32
        %ge3A_384 = vector.broadcast %ge3A_383 : i32 to vector<16xi32>
        %ge3A_385 = arith.cmpi sge, %get3A_382, %ge3A_384 : vector<16xi32>
        %add3A_386 = arith.constant 88 : i32
        %add3A_387 = vector.broadcast %add3A_386 : i32 to vector<16xi32>
        %add3A_388 = arith.addi %get3A_382, %add3A_387 : vector<16xi32>
        %select_n3A_389 = arith.select %ge3A_385, %add3A_388, %get3A_382 : vector<16xi1>, vector<16xi32>
        %swap3A_390 = arith.constant 16 : index
        %swap3A_391 = tpu.vector_load %arg9[%swap3A_390] {strides = array<i32>} : memref<256xi32, #tpu.memory_space<vmem>>, vector<16xi32>,
        %swap3A_392 = vector.shape_cast %swap3A_391 : vector<16xi32> to vector<16xi32>
        %swap3A_393 = vector.shape_cast %select_n3A_389 : vector<16xi32> to vector<16xi32>
        tpu.vector_store %arg9[%swap3A_390], %swap3A_393 {strides = array<i32>} : memref<256xi32, #tpu.memory_space<vmem>>, vector<16xi32>,
        %get3A_394 = arith.constant 32 : index
        %get3A_395 = tpu.vector_load %arg9[%get3A_394] {strides = array<i32>} : memref<256xi32, #tpu.memory_space<vmem>>, vector<16xi32>,
        %get3A_396 = vector.shape_cast %get3A_395 : vector<16xi32> to vector<16xi32>
        %ge3A_397 = arith.constant 25000 : i32
        %ge3A_398 = vector.broadcast %ge3A_397 : i32 to vector<16xi32>
        %ge3A_399 = arith.cmpi sge, %get3A_396, %ge3A_398 : vector<16xi32>
        %add3A_400 = arith.constant 88 : i32
        %add3A_401 = vector.broadcast %add3A_400 : i32 to vector<16xi32>
        %add3A_402 = arith.addi %get3A_396, %add3A_401 : vector<16xi32>
        %select_n3A_403 = arith.select %ge3A_399, %add3A_402, %get3A_396 : vector<16xi1>, vector<16xi32>
        %swap3A_404 = arith.constant 32 : index
        %swap3A_405 = tpu.vector_load %arg9[%swap3A_404] {strides = array<i32>} : memref<256xi32, #tpu.memory_space<vmem>>, vector<16xi32>,
        %swap3A_406 = vector.shape_cast %swap3A_405 : vector<16xi32> to vector<16xi32>
        %swap3A_407 = vector.shape_cast %select_n3A_403 : vector<16xi32> to vector<16xi32>
        tpu.vector_store %arg9[%swap3A_404], %swap3A_407 {strides = array<i32>} : memref<256xi32, #tpu.memory_space<vmem>>, vector<16xi32>,
        %get3A_408 = arith.constant 48 : index
        %get3A_409 = tpu.vector_load %arg9[%get3A_408] {strides = array<i32>} : memref<256xi32, #tpu.memory_space<vmem>>, vector<16xi32>,
        %get3A_410 = vector.shape_cast %get3A_409 : vector<16xi32> to vector<16xi32>
        %ge3A_411 = arith.constant 25000 : i32
        %ge3A_412 = vector.broadcast %ge3A_411 : i32 to vector<16xi32>
        %ge3A_413 = arith.cmpi sge, %get3A_410, %ge3A_412 : vector<16xi32>
        %add3A_414 = arith.constant 88 : i32
        %add3A_415 = vector.broadcast %add3A_414 : i32 to vector<16xi32>
        %add3A_416 = arith.addi %get3A_410, %add3A_415 : vector<16xi32>
        %select_n3A_417 = arith.select %ge3A_413, %add3A_416, %get3A_410 : vector<16xi1>, vector<16xi32>
        %swap3A_418 = arith.constant 48 : index
        %swap3A_419 = tpu.vector_load %arg9[%swap3A_418] {strides = array<i32>} : memref<256xi32, #tpu.memory_space<vmem>>, vector<16xi32>,
        %swap3A_420 = vector.shape_cast %swap3A_419 : vector<16xi32> to vector<16xi32>
        %swap3A_421 = vector.shape_cast %select_n3A_417 : vector<16xi32> to vector<16xi32>
        tpu.vector_store %arg9[%swap3A_418], %swap3A_421 {strides = array<i32>} : memref<256xi32, #tpu.memory_space<vmem>>, vector<16xi32>,
        %get3A_422 = arith.constant 64 : index
        %get3A_423 = tpu.vector_load %arg9[%get3A_422] {strides = array<i32>} : memref<256xi32, #tpu.memory_space<vmem>>, vector<16xi32>,
        %get3A_424 = vector.shape_cast %get3A_423 : vector<16xi32> to vector<16xi32>
        %ge3A_425 = arith.constant 25000 : i32
        %ge3A_426 = vector.broadcast %ge3A_425 : i32 to vector<16xi32>
        %ge3A_427 = arith.cmpi sge, %get3A_424, %ge3A_426 : vector<16xi32>
        %add3A_428 = arith.constant 88 : i32
        %add3A_429 = vector.broadcast %add3A_428 : i32 to vector<16xi32>
        %add3A_430 = arith.addi %get3A_424, %add3A_429 : vector<16xi32>
        %select_n3A_431 = arith.select %ge3A_427, %add3A_430, %get3A_424 : vector<16xi1>, vector<16xi32>
        %swap3A_432 = arith.constant 64 : index
        %swap3A_433 = tpu.vector_load %arg9[%swap3A_432] {strides = array<i32>} : memref<256xi32, #tpu.memory_space<vmem>>, vector<16xi32>,
        %swap3A_434 = vector.shape_cast %swap3A_433 : vector<16xi32> to vector<16xi32>
        %swap3A_435 = vector.shape_cast %select_n3A_431 : vector<16xi32> to vector<16xi32>
        tpu.vector_store %arg9[%swap3A_432], %swap3A_435 {strides = array<i32>} : memref<256xi32, #tpu.memory_space<vmem>>, vector<16xi32>,
        %get3A_436 = arith.constant 80 : index
        %get3A_437 = tpu.vector_load %arg9[%get3A_436] {strides = array<i32>} : memref<256xi32, #tpu.memory_space<vmem>>, vector<16xi32>,
        %get3A_438 = vector.shape_cast %get3A_437 : vector<16xi32> to vector<16xi32>
        %ge3A_439 = arith.constant 25000 : i32
        %ge3A_440 = vector.broadcast %ge3A_439 : i32 to vector<16xi32>
        %ge3A_441 = arith.cmpi sge, %get3A_438, %ge3A_440 : vector<16xi32>
        %add3A_442 = arith.constant 88 : i32
        %add3A_443 = vector.broadcast %add3A_442 : i32 to vector<16xi32>
        %add3A_444 = arith.addi %get3A_438, %add3A_443 : vector<16xi32>
        %select_n3A_445 = arith.select %ge3A_441, %add3A_444, %get3A_438 : vector<16xi1>, vector<16xi32>
        %swap3A_446 = arith.constant 80 : index
        %swap3A_447 = tpu.vector_load %arg9[%swap3A_446] {strides = array<i32>} : memref<256xi32, #tpu.memory_space<vmem>>, vector<16xi32>,
        %swap3A_448 = vector.shape_cast %swap3A_447 : vector<16xi32> to vector<16xi32>
        %swap3A_449 = vector.shape_cast %select_n3A_445 : vector<16xi32> to vector<16xi32>
        tpu.vector_store %arg9[%swap3A_446], %swap3A_449 {strides = array<i32>} : memref<256xi32, #tpu.memory_space<vmem>>, vector<16xi32>,
        %get3A_450 = arith.constant 96 : index
        %get3A_451 = tpu.vector_load %arg9[%get3A_450] {strides = array<i32>} : memref<256xi32, #tpu.memory_space<vmem>>, vector<16xi32>,
        %get3A_452 = vector.shape_cast %get3A_451 : vector<16xi32> to vector<16xi32>
        %ge3A_453 = arith.constant 25000 : i32
        %ge3A_454 = vector.broadcast %ge3A_453 : i32 to vector<16xi32>
        %ge3A_455 = arith.cmpi sge, %get3A_452, %ge3A_454 : vector<16xi32>
        %add3A_456 = arith.constant 88 : i32
        %add3A_457 = vector.broadcast %add3A_456 : i32 to vector<16xi32>
        %add3A_458 = arith.addi %get3A_452, %add3A_457 : vector<16xi32>
        %select_n3A_459 = arith.select %ge3A_455, %add3A_458, %get3A_452 : vector<16xi1>, vector<16xi32>
        %swap3A_460 = arith.constant 96 : index
        %swap3A_461 = tpu.vector_load %arg9[%swap3A_460] {strides = array<i32>} : memref<256xi32, #tpu.memory_space<vmem>>, vector<16xi32>,
        %swap3A_462 = vector.shape_cast %swap3A_461 : vector<16xi32> to vector<16xi32>
        %swap3A_463 = vector.shape_cast %select_n3A_459 : vector<16xi32> to vector<16xi32>
        tpu.vector_store %arg9[%swap3A_460], %swap3A_463 {strides = array<i32>} : memref<256xi32, #tpu.memory_space<vmem>>, vector<16xi32>,
        %get3A_464 = arith.constant 112 : index
        %get3A_465 = tpu.vector_load %arg9[%get3A_464] {strides = array<i32>} : memref<256xi32, #tpu.memory_space<vmem>>, vector<16xi32>,
        %get3A_466 = vector.shape_cast %get3A_465 : vector<16xi32> to vector<16xi32>
        %ge3A_467 = arith.constant 25000 : i32
        %ge3A_468 = vector.broadcast %ge3A_467 : i32 to vector<16xi32>
        %ge3A_469 = arith.cmpi sge, %get3A_466, %ge3A_468 : vector<16xi32>
        %add3A_470 = arith.constant 88 : i32
        %add3A_471 = vector.broadcast %add3A_470 : i32 to vector<16xi32>
        %add3A_472 = arith.addi %get3A_466, %add3A_471 : vector<16xi32>
        %select_n3A_473 = arith.select %ge3A_469, %add3A_472, %get3A_466 : vector<16xi1>, vector<16xi32>
        %swap3A_474 = arith.constant 112 : index
        %swap3A_475 = tpu.vector_load %arg9[%swap3A_474] {strides = array<i32>} : memref<256xi32, #tpu.memory_space<vmem>>, vector<16xi32>,
        %swap3A_476 = vector.shape_cast %swap3A_475 : vector<16xi32> to vector<16xi32>
        %swap3A_477 = vector.shape_cast %select_n3A_473 : vector<16xi32> to vector<16xi32>
        tpu.vector_store %arg9[%swap3A_474], %swap3A_477 {strides = array<i32>} : memref<256xi32, #tpu.memory_space<vmem>>, vector<16xi32>,
        %get3A_478 = arith.constant 128 : index
        %get3A_479 = tpu.vector_load %arg9[%get3A_478] {strides = array<i32>} : memref<256xi32, #tpu.memory_space<vmem>>, vector<16xi32>,
        %get3A_480 = vector.shape_cast %get3A_479 : vector<16xi32> to vector<16xi32>
        %ge3A_481 = arith.constant 25000 : i32
        %ge3A_482 = vector.broadcast %ge3A_481 : i32 to vector<16xi32>
        %ge3A_483 = arith.cmpi sge, %get3A_480, %ge3A_482 : vector<16xi32>
        %add3A_484 = arith.constant 88 : i32
        %add3A_485 = vector.broadcast %add3A_484 : i32 to vector<16xi32>
        %add3A_486 = arith.addi %get3A_480, %add3A_485 : vector<16xi32>
        %select_n3A_487 = arith.select %ge3A_483, %add3A_486, %get3A_480 : vector<16xi1>, vector<16xi32>
        %swap3A_488 = arith.constant 128 : index
        %swap3A_489 = tpu.vector_load %arg9[%swap3A_488] {strides = array<i32>} : memref<256xi32, #tpu.memory_space<vmem>>, vector<16xi32>,
        %swap3A_490 = vector.shape_cast %swap3A_489 : vector<16xi32> to vector<16xi32>
        %swap3A_491 = vector.shape_cast %select_n3A_487 : vector<16xi32> to vector<16xi32>
        tpu.vector_store %arg9[%swap3A_488], %swap3A_491 {strides = array<i32>} : memref<256xi32, #tpu.memory_space<vmem>>, vector<16xi32>,
        %get3A_492 = arith.constant 144 : index
        %get3A_493 = tpu.vector_load %arg9[%get3A_492] {strides = array<i32>} : memref<256xi32, #tpu.memory_space<vmem>>, vector<16xi32>,
        %get3A_494 = vector.shape_cast %get3A_493 : vector<16xi32> to vector<16xi32>
        %ge3A_495 = arith.constant 25000 : i32
        %ge3A_496 = vector.broadcast %ge3A_495 : i32 to vector<16xi32>
        %ge3A_497 = arith.cmpi sge, %get3A_494, %ge3A_496 : vector<16xi32>
        %add3A_498 = arith.constant 88 : i32
        %add3A_499 = vector.broadcast %add3A_498 : i32 to vector<16xi32>
        %add3A_500 = arith.addi %get3A_494, %add3A_499 : vector<16xi32>
        %select_n3A_501 = arith.select %ge3A_497, %add3A_500, %get3A_494 : vector<16xi1>, vector<16xi32>
        %swap3A_502 = arith.constant 144 : index
        %swap3A_503 = tpu.vector_load %arg9[%swap3A_502] {strides = array<i32>} : memref<256xi32, #tpu.memory_space<vmem>>, vector<16xi32>,
        %swap3A_504 = vector.shape_cast %swap3A_503 : vector<16xi32> to vector<16xi32>
        %swap3A_505 = vector.shape_cast %select_n3A_501 : vector<16xi32> to vector<16xi32>
        tpu.vector_store %arg9[%swap3A_502], %swap3A_505 {strides = array<i32>} : memref<256xi32, #tpu.memory_space<vmem>>, vector<16xi32>,
        %get3A_506 = arith.constant 160 : index
        %get3A_507 = tpu.vector_load %arg9[%get3A_506] {strides = array<i32>} : memref<256xi32, #tpu.memory_space<vmem>>, vector<16xi32>,
        %get3A_508 = vector.shape_cast %get3A_507 : vector<16xi32> to vector<16xi32>
        %ge3A_509 = arith.constant 25000 : i32
        %ge3A_510 = vector.broadcast %ge3A_509 : i32 to vector<16xi32>
        %ge3A_511 = arith.cmpi sge, %get3A_508, %ge3A_510 : vector<16xi32>
        %add3A_512 = arith.constant 88 : i32
        %add3A_513 = vector.broadcast %add3A_512 : i32 to vector<16xi32>
        %add3A_514 = arith.addi %get3A_508, %add3A_513 : vector<16xi32>
        %select_n3A_515 = arith.select %ge3A_511, %add3A_514, %get3A_508 : vector<16xi1>, vector<16xi32>
        %swap3A_516 = arith.constant 160 : index
        %swap3A_517 = tpu.vector_load %arg9[%swap3A_516] {strides = array<i32>} : memref<256xi32, #tpu.memory_space<vmem>>, vector<16xi32>,
        %swap3A_518 = vector.shape_cast %swap3A_517 : vector<16xi32> to vector<16xi32>
        %swap3A_519 = vector.shape_cast %select_n3A_515 : vector<16xi32> to vector<16xi32>
        tpu.vector_store %arg9[%swap3A_516], %swap3A_519 {strides = array<i32>} : memref<256xi32, #tpu.memory_space<vmem>>, vector<16xi32>,
        %get3A_520 = arith.constant 176 : index
        %get3A_521 = tpu.vector_load %arg9[%get3A_520] {strides = array<i32>} : memref<256xi32, #tpu.memory_space<vmem>>, vector<16xi32>,
        %get3A_522 = vector.shape_cast %get3A_521 : vector<16xi32> to vector<16xi32>
        %ge3A_523 = arith.constant 25000 : i32
        %ge3A_524 = vector.broadcast %ge3A_523 : i32 to vector<16xi32>
        %ge3A_525 = arith.cmpi sge, %get3A_522, %ge3A_524 : vector<16xi32>
        %add3A_526 = arith.constant 88 : i32
        %add3A_527 = vector.broadcast %add3A_526 : i32 to vector<16xi32>
        %add3A_528 = arith.addi %get3A_522, %add3A_527 : vector<16xi32>
        %select_n3A_529 = arith.select %ge3A_525, %add3A_528, %get3A_522 : vector<16xi1>, vector<16xi32>
        %swap3A_530 = arith.constant 176 : index
        %swap3A_531 = tpu.vector_load %arg9[%swap3A_530] {strides = array<i32>} : memref<256xi32, #tpu.memory_space<vmem>>, vector<16xi32>,
        %swap3A_532 = vector.shape_cast %swap3A_531 : vector<16xi32> to vector<16xi32>
        %swap3A_533 = vector.shape_cast %select_n3A_529 : vector<16xi32> to vector<16xi32>
        tpu.vector_store %arg9[%swap3A_530], %swap3A_533 {strides = array<i32>} : memref<256xi32, #tpu.memory_space<vmem>>, vector<16xi32>,
        %get3A_534 = arith.constant 192 : index
        %get3A_535 = tpu.vector_load %arg9[%get3A_534] {strides = array<i32>} : memref<256xi32, #tpu.memory_space<vmem>>, vector<16xi32>,
        %get3A_536 = vector.shape_cast %get3A_535 : vector<16xi32> to vector<16xi32>
        %ge3A_537 = arith.constant 25000 : i32
        %ge3A_538 = vector.broadcast %ge3A_537 : i32 to vector<16xi32>
        %ge3A_539 = arith.cmpi sge, %get3A_536, %ge3A_538 : vector<16xi32>
        %add3A_540 = arith.constant 88 : i32
        %add3A_541 = vector.broadcast %add3A_540 : i32 to vector<16xi32>
        %add3A_542 = arith.addi %get3A_536, %add3A_541 : vector<16xi32>
        %select_n3A_543 = arith.select %ge3A_539, %add3A_542, %get3A_536 : vector<16xi1>, vector<16xi32>
        %swap3A_544 = arith.constant 192 : index
        %swap3A_545 = tpu.vector_load %arg9[%swap3A_544] {strides = array<i32>} : memref<256xi32, #tpu.memory_space<vmem>>, vector<16xi32>,
        %swap3A_546 = vector.shape_cast %swap3A_545 : vector<16xi32> to vector<16xi32>
        %swap3A_547 = vector.shape_cast %select_n3A_543 : vector<16xi32> to vector<16xi32>
        tpu.vector_store %arg9[%swap3A_544], %swap3A_547 {strides = array<i32>} : memref<256xi32, #tpu.memory_space<vmem>>, vector<16xi32>,
        %get3A_548 = arith.constant 208 : index
        %get3A_549 = tpu.vector_load %arg9[%get3A_548] {strides = array<i32>} : memref<256xi32, #tpu.memory_space<vmem>>, vector<16xi32>,
        %get3A_550 = vector.shape_cast %get3A_549 : vector<16xi32> to vector<16xi32>
        %ge3A_551 = arith.constant 25000 : i32
        %ge3A_552 = vector.broadcast %ge3A_551 : i32 to vector<16xi32>
        %ge3A_553 = arith.cmpi sge, %get3A_550, %ge3A_552 : vector<16xi32>
        %add3A_554 = arith.constant 88 : i32
        %add3A_555 = vector.broadcast %add3A_554 : i32 to vector<16xi32>
        %add3A_556 = arith.addi %get3A_550, %add3A_555 : vector<16xi32>
        %select_n3A_557 = arith.select %ge3A_553, %add3A_556, %get3A_550 : vector<16xi1>, vector<16xi32>
        %swap3A_558 = arith.constant 208 : index
        %swap3A_559 = tpu.vector_load %arg9[%swap3A_558] {strides = array<i32>} : memref<256xi32, #tpu.memory_space<vmem>>, vector<16xi32>,
        %swap3A_560 = vector.shape_cast %swap3A_559 : vector<16xi32> to vector<16xi32>
        %swap3A_561 = vector.shape_cast %select_n3A_557 : vector<16xi32> to vector<16xi32>
        tpu.vector_store %arg9[%swap3A_558], %swap3A_561 {strides = array<i32>} : memref<256xi32, #tpu.memory_space<vmem>>, vector<16xi32>,
        %get3A_562 = arith.constant 224 : index
        %get3A_563 = tpu.vector_load %arg9[%get3A_562] {strides = array<i32>} : memref<256xi32, #tpu.memory_space<vmem>>, vector<16xi32>,
        %get3A_564 = vector.shape_cast %get3A_563 : vector<16xi32> to vector<16xi32>
        %ge3A_565 = arith.constant 25000 : i32
        %ge3A_566 = vector.broadcast %ge3A_565 : i32 to vector<16xi32>
        %ge3A_567 = arith.cmpi sge, %get3A_564, %ge3A_566 : vector<16xi32>
        %add3A_568 = arith.constant 88 : i32
        %add3A_569 = vector.broadcast %add3A_568 : i32 to vector<16xi32>
        %add3A_570 = arith.addi %get3A_564, %add3A_569 : vector<16xi32>
        %select_n3A_571 = arith.select %ge3A_567, %add3A_570, %get3A_564 : vector<16xi1>, vector<16xi32>
        %swap3A_572 = arith.constant 224 : index
        %swap3A_573 = tpu.vector_load %arg9[%swap3A_572] {strides = array<i32>} : memref<256xi32, #tpu.memory_space<vmem>>, vector<16xi32>,
        %swap3A_574 = vector.shape_cast %swap3A_573 : vector<16xi32> to vector<16xi32>
        %swap3A_575 = vector.shape_cast %select_n3A_571 : vector<16xi32> to vector<16xi32>
        tpu.vector_store %arg9[%swap3A_572], %swap3A_575 {strides = array<i32>} : memref<256xi32, #tpu.memory_space<vmem>>, vector<16xi32>,
        %get3A_576 = arith.constant 240 : index
        %get3A_577 = tpu.vector_load %arg9[%get3A_576] {strides = array<i32>} : memref<256xi32, #tpu.memory_space<vmem>>, vector<16xi32>,
        %get3A_578 = vector.shape_cast %get3A_577 : vector<16xi32> to vector<16xi32>
        %ge3A_579 = arith.constant 25000 : i32
        %ge3A_580 = vector.broadcast %ge3A_579 : i32 to vector<16xi32>
        %ge3A_581 = arith.cmpi sge, %get3A_578, %ge3A_580 : vector<16xi32>
        %add3A_582 = arith.constant 88 : i32
        %add3A_583 = vector.broadcast %add3A_582 : i32 to vector<16xi32>
        %add3A_584 = arith.addi %get3A_578, %add3A_583 : vector<16xi32>
        %select_n3A_585 = arith.select %ge3A_581, %add3A_584, %get3A_578 : vector<16xi1>, vector<16xi32>
        %swap3A_586 = arith.constant 240 : index
        %swap3A_587 = tpu.vector_load %arg9[%swap3A_586] {strides = array<i32>} : memref<256xi32, #tpu.memory_space<vmem>>, vector<16xi32>,
        %swap3A_588 = vector.shape_cast %swap3A_587 : vector<16xi32> to vector<16xi32>
        %swap3A_589 = vector.shape_cast %select_n3A_585 : vector<16xi32> to vector<16xi32>
        tpu.vector_store %arg9[%swap3A_586], %swap3A_589 {strides = array<i32>} : memref<256xi32, #tpu.memory_space<vmem>>, vector<16xi32>,
        %dma_start3A = arith.constant 0 : i32
        %dma_start3A_590 = arith.constant 0 : i32
        %dma_start3A_591 = arith.constant 0 : i32
        %dma_start3A_592 = tpu.memref_slice %arg12[%dma_start3A, %dma_start3A_590, %dma_start3A_591] : memref<2x128x64xf32, #tpu.memory_space<vmem>> -> memref<1x128x64xf32, #tpu.memory_space<vmem>>
        %dma_start3A_593 = tpu.memref_squeeze %dma_start3A_592 : memref<1x128x64xf32, #tpu.memory_space<vmem>> -> memref<128x64xf32, #tpu.memory_space<vmem>>
        %dma_start3A_594 = arith.constant 0 : i32
        %dma_start3A_595 = tpu.memref_slice %arg9[%dma_start3A_594] : memref<256xi32, #tpu.memory_space<vmem>> -> memref<128xi32, #tpu.memory_space<vmem>>
        %dma_start3A_596 = arith.constant 0 : i32
        %dma_start3A_597 = arith.constant 0 : i32
        %dma_start3A_598 = tpu.memref_slice %arg4[%dma_start3A_596, %dma_start3A_597] : memref<50176x64xf32, #tpu.memory_space<hbm>> -> memref<50176x64xf32, #tpu.memory_space<hbm>>
        tpu.enqueue_indirect_dma source(%dma_start3A_598 : memref<50176x64xf32, #tpu.memory_space<hbm>>) target(%dma_start3A_593 : memref<128x64xf32, #tpu.memory_space<vmem>>) offsets(%dma_start3A_595 : memref<128xi32, #tpu.memory_space<vmem>>) semaphore(%arg16 : memref<!tpu.dma_semaphore, #tpu.memory_space<semaphore_mem>>)
        %dma_start3A_599 = arith.constant 1 : i32
        %dma_start3A_600 = arith.constant 0 : i32
        %dma_start3A_601 = arith.constant 0 : i32
        %dma_start3A_602 = tpu.memref_slice %arg12[%dma_start3A_599, %dma_start3A_600, %dma_start3A_601] : memref<2x128x64xf32, #tpu.memory_space<vmem>> -> memref<1x128x64xf32, #tpu.memory_space<vmem>>
        %dma_start3A_603 = tpu.memref_squeeze %dma_start3A_602 : memref<1x128x64xf32, #tpu.memory_space<vmem>> -> memref<128x64xf32, #tpu.memory_space<vmem>>
        %dma_start3A_604 = arith.constant 128 : i32
        %dma_start3A_605 = tpu.memref_slice %arg9[%dma_start3A_604] : memref<256xi32, #tpu.memory_space<vmem>> -> memref<128xi32, #tpu.memory_space<vmem>>
        %dma_start3A_606 = arith.constant 0 : i32
        %dma_start3A_607 = arith.constant 0 : i32
        %dma_start3A_608 = tpu.memref_slice %arg4[%dma_start3A_606, %dma_start3A_607] : memref<50176x64xf32, #tpu.memory_space<hbm>> -> memref<50176x64xf32, #tpu.memory_space<hbm>>
        tpu.enqueue_indirect_dma source(%dma_start3A_608 : memref<50176x64xf32, #tpu.memory_space<hbm>>) target(%dma_start3A_603 : memref<128x64xf32, #tpu.memory_space<vmem>>) offsets(%dma_start3A_605 : memref<128xi32, #tpu.memory_space<vmem>>) semaphore(%arg16 : memref<!tpu.dma_semaphore, #tpu.memory_space<semaphore_mem>>)
        %dma_wait3A = arith.constant 0 : i32
        %dma_wait3A_609 = arith.constant 0 : i32
        %dma_wait3A_610 = arith.constant 0 : i32
        %dma_wait3A_611 = tpu.memref_slice %arg12[%dma_wait3A, %dma_wait3A_609, %dma_wait3A_610] : memref<2x128x64xf32, #tpu.memory_space<vmem>> -> memref<1x128x64xf32, #tpu.memory_space<vmem>>
        %dma_wait3A_612 = tpu.memref_squeeze %dma_wait3A_611 : memref<1x128x64xf32, #tpu.memory_space<vmem>> -> memref<128x64xf32, #tpu.memory_space<vmem>>
        %dma_wait3A_613 = arith.constant 0 : i32
        %dma_wait3A_614 = tpu.memref_slice %arg9[%dma_wait3A_613] : memref<256xi32, #tpu.memory_space<vmem>> -> memref<128xi32, #tpu.memory_space<vmem>>
        %dma_wait3A_615 = arith.constant 0 : i32
        %dma_wait3A_616 = arith.constant 0 : i32
        %dma_wait3A_617 = tpu.memref_slice %arg4[%dma_wait3A_615, %dma_wait3A_616] : memref<50176x64xf32, #tpu.memory_space<hbm>> -> memref<50176x64xf32, #tpu.memory_space<hbm>>
        tpu.wait_indirect_dma semaphore(%arg16 : memref<!tpu.dma_semaphore, #tpu.memory_space<semaphore_mem>>) src(%dma_wait3A_617 : memref<50176x64xf32, #tpu.memory_space<hbm>>) dst(%dma_wait3A_612 : memref<128x64xf32, #tpu.memory_space<vmem>>)
        %dma_wait3A_618 = arith.constant 1 : i32
        %dma_wait3A_619 = arith.constant 0 : i32
        %dma_wait3A_620 = arith.constant 0 : i32
        %dma_wait3A_621 = tpu.memref_slice %arg12[%dma_wait3A_618, %dma_wait3A_619, %dma_wait3A_620] : memref<2x128x64xf32, #tpu.memory_space<vmem>> -> memref<1x128x64xf32, #tpu.memory_space<vmem>>
        %dma_wait3A_622 = tpu.memref_squeeze %dma_wait3A_621 : memref<1x128x64xf32, #tpu.memory_space<vmem>> -> memref<128x64xf32, #tpu.memory_space<vmem>>
        %dma_wait3A_623 = arith.constant 128 : i32
        %dma_wait3A_624 = tpu.memref_slice %arg9[%dma_wait3A_623] : memref<256xi32, #tpu.memory_space<vmem>> -> memref<128xi32, #tpu.memory_space<vmem>>
        %dma_wait3A_625 = arith.constant 0 : i32
        %dma_wait3A_626 = arith.constant 0 : i32
        %dma_wait3A_627 = tpu.memref_slice %arg4[%dma_wait3A_625, %dma_wait3A_626] : memref<50176x64xf32, #tpu.memory_space<hbm>> -> memref<50176x64xf32, #tpu.memory_space<hbm>>
        tpu.wait_indirect_dma semaphore(%arg16 : memref<!tpu.dma_semaphore, #tpu.memory_space<semaphore_mem>>) src(%dma_wait3A_627 : memref<50176x64xf32, #tpu.memory_space<hbm>>) dst(%dma_wait3A_622 : memref<128x64xf32, #tpu.memory_space<vmem>>)
        %dma_start3A_628 = arith.constant 0 : i32
        %dma_start3A_629 = arith.constant 0 : i32
        %dma_start3A_630 = arith.constant 0 : i32
        %dma_start3A_631 = arith.constant 0 : i32
        %dma_start3A_632 = tpu.memref_slice %arg12[%dma_start3A_628, %dma_start3A_630, %dma_start3A_631] : memref<2x128x64xf32, #tpu.memory_space<vmem>> -> memref<1x128x64xf32, #tpu.memory_space<vmem>>
        %dma_start3A_633 = tpu.memref_squeeze %dma_start3A_632 : memref<1x128x64xf32, #tpu.memory_space<vmem>> -> memref<128x64xf32, #tpu.memory_space<vmem>>
        %dma_start3A_634 = arith.constant 0 : i32
        %dma_start3A_635 = tpu.memref_slice %arg11[%dma_start3A_629, %dma_start3A_634] : memref<2x128xi32, #tpu.memory_space<vmem>> -> memref<1x128xi32, #tpu.memory_space<vmem>>
        %dma_start3A_636 = tpu.memref_squeeze %dma_start3A_635 : memref<1x128xi32, #tpu.memory_space<vmem>> -> memref<128xi32, #tpu.memory_space<vmem>>
        %dma_start3A_637 = arith.constant 0 : i32
        %dma_start3A_638 = arith.constant 0 : i32
        %dma_start3A_639 = tpu.memref_slice %arg8[%dma_start3A_637, %dma_start3A_638] : memref<25096x64xf32, #tpu.memory_space<vmem_shared>> -> memref<25096x64xf32, #tpu.memory_space<vmem_shared>>
        tpu.enqueue_indirect_dma source(%dma_start3A_633 : memref<128x64xf32, #tpu.memory_space<vmem>>) target(%dma_start3A_639 : memref<25096x64xf32, #tpu.memory_space<vmem_shared>>) offsets(%dma_start3A_636 : memref<128xi32, #tpu.memory_space<vmem>>) semaphore(%arg17 : memref<!tpu.dma_semaphore, #tpu.memory_space<semaphore_mem>>) {add = true}
        %dma_start3A_640 = arith.constant 1 : i32
        %dma_start3A_641 = arith.constant 1 : i32
        %dma_start3A_642 = arith.constant 0 : i32
        %dma_start3A_643 = arith.constant 0 : i32
        %dma_start3A_644 = tpu.memref_slice %arg12[%dma_start3A_640, %dma_start3A_642, %dma_start3A_643] : memref<2x128x64xf32, #tpu.memory_space<vmem>> -> memref<1x128x64xf32, #tpu.memory_space<vmem>>
        %dma_start3A_645 = tpu.memref_squeeze %dma_start3A_644 : memref<1x128x64xf32, #tpu.memory_space<vmem>> -> memref<128x64xf32, #tpu.memory_space<vmem>>
        %dma_start3A_646 = arith.constant 0 : i32
        %dma_start3A_647 = tpu.memref_slice %arg11[%dma_start3A_641, %dma_start3A_646] : memref<2x128xi32, #tpu.memory_space<vmem>> -> memref<1x128xi32, #tpu.memory_space<vmem>>
        %dma_start3A_648 = tpu.memref_squeeze %dma_start3A_647 : memref<1x128xi32, #tpu.memory_space<vmem>> -> memref<128xi32, #tpu.memory_space<vmem>>
        %dma_start3A_649 = arith.constant 0 : i32
        %dma_start3A_650 = arith.constant 0 : i32
        %dma_start3A_651 = tpu.memref_slice %arg8[%dma_start3A_649, %dma_start3A_650] : memref<25096x64xf32, #tpu.memory_space<vmem_shared>> -> memref<25096x64xf32, #tpu.memory_space<vmem_shared>>
        tpu.enqueue_indirect_dma source(%dma_start3A_645 : memref<128x64xf32, #tpu.memory_space<vmem>>) target(%dma_start3A_651 : memref<25096x64xf32, #tpu.memory_space<vmem_shared>>) offsets(%dma_start3A_648 : memref<128xi32, #tpu.memory_space<vmem>>) semaphore(%arg17 : memref<!tpu.dma_semaphore, #tpu.memory_space<semaphore_mem>>) {add = true}
        %dma_wait3A_652 = arith.constant 0 : i32
        %dma_wait3A_653 = arith.constant 0 : i32
        %dma_wait3A_654 = arith.constant 0 : i32
        %dma_wait3A_655 = arith.constant 0 : i32
        %dma_wait3A_656 = tpu.memref_slice %arg12[%dma_wait3A_652, %dma_wait3A_654, %dma_wait3A_655] : memref<2x128x64xf32, #tpu.memory_space<vmem>> -> memref<1x128x64xf32, #tpu.memory_space<vmem>>
        %dma_wait3A_657 = tpu.memref_squeeze %dma_wait3A_656 : memref<1x128x64xf32, #tpu.memory_space<vmem>> -> memref<128x64xf32, #tpu.memory_space<vmem>>
        %dma_wait3A_658 = arith.constant 0 : i32
        %dma_wait3A_659 = tpu.memref_slice %arg11[%dma_wait3A_653, %dma_wait3A_658] : memref<2x128xi32, #tpu.memory_space<vmem>> -> memref<1x128xi32, #tpu.memory_space<vmem>>
        %dma_wait3A_660 = tpu.memref_squeeze %dma_wait3A_659 : memref<1x128xi32, #tpu.memory_space<vmem>> -> memref<128xi32, #tpu.memory_space<vmem>>
        %dma_wait3A_661 = arith.constant 0 : i32
        %dma_wait3A_662 = arith.constant 0 : i32
        %dma_wait3A_663 = tpu.memref_slice %arg8[%dma_wait3A_661, %dma_wait3A_662] : memref<25096x64xf32, #tpu.memory_space<vmem_shared>> -> memref<25096x64xf32, #tpu.memory_space<vmem_shared>>
        tpu.wait_indirect_dma semaphore(%arg17 : memref<!tpu.dma_semaphore, #tpu.memory_space<semaphore_mem>>) src(%dma_wait3A_657 : memref<128x64xf32, #tpu.memory_space<vmem>>) dst(%dma_wait3A_663 : memref<25096x64xf32, #tpu.memory_space<vmem_shared>>)
        %dma_wait3A_664 = arith.constant 1 : i32
        %dma_wait3A_665 = arith.constant 1 : i32
        %dma_wait3A_666 = arith.constant 0 : i32
        %dma_wait3A_667 = arith.constant 0 : i32
        %dma_wait3A_668 = tpu.memref_slice %arg12[%dma_wait3A_664, %dma_wait3A_666, %dma_wait3A_667] : memref<2x128x64xf32, #tpu.memory_space<vmem>> -> memref<1x128x64xf32, #tpu.memory_space<vmem>>
        %dma_wait3A_669 = tpu.memref_squeeze %dma_wait3A_668 : memref<1x128x64xf32, #tpu.memory_space<vmem>> -> memref<128x64xf32, #tpu.memory_space<vmem>>
        %dma_wait3A_670 = arith.constant 0 : i32
        %dma_wait3A_671 = tpu.memref_slice %arg11[%dma_wait3A_665, %dma_wait3A_670] : memref<2x128xi32, #tpu.memory_space<vmem>> -> memref<1x128xi32, #tpu.memory_space<vmem>>
        %dma_wait3A_672 = tpu.memref_squeeze %dma_wait3A_671 : memref<1x128xi32, #tpu.memory_space<vmem>> -> memref<128xi32, #tpu.memory_space<vmem>>
        %dma_wait3A_673 = arith.constant 0 : i32
        %dma_wait3A_674 = arith.constant 0 : i32
        %dma_wait3A_675 = tpu.memref_slice %arg8[%dma_wait3A_673, %dma_wait3A_674] : memref<25096x64xf32, #tpu.memory_space<vmem_shared>> -> memref<25096x64xf32, #tpu.memory_space<vmem_shared>>
        tpu.wait_indirect_dma semaphore(%arg17 : memref<!tpu.dma_semaphore, #tpu.memory_space<semaphore_mem>>) src(%dma_wait3A_669 : memref<128x64xf32, #tpu.memory_space<vmem>>) dst(%dma_wait3A_675 : memref<25096x64xf32, #tpu.memory_space<vmem_shared>>)
      } else {
      }
      %scan3A_35 = arith.constant 0 : i32
      scf.yield %scan3A_35 : i32
    }
    %scan3A_20 = arith.constant 196 : i32
    %barrier3A_21 = arith.constant 0 : index
    tpu.barrier barrier_id(%barrier3A_21)
    %scan3A_22 = arith.constant 0 : i32
    %scan3A_23 = arith.constant 0 : i32
    %scan3A_24 = arith.constant 28 : i32
    %scan3A_25 = arith.addi %scan3A_23, %scan3A_24 : i32
    %scan3A_26 = arith.constant 1 : i32
    %scan3A_27 = scf.for %scan3A_29 = %scan3A_23 to %scan3A_25 step %scan3A_26 iter_args(%scan3A_30 = %scan3A_22) -> (i32)  : i32 {
      %mul3A_31 = arith.constant 1568 : i32
      %mul3A_32 = arith.muli %arg1, %mul3A_31 : i32
      %mul3A_33 = arith.constant 56 : i32
      %mul3A_34 = arith.muli %scan3A_29, %mul3A_33 : i32
      %add3A = arith.addi %mul3A_32, %mul3A_34 : i32
      %mul3A_35 = arith.constant 25088 : i32
      %mul3A_36 = arith.muli %arg0, %mul3A_35 : i32
      %add3A_37 = arith.addi %mul3A_36, %add3A : i32
      "tpu.region"() ({
        %run_scoped3A = tpu.sem_alloc : memref<!tpu.dma_semaphore, #tpu.memory_space<semaphore_mem>>
        %dma_start3A = arith.constant 0 : i32
        %dma_start3A_46 = tpu.memref_slice %arg8[%add3A, %dma_start3A] : memref<25096x64xf32, #tpu.memory_space<vmem_shared>> -> memref<56x64xf32, #tpu.memory_space<vmem_shared>>
        %dma_start3A_47 = arith.constant 0 : i32
        %dma_start3A_48 = tpu.memref_slice %arg8[%add3A, %dma_start3A_47] : memref<25096x64xf32, #tpu.memory_space<vmem_shared>> -> memref<56x64xf32, #tpu.memory_space<vmem_shared>>
        tpu.enqueue_dma source(%dma_start3A_48 : memref<56x64xf32, #tpu.memory_space<vmem_shared>>) target(%arg13 : memref<56x64xf32, #tpu.memory_space<vmem>>) target_semaphore(%run_scoped3A : memref<!tpu.dma_semaphore, #tpu.memory_space<semaphore_mem>>)
        %dma_wait3A = arith.constant 0 : i32
        %dma_wait3A_49 = tpu.memref_slice %arg8[%add3A, %dma_wait3A] : memref<25096x64xf32, #tpu.memory_space<vmem_shared>> -> memref<56x64xf32, #tpu.memory_space<vmem_shared>>
        %dma_wait3A_50 = arith.constant 0 : i32
        %dma_wait3A_51 = tpu.memref_slice %arg8[%add3A, %dma_wait3A_50] : memref<25096x64xf32, #tpu.memory_space<vmem_shared>> -> memref<56x64xf32, #tpu.memory_space<vmem_shared>>
        tpu.wait_dma2 semaphore(%run_scoped3A : memref<!tpu.dma_semaphore, #tpu.memory_space<semaphore_mem>>) src(%dma_wait3A_51 : memref<56x64xf32, #tpu.memory_space<vmem_shared>>) dst(%arg13 : memref<56x64xf32, #tpu.memory_space<vmem>>)
        tpu.yield
      }) : () -> ()
      "tpu.region"() ({
        %run_scoped3A = tpu.sem_alloc : memref<!tpu.dma_semaphore, #tpu.memory_space<semaphore_mem>>
        %dma_start3A = arith.constant 0 : i32
        %dma_start3A_46 = tpu.memref_slice %arg5[%add3A_37, %dma_start3A] : memref<50176x16xf32, #tpu.memory_space<hbm>> -> memref<56x16xf32, #tpu.memory_space<hbm>>
        %dma_start3A_47 = arith.constant 0 : i32
        %dma_start3A_48 = tpu.memref_slice %arg5[%add3A_37, %dma_start3A_47] : memref<50176x16xf32, #tpu.memory_space<hbm>> -> memref<56x16xf32, #tpu.memory_space<hbm>>
        tpu.enqueue_dma source(%dma_start3A_48 : memref<56x16xf32, #tpu.memory_space<hbm>>) target(%arg14 : memref<56x16xf32, #tpu.memory_space<vmem>>) target_semaphore(%run_scoped3A : memref<!tpu.dma_semaphore, #tpu.memory_space<semaphore_mem>>)
        %dma_wait3A = arith.constant 0 : i32
        %dma_wait3A_49 = tpu.memref_slice %arg5[%add3A_37, %dma_wait3A] : memref<50176x16xf32, #tpu.memory_space<hbm>> -> memref<56x16xf32, #tpu.memory_space<hbm>>
        %dma_wait3A_50 = arith.constant 0 : i32
        %dma_wait3A_51 = tpu.memref_slice %arg5[%add3A_37, %dma_wait3A_50] : memref<50176x16xf32, #tpu.memory_space<hbm>> -> memref<56x16xf32, #tpu.memory_space<hbm>>
        tpu.wait_dma2 semaphore(%run_scoped3A : memref<!tpu.dma_semaphore, #tpu.memory_space<semaphore_mem>>) src(%dma_wait3A_51 : memref<56x16xf32, #tpu.memory_space<hbm>>) dst(%arg14 : memref<56x16xf32, #tpu.memory_space<vmem>>)
        tpu.yield
      }) : () -> ()
      "tpu.region"() ({
        %run_scoped3A = tpu.sem_alloc : memref<!tpu.dma_semaphore, #tpu.memory_space<semaphore_mem>>
        %dma_start3A = arith.constant 0 : i32
        %dma_start3A_46 = tpu.memref_slice %arg6[%add3A_37, %dma_start3A] : memref<50176x64xf32, #tpu.memory_space<hbm>> -> memref<56x64xf32, #tpu.memory_space<hbm>>
        %dma_start3A_47 = arith.constant 0 : i32
        %dma_start3A_48 = tpu.memref_slice %arg6[%add3A_37, %dma_start3A_47] : memref<50176x64xf32, #tpu.memory_space<hbm>> -> memref<56x64xf32, #tpu.memory_space<hbm>>
        tpu.enqueue_dma source(%dma_start3A_48 : memref<56x64xf32, #tpu.memory_space<hbm>>) target(%arg15 : memref<56x64xf32, #tpu.memory_space<vmem>>) target_semaphore(%run_scoped3A : memref<!tpu.dma_semaphore, #tpu.memory_space<semaphore_mem>>)
        %dma_wait3A = arith.constant 0 : i32
        %dma_wait3A_49 = tpu.memref_slice %arg6[%add3A_37, %dma_wait3A] : memref<50176x64xf32, #tpu.memory_space<hbm>> -> memref<56x64xf32, #tpu.memory_space<hbm>>
        %dma_wait3A_50 = arith.constant 0 : i32
        %dma_wait3A_51 = tpu.memref_slice %arg6[%add3A_37, %dma_wait3A_50] : memref<50176x64xf32, #tpu.memory_space<hbm>> -> memref<56x64xf32, #tpu.memory_space<hbm>>
        tpu.wait_dma2 semaphore(%run_scoped3A : memref<!tpu.dma_semaphore, #tpu.memory_space<semaphore_mem>>) src(%dma_wait3A_51 : memref<56x64xf32, #tpu.memory_space<hbm>>) dst(%arg15 : memref<56x64xf32, #tpu.memory_space<vmem>>)
        tpu.yield
      }) : () -> ()
      %scan3A_38 = arith.constant 0 : i32
      %scan3A_39 = arith.constant 0 : i32
      %scan3A_40 = arith.constant 56 : i32
      %scan3A_41 = arith.addi %scan3A_39, %scan3A_40 : i32
      %scan3A_42 = arith.constant 1 : i32
      %scan3A_43 = scf.for %scan3A_46 = %scan3A_39 to %scan3A_41 step %scan3A_42 iter_args(%scan3A_47 = %scan3A_38) -> (i32)  : i32 {
        %get3A = arith.index_cast %scan3A_46 : i32 to index
        %get3A_48 = arith.constant 0 : index
        %get3A_49 = tpu.vector_load %arg14[%get3A, %get3A_48] {strides = array<i32>} : memref<56x16xf32, #tpu.memory_space<vmem>>, vector<1x16xf32>,
        %get3A_50 = vector.shape_cast %get3A_49 : vector<1x16xf32> to vector<16xf32>
        %mul3A_51 = arith.mulf %get3A_50, %get3A_50 : vector<16xf32>
        %get3A_52 = arith.index_cast %scan3A_46 : i32 to index
        %get3A_53 = arith.constant 0 : index
        %get3A_54 = tpu.vector_load %arg13[%get3A_52, %get3A_53] {strides = array<i32>} : memref<56x64xf32, #tpu.memory_space<vmem>>, vector<1x16xf32>,
        %get3A_55 = vector.shape_cast %get3A_54 : vector<1x16xf32> to vector<16xf32>
        %get3A_56 = arith.index_cast %scan3A_46 : i32 to index
        %get3A_57 = arith.constant 0 : index
        %get3A_58 = tpu.vector_load %arg15[%get3A_56, %get3A_57] {strides = array<i32>} : memref<56x64xf32, #tpu.memory_space<vmem>>, vector<1x16xf32>,
        %get3A_59 = vector.shape_cast %get3A_58 : vector<1x16xf32> to vector<16xf32>
        %mul3A_60 = arith.mulf %get3A_55, %get3A_50 : vector<16xf32>
        %add3A_61 = arith.addf %get3A_59, %mul3A_60 : vector<16xf32>
        %mul3A_62 = arith.constant 2.500000e-01 : f32
        %mul3A_63 = vector.broadcast %mul3A_62 : f32 to vector<16xf32>
        %mul3A_64 = arith.mulf %add3A_61, %mul3A_63 : vector<16xf32>
        %swap3A = arith.index_cast %scan3A_46 : i32 to index
        %swap3A_65 = arith.constant 0 : index
        %swap3A_66 = tpu.vector_load %arg15[%swap3A, %swap3A_65] {strides = array<i32>} : memref<56x64xf32, #tpu.memory_space<vmem>>, vector<1x16xf32>,
        %swap3A_67 = vector.shape_cast %swap3A_66 : vector<1x16xf32> to vector<16xf32>
        %swap3A_68 = vector.shape_cast %mul3A_64 : vector<16xf32> to vector<1x16xf32>
        tpu.vector_store %arg15[%swap3A, %swap3A_65], %swap3A_68 {strides = array<i32>} : memref<56x64xf32, #tpu.memory_space<vmem>>, vector<1x16xf32>,
        %get3A_69 = arith.index_cast %scan3A_46 : i32 to index
        %get3A_70 = arith.constant 16 : index
        %get3A_71 = tpu.vector_load %arg13[%get3A_69, %get3A_70] {strides = array<i32>} : memref<56x64xf32, #tpu.memory_space<vmem>>, vector<1x16xf32>,
        %get3A_72 = vector.shape_cast %get3A_71 : vector<1x16xf32> to vector<16xf32>
        %get3A_73 = arith.index_cast %scan3A_46 : i32 to index
        %get3A_74 = arith.constant 16 : index
        %get3A_75 = tpu.vector_load %arg15[%get3A_73, %get3A_74] {strides = array<i32>} : memref<56x64xf32, #tpu.memory_space<vmem>>, vector<1x16xf32>,
        %get3A_76 = vector.shape_cast %get3A_75 : vector<1x16xf32> to vector<16xf32>
        %mul3A_77 = arith.mulf %get3A_72, %get3A_50 : vector<16xf32>
        %add3A_78 = arith.addf %get3A_76, %mul3A_77 : vector<16xf32>
        %mul3A_79 = arith.constant 2.500000e-01 : f32
        %mul3A_80 = vector.broadcast %mul3A_79 : f32 to vector<16xf32>
        %mul3A_81 = arith.mulf %add3A_78, %mul3A_80 : vector<16xf32>
        %swap3A_82 = arith.index_cast %scan3A_46 : i32 to index
        %swap3A_83 = arith.constant 16 : index
        %swap3A_84 = tpu.vector_load %arg15[%swap3A_82, %swap3A_83] {strides = array<i32>} : memref<56x64xf32, #tpu.memory_space<vmem>>, vector<1x16xf32>,
        %swap3A_85 = vector.shape_cast %swap3A_84 : vector<1x16xf32> to vector<16xf32>
        %swap3A_86 = vector.shape_cast %mul3A_81 : vector<16xf32> to vector<1x16xf32>
        tpu.vector_store %arg15[%swap3A_82, %swap3A_83], %swap3A_86 {strides = array<i32>} : memref<56x64xf32, #tpu.memory_space<vmem>>, vector<1x16xf32>,
        %get3A_87 = arith.index_cast %scan3A_46 : i32 to index
        %get3A_88 = arith.constant 32 : index
        %get3A_89 = tpu.vector_load %arg13[%get3A_87, %get3A_88] {strides = array<i32>} : memref<56x64xf32, #tpu.memory_space<vmem>>, vector<1x16xf32>,
        %get3A_90 = vector.shape_cast %get3A_89 : vector<1x16xf32> to vector<16xf32>
        %get3A_91 = arith.index_cast %scan3A_46 : i32 to index
        %get3A_92 = arith.constant 32 : index
        %get3A_93 = tpu.vector_load %arg15[%get3A_91, %get3A_92] {strides = array<i32>} : memref<56x64xf32, #tpu.memory_space<vmem>>, vector<1x16xf32>,
        %get3A_94 = vector.shape_cast %get3A_93 : vector<1x16xf32> to vector<16xf32>
        %mul3A_95 = arith.mulf %get3A_90, %get3A_50 : vector<16xf32>
        %add3A_96 = arith.addf %get3A_94, %mul3A_95 : vector<16xf32>
        %mul3A_97 = arith.constant 2.500000e-01 : f32
        %mul3A_98 = vector.broadcast %mul3A_97 : f32 to vector<16xf32>
        %mul3A_99 = arith.mulf %add3A_96, %mul3A_98 : vector<16xf32>
        %swap3A_100 = arith.index_cast %scan3A_46 : i32 to index
        %swap3A_101 = arith.constant 32 : index
        %swap3A_102 = tpu.vector_load %arg15[%swap3A_100, %swap3A_101] {strides = array<i32>} : memref<56x64xf32, #tpu.memory_space<vmem>>, vector<1x16xf32>,
        %swap3A_103 = vector.shape_cast %swap3A_102 : vector<1x16xf32> to vector<16xf32>
        %swap3A_104 = vector.shape_cast %mul3A_99 : vector<16xf32> to vector<1x16xf32>
        tpu.vector_store %arg15[%swap3A_100, %swap3A_101], %swap3A_104 {strides = array<i32>} : memref<56x64xf32, #tpu.memory_space<vmem>>, vector<1x16xf32>,
        %get3A_105 = arith.index_cast %scan3A_46 : i32 to index
        %get3A_106 = arith.constant 48 : index
        %get3A_107 = tpu.vector_load %arg13[%get3A_105, %get3A_106] {strides = array<i32>} : memref<56x64xf32, #tpu.memory_space<vmem>>, vector<1x16xf32>,
        %get3A_108 = vector.shape_cast %get3A_107 : vector<1x16xf32> to vector<16xf32>
        %get3A_109 = arith.index_cast %scan3A_46 : i32 to index
        %get3A_110 = arith.constant 48 : index
        %get3A_111 = tpu.vector_load %arg15[%get3A_109, %get3A_110] {strides = array<i32>} : memref<56x64xf32, #tpu.memory_space<vmem>>, vector<1x16xf32>,
        %get3A_112 = vector.shape_cast %get3A_111 : vector<1x16xf32> to vector<16xf32>
        %mul3A_113 = arith.mulf %get3A_108, %get3A_50 : vector<16xf32>
        %add3A_114 = arith.addf %get3A_112, %mul3A_113 : vector<16xf32>
        %mul3A_115 = arith.constant 2.500000e-01 : f32
        %mul3A_116 = vector.broadcast %mul3A_115 : f32 to vector<16xf32>
        %mul3A_117 = arith.mulf %add3A_114, %mul3A_116 : vector<16xf32>
        %swap3A_118 = arith.index_cast %scan3A_46 : i32 to index
        %swap3A_119 = arith.constant 48 : index
        %swap3A_120 = tpu.vector_load %arg15[%swap3A_118, %swap3A_119] {strides = array<i32>} : memref<56x64xf32, #tpu.memory_space<vmem>>, vector<1x16xf32>,
        %swap3A_121 = vector.shape_cast %swap3A_120 : vector<1x16xf32> to vector<16xf32>
        %swap3A_122 = vector.shape_cast %mul3A_117 : vector<16xf32> to vector<1x16xf32>
        tpu.vector_store %arg15[%swap3A_118, %swap3A_119], %swap3A_122 {strides = array<i32>} : memref<56x64xf32, #tpu.memory_space<vmem>>, vector<1x16xf32>,
        %scan3A_123 = arith.constant 0 : i32
        scf.yield %scan3A_123 : i32
      }
      %scan3A_44 = arith.constant 56 : i32
      "tpu.region"() ({
        %run_scoped3A = tpu.sem_alloc : memref<!tpu.dma_semaphore, #tpu.memory_space<semaphore_mem>>
        %dma_start3A = arith.constant 0 : i32
        %dma_start3A_46 = tpu.memref_slice %arg7[%add3A_37, %dma_start3A] : memref<50176x64xf32, #tpu.memory_space<hbm>> -> memref<56x64xf32, #tpu.memory_space<hbm>>
        %dma_start3A_47 = arith.constant 0 : i32
        %dma_start3A_48 = tpu.memref_slice %arg7[%add3A_37, %dma_start3A_47] : memref<50176x64xf32, #tpu.memory_space<hbm>> -> memref<56x64xf32, #tpu.memory_space<hbm>>
        tpu.enqueue_dma source(%arg15 : memref<56x64xf32, #tpu.memory_space<vmem>>) target(%dma_start3A_48 : memref<56x64xf32, #tpu.memory_space<hbm>>) target_semaphore(%run_scoped3A : memref<!tpu.dma_semaphore, #tpu.memory_space<semaphore_mem>>)
        %dma_wait3A = arith.constant 0 : i32
        %dma_wait3A_49 = tpu.memref_slice %arg7[%add3A_37, %dma_wait3A] : memref<50176x64xf32, #tpu.memory_space<hbm>> -> memref<56x64xf32, #tpu.memory_space<hbm>>
        %dma_wait3A_50 = arith.constant 0 : i32
        %dma_wait3A_51 = tpu.memref_slice %arg7[%add3A_37, %dma_wait3A_50] : memref<50176x64xf32, #tpu.memory_space<hbm>> -> memref<56x64xf32, #tpu.memory_space<hbm>>
        tpu.wait_dma2 semaphore(%run_scoped3A : memref<!tpu.dma_semaphore, #tpu.memory_space<semaphore_mem>>) src(%arg15 : memref<56x64xf32, #tpu.memory_space<vmem>>) dst(%dma_wait3A_51 : memref<56x64xf32, #tpu.memory_space<hbm>>)
        tpu.yield
      }) : () -> ()
      %scan3A_45 = arith.constant 0 : i32
      scf.yield %scan3A_45 : i32
    }
    %scan3A_28 = arith.constant 28 : i32
    return
  }
}

</mosaic_0001>

<sc_bundles>
// kernel: lightgcn_last.3.cloned.1.call-start
scs
__scs_entry_jumppad:
0x0: {  	(pc) =	sbr.rel $0x88, $3  }
0x1: {  	(tag) =	ssettag $0x0;
	lr =	simm.s32 $0x1  }
0x2: {  	[smem:$0x3F9F] =	sst lr;
	_ =	strace $0xD0000000  }
0x3: {  	_ = 	snop  }
0x4: {  	_ = 	snop  }
0x5: {  	_ = 	snop  }
0x6: {  	_ = 	snop  }
0x7: {  	_ = 	snop  }
__scs_overlays_trampoline_lowered:
0x8: {  	[smem:$0x3FAE] =	sst s0  }
0x9: {  	[smem:$0x3FAF] =	sst s1  }
0xa: {  	[smem:$0x3FB0] =	sst s2  }
0xb: {  	[smem:$0x3FB1] =	sst s3  }
0xc: {  	[smem:$0x3FB2] =	sst s4  }
0xd: {  	[smem:$0x3FB3] =	sst s5  }
0xe: {  	[smem:$0x3FB4] =	sst s6  }
0xf: {  	[smem:$0x3FB5] =	sst s7  }
0x10: {  	[smem:$0x3FB6] =	sst s8  }
0x11: {  	[smem:$0x3FB7] =	sst s9;
	s0 =	simm.s32 @!p0 $0x0  }
0x12: {  	s1 =	sld [smem:$0x3F9D];
	s0 =	simm.s32 @p0 $0x1  }
0x13: {  	[smem:$0x3FB8] =	sst s0;
	s0 =	simm.s32 @!p1 $0x0  }
0x14: {  	s2 =	sld [smem:$0x3F9C];
	s0 =	simm.s32 @p1 $0x1  }
0x15: {  	[smem:$0x3FB9] =	sst s0;
	s0 =	simm.s32 @!p2 $0x0  }
0x16: {  	s3 =	sld [smem:$0x3FDB];
	s0 =	simm.s32 @p2 $0x1  }
0x17: {  	s4 =	simm.s32 $0x1BF5;
	[smem:$0x3FBB] =	sst s0  }
0x18: {  	s0 =	sld [smem:$0x3F9E];
	_ =	swait.ge [sflag:s4], $0x0  }
0x19: {  	s7 =	sld [smem:$0x3F9F]  }
0x1a: {  	s8 =	sadd.s32 $0xFFFFE003, lr  }
0x1b: {  	s9 =	sadd.s32 $0xFFFFFEF7, lr;
	s5 =	simm.s32 $0xFFFFFFFF;
	p2 =	slt.u32 s8, $0xFFFFF086  }
0x1c: {  	p1 =	slt.u32 s9, $0xF7A;
	s5 =	simm.s32 @!p2 $0x0  }
0x1d: {  	s5 =	simm.s32 @p1 $0x1;
	p0 =	seq.s32 s7, s2  }
0x1e: {  	s7 =	smul.u32 @!p0 $0xF7A, s2;
	p2 =	seq.s32 @!p0 s5, $0x0  }
0x1f: {  	s9 =	smul.u32 $0xF7A, s1;
	s8 =	simm.s32 @!p0 $0x1BF5;
	p2 =	por !p2, p0  }
0x20: {  	[sflag:s8] =	ssyncset.s32 @!p0 $0xFFFFF086;
	s6 =	sadd.s32 @!p0 s3, s7;
	s7 =	simm.s32 @!p0 $0x108  }
0x21: {  	s3 =	sadd.s32 s3, s9;
	s6 =	sadd.s32 @!p0 $0x88, s6;
	s7 =	simm.s32 @p2 $0x1082  }
0x22: {  	[simem:s7], [sflag:s8] =	dma.local @!p0 [hbm:s6], $0xF7A  }
0x23: {  	s9 =	sor.u32 $0xD0000000, s2;
	s6 =	simm.s32 $0x108;
	_ =	swait.ge @!p0 [sflag:s8], $0x0  }
0x24: {  	s3 =	sadd.s32 $0x88, s3;
	s6 =	simm.s32 @!p1 $0x1082;
	[sflag:s4] =	ssyncset.s32 $0xFFFFF086  }
0x25: {  	[simem:s6], [sflag:s4] =	dma.local [hbm:s3], $0xF7A  }
0x26: {  	[smem:$0x3F9F] =	sst s1;
	(tag) =	ssettag s2;
	_ =	strace s9  }
0x27: {  	s1 =	sld [smem:$0x3FAF]  }
0x28: {  	s2 =	sld [smem:$0x3FB0]  }
0x29: {  	s4 =	sld [smem:$0x3FB2]  }
0x2a: {  	p0 =	seq.s32 s5, $0x0;
	s5 =	sld [smem:$0x3FB3]  }
0x2b: {  	s6 =	sld [smem:$0x3FB4]  }
0x2c: {  	s7 =	sld [smem:$0x3FB5]  }
0x2d: {  	s3 =	simm.s32 $0x108;
	s8 =	sld [smem:$0x3FB6]  }
0x2e: {  	s3 =	simm.s32 @!p0 $0x1082;
	s9 =	sld [smem:$0x3FB7]  }
0x2f: {  	lr =	sadd.s32 s0, s3;
	s0 =	sld [smem:$0x3FAE]  }
0x30: {  	s3 =	sld [smem:$0x3FB1]  }
0x31: {  	[smem:$0x3FBA] =	sst s10  }
0x32: {  	s10 =	sld [smem:$0x3FB8];
	_ =	sdelay $0x3  }
0x33: {  	p0 =	seq.s32 s10, $0x1;
	s10 =	sld [smem:$0x3FBA];
	_ =	sdelay $0x3  }
0x34: {  	[smem:$0x3FBA] =	sst s10  }
0x35: {  	s10 =	sld [smem:$0x3FB9];
	_ =	sdelay $0x3  }
0x36: {  	p1 =	seq.s32 s10, $0x1;
	s10 =	sld [smem:$0x3FBA];
	_ =	sdelay $0x3  }
0x37: {  	[smem:$0x3FBA] =	sst s10  }
0x38: {  	s10 =	sld [smem:$0x3FBB]  }
0x39: {  	_ = 	snop;
	(pc) =	sbr.ind lr, $3  }
0x3a: {  	_ = 	snop  }
0x3b: {  	_ = 	snop  }
0x3c: {  	p2 =	seq.s32 s10, $0x1;
	s10 =	sld [smem:$0x3FBA]  }
0x3d: {  	_ =	shalt  }
0x3e: {  	_ =	shalt  }
0x3f: {  	_ =	shalt  }
0x40: {  	_ =	shalt  }
0x41: {  	_ =	shalt  }
0x42: {  	_ =	shalt  }
0x43: {  	_ =	shalt  }
0x44: {  	_ =	shalt  }
0x45: {  	_ =	shalt  }
0x46: {  	_ =	shalt  }
0x47: {  	_ =	shalt  }
0x48: {  	_ =	shalt  }
0x49: {  	_ =	shalt  }
0x4a: {  	_ =	shalt  }
0x4b: {  	_ =	shalt  }
0x4c: {  	_ =	shalt  }
0x4d: {  	_ =	shalt  }
0x4e: {  	_ =	shalt  }
0x4f: {  	_ =	shalt  }
0x50: {  	_ =	shalt  }
0x51: {  	_ =	shalt  }
0x52: {  	_ =	shalt  }
0x53: {  	_ =	shalt  }
0x54: {  	_ =	shalt  }
0x55: {  	_ =	shalt  }
0x56: {  	_ =	shalt  }
0x57: {  	_ =	shalt  }
0x58: {  	_ =	shalt  }
0x59: {  	_ =	shalt  }
0x5a: {  	_ =	shalt  }
0x5b: {  	_ =	shalt  }
0x5c: {  	_ =	shalt  }
0x5d: {  	_ =	shalt  }
0x5e: {  	_ =	shalt  }
0x5f: {  	_ =	shalt  }
0x60: {  	_ =	shalt  }
0x61: {  	_ =	shalt  }
0x62: {  	_ =	shalt  }
0x63: {  	_ =	shalt  }
0x64: {  	_ =	shalt  }
0x65: {  	_ =	shalt  }
0x66: {  	_ =	shalt  }
0x67: {  	_ =	shalt  }
0x68: {  	_ =	shalt  }
0x69: {  	_ =	shalt  }
0x6a: {  	_ =	shalt  }
0x6b: {  	_ =	shalt  }
0x6c: {  	_ =	shalt  }
0x6d: {  	_ =	shalt  }
0x6e: {  	_ =	shalt  }
0x6f: {  	_ =	shalt  }
0x70: {  	_ =	shalt  }
0x71: {  	_ =	shalt  }
0x72: {  	_ =	shalt  }
0x73: {  	_ =	shalt  }
0x74: {  	_ =	shalt  }
0x75: {  	_ =	shalt  }
0x76: {  	_ =	shalt  }
0x77: {  	_ =	shalt  }
0x78: {  	_ =	shalt  }
0x79: {  	_ =	shalt  }
0x7a: {  	_ =	shalt  }
0x7b: {  	_ =	shalt  }
0x7c: {  	_ =	shalt  }
0x7d: {  	_ =	shalt  }
0x7e: {  	_ =	shalt  }
0x7f: {  	_ =	shalt  }
0x80: {  	_ =	shalt  }
0x81: {  	_ =	shalt  }
0x82: {  	_ =	shalt  }
0x83: {  	_ =	shalt  }
0x84: {  	_ =	shalt  }
0x85: {  	_ =	shalt  }
0x86: {  	_ =	shalt  }
0x87: {  	_ =	shalt  }
.Lfunc_end0:
.L_simem_size_0:
called_computation.3_lowered:
.L_overlay_start_0:
0x88: {  	s2 =	sld [smem:$0x3FD9]  }
0x89: {  	s3 =	sld [smem:$0x3FFE];
	_ =	sdelay $0x1  }
0x8a: {  	s1 =	srdreg.scid  }
0x8b: {  	s0 =	sand.u32 $0x1, s1  }
0x8c: {  	s17 =	sshll.u32 s0, $0xA;
	s2 =	sadd.s32 s3, s2  }
0x8d: {  	s2 =	sadd.s32 s2, s17  }
0x8e: {  	[smem:$0x3FC6] =	sst s2  }
0x8f: {  	_ = 	snop  }
0x90: {  	s2 =	sld [smem:$0x3FD0];
	(tm) =	ssettm $0x1  }
0x91: {  	s18 =	sld [smem:$0x3FFB];
	_ =	sdelay $0x3  }
0x92: {  	_ =	strace s18  }
0x93: {  	s3 =	sld [smem:$0x3FFC];
	_ =	sdelay $0x3  }
0x94: {  	_ =	strace s3  }
0x95: {  	s3 =	sld [smem:$0x3FFD];
	_ =	sdelay $0x3  }
0x96: {  	_ =	strace s3  }
0x97: {  	_ =	strace $0x8FFFFFFF  }
0x98: {  	s19 =	sld [smem:$0x3FDB];
	_ =	sdelay $0x1  }
0x99: {  	s4 =	simm.s32 $_scs_section_size  }
0x9a: {  	s5 =	simm.s32 $_size__tile_overlayer_lowered;
	s6 =	simm.s32 $_tile_overlayer_lowered  }
0x9b: {  	s22 =	simm.s32 $0x1BFF;
	s21 =	sshll.u32 s6, $0x1;
	s3 =	sadd.s32 s4, s19  }
0x9c: {  	s7 =	simm.s32 $0x0;
	s20 =	sshll.u32 s5, $0x1;
	s5 =	sadd.s32 s21, s3  }
0x9d: {  	[timem:s7], [sflag:s22] =	dma.local [hbm:s5], s20  }
0x9e: {  	_ =	swait.ge [sflag:s22], s20  }
0x9f: {  	s4 =	ssub.s32 $0x0, s20;
	[sflag:s22] =	ssyncset.done $0x0  }
0xa0: {  	[sflag:s22] =	ssyncadd.s32 s4;
	_ =	sdelay $0x1  }
0xa1: {  	s23 =	simm.s32 $0x1B8B  }
0xa2: {  	_ =	swait.ge [sflag:s23], $0x1  }
0xa3: {  	[sflag:s23] =	ssyncset.done $0x0  }
0xa4: {  	s25 =	simm.s32 $0x1B8E;
	s24 =	sld [smem:$0x3FFE];
	[sflag:s23] =	ssyncadd.s32 $0xFFFFFFFF  }
0xa5: {  	s26 =	simm.s32 $execute0_lowered;
	[smem:$0x3FD2] =	sst s25  }
0xa6: {  	s5 =	sshll.u32 s26, $0x1;
	_ =	strace $0x8000004F;
	[dreg:$0x1] =	wrdreg $0xFFFFFFFF  }
0xa7: {  	s28 =	simm.s32 $_size_execute0_lowered;
	s3 =	sadd.s32 s3, s5;
	[dreg:$0x0] =	wrdreg $0x0  }
0xa8: {  	s5 =	sshll.u32 s28, $0x1;
	[dreg:$0x2] =	wrdreg s3  }
0xa9: {  	[dreg:$0x3] =	wrdreg s5  }
0xaa: {  	[dreg:$0x4] =	wrdreg $0xC0  }
0xab: {  	_ =	task [dreg:s7], $0x5FFFF  }
0xac: {  	[dreg:$0x1] =	wrdreg $0xFFFFFFFF  }
0xad: {  	[dreg:$0x0] =	wrdreg $0x60  }
0xae: {  	[dreg:$0x2] =	wrdreg s24  }
0xaf: {  	[dreg:$0x3] =	wrdreg s2  }
0xb0: {  	[dreg:$0x4] =	wrdreg $0x0  }
0xb1: {  	[dreg:$0x5] =	wrdreg $0x9  }
0xb2: {  	_ =	task.clear_ibuf [dreg:s7], $0x6FFFF;
	_ =	strace $0x9000004F  }
0xb3: {  	s29 =	simm.s32 $0x9;
	_ =	strace $0x80000051  }
0xb4: {  	_ =	swait.ge [sflag:s29], $0x1  }
0xb5: {  	[sflag:s29] =	ssyncadd.s32 $0xFFFFFFFF  }
0xb6: {  	_ =	strace $0x90000051  }
0xb7: {  	_ =	sfence  }
0xb8: {  	s30 =	sld [smem:$0x0];
	_ =	sdelay $0x2  }
0xb9: {  	s31 =	sshll.u32 s1, $0xD;
	s1 =	sshrl.u32 s1, $0x2  }
0xba: {  	s3 =	sand.u32 $0x4000, s31;
	s1 =	sadd.s32 s1, s30  }
0xbb: {  	s0 =	sor.u32 s3, s0;
	s1 =	sshll.u32 s1, $0x11  }
0xbc: {  	s0 =	sor.u32 s1, s0  }
0xbd: {  	s0 =	sadd.s32 $0x8F2B, s0  }
0xbe: {  	[sflag:s0] =	ssyncadd.remote.s32 $0x1  }
0xbf: {  	_ =	sfence.sel $0xFFFF  }
0xc0: {  	[dreg:$0x0] =	wrdreg $0xFFFFFFFF;
	(pc) =	sbr.abs _section_cstart, $3  }
0xc1: {  	[dreg:$0x1] =	wrdreg $0xFFFFFFFF  }
0xc2: {  	_ =	task.clear_ibuf [dreg:s7], $0x2FFFF;
	_ =	strace $0x9FFFFFFF  }
0xc3: {  	(tm) =	ssettm $0x7FFFFFFF  }
tec
execute0_lowered:
.L_overlay_start_1:
0x0: {  	(tag) =	ssettag $0x1  }
0x1: {  	s0 =	rddreg [dreg:$0x0]  }
0x2: {  	s2 =	rddreg [dreg:$0x1]  }
0x3: {  	s3 =	rddreg [dreg:$0x2]  }
0x4: {  	s4 =	simm.s32 $0x0;
	s13 =	stileid.u32;
	s5 =	srdreg.scid  }
0x5: {  	s14 =	simm.s32 $0x1CB20;
	s15 =	simm.s32 $0x3;
	s16 =	simm.s32 $0x18820  }
0x6: {  	s17 =	simm.s32 $0x18920;
	s18 =	simm.s32 $0x80;
	s19 =	simm.s32 $0x18B20  }
0x7: {  	s20 =	simm.s32 $0x188A0;
	s21 =	simm.s32 $0x1AB20;
	s22 =	simm.s32 $0x1  }
0x8: {  	s23 =	simm.s32 $0x18A20;
	s24 =	simm.s32 $0x18AA0;
	s26 =	simm.s32 $0x1DCA0  }
0x9: {  	[smem:$0x7FF] =	sst s4;
	s1 =	sshll.u32 s13, $0x5;
	s9 =	sand.u32 $0x1, s5  }
0xa: {  	s5 =	sadd.s32 $0x32800, s0;
	s6 =	sadd.s32 $0x94800, s0;
	s12 =	smul.u32 $0x62000, s13  }
0xb: {  	s7 =	sadd.s32 $0xF6800, s0;
	_ =	strace $0x80000050;
	s10 =	smul.u32 $0x61A8, s9  }
0xc: {  	s1 =	sadd.s32 s1, s0;
	s8 =	ssub.s32 $0x2, s9;
	s9 =	smul.u32 $0x6200, s9  }
0xd: {  	s11 =	sshrl.u32 s8, $0x1;
	s31 =	sshrl.u32 s12, $0x2;
	s12 =	sadd.s32 $0x1800, s1  }
0xe: {  	s30 =	ssub.s32 s8, s11;
	s8 =	smul.u32 $0x620, s13;
	s25 =	sadd.s32 $0x61A8, s10  }
0xf: {  	s11 =	sadd.s32 s31, s3;
	s13 =	sadd.s32 $0x1A000, s1;
	s0 =	smax.u32 s30, $0x1  }
0x10: {  	v2 =	vimm.f32 $0.0e+00;
	v0 =	vmov s10;
	s1 =	simm.s32 $0x0;
	v1 =	vmov s25;
	s25 =	simm.s32 $0x2;
	[dreg:$0x4] =	wrdreg s0  }
.LBB2_1:
0x11: {  	[dreg:$0x5] =	wrdreg s1;
	s0 =	simm.s32 $0x0  }
.LBB2_2:
0x12: {  	p0 =	sne.s32 s0, $0x3700  }
.Ltmp0:
0x13: {  	s1 =	sshra.s32 s0, $0x2;
	(pc) =	sbr.rel @p0 .LBB2_2-.Ltmp0, $4  }
0x14: {  	[tilespmem:s1+$0x1CB20] =	vst v2  }
0x15: {  	[tilespmem:s1+$0x1CB30] =	vst v2  }
0x16: {  	[tilespmem:s1+$0x1CB40] =	vst v2  }
0x17: {  	s0 =	sadd.s32 $0x100, s0;
	[tilespmem:s1+$0x1CB50] =	vst v2  }
0x18: {  	s0 =	sadd.s32 $0x0, s11  }
0x19: {  	[spmem:s0] =	stream.linear.scatter [tilespmem:s14], [sflag:$0x3], $0xE00, $0x38;
	[tilespmem:$0x1EAA0] =	vst v63  }
0x1a: {  	s0 =	simm.s32 $0x3800;
	_ =	swait.ge [sflag:s15], $0xE00  }
.LBB2_4:
0x1b: {  	s1 =	sshra.s32 s0, $0x2;
	[sflag:s15] =	ssyncset.done $0x0;
	p0 =	sne.s32 s0, $0x5E800  }
.Ltmp1:
0x1c: {  	s1 =	sadd.s32 s1, s11;
	[sflag:s15] =	ssyncadd.s32 $0xFFFFF200;
	(pc) =	sbr.rel @p0 .LBB2_4-.Ltmp1, $3  }
0x1d: {  	[spmem:s1] =	stream.linear.scatter [tilespmem:s14], [sflag:$0x3], $0xE00, $0x38;
	[tilespmem:$0x1EAA0] =	vst v63  }
0x1e: {  	s0 =	sadd.s32 $0x3800, s0;
	_ =	sdelay $0x1  }
0x1f: {  	_ =	swait.ge [sflag:s15], $0xE00  }
.Ltmp2:
0x20: {  	(pc) =	sbr.rel .LBB2_6-.Ltmp2, $4  }
0x21: {  	[sflag:s15] =	ssyncset.done $0x0  }
0x22: {  	[sflag:s15] =	ssyncadd.s32 $0xFFFFF200  }
0x23: {  	[bflag:$0x0] =	sbarrier.arrive $0xFFFF  }
0x24: {  	s29 =	simm.s32 $0x0;
	s30 =	stileid.u32  }
.LBB2_8:
0x25: {  	s29 =	sadd.s32 $0x200, s29  }
0x26: {  	p0 =	sne.s32 s29, $0x18800  }
.Ltmp3:
0x27: {  	_ = 	snop;
	(pc) =	sbr.rel @!p0 .LBB2_9-.Ltmp3, $2  }
0x28: {  	_ =	sdelay $0x2  }
0x29: {  	s30 =	sadd.s32 $0x10, s30  }
.LBB2_6:
0x2a: {  	p0 =	sgt.u32 s30, $0xC34  }
.Ltmp4:
0x2b: {  	_ = 	snop;
	(pc) =	sbr.rel @p0 .LBB2_8-.Ltmp4, $1  }
0x2c: {  	_ =	sdelay $0x3  }
0x2d: {  	s0 =	sadd.s32 s29, s13  }
0x2e: {  	[tilespmem:s16], [sflag:$0x3] =	stream.linear.gather [hbm4b:s0+s4], $0x100, $0x38;
	[tilespmem:$0x1EAA0] =	vst v63  }
0x2f: {  	_ =	swait.ge [sflag:s15], $0x100  }
0x30: {  	[sflag:s15] =	ssyncset.done $0x0  }
0x31: {  	s31 =	sadd.s32 s29, s12;
	[sflag:s15] =	ssyncadd.s32 $0xFFFFFF00  }
0x32: {  	[tilespmem:s17], [sflag:$0x3] =	stream.linear.gather [hbm4b:s31+s4], $0x100, $0x38;
	[tilespmem:$0x1EAA0] =	vst v63  }
0x33: {  	_ =	swait.ge [sflag:s15], $0x100  }
0x34: {  	[sflag:s15] =	ssyncset.done $0x0  }
0x35: {  	[sflag:s15] =	ssyncadd.s32 $0xFFFFFF00  }
0x36: {  	v3 =	vld [tilespmem:$0x18920]  }
0x37: {  	v4 =	vld [tilespmem:$0x18930]  }
0x38: {  	v5 =	vld [tilespmem:$0x18940]  }
0x39: {  	v6 =	vld [tilespmem:$0x18950]  }
0x3a: {  	v7 =	vld [tilespmem:$0x18960]  }
0x3b: {  	v8 =	vld [tilespmem:$0x18970]  }
0x3c: {  	v9 =	vld [tilespmem:$0x18980]  }
0x3d: {  	v11 =	vld [tilespmem:$0x189A0]  }
0x3e: {  	v12 =	vld [tilespmem:$0x189B0]  }
0x3f: {  	v13 =	vld [tilespmem:$0x189C0];
	vm0 =	vge.s32 v3, v0  }
0x40: {  	v19 =	vld [tilespmem:$0x189D0];
	vm1 =	vlt.s32 v3, v1;
	vm2 =	vge.s32 v4, v0;
	vm3 =	vlt.s32 v4, v1  }
0x41: {  	v22 =	vld [tilespmem:$0x189E0];
	v3 =	vsub.s32 v3, v0;
	v4 =	vsub.s32 v4, v0;
	vm10 =	vge.s32 v5, v0  }
0x42: {  	v25 =	vld [tilespmem:$0x18A00];
	vm11 =	vlt.s32 v5, v1;
	v5 =	vsub.s32 v5, v0;
	vm13 =	vge.s32 v6, v0  }
0x43: {  	vm14 =	vlt.s32 v6, v1;
	v6 =	vsub.s32 v6, v0;
	vm4 =	vge.s32 v7, v0  }
0x44: {  	v10 =	vld [tilespmem:$0x18990];
	vm5 =	vlt.s32 v7, v1;
	vm6 =	vge.s32 v8, v0;
	vm7 =	vlt.s32 v8, v1  }
0x45: {  	v7 =	vsub.s32 v7, v0;
	v8 =	vsub.s32 v8, v0;
	vm8 =	vge.s32 v9, v0  }
0x46: {  	v21 =	vsub.s32 v11, v0;
	v23 =	vsub.s32 v12, v0;
	v26 =	vsub.s32 v13, v0  }
0x47: {  	v27 =	vsub.s32 v19, v0;
	v30 =	vsub.s32 v22, v0;
	v34 =	vsub.s32 v25, v0  }
0x48: {  	vm0 =	vmand vm0, vm1;
	vm9 =	vmand vm2, vm3;
	vm12 =	vmand vm10, vm11  }
0x49: {  	vm15 =	vmand vm13, vm14;
	vm1 =	vmand vm6, vm7;
	vm10 =	vge.s32 v10, v0  }
0x4a: {  	vm11 =	vlt.s32 v10, v1;
	vm13 =	vge.s32 v11, v0;
	vm14 =	vlt.s32 v11, v1  }
0x4b: {  	v24 =	vld [tilespmem:$0x189F0];
	vm7 =	vge.s32 v13, v0;
	v3 =	vnsel vm0, $0x6200, v3;
	v4 =	vnsel vm9, $0x6200, v4  }
0x4c: {  	v5 =	vnsel vm12, $0x6200, v5;
	v6 =	vnsel vm15, $0x6200, v6;
	vm0 =	vmand vm4, vm5;
	[tilespmem:$0x18A20] =	vst v3  }
0x4d: {  	v8 =	vnsel vm1, $0x6200, v8;
	vm9 =	vlt.s32 v9, v1;
	v9 =	vsub.s32 v9, v0;
	[tilespmem:$0x18A30] =	vst v4  }
0x4e: {  	vm12 =	vmand vm10, vm11;
	vm15 =	vmand vm13, vm14;
	vm4 =	vge.s32 v12, v0;
	[tilespmem:$0x18A40] =	vst v5  }
0x4f: {  	vm5 =	vlt.s32 v12, v1;
	vm10 =	vlt.s32 v19, v1;
	vm11 =	vge.s32 v22, v0;
	[tilespmem:$0x18A50] =	vst v6  }
0x50: {  	vm13 =	vge.s32 v24, v0;
	vm14 =	vlt.s32 v24, v1;
	v7 =	vnsel vm0, $0x6200, v7;
	[tilespmem:$0x18A70] =	vst v8  }
0x51: {  	vm0 =	vmand vm8, vm9;
	v3 =	vsub.s32 v10, v0;
	v5 =	vnsel vm15, $0x6200, v21;
	[tilespmem:$0x18A60] =	vst v7  }
0x52: {  	v29 =	vld [tilespmem:$0x18A10];
	vm6 =	vmand vm4, vm5;
	vm8 =	vlt.s32 v13, v1;
	v20 =	vnsel vm0, $0x6200, v9;
	[tilespmem:$0x18AA0] =	vst v5  }
0x53: {  	vm9 =	vge.s32 v19, v0;
	vm15 =	vmand vm13, vm14;
	v3 =	vnsel vm12, $0x6200, v3;
	[tilespmem:$0x18A80] =	vst v20  }
0x54: {  	v6 =	vnsel vm6, $0x6200, v23;
	vm0 =	vmand vm7, vm8;
	vm1 =	vmand vm9, vm10;
	[tilespmem:$0x18A90] =	vst v3  }
0x55: {  	v31 =	vld [tilespmem:$0x18820];
	vm12 =	vlt.s32 v22, v1;
	vm6 =	vge.s32 v25, v0;
	v3 =	vnsel vm0, $0x6200, v26;
	[tilespmem:$0x18AB0] =	vst v6  }
0x56: {  	v32 =	vld [tilespmem:$0x18830];
	vm7 =	vlt.s32 v25, v1;
	v28 =	vnsel vm1, $0x6200, v27;
	vm0 =	vmand vm11, vm12;
	[tilespmem:$0x18AC0] =	vst v3  }
0x57: {  	v33 =	vld [tilespmem:$0x18840];
	vm9 =	vge.s32 v29, v0;
	v3 =	vsub.s32 v24, v0;
	v5 =	vnsel vm0, $0x6200, v30;
	[tilespmem:$0x18AD0] =	vst v28  }
0x58: {  	v35 =	vld [tilespmem:$0x18850];
	vm10 =	vlt.s32 v29, v1;
	vm8 =	vmand vm6, vm7;
	v3 =	vnsel vm15, $0x6200, v3;
	[tilespmem:$0x18AE0] =	vst v5  }
0x59: {  	v36 =	vld [tilespmem:$0x18860];
	vm11 =	vmand vm9, vm10;
	v5 =	vnsel vm8, $0x6200, v34;
	[tilespmem:$0x18AF0] =	vst v3;
	v3 =	vsub.s32 v29, v0  }
0x5a: {  	v38 =	vld [tilespmem:$0x18870];
	v37 =	vadd.s32 $0x58, v31;
	vm12 =	vgt.s32 v31, $0x61A7;
	[tilespmem:$0x18B00] =	vst v5;
	v3 =	vnsel vm11, $0x6200, v3  }
0x5b: {  	v40 =	vld [tilespmem:$0x18880];
	v39 =	vadd.s32 $0x58, v32;
	vm13 =	vgt.s32 v32, $0x61A7;
	[tilespmem:$0x18B10] =	vst v3;
	v3 =	vsel vm12, v37, v31  }
0x5c: {  	v42 =	vld [tilespmem:$0x18890];
	v41 =	vadd.s32 $0x58, v33;
	vm14 =	vgt.s32 v33, $0x61A7;
	[tilespmem:$0x18820] =	vst v3;
	v3 =	vsel vm13, v39, v32  }
0x5d: {  	v44 =	vld [tilespmem:$0x188A0];
	v43 =	vadd.s32 $0x58, v35;
	vm15 =	vgt.s32 v35, $0x61A7;
	[tilespmem:$0x18830] =	vst v3;
	v3 =	vsel vm14, v41, v33  }
0x5e: {  	v46 =	vld [tilespmem:$0x188B0];
	v45 =	vadd.s32 $0x58, v36;
	vm4 =	vgt.s32 v36, $0x61A7;
	[tilespmem:$0x18840] =	vst v3;
	v3 =	vsel vm15, v43, v35  }
0x5f: {  	v48 =	vld [tilespmem:$0x188C0];
	v47 =	vadd.s32 $0x58, v38;
	vm5 =	vgt.s32 v38, $0x61A7;
	[tilespmem:$0x18850] =	vst v3;
	v3 =	vsel vm4, v45, v36  }
0x60: {  	v50 =	vld [tilespmem:$0x188D0];
	v49 =	vadd.s32 $0x58, v40;
	vm6 =	vgt.s32 v40, $0x61A7;
	[tilespmem:$0x18860] =	vst v3;
	v3 =	vsel vm5, v47, v38  }
0x61: {  	v52 =	vld [tilespmem:$0x188E0];
	v51 =	vadd.s32 $0x58, v42;
	vm7 =	vgt.s32 v42, $0x61A7;
	[tilespmem:$0x18870] =	vst v3;
	v3 =	vsel vm6, v49, v40  }
0x62: {  	v54 =	vld [tilespmem:$0x188F0];
	v53 =	vadd.s32 $0x58, v44;
	vm8 =	vgt.s32 v44, $0x61A7;
	[tilespmem:$0x18880] =	vst v3;
	v3 =	vsel vm7, v51, v42  }
0x63: {  	v56 =	vld [tilespmem:$0x18900];
	v55 =	vadd.s32 $0x58, v46;
	vm9 =	vgt.s32 v46, $0x61A7;
	[tilespmem:$0x18890] =	vst v3;
	v3 =	vsel vm8, v53, v44  }
0x64: {  	v58 =	vld [tilespmem:$0x18910];
	v57 =	vadd.s32 $0x58, v48;
	vm10 =	vgt.s32 v48, $0x61A7;
	[tilespmem:$0x188A0] =	vst v3;
	v3 =	vsel vm9, v55, v46  }
0x65: {  	v59 =	vadd.s32 $0x58, v50;
	vm11 =	vgt.s32 v50, $0x61A7;
	[tilespmem:$0x188B0] =	vst v3;
	v3 =	vsel vm10, v57, v48  }
0x66: {  	v60 =	vadd.s32 $0x58, v52;
	vm12 =	vgt.s32 v52, $0x61A7;
	[tilespmem:$0x188C0] =	vst v3;
	v3 =	vsel vm11, v59, v50  }
0x67: {  	v61 =	vadd.s32 $0x58, v54;
	vm13 =	vgt.s32 v54, $0x61A7;
	[tilespmem:$0x188D0] =	vst v3;
	v3 =	vsel vm12, v60, v52  }
0x68: {  	v62 =	vadd.s32 $0x58, v56;
	vm14 =	vgt.s32 v56, $0x61A7;
	[tilespmem:$0x188E0] =	vst v3;
	v3 =	vsel vm13, v61, v54  }
0x69: {  	v63 =	vadd.s32 $0x58, v58;
	vm15 =	vgt.s32 v58, $0x61A7;
	[tilespmem:$0x188F0] =	vst v3;
	v3 =	vsel vm14, v62, v56  }
0x6a: {  	[tilespmem:$0x18900] =	vst v3;
	v3 =	vsel vm15, v63, v58  }
0x6b: {  	[tilespmem:$0x18910] =	vst v3  }
0x6c: {  	[tilespmem:s19], [sflag:$0x1] =	stream.indirect.gather [hbm4b:s5+s18], $0x40, s16, s18, $0xb8;
	[tilespmem:$0x1EAA0] =	vst v63  }
0x6d: {  	_ = 	snop  }
0x6e: {  	[tilespmem:s21], [sflag:$0x1] =	stream.indirect.gather [hbm4b:s5+s18], $0x40, s20, s18, $0xb8;
	[tilespmem:$0x1EAA0] =	vst v63  }
0x6f: {  	_ =	swait.ge [sflag:s22], $0x2000  }
0x70: {  	[sflag:s22] =	ssyncset.done $0x0  }
0x71: {  	[sflag:s22] =	ssyncadd.s32 $0xFFFFE000  }
0x72: {  	_ =	swait.ge [sflag:s22], $0x2000  }
0x73: {  	[sflag:s22] =	ssyncset.done $0x0  }
0x74: {  	[sflag:s22] =	ssyncadd.s32 $0xFFFFE000  }
0x75: {  	[spmem:s3] =	stream.indirect.scatter.add.f32 [tilespmem:s19], [sflag:$0x2], $0x40, s23, s18, $0xb8;
	[tilespmem:$0x1EAA0] =	vst v63  }
0x76: {  	_ = 	snop  }
0x77: {  	[spmem:s3] =	stream.indirect.scatter.add.f32 [tilespmem:s21], [sflag:$0x2], $0x40, s24, s18, $0xb8;
	[tilespmem:$0x1EAA0] =	vst v63  }
0x78: {  	_ =	swait.ge [sflag:s25], $0x2000  }
.Ltmp5:
0x79: {  	[sflag:s25] =	ssyncset.done $0x0;
	(pc) =	sbr.rel .LBB2_8-.Ltmp5, $4  }
0x7a: {  	[sflag:s25] =	ssyncadd.s32 $0xFFFFE000  }
0x7b: {  	_ =	swait.ge [sflag:s25], $0x2000  }
0x7c: {  	[sflag:s25] =	ssyncset.done $0x0  }
0x7d: {  	[sflag:s25] =	ssyncadd.s32 $0xFFFFE000  }
.LBB2_9:
0x7e: {  	[bflag:$0x0] =	sbarrier.arrive $0xFFFF;
	s29 =	simm.s32 $0x0;
	s30 =	simm.s32 $0x0  }
.LBB2_10:
0x7f: {  	s0 =	smul.u32 $0x38, s30;
	_ =	sdelay $0x1  }
0x80: {  	s0 =	sadd.s32 s8, s0  }
0x81: {  	s1 =	sshll.u32 s0, $0x6  }
0x82: {  	s1 =	sand.u32 $0x3FFFFFC0, s1  }
0x83: {  	s1 =	sadd.s32 s1, s3  }
0x84: {  	[tilespmem:s14], [sflag:$0x3] =	stream.linear.gather [spmem:s1], $0xE00, $0x38;
	[tilespmem:$0x1EAA0] =	vst v63  }
0x85: {  	s0 =	sadd.s32 s9, s0;
	_ =	swait.ge [sflag:s15], $0xE00  }
0x86: {  	s28 =	sshll.u32 s0, $0x1;
	[sflag:s15] =	ssyncset.done $0x0  }
0x87: {  	s10 =	sadd.s32 s2, s28;
	s1 =	simm.s32 $0x1D920;
	[sflag:s15] =	ssyncadd.s32 $0xFFFFF200  }
0x88: {  	[tilespmem:s1], [sflag:$0x3] =	stream.linear.gather [hbm4b:s10+s29], $0x380, $0x38;
	[tilespmem:$0x1EAA0] =	vst v63  }
0x89: {  	_ =	swait.ge [sflag:s15], $0x380  }
0x8a: {  	s31 =	sshll.u32 s0, $0x3;
	[sflag:s15] =	ssyncset.done $0x0  }
0x8b: {  	s0 =	sadd.s32 s6, s31;
	[sflag:s15] =	ssyncadd.s32 $0xFFFFFC80  }
0x8c: {  	[tilespmem:s26], [sflag:$0x3] =	stream.linear.gather [hbm4b:s0+s29], $0xE00, $0x38;
	[tilespmem:$0x1EAA0] =	vst v63  }
0x8d: {  	_ =	swait.ge [sflag:s15], $0xE00  }
0x8e: {  	[sflag:s15] =	ssyncset.done $0x0  }
0x8f: {  	s0 =	simm.s32 $0x0;
	[sflag:s15] =	ssyncadd.s32 $0xFFFFF200  }
0x90: {  	v3 =	vld [tilespmem:s0+$0x1CB30]  }
0x91: {  	v10 =	vld [tilespmem:s0+$0x1CB40]  }
0x92: {  	v11 =	vld [tilespmem:s0+$0x1CB50]  }
0x93: {  	v6 =	vld [tilespmem:s1+$0x0]  }
0x94: {  	v5 =	vld [tilespmem:s0+$0x1CB20]  }
0x95: {  	v4 =	vld [tilespmem:s0+$0x1DCB0]  }
0x96: {  	v7 =	vld [tilespmem:s0+$0x1DCD0]  }
0x97: {  	v9 =	vld [tilespmem:s0+$0x1DCC0]  }
0x98: {  	v8 =	vld [tilespmem:s0+$0x1DCA0]  }
0x99: {  	s10 =	simm.s32 $0x100;
	v10 =	vmul.f32 v10, v6;
	v11 =	vmul.f32 v11, v6  }
.LBB2_11:
0x9a: {  	p0 =	sne.s32 s10, $0x3700  }
0x9b: {  	v5 =	vmul.f32 v5, v6;
	v3 =	vmul.f32 v3, v6;
	s1 =	sadd.s32 $0x10, s1;
	s28 =	smov.u32 s10;
	s10 =	sadd.s32 $0x100, s10  }
0x9c: {  	v6 =	vadd.f32 v10, v9;
	v7 =	vadd.f32 v11, v7  }
0x9d: {  	v5 =	vadd.f32 v5, v8;
	v4 =	vadd.f32 v3, v4  }
0x9e: {  	s28 =	sshra.s32 s28, $0x2;
	v6 =	vmul.f32 $2.500000000e-01, v6;
	v7 =	vmul.f32 $2.500000000e-01, v7  }
0x9f: {  	v3 =	vld [tilespmem:s28+$0x1CB30];
	v8 =	vmul.f32 $2.500000000e-01, v5;
	v4 =	vmul.f32 $2.500000000e-01, v4  }
0xa0: {  	v10 =	vld [tilespmem:s28+$0x1CB40];
	[tilespmem:s0+$0x1DCD0] =	vst v7  }
0xa1: {  	v11 =	vld [tilespmem:s28+$0x1CB50];
	[tilespmem:s0+$0x1DCB0] =	vst v4  }
0xa2: {  	v5 =	vld [tilespmem:s28+$0x1CB20];
	[tilespmem:s0+$0x1DCC0] =	vst v6  }
0xa3: {  	v4 =	vld [tilespmem:s28+$0x1DCB0];
	[tilespmem:s0+$0x1DCA0] =	vst v8;
	s0 =	smov.u32 s28  }
0xa4: {  	v6 =	vld [tilespmem:s1+$0x0]  }
.Ltmp6:
0xa5: {  	v7 =	vld [tilespmem:s0+$0x1DCD0];
	(pc) =	sbr.rel @p0 .LBB2_11-.Ltmp6, $3  }
0xa6: {  	v9 =	vld [tilespmem:s0+$0x1DCC0]  }
0xa7: {  	v8 =	vld [tilespmem:s0+$0x1DCA0];
	_ =	sdelay $0x1  }
0xa8: {  	v10 =	vmul.f32 v10, v6;
	v11 =	vmul.f32 v11, v6  }
0xa9: {  	_ = 	snop  }
0xaa: {  	v3 =	vmul.f32 v3, v6;
	v7 =	vadd.f32 v11, v7  }
0xab: {  	v5 =	vmul.f32 v5, v6;
	v62 =	vadd.f32 v10, v9  }
0xac: {  	v3 =	vadd.f32 v3, v4;
	v63 =	vmul.f32 $2.500000000e-01, v7  }
0xad: {  	v5 =	vadd.f32 v5, v8;
	v4 =	vmul.f32 $2.500000000e-01, v62  }
0xae: {  	v3 =	vmul.f32 $2.500000000e-01, v3;
	[tilespmem:s0+$0x1DCD0] =	vst v63  }
0xaf: {  	s30 =	sadd.s32 $0x1, s30;
	v5 =	vmul.f32 $2.500000000e-01, v5;
	[tilespmem:s0+$0x1DCC0] =	vst v4  }
0xb0: {  	p0 =	sne.s32 s30, $0x1C;
	[tilespmem:s0+$0x1DCB0] =	vst v3  }
.Ltmp7:
0xb1: {  	s31 =	sadd.s32 s7, s31;
	[tilespmem:s0+$0x1DCA0] =	vst v5;
	(pc) =	sbr.rel @p0 .LBB2_10-.Ltmp7, $4  }
0xb2: {  	[hbm4b:s31+s4] =	stream.linear.scatter [tilespmem:s26], [sflag:$0x3], $0xE00, $0x38;
	[tilespmem:$0x1EAA0] =	vst v63  }
0xb3: {  	_ =	swait.ge [sflag:s15], $0xE00  }
0xb4: {  	[sflag:s15] =	ssyncset.done $0x0  }
0xb5: {  	[sflag:s15] =	ssyncadd.s32 $0xFFFFF200  }
0xb6: {  	s1 =	rddreg [dreg:$0x5]  }
0xb7: {  	s0 =	rddreg [dreg:$0x4];
	s1 =	sadd.s32 $0x1, s1  }
0xb8: {  	p0 =	sne.s32 s1, s0  }
.Ltmp8:
0xb9: {  	_ = 	snop;
	(pc) =	sbr.rel @p0 .LBB2_1-.Ltmp8, $1  }
0xba: {  	_ =	sdelay $0x3  }
0xbb: {  	_ =	sfence.sel $0x180000  }
0xbc: {  	[bflag:$0x0] =	sbarrier.arrive $0xFFFF  }
0xbd: {  	_ =	strace $0x90000050  }
0xbe: {  	s0 =	stileid.u32;
	[bflag:$0x2] =	sbarrier.arrive $0xFFFF  }
0xbf: {  	p0 =	sne.s32 s0, $0x0;
	s0 =	rddreg [dreg:$0x3]  }
0xc0: {  	s0 =	sadd.s32 @!p0 $0x100000, s0  }
0xc1: {  	[sflag:s0] =	ssyncadd.tile.s32 @!p0 $0x1;
	_ =	shalt  }
.Lfunc_end2:
_tile_overlayer_lowered:
.L_overlay_start_2:
0xc2: {  	(tag) =	ssettag $0x2  }
0xc3: {  	s0 =	rddreg [dreg:$0x0];
	s2 =	stileid.u32  }
0xc4: {  	s1 =	rddreg [dreg:$0x1];
	p0 =	sne.s32 s2, $0x0  }
0xc5: {  	s3 =	rddreg [dreg:$0x2];
	[bflag:$0x3] =	sbarrier.arrive $0xFFFF;
	s2 =	simm.s32 @!p0 $0x1C03  }
0xc6: {  	[timem:s3], [sflag:s2] =	dma.local @!p0 [hbm:s0], s1  }
0xc7: {  	s0 =	simm.s32 @!p0 $0x3  }
0xc8: {  	_ =	swait.ge @!p0 [sflag:s0], s1  }
0xc9: {  	s1 =	ssub.s32 @!p0 $0x0, s1;
	[sflag:s0] =	ssyncset.done @!p0 $0x0  }
0xca: {  	[sflag:s0] =	ssyncadd.s32 @!p0 s1  }
0xcb: {  	[bflag:$0x3] =	sbarrier.arrive $0xFFFF  }
0xcc: {  	_ =	shalt  }

// kernel: lightgcn_layer.4.cloned.1.call-start
scs
__scs_entry_jumppad:
0x0: {  	(pc) =	sbr.rel $0x88, $3  }
0x1: {  	(tag) =	ssettag $0x0;
	lr =	simm.s32 $0x1  }
0x2: {  	[smem:$0x3F9F] =	sst lr;
	_ =	strace $0xD0000000  }
0x3: {  	_ = 	snop  }
0x4: {  	_ = 	snop  }
0x5: {  	_ = 	snop  }
0x6: {  	_ = 	snop  }
0x7: {  	_ = 	snop  }
__scs_overlays_trampoline_lowered:
0x8: {  	[smem:$0x3FAE] =	sst s0  }
0x9: {  	[smem:$0x3FAF] =	sst s1  }
0xa: {  	[smem:$0x3FB0] =	sst s2  }
0xb: {  	[smem:$0x3FB1] =	sst s3  }
0xc: {  	[smem:$0x3FB2] =	sst s4  }
0xd: {  	[smem:$0x3FB3] =	sst s5  }
0xe: {  	[smem:$0x3FB4] =	sst s6  }
0xf: {  	[smem:$0x3FB5] =	sst s7  }
0x10: {  	[smem:$0x3FB6] =	sst s8  }
0x11: {  	[smem:$0x3FB7] =	sst s9;
	s0 =	simm.s32 @!p0 $0x0  }
0x12: {  	s1 =	sld [smem:$0x3F9D];
	s0 =	simm.s32 @p0 $0x1  }
0x13: {  	[smem:$0x3FB8] =	sst s0;
	s0 =	simm.s32 @!p1 $0x0  }
0x14: {  	s2 =	sld [smem:$0x3F9C];
	s0 =	simm.s32 @p1 $0x1  }
0x15: {  	[smem:$0x3FB9] =	sst s0;
	s0 =	simm.s32 @!p2 $0x0  }
0x16: {  	s3 =	sld [smem:$0x3FDB];
	s0 =	simm.s32 @p2 $0x1  }
0x17: {  	s4 =	simm.s32 $0x1BF5;
	[smem:$0x3FBB] =	sst s0  }
0x18: {  	s0 =	sld [smem:$0x3F9E];
	_ =	swait.ge [sflag:s4], $0x0  }
0x19: {  	s7 =	sld [smem:$0x3F9F]  }
0x1a: {  	s8 =	sadd.s32 $0xFFFFE003, lr  }
0x1b: {  	s9 =	sadd.s32 $0xFFFFFEF7, lr;
	s5 =	simm.s32 $0xFFFFFFFF;
	p2 =	slt.u32 s8, $0xFFFFF086  }
0x1c: {  	p1 =	slt.u32 s9, $0xF7A;
	s5 =	simm.s32 @!p2 $0x0  }
0x1d: {  	s5 =	simm.s32 @p1 $0x1;
	p0 =	seq.s32 s7, s2  }
0x1e: {  	s7 =	smul.u32 @!p0 $0xF7A, s2;
	p2 =	seq.s32 @!p0 s5, $0x0  }
0x1f: {  	s9 =	smul.u32 $0xF7A, s1;
	s8 =	simm.s32 @!p0 $0x1BF5;
	p2 =	por !p2, p0  }
0x20: {  	[sflag:s8] =	ssyncset.s32 @!p0 $0xFFFFF086;
	s6 =	sadd.s32 @!p0 s3, s7;
	s7 =	simm.s32 @!p0 $0x108  }
0x21: {  	s3 =	sadd.s32 s3, s9;
	s6 =	sadd.s32 @!p0 $0x88, s6;
	s7 =	simm.s32 @p2 $0x1082  }
0x22: {  	[simem:s7], [sflag:s8] =	dma.local @!p0 [hbm:s6], $0xF7A  }
0x23: {  	s9 =	sor.u32 $0xD0000000, s2;
	s6 =	simm.s32 $0x108;
	_ =	swait.ge @!p0 [sflag:s8], $0x0  }
0x24: {  	s3 =	sadd.s32 $0x88, s3;
	s6 =	simm.s32 @!p1 $0x1082;
	[sflag:s4] =	ssyncset.s32 $0xFFFFF086  }
0x25: {  	[simem:s6], [sflag:s4] =	dma.local [hbm:s3], $0xF7A  }
0x26: {  	[smem:$0x3F9F] =	sst s1;
	(tag) =	ssettag s2;
	_ =	strace s9  }
0x27: {  	s1 =	sld [smem:$0x3FAF]  }
0x28: {  	s2 =	sld [smem:$0x3FB0]  }
0x29: {  	s4 =	sld [smem:$0x3FB2]  }
0x2a: {  	p0 =	seq.s32 s5, $0x0;
	s5 =	sld [smem:$0x3FB3]  }
0x2b: {  	s6 =	sld [smem:$0x3FB4]  }
0x2c: {  	s7 =	sld [smem:$0x3FB5]  }
0x2d: {  	s3 =	simm.s32 $0x108;
	s8 =	sld [smem:$0x3FB6]  }
0x2e: {  	s3 =	simm.s32 @!p0 $0x1082;
	s9 =	sld [smem:$0x3FB7]  }
0x2f: {  	lr =	sadd.s32 s0, s3;
	s0 =	sld [smem:$0x3FAE]  }
0x30: {  	s3 =	sld [smem:$0x3FB1]  }
0x31: {  	[smem:$0x3FBA] =	sst s10  }
0x32: {  	s10 =	sld [smem:$0x3FB8];
	_ =	sdelay $0x3  }
0x33: {  	p0 =	seq.s32 s10, $0x1;
	s10 =	sld [smem:$0x3FBA];
	_ =	sdelay $0x3  }
0x34: {  	[smem:$0x3FBA] =	sst s10  }
0x35: {  	s10 =	sld [smem:$0x3FB9];
	_ =	sdelay $0x3  }
0x36: {  	p1 =	seq.s32 s10, $0x1;
	s10 =	sld [smem:$0x3FBA];
	_ =	sdelay $0x3  }
0x37: {  	[smem:$0x3FBA] =	sst s10  }
0x38: {  	s10 =	sld [smem:$0x3FBB]  }
0x39: {  	_ = 	snop;
	(pc) =	sbr.ind lr, $3  }
0x3a: {  	_ = 	snop  }
0x3b: {  	_ = 	snop  }
0x3c: {  	p2 =	seq.s32 s10, $0x1;
	s10 =	sld [smem:$0x3FBA]  }
0x3d: {  	_ =	shalt  }
0x3e: {  	_ =	shalt  }
0x3f: {  	_ =	shalt  }
0x40: {  	_ =	shalt  }
0x41: {  	_ =	shalt  }
0x42: {  	_ =	shalt  }
0x43: {  	_ =	shalt  }
0x44: {  	_ =	shalt  }
0x45: {  	_ =	shalt  }
0x46: {  	_ =	shalt  }
0x47: {  	_ =	shalt  }
0x48: {  	_ =	shalt  }
0x49: {  	_ =	shalt  }
0x4a: {  	_ =	shalt  }
0x4b: {  	_ =	shalt  }
0x4c: {  	_ =	shalt  }
0x4d: {  	_ =	shalt  }
0x4e: {  	_ =	shalt  }
0x4f: {  	_ =	shalt  }
0x50: {  	_ =	shalt  }
0x51: {  	_ =	shalt  }
0x52: {  	_ =	shalt  }
0x53: {  	_ =	shalt  }
0x54: {  	_ =	shalt  }
0x55: {  	_ =	shalt  }
0x56: {  	_ =	shalt  }
0x57: {  	_ =	shalt  }
0x58: {  	_ =	shalt  }
0x59: {  	_ =	shalt  }
0x5a: {  	_ =	shalt  }
0x5b: {  	_ =	shalt  }
0x5c: {  	_ =	shalt  }
0x5d: {  	_ =	shalt  }
0x5e: {  	_ =	shalt  }
0x5f: {  	_ =	shalt  }
0x60: {  	_ =	shalt  }
0x61: {  	_ =	shalt  }
0x62: {  	_ =	shalt  }
0x63: {  	_ =	shalt  }
0x64: {  	_ =	shalt  }
0x65: {  	_ =	shalt  }
0x66: {  	_ =	shalt  }
0x67: {  	_ =	shalt  }
0x68: {  	_ =	shalt  }
0x69: {  	_ =	shalt  }
0x6a: {  	_ =	shalt  }
0x6b: {  	_ =	shalt  }
0x6c: {  	_ =	shalt  }
0x6d: {  	_ =	shalt  }
0x6e: {  	_ =	shalt  }
0x6f: {  	_ =	shalt  }
0x70: {  	_ =	shalt  }
0x71: {  	_ =	shalt  }
0x72: {  	_ =	shalt  }
0x73: {  	_ =	shalt  }
0x74: {  	_ =	shalt  }
0x75: {  	_ =	shalt  }
0x76: {  	_ =	shalt  }
0x77: {  	_ =	shalt  }
0x78: {  	_ =	shalt  }
0x79: {  	_ =	shalt  }
0x7a: {  	_ =	shalt  }
0x7b: {  	_ =	shalt  }
0x7c: {  	_ =	shalt  }
0x7d: {  	_ =	shalt  }
0x7e: {  	_ =	shalt  }
0x7f: {  	_ =	shalt  }
0x80: {  	_ =	shalt  }
0x81: {  	_ =	shalt  }
0x82: {  	_ =	shalt  }
0x83: {  	_ =	shalt  }
0x84: {  	_ =	shalt  }
0x85: {  	_ =	shalt  }
0x86: {  	_ =	shalt  }
0x87: {  	_ =	shalt  }
.Lfunc_end0:
.L_simem_size_0:
called_computation.1_lowered:
.L_overlay_start_0:
0x88: {  	s2 =	sld [smem:$0x3FD9]  }
0x89: {  	s3 =	sld [smem:$0x3FFE];
	_ =	sdelay $0x1  }
0x8a: {  	s1 =	srdreg.scid  }
0x8b: {  	s0 =	sand.u32 $0x1, s1  }
0x8c: {  	s17 =	sshll.u32 s0, $0xA;
	s2 =	sadd.s32 s3, s2  }
0x8d: {  	s2 =	sadd.s32 s2, s17  }
0x8e: {  	[smem:$0x3FC6] =	sst s2  }
0x8f: {  	_ = 	snop  }
0x90: {  	s2 =	sld [smem:$0x3FD0];
	(tm) =	ssettm $0x1  }
0x91: {  	s18 =	sld [smem:$0x3FFB];
	_ =	sdelay $0x3  }
0x92: {  	_ =	strace s18  }
0x93: {  	s3 =	sld [smem:$0x3FFC];
	_ =	sdelay $0x3  }
0x94: {  	_ =	strace s3  }
0x95: {  	s3 =	sld [smem:$0x3FFD];
	_ =	sdelay $0x3  }
0x96: {  	_ =	strace s3  }
0x97: {  	_ =	strace $0x8FFFFFFF  }
0x98: {  	s19 =	sld [smem:$0x3FDB];
	_ =	sdelay $0x1  }
0x99: {  	s4 =	simm.s32 $_scs_section_size  }
0x9a: {  	s5 =	simm.s32 $_size__tile_overlayer_lowered;
	s6 =	simm.s32 $_tile_overlayer_lowered  }
0x9b: {  	s22 =	simm.s32 $0x1BFF;
	s21 =	sshll.u32 s6, $0x1;
	s3 =	sadd.s32 s4, s19  }
0x9c: {  	s7 =	simm.s32 $0x0;
	s20 =	sshll.u32 s5, $0x1;
	s5 =	sadd.s32 s21, s3  }
0x9d: {  	[timem:s7], [sflag:s22] =	dma.local [hbm:s5], s20  }
0x9e: {  	_ =	swait.ge [sflag:s22], s20  }
0x9f: {  	s4 =	ssub.s32 $0x0, s20;
	[sflag:s22] =	ssyncset.done $0x0  }
0xa0: {  	[sflag:s22] =	ssyncadd.s32 s4;
	_ =	sdelay $0x1  }
0xa1: {  	s23 =	simm.s32 $0x1B8B  }
0xa2: {  	_ =	swait.ge [sflag:s23], $0x1  }
0xa3: {  	[sflag:s23] =	ssyncset.done $0x0  }
0xa4: {  	s25 =	simm.s32 $0x1B8E;
	s24 =	sld [smem:$0x3FFE];
	[sflag:s23] =	ssyncadd.s32 $0xFFFFFFFF  }
0xa5: {  	s26 =	simm.s32 $execute0_lowered;
	[smem:$0x3FD2] =	sst s25  }
0xa6: {  	s5 =	sshll.u32 s26, $0x1;
	_ =	strace $0x80000049;
	[dreg:$0x1] =	wrdreg $0xFFFFFFFF  }
0xa7: {  	s28 =	simm.s32 $_size_execute0_lowered;
	s3 =	sadd.s32 s3, s5;
	[dreg:$0x0] =	wrdreg $0x0  }
0xa8: {  	s5 =	sshll.u32 s28, $0x1;
	[dreg:$0x2] =	wrdreg s3  }
0xa9: {  	[dreg:$0x3] =	wrdreg s5  }
0xaa: {  	[dreg:$0x4] =	wrdreg $0xC0  }
0xab: {  	_ =	task [dreg:s7], $0x5FFFF  }
0xac: {  	[dreg:$0x1] =	wrdreg $0xFFFFFFFF  }
0xad: {  	[dreg:$0x0] =	wrdreg $0x60  }
0xae: {  	[dreg:$0x2] =	wrdreg s24  }
0xaf: {  	[dreg:$0x3] =	wrdreg s2  }
0xb0: {  	[dreg:$0x4] =	wrdreg $0x0  }
0xb1: {  	[dreg:$0x5] =	wrdreg $0x9  }
0xb2: {  	_ =	task.clear_ibuf [dreg:s7], $0x6FFFF;
	_ =	strace $0x90000049  }
0xb3: {  	s29 =	simm.s32 $0x9;
	_ =	strace $0x8000004B  }
0xb4: {  	_ =	swait.ge [sflag:s29], $0x1  }
0xb5: {  	[sflag:s29] =	ssyncadd.s32 $0xFFFFFFFF  }
0xb6: {  	_ =	strace $0x9000004B  }
0xb7: {  	_ =	sfence  }
0xb8: {  	s30 =	sld [smem:$0x0];
	_ =	sdelay $0x2  }
0xb9: {  	s31 =	sshll.u32 s1, $0xD;
	s1 =	sshrl.u32 s1, $0x2  }
0xba: {  	s3 =	sand.u32 $0x4000, s31;
	s1 =	sadd.s32 s1, s30  }
0xbb: {  	s0 =	sor.u32 s3, s0;
	s1 =	sshll.u32 s1, $0x11  }
0xbc: {  	s0 =	sor.u32 s1, s0  }
0xbd: {  	s0 =	sadd.s32 $0x8F2B, s0  }
0xbe: {  	[sflag:s0] =	ssyncadd.remote.s32 $0x1  }
0xbf: {  	_ =	sfence.sel $0xFFFF  }
0xc0: {  	[dreg:$0x0] =	wrdreg $0xFFFFFFFF;
	(pc) =	sbr.abs _section_cstart, $3  }
0xc1: {  	[dreg:$0x1] =	wrdreg $0xFFFFFFFF  }
0xc2: {  	_ =	task.clear_ibuf [dreg:s7], $0x2FFFF;
	_ =	strace $0x9FFFFFFF  }
0xc3: {  	(tm) =	ssettm $0x7FFFFFFF  }
tec
execute0_lowered:
.L_overlay_start_1:
0x0: {  	(tag) =	ssettag $0x1  }
0x1: {  	s0 =	rddreg [dreg:$0x0]  }
0x2: {  	s1 =	rddreg [dreg:$0x1]  }
0x3: {  	s3 =	rddreg [dreg:$0x2];
	s4 =	simm.s32 $0x0  }
0x4: {  	s14 =	stileid.u32;
	s6 =	srdreg.scid;
	s15 =	simm.s32 $0x1CB20  }
0x5: {  	s16 =	simm.s32 $0x3;
	s17 =	simm.s32 $0x18820;
	s18 =	simm.s32 $0x18920  }
0x6: {  	s19 =	simm.s32 $0x80;
	s20 =	simm.s32 $0x18B20;
	s21 =	simm.s32 $0x188A0  }
0x7: {  	s22 =	simm.s32 $0x1AB20;
	s23 =	simm.s32 $0x1;
	s24 =	simm.s32 $0x18A20  }
0x8: {  	s25 =	simm.s32 $0x18AA0;
	s28 =	simm.s32 $0x1DCA0;
	[smem:$0x7FF] =	sst s4  }
0x9: {  	s2 =	sshll.u32 s14, $0x5;
	s5 =	sadd.s32 $0x94800, s0;
	s10 =	sand.u32 $0x1, s6  }
0xa: {  	s6 =	sadd.s32 $0x32800, s0;
	s13 =	smul.u32 $0x62000, s14;
	s8 =	sadd.s32 $0x158800, s0  }
0xb: {  	s7 =	sadd.s32 $0xF6800, s0;
	_ =	strace $0x8000004A;
	s11 =	smul.u32 $0x61A8, s10  }
0xc: {  	s2 =	sadd.s32 s2, s0;
	s9 =	ssub.s32 $0x2, s10;
	s10 =	smul.u32 $0x6200, s10  }
0xd: {  	s12 =	sshrl.u32 s9, $0x1;
	s31 =	sshrl.u32 s13, $0x2;
	s13 =	sadd.s32 $0x1800, s2  }
0xe: {  	s30 =	ssub.s32 s9, s12;
	s9 =	smul.u32 $0x620, s14;
	s26 =	sadd.s32 $0x61A8, s11  }
0xf: {  	s12 =	sadd.s32 s31, s3;
	s14 =	sadd.s32 $0x1A000, s2;
	s0 =	smax.u32 s30, $0x1  }
0x10: {  	v2 =	vimm.f32 $0.0e+00;
	v0 =	vmov s11;
	s2 =	simm.s32 $0x0;
	v1 =	vmov s26;
	s26 =	simm.s32 $0x2;
	[dreg:$0x4] =	wrdreg s0  }
.LBB2_1:
0x11: {  	[dreg:$0x5] =	wrdreg s2;
	s0 =	simm.s32 $0x0  }
.LBB2_2:
0x12: {  	p0 =	sne.s32 s0, $0x3700  }
.Ltmp0:
0x13: {  	s2 =	sshra.s32 s0, $0x2;
	(pc) =	sbr.rel @p0 .LBB2_2-.Ltmp0, $4  }
0x14: {  	[tilespmem:s2+$0x1CB20] =	vst v2  }
0x15: {  	[tilespmem:s2+$0x1CB30] =	vst v2  }
0x16: {  	[tilespmem:s2+$0x1CB40] =	vst v2  }
0x17: {  	s0 =	sadd.s32 $0x100, s0;
	[tilespmem:s2+$0x1CB50] =	vst v2  }
0x18: {  	s0 =	sadd.s32 $0x0, s12  }
0x19: {  	[spmem:s0] =	stream.linear.scatter [tilespmem:s15], [sflag:$0x3], $0xE00, $0x38;
	[tilespmem:$0x1EAA0] =	vst v63  }
0x1a: {  	s0 =	simm.s32 $0x3800;
	_ =	swait.ge [sflag:s16], $0xE00  }
.LBB2_4:
0x1b: {  	s2 =	sshra.s32 s0, $0x2;
	[sflag:s16] =	ssyncset.done $0x0;
	p0 =	sne.s32 s0, $0x5E800  }
.Ltmp1:
0x1c: {  	s2 =	sadd.s32 s2, s12;
	[sflag:s16] =	ssyncadd.s32 $0xFFFFF200;
	(pc) =	sbr.rel @p0 .LBB2_4-.Ltmp1, $3  }
0x1d: {  	[spmem:s2] =	stream.linear.scatter [tilespmem:s15], [sflag:$0x3], $0xE00, $0x38;
	[tilespmem:$0x1EAA0] =	vst v63  }
0x1e: {  	s0 =	sadd.s32 $0x3800, s0;
	_ =	sdelay $0x1  }
0x1f: {  	_ =	swait.ge [sflag:s16], $0xE00  }
.Ltmp2:
0x20: {  	(pc) =	sbr.rel .LBB2_6-.Ltmp2, $4  }
0x21: {  	[sflag:s16] =	ssyncset.done $0x0  }
0x22: {  	[sflag:s16] =	ssyncadd.s32 $0xFFFFF200  }
0x23: {  	[bflag:$0x0] =	sbarrier.arrive $0xFFFF  }
0x24: {  	s30 =	simm.s32 $0x0;
	s31 =	stileid.u32  }
.LBB2_8:
0x25: {  	s30 =	sadd.s32 $0x200, s30  }
0x26: {  	p0 =	sne.s32 s30, $0x18800  }
.Ltmp3:
0x27: {  	_ = 	snop;
	(pc) =	sbr.rel @!p0 .LBB2_9-.Ltmp3, $2  }
0x28: {  	_ =	sdelay $0x2  }
0x29: {  	s31 =	sadd.s32 $0x10, s31  }
.LBB2_6:
0x2a: {  	p0 =	sgt.u32 s31, $0xC34  }
.Ltmp4:
0x2b: {  	_ = 	snop;
	(pc) =	sbr.rel @p0 .LBB2_8-.Ltmp4, $1  }
0x2c: {  	_ =	sdelay $0x3  }
0x2d: {  	s0 =	sadd.s32 s30, s14  }
0x2e: {  	[tilespmem:s17], [sflag:$0x3] =	stream.linear.gather [hbm4b:s0+s4], $0x100, $0x38;
	[tilespmem:$0x1EAA0] =	vst v63  }
0x2f: {  	_ =	swait.ge [sflag:s16], $0x100  }
0x30: {  	[sflag:s16] =	ssyncset.done $0x0  }
0x31: {  	s29 =	sadd.s32 s30, s13;
	[sflag:s16] =	ssyncadd.s32 $0xFFFFFF00  }
0x32: {  	[tilespmem:s18], [sflag:$0x3] =	stream.linear.gather [hbm4b:s29+s4], $0x100, $0x38;
	[tilespmem:$0x1EAA0] =	vst v63  }
0x33: {  	_ =	swait.ge [sflag:s16], $0x100  }
0x34: {  	[sflag:s16] =	ssyncset.done $0x0  }
0x35: {  	[sflag:s16] =	ssyncadd.s32 $0xFFFFFF00  }
0x36: {  	v3 =	vld [tilespmem:$0x18920]  }
0x37: {  	v4 =	vld [tilespmem:$0x18930]  }
0x38: {  	v5 =	vld [tilespmem:$0x18940]  }
0x39: {  	v6 =	vld [tilespmem:$0x18950]  }
0x3a: {  	v7 =	vld [tilespmem:$0x18960]  }
0x3b: {  	v8 =	vld [tilespmem:$0x18970]  }
0x3c: {  	v9 =	vld [tilespmem:$0x18980]  }
0x3d: {  	v11 =	vld [tilespmem:$0x189A0]  }
0x3e: {  	v12 =	vld [tilespmem:$0x189B0]  }
0x3f: {  	v13 =	vld [tilespmem:$0x189C0];
	vm0 =	vge.s32 v3, v0  }
0x40: {  	v19 =	vld [tilespmem:$0x189D0];
	vm1 =	vlt.s32 v3, v1;
	vm2 =	vge.s32 v4, v0;
	vm3 =	vlt.s32 v4, v1  }
0x41: {  	v22 =	vld [tilespmem:$0x189E0];
	v3 =	vsub.s32 v3, v0;
	v4 =	vsub.s32 v4, v0;
	vm10 =	vge.s32 v5, v0  }
0x42: {  	v25 =	vld [tilespmem:$0x18A00];
	vm11 =	vlt.s32 v5, v1;
	v5 =	vsub.s32 v5, v0;
	vm13 =	vge.s32 v6, v0  }
0x43: {  	vm14 =	vlt.s32 v6, v1;
	v6 =	vsub.s32 v6, v0;
	vm4 =	vge.s32 v7, v0  }
0x44: {  	v10 =	vld [tilespmem:$0x18990];
	vm5 =	vlt.s32 v7, v1;
	vm6 =	vge.s32 v8, v0;
	vm7 =	vlt.s32 v8, v1  }
0x45: {  	v7 =	vsub.s32 v7, v0;
	v8 =	vsub.s32 v8, v0;
	vm8 =	vge.s32 v9, v0  }
0x46: {  	v21 =	vsub.s32 v11, v0;
	v23 =	vsub.s32 v12, v0;
	v26 =	vsub.s32 v13, v0  }
0x47: {  	v27 =	vsub.s32 v19, v0;
	v30 =	vsub.s32 v22, v0;
	v34 =	vsub.s32 v25, v0  }
0x48: {  	vm0 =	vmand vm0, vm1;
	vm9 =	vmand vm2, vm3;
	vm12 =	vmand vm10, vm11  }
0x49: {  	vm15 =	vmand vm13, vm14;
	vm1 =	vmand vm6, vm7;
	vm10 =	vge.s32 v10, v0  }
0x4a: {  	vm11 =	vlt.s32 v10, v1;
	vm13 =	vge.s32 v11, v0;
	vm14 =	vlt.s32 v11, v1  }
0x4b: {  	v24 =	vld [tilespmem:$0x189F0];
	vm7 =	vge.s32 v13, v0;
	v3 =	vnsel vm0, $0x6200, v3;
	v4 =	vnsel vm9, $0x6200, v4  }
0x4c: {  	v5 =	vnsel vm12, $0x6200, v5;
	v6 =	vnsel vm15, $0x6200, v6;
	vm0 =	vmand vm4, vm5;
	[tilespmem:$0x18A20] =	vst v3  }
0x4d: {  	v8 =	vnsel vm1, $0x6200, v8;
	vm9 =	vlt.s32 v9, v1;
	v9 =	vsub.s32 v9, v0;
	[tilespmem:$0x18A30] =	vst v4  }
0x4e: {  	vm12 =	vmand vm10, vm11;
	vm15 =	vmand vm13, vm14;
	vm4 =	vge.s32 v12, v0;
	[tilespmem:$0x18A40] =	vst v5  }
0x4f: {  	vm5 =	vlt.s32 v12, v1;
	vm10 =	vlt.s32 v19, v1;
	vm11 =	vge.s32 v22, v0;
	[tilespmem:$0x18A50] =	vst v6  }
0x50: {  	vm13 =	vge.s32 v24, v0;
	vm14 =	vlt.s32 v24, v1;
	v7 =	vnsel vm0, $0x6200, v7;
	[tilespmem:$0x18A70] =	vst v8  }
0x51: {  	vm0 =	vmand vm8, vm9;
	v3 =	vsub.s32 v10, v0;
	v5 =	vnsel vm15, $0x6200, v21;
	[tilespmem:$0x18A60] =	vst v7  }
0x52: {  	v29 =	vld [tilespmem:$0x18A10];
	vm6 =	vmand vm4, vm5;
	vm8 =	vlt.s32 v13, v1;
	v20 =	vnsel vm0, $0x6200, v9;
	[tilespmem:$0x18AA0] =	vst v5  }
0x53: {  	vm9 =	vge.s32 v19, v0;
	vm15 =	vmand vm13, vm14;
	v3 =	vnsel vm12, $0x6200, v3;
	[tilespmem:$0x18A80] =	vst v20  }
0x54: {  	v6 =	vnsel vm6, $0x6200, v23;
	vm0 =	vmand vm7, vm8;
	vm1 =	vmand vm9, vm10;
	[tilespmem:$0x18A90] =	vst v3  }
0x55: {  	v31 =	vld [tilespmem:$0x18820];
	vm12 =	vlt.s32 v22, v1;
	vm6 =	vge.s32 v25, v0;
	v3 =	vnsel vm0, $0x6200, v26;
	[tilespmem:$0x18AB0] =	vst v6  }
0x56: {  	v32 =	vld [tilespmem:$0x18830];
	vm7 =	vlt.s32 v25, v1;
	v28 =	vnsel vm1, $0x6200, v27;
	vm0 =	vmand vm11, vm12;
	[tilespmem:$0x18AC0] =	vst v3  }
0x57: {  	v33 =	vld [tilespmem:$0x18840];
	vm9 =	vge.s32 v29, v0;
	v3 =	vsub.s32 v24, v0;
	v5 =	vnsel vm0, $0x6200, v30;
	[tilespmem:$0x18AD0] =	vst v28  }
0x58: {  	v35 =	vld [tilespmem:$0x18850];
	vm10 =	vlt.s32 v29, v1;
	vm8 =	vmand vm6, vm7;
	v3 =	vnsel vm15, $0x6200, v3;
	[tilespmem:$0x18AE0] =	vst v5  }
0x59: {  	v36 =	vld [tilespmem:$0x18860];
	vm11 =	vmand vm9, vm10;
	v5 =	vnsel vm8, $0x6200, v34;
	[tilespmem:$0x18AF0] =	vst v3;
	v3 =	vsub.s32 v29, v0  }
0x5a: {  	v38 =	vld [tilespmem:$0x18870];
	v37 =	vadd.s32 $0x58, v31;
	vm12 =	vgt.s32 v31, $0x61A7;
	[tilespmem:$0x18B00] =	vst v5;
	v3 =	vnsel vm11, $0x6200, v3  }
0x5b: {  	v40 =	vld [tilespmem:$0x18880];
	v39 =	vadd.s32 $0x58, v32;
	vm13 =	vgt.s32 v32, $0x61A7;
	[tilespmem:$0x18B10] =	vst v3;
	v3 =	vsel vm12, v37, v31  }
0x5c: {  	v42 =	vld [tilespmem:$0x18890];
	v41 =	vadd.s32 $0x58, v33;
	vm14 =	vgt.s32 v33, $0x61A7;
	[tilespmem:$0x18820] =	vst v3;
	v3 =	vsel vm13, v39, v32  }
0x5d: {  	v44 =	vld [tilespmem:$0x188A0];
	v43 =	vadd.s32 $0x58, v35;
	vm15 =	vgt.s32 v35, $0x61A7;
	[tilespmem:$0x18830] =	vst v3;
	v3 =	vsel vm14, v41, v33  }
0x5e: {  	v46 =	vld [tilespmem:$0x188B0];
	v45 =	vadd.s32 $0x58, v36;
	vm4 =	vgt.s32 v36, $0x61A7;
	[tilespmem:$0x18840] =	vst v3;
	v3 =	vsel vm15, v43, v35  }
0x5f: {  	v48 =	vld [tilespmem:$0x188C0];
	v47 =	vadd.s32 $0x58, v38;
	vm5 =	vgt.s32 v38, $0x61A7;
	[tilespmem:$0x18850] =	vst v3;
	v3 =	vsel vm4, v45, v36  }
0x60: {  	v50 =	vld [tilespmem:$0x188D0];
	v49 =	vadd.s32 $0x58, v40;
	vm6 =	vgt.s32 v40, $0x61A7;
	[tilespmem:$0x18860] =	vst v3;
	v3 =	vsel vm5, v47, v38  }
0x61: {  	v52 =	vld [tilespmem:$0x188E0];
	v51 =	vadd.s32 $0x58, v42;
	vm7 =	vgt.s32 v42, $0x61A7;
	[tilespmem:$0x18870] =	vst v3;
	v3 =	vsel vm6, v49, v40  }
0x62: {  	v54 =	vld [tilespmem:$0x188F0];
	v53 =	vadd.s32 $0x58, v44;
	vm8 =	vgt.s32 v44, $0x61A7;
	[tilespmem:$0x18880] =	vst v3;
	v3 =	vsel vm7, v51, v42  }
0x63: {  	v56 =	vld [tilespmem:$0x18900];
	v55 =	vadd.s32 $0x58, v46;
	vm9 =	vgt.s32 v46, $0x61A7;
	[tilespmem:$0x18890] =	vst v3;
	v3 =	vsel vm8, v53, v44  }
0x64: {  	v58 =	vld [tilespmem:$0x18910];
	v57 =	vadd.s32 $0x58, v48;
	vm10 =	vgt.s32 v48, $0x61A7;
	[tilespmem:$0x188A0] =	vst v3;
	v3 =	vsel vm9, v55, v46  }
0x65: {  	v59 =	vadd.s32 $0x58, v50;
	vm11 =	vgt.s32 v50, $0x61A7;
	[tilespmem:$0x188B0] =	vst v3;
	v3 =	vsel vm10, v57, v48  }
0x66: {  	v60 =	vadd.s32 $0x58, v52;
	vm12 =	vgt.s32 v52, $0x61A7;
	[tilespmem:$0x188C0] =	vst v3;
	v3 =	vsel vm11, v59, v50  }
0x67: {  	v61 =	vadd.s32 $0x58, v54;
	vm13 =	vgt.s32 v54, $0x61A7;
	[tilespmem:$0x188D0] =	vst v3;
	v3 =	vsel vm12, v60, v52  }
0x68: {  	v62 =	vadd.s32 $0x58, v56;
	vm14 =	vgt.s32 v56, $0x61A7;
	[tilespmem:$0x188E0] =	vst v3;
	v3 =	vsel vm13, v61, v54  }
0x69: {  	v63 =	vadd.s32 $0x58, v58;
	vm15 =	vgt.s32 v58, $0x61A7;
	[tilespmem:$0x188F0] =	vst v3;
	v3 =	vsel vm14, v62, v56  }
0x6a: {  	[tilespmem:$0x18900] =	vst v3;
	v3 =	vsel vm15, v63, v58  }
0x6b: {  	[tilespmem:$0x18910] =	vst v3  }
0x6c: {  	[tilespmem:s20], [sflag:$0x1] =	stream.indirect.gather [hbm4b:s5+s19], $0x40, s17, s19, $0xb8;
	[tilespmem:$0x1EAA0] =	vst v63  }
0x6d: {  	_ = 	snop  }
0x6e: {  	[tilespmem:s22], [sflag:$0x1] =	stream.indirect.gather [hbm4b:s5+s19], $0x40, s21, s19, $0xb8;
	[tilespmem:$0x1EAA0] =	vst v63  }
0x6f: {  	_ =	swait.ge [sflag:s23], $0x2000  }
0x70: {  	[sflag:s23] =	ssyncset.done $0x0  }
0x71: {  	[sflag:s23] =	ssyncadd.s32 $0xFFFFE000  }
0x72: {  	_ =	swait.ge [sflag:s23], $0x2000  }
0x73: {  	[sflag:s23] =	ssyncset.done $0x0  }
0x74: {  	[sflag:s23] =	ssyncadd.s32 $0xFFFFE000  }
0x75: {  	[spmem:s3] =	stream.indirect.scatter.add.f32 [tilespmem:s20], [sflag:$0x2], $0x40, s24, s19, $0xb8;
	[tilespmem:$0x1EAA0] =	vst v63  }
0x76: {  	_ = 	snop  }
0x77: {  	[spmem:s3] =	stream.indirect.scatter.add.f32 [tilespmem:s22], [sflag:$0x2], $0x40, s25, s19, $0xb8;
	[tilespmem:$0x1EAA0] =	vst v63  }
0x78: {  	_ =	swait.ge [sflag:s26], $0x2000  }
.Ltmp5:
0x79: {  	[sflag:s26] =	ssyncset.done $0x0;
	(pc) =	sbr.rel .LBB2_8-.Ltmp5, $4  }
0x7a: {  	[sflag:s26] =	ssyncadd.s32 $0xFFFFE000  }
0x7b: {  	_ =	swait.ge [sflag:s26], $0x2000  }
0x7c: {  	[sflag:s26] =	ssyncset.done $0x0  }
0x7d: {  	[sflag:s26] =	ssyncadd.s32 $0xFFFFE000  }
.LBB2_9:
0x7e: {  	[bflag:$0x0] =	sbarrier.arrive $0xFFFF;
	s30 =	simm.s32 $0x0;
	s31 =	simm.s32 $0x0  }
.LBB2_10:
0x7f: {  	s0 =	smul.u32 $0x38, s31;
	_ =	sdelay $0x1  }
0x80: {  	s0 =	sadd.s32 s9, s0  }
0x81: {  	s2 =	sshll.u32 s0, $0x6  }
0x82: {  	s2 =	sand.u32 $0x3FFFFFC0, s2  }
0x83: {  	s2 =	sadd.s32 s2, s3  }
0x84: {  	[tilespmem:s15], [sflag:$0x3] =	stream.linear.gather [spmem:s2], $0xE00, $0x38;
	[tilespmem:$0x1EAA0] =	vst v63  }
0x85: {  	s0 =	sadd.s32 s10, s0;
	_ =	swait.ge [sflag:s16], $0xE00  }
0x86: {  	s11 =	sshll.u32 s0, $0x1;
	[sflag:s16] =	ssyncset.done $0x0  }
0x87: {  	s2 =	sadd.s32 s1, s11;
	s11 =	simm.s32 $0x1D920;
	[sflag:s16] =	ssyncadd.s32 $0xFFFFF200  }
0x88: {  	[tilespmem:s11], [sflag:$0x3] =	stream.linear.gather [hbm4b:s2+s30], $0x380, $0x38;
	[tilespmem:$0x1EAA0] =	vst v63  }
0x89: {  	_ =	swait.ge [sflag:s16], $0x380  }
0x8a: {  	s0 =	sshll.u32 s0, $0x3;
	[sflag:s16] =	ssyncset.done $0x0  }
0x8b: {  	s18 =	sadd.s32 s6, s0;
	[sflag:s16] =	ssyncadd.s32 $0xFFFFFC80  }
0x8c: {  	[tilespmem:s28], [sflag:$0x3] =	stream.linear.gather [hbm4b:s18+s30], $0xE00, $0x38;
	[tilespmem:$0x1EAA0] =	vst v63  }
0x8d: {  	_ =	swait.ge [sflag:s16], $0xE00  }
0x8e: {  	[sflag:s16] =	ssyncset.done $0x0  }
0x8f: {  	s2 =	simm.s32 $0x0;
	[sflag:s16] =	ssyncadd.s32 $0xFFFFF200  }
0x90: {  	v5 =	vld [tilespmem:s2+$0x1CB20]  }
0x91: {  	v4 =	vld [tilespmem:s2+$0x1CB30]  }
0x92: {  	s29 =	simm.s32 $0x100;
	v3 =	vld [tilespmem:s2+$0x1CB40]  }
.LBB2_11:
0x93: {  	p0 =	sne.s32 s29, $0x3700;
	v6 =	vld [tilespmem:s11+$0x0]  }
0x94: {  	v7 =	vld [tilespmem:s2+$0x1DCC0]  }
0x95: {  	v8 =	vld [tilespmem:s2+$0x1DCA0]  }
0x96: {  	v9 =	vld [tilespmem:s2+$0x1DCB0]  }
0x97: {  	v10 =	vld [tilespmem:s2+$0x1CB50]  }
0x98: {  	v11 =	vmul.f32 v6, v6;
	v12 =	vmul.f32 v5, v6  }
0x99: {  	v13 =	vmul.f32 v4, v6;
	v14 =	vmul.f32 v3, v6;
	v15 =	vld [tilespmem:s2+$0x1DCD0]  }
0x9a: {  	v8 =	vadd.f32 v12, v8;
	v5 =	vmul.f32 v11, v5;
	v4 =	vmul.f32 v4, v11  }
0x9b: {  	v7 =	vadd.f32 v14, v7;
	v3 =	vmul.f32 v3, v11;
	v9 =	vadd.f32 v13, v9  }
0x9c: {  	[tilespmem:s2+$0x1DCA0] =	vst v8;
	v6 =	vmul.f32 v10, v6;
	v8 =	vmul.f32 v10, v11  }
0x9d: {  	[tilespmem:s2+$0x18B20] =	vst v5  }
0x9e: {  	[tilespmem:s2+$0x1DCB0] =	vst v9;
	v6 =	vadd.f32 v6, v15  }
.Ltmp6:
0x9f: {  	[tilespmem:s2+$0x18B30] =	vst v4;
	(pc) =	sbr.rel @p0 .LBB2_11-.Ltmp6, $4  }
0xa0: {  	s18 =	sshra.s32 s29, $0x2;
	[tilespmem:s2+$0x1DCC0] =	vst v7  }
0xa1: {  	v5 =	vld [tilespmem:s18+$0x1CB20];
	[tilespmem:s2+$0x18B40] =	vst v3  }
0xa2: {  	v4 =	vld [tilespmem:s18+$0x1CB30];
	[tilespmem:s2+$0x1DCD0] =	vst v6  }
0xa3: {  	s29 =	sadd.s32 $0x100, s29;
	s11 =	sadd.s32 $0x10, s11;
	v3 =	vld [tilespmem:s18+$0x1CB40];
	[tilespmem:s2+$0x18B50] =	vst v8;
	s2 =	smov.u32 s18  }
0xa4: {  	v6 =	vld [tilespmem:s11+$0x0];
	_ =	sdelay $0x1  }
0xa5: {  	v7 =	vld [tilespmem:s2+$0x1DCA0];
	_ =	sdelay $0x1  }
0xa6: {  	v8 =	vld [tilespmem:s2+$0x1DCB0]  }
0xa7: {  	v9 =	vld [tilespmem:s2+$0x1DCC0];
	v10 =	vmul.f32 v5, v6  }
0xa8: {  	v11 =	vld [tilespmem:s2+$0x1CB50];
	v12 =	vmul.f32 v6, v6  }
0xa9: {  	v13 =	vmul.f32 v4, v6;
	v7 =	vadd.f32 v10, v7  }
0xaa: {  	v58 =	vld [tilespmem:s2+$0x1DCD0];
	v59 =	vmul.f32 v12, v5  }
0xab: {  	v14 =	vmul.f32 v3, v6;
	v8 =	vadd.f32 v13, v8;
	[tilespmem:s2+$0x1DCA0] =	vst v7  }
0xac: {  	v60 =	vmul.f32 v4, v12;
	[tilespmem:s2+$0x18B20] =	vst v59  }
0xad: {  	v6 =	vmul.f32 v11, v6;
	v61 =	vadd.f32 v14, v9;
	[tilespmem:s2+$0x1DCB0] =	vst v8  }
0xae: {  	v3 =	vmul.f32 v3, v12;
	[tilespmem:s2+$0x18B30] =	vst v60  }
0xaf: {  	v62 =	vadd.f32 v6, v58;
	[tilespmem:s2+$0x1DCC0] =	vst v61  }
0xb0: {  	v63 =	vmul.f32 v11, v12;
	[tilespmem:s2+$0x18B40] =	vst v3  }
0xb1: {  	[tilespmem:s2+$0x1DCD0] =	vst v62  }
0xb2: {  	s18 =	sadd.s32 s8, s0;
	[tilespmem:s2+$0x18B50] =	vst v63  }
0xb3: {  	[hbm4b:s18+s4] =	stream.linear.scatter [tilespmem:s28], [sflag:$0x3], $0xE00, $0x38;
	[tilespmem:$0x1EAA0] =	vst v63  }
0xb4: {  	s31 =	sadd.s32 $0x1, s31;
	_ =	swait.ge [sflag:s16], $0xE00  }
0xb5: {  	p0 =	sne.s32 s31, $0x1C;
	[sflag:s16] =	ssyncset.done $0x0  }
.Ltmp7:
0xb6: {  	s29 =	sadd.s32 s7, s0;
	[sflag:s16] =	ssyncadd.s32 $0xFFFFF200;
	(pc) =	sbr.rel @p0 .LBB2_10-.Ltmp7, $4  }
0xb7: {  	[hbm4b:s29+s4] =	stream.linear.scatter [tilespmem:s20], [sflag:$0x3], $0xE00, $0x38;
	[tilespmem:$0x1EAA0] =	vst v63  }
0xb8: {  	_ =	swait.ge [sflag:s16], $0xE00  }
0xb9: {  	[sflag:s16] =	ssyncset.done $0x0  }
0xba: {  	[sflag:s16] =	ssyncadd.s32 $0xFFFFF200  }
0xbb: {  	s2 =	rddreg [dreg:$0x5]  }
0xbc: {  	s0 =	rddreg [dreg:$0x4];
	s2 =	sadd.s32 $0x1, s2  }
0xbd: {  	p0 =	sne.s32 s2, s0  }
.Ltmp8:
0xbe: {  	_ = 	snop;
	(pc) =	sbr.rel @p0 .LBB2_1-.Ltmp8, $2  }
0xbf: {  	_ =	sdelay $0x2  }
0xc0: {  	s18 =	simm.s32 $0x18920  }
0xc1: {  	_ =	sfence.sel $0x180000  }
0xc2: {  	[bflag:$0x0] =	sbarrier.arrive $0xFFFF  }
0xc3: {  	_ =	strace $0x9000004A  }
0xc4: {  	s0 =	stileid.u32;
	[bflag:$0x2] =	sbarrier.arrive $0xFFFF  }
0xc5: {  	p0 =	sne.s32 s0, $0x0;
	s0 =	rddreg [dreg:$0x3]  }
0xc6: {  	s0 =	sadd.s32 @!p0 $0x100000, s0  }
0xc7: {  	[sflag:s0] =	ssyncadd.tile.s32 @!p0 $0x1;
	_ =	shalt  }
.Lfunc_end2:
_tile_overlayer_lowered:
.L_overlay_start_2:
0xc8: {  	(tag) =	ssettag $0x2  }
0xc9: {  	s0 =	rddreg [dreg:$0x0];
	s2 =	stileid.u32  }
0xca: {  	s1 =	rddreg [dreg:$0x1];
	p0 =	sne.s32 s2, $0x0  }
0xcb: {  	s3 =	rddreg [dreg:$0x2];
	[bflag:$0x3] =	sbarrier.arrive $0xFFFF;
	s2 =	simm.s32 @!p0 $0x1C03  }
0xcc: {  	[timem:s3], [sflag:s2] =	dma.local @!p0 [hbm:s0], s1  }
0xcd: {  	s0 =	simm.s32 @!p0 $0x3  }
0xce: {  	_ =	swait.ge @!p0 [sflag:s0], s1  }
0xcf: {  	s1 =	ssub.s32 @!p0 $0x0, s1;
	[sflag:s0] =	ssyncset.done @!p0 $0x0  }
0xd0: {  	[sflag:s0] =	ssyncadd.s32 @!p0 s1  }
0xd1: {  	[bflag:$0x3] =	sbarrier.arrive $0xFFFF  }
0xd2: {  	_ =	shalt  }

// kernel: lightgcn_layer.7.cloned.1.call-start
scs
__scs_entry_jumppad:
0x0: {  	(pc) =	sbr.rel $0x88, $3  }
0x1: {  	(tag) =	ssettag $0x0;
	lr =	simm.s32 $0x1  }
0x2: {  	[smem:$0x3F9F] =	sst lr;
	_ =	strace $0xD0000000  }
0x3: {  	_ = 	snop  }
0x4: {  	_ = 	snop  }
0x5: {  	_ = 	snop  }
0x6: {  	_ = 	snop  }
0x7: {  	_ = 	snop  }
__scs_overlays_trampoline_lowered:
0x8: {  	[smem:$0x3FAE] =	sst s0  }
0x9: {  	[smem:$0x3FAF] =	sst s1  }
0xa: {  	[smem:$0x3FB0] =	sst s2  }
0xb: {  	[smem:$0x3FB1] =	sst s3  }
0xc: {  	[smem:$0x3FB2] =	sst s4  }
0xd: {  	[smem:$0x3FB3] =	sst s5  }
0xe: {  	[smem:$0x3FB4] =	sst s6  }
0xf: {  	[smem:$0x3FB5] =	sst s7  }
0x10: {  	[smem:$0x3FB6] =	sst s8  }
0x11: {  	[smem:$0x3FB7] =	sst s9;
	s0 =	simm.s32 @!p0 $0x0  }
0x12: {  	s1 =	sld [smem:$0x3F9D];
	s0 =	simm.s32 @p0 $0x1  }
0x13: {  	[smem:$0x3FB8] =	sst s0;
	s0 =	simm.s32 @!p1 $0x0  }
0x14: {  	s2 =	sld [smem:$0x3F9C];
	s0 =	simm.s32 @p1 $0x1  }
0x15: {  	[smem:$0x3FB9] =	sst s0;
	s0 =	simm.s32 @!p2 $0x0  }
0x16: {  	s3 =	sld [smem:$0x3FDB];
	s0 =	simm.s32 @p2 $0x1  }
0x17: {  	s4 =	simm.s32 $0x1BF5;
	[smem:$0x3FBB] =	sst s0  }
0x18: {  	s0 =	sld [smem:$0x3F9E];
	_ =	swait.ge [sflag:s4], $0x0  }
0x19: {  	s7 =	sld [smem:$0x3F9F]  }
0x1a: {  	s8 =	sadd.s32 $0xFFFFE003, lr  }
0x1b: {  	s9 =	sadd.s32 $0xFFFFFEF7, lr;
	s5 =	simm.s32 $0xFFFFFFFF;
	p2 =	slt.u32 s8, $0xFFFFF086  }
0x1c: {  	p1 =	slt.u32 s9, $0xF7A;
	s5 =	simm.s32 @!p2 $0x0  }
0x1d: {  	s5 =	simm.s32 @p1 $0x1;
	p0 =	seq.s32 s7, s2  }
0x1e: {  	s7 =	smul.u32 @!p0 $0xF7A, s2;
	p2 =	seq.s32 @!p0 s5, $0x0  }
0x1f: {  	s9 =	smul.u32 $0xF7A, s1;
	s8 =	simm.s32 @!p0 $0x1BF5;
	p2 =	por !p2, p0  }
0x20: {  	[sflag:s8] =	ssyncset.s32 @!p0 $0xFFFFF086;
	s6 =	sadd.s32 @!p0 s3, s7;
	s7 =	simm.s32 @!p0 $0x108  }
0x21: {  	s3 =	sadd.s32 s3, s9;
	s6 =	sadd.s32 @!p0 $0x88, s6;
	s7 =	simm.s32 @p2 $0x1082  }
0x22: {  	[simem:s7], [sflag:s8] =	dma.local @!p0 [hbm:s6], $0xF7A  }
0x23: {  	s9 =	sor.u32 $0xD0000000, s2;
	s6 =	simm.s32 $0x108;
	_ =	swait.ge @!p0 [sflag:s8], $0x0  }
0x24: {  	s3 =	sadd.s32 $0x88, s3;
	s6 =	simm.s32 @!p1 $0x1082;
	[sflag:s4] =	ssyncset.s32 $0xFFFFF086  }
0x25: {  	[simem:s6], [sflag:s4] =	dma.local [hbm:s3], $0xF7A  }
0x26: {  	[smem:$0x3F9F] =	sst s1;
	(tag) =	ssettag s2;
	_ =	strace s9  }
0x27: {  	s1 =	sld [smem:$0x3FAF]  }
0x28: {  	s2 =	sld [smem:$0x3FB0]  }
0x29: {  	s4 =	sld [smem:$0x3FB2]  }
0x2a: {  	p0 =	seq.s32 s5, $0x0;
	s5 =	sld [smem:$0x3FB3]  }
0x2b: {  	s6 =	sld [smem:$0x3FB4]  }
0x2c: {  	s7 =	sld [smem:$0x3FB5]  }
0x2d: {  	s3 =	simm.s32 $0x108;
	s8 =	sld [smem:$0x3FB6]  }
0x2e: {  	s3 =	simm.s32 @!p0 $0x1082;
	s9 =	sld [smem:$0x3FB7]  }
0x2f: {  	lr =	sadd.s32 s0, s3;
	s0 =	sld [smem:$0x3FAE]  }
0x30: {  	s3 =	sld [smem:$0x3FB1]  }
0x31: {  	[smem:$0x3FBA] =	sst s10  }
0x32: {  	s10 =	sld [smem:$0x3FB8];
	_ =	sdelay $0x3  }
0x33: {  	p0 =	seq.s32 s10, $0x1;
	s10 =	sld [smem:$0x3FBA];
	_ =	sdelay $0x3  }
0x34: {  	[smem:$0x3FBA] =	sst s10  }
0x35: {  	s10 =	sld [smem:$0x3FB9];
	_ =	sdelay $0x3  }
0x36: {  	p1 =	seq.s32 s10, $0x1;
	s10 =	sld [smem:$0x3FBA];
	_ =	sdelay $0x3  }
0x37: {  	[smem:$0x3FBA] =	sst s10  }
0x38: {  	s10 =	sld [smem:$0x3FBB]  }
0x39: {  	_ = 	snop;
	(pc) =	sbr.ind lr, $3  }
0x3a: {  	_ = 	snop  }
0x3b: {  	_ = 	snop  }
0x3c: {  	p2 =	seq.s32 s10, $0x1;
	s10 =	sld [smem:$0x3FBA]  }
0x3d: {  	_ =	shalt  }
0x3e: {  	_ =	shalt  }
0x3f: {  	_ =	shalt  }
0x40: {  	_ =	shalt  }
0x41: {  	_ =	shalt  }
0x42: {  	_ =	shalt  }
0x43: {  	_ =	shalt  }
0x44: {  	_ =	shalt  }
0x45: {  	_ =	shalt  }
0x46: {  	_ =	shalt  }
0x47: {  	_ =	shalt  }
0x48: {  	_ =	shalt  }
0x49: {  	_ =	shalt  }
0x4a: {  	_ =	shalt  }
0x4b: {  	_ =	shalt  }
0x4c: {  	_ =	shalt  }
0x4d: {  	_ =	shalt  }
0x4e: {  	_ =	shalt  }
0x4f: {  	_ =	shalt  }
0x50: {  	_ =	shalt  }
0x51: {  	_ =	shalt  }
0x52: {  	_ =	shalt  }
0x53: {  	_ =	shalt  }
0x54: {  	_ =	shalt  }
0x55: {  	_ =	shalt  }
0x56: {  	_ =	shalt  }
0x57: {  	_ =	shalt  }
0x58: {  	_ =	shalt  }
0x59: {  	_ =	shalt  }
0x5a: {  	_ =	shalt  }
0x5b: {  	_ =	shalt  }
0x5c: {  	_ =	shalt  }
0x5d: {  	_ =	shalt  }
0x5e: {  	_ =	shalt  }
0x5f: {  	_ =	shalt  }
0x60: {  	_ =	shalt  }
0x61: {  	_ =	shalt  }
0x62: {  	_ =	shalt  }
0x63: {  	_ =	shalt  }
0x64: {  	_ =	shalt  }
0x65: {  	_ =	shalt  }
0x66: {  	_ =	shalt  }
0x67: {  	_ =	shalt  }
0x68: {  	_ =	shalt  }
0x69: {  	_ =	shalt  }
0x6a: {  	_ =	shalt  }
0x6b: {  	_ =	shalt  }
0x6c: {  	_ =	shalt  }
0x6d: {  	_ =	shalt  }
0x6e: {  	_ =	shalt  }
0x6f: {  	_ =	shalt  }
0x70: {  	_ =	shalt  }
0x71: {  	_ =	shalt  }
0x72: {  	_ =	shalt  }
0x73: {  	_ =	shalt  }
0x74: {  	_ =	shalt  }
0x75: {  	_ =	shalt  }
0x76: {  	_ =	shalt  }
0x77: {  	_ =	shalt  }
0x78: {  	_ =	shalt  }
0x79: {  	_ =	shalt  }
0x7a: {  	_ =	shalt  }
0x7b: {  	_ =	shalt  }
0x7c: {  	_ =	shalt  }
0x7d: {  	_ =	shalt  }
0x7e: {  	_ =	shalt  }
0x7f: {  	_ =	shalt  }
0x80: {  	_ =	shalt  }
0x81: {  	_ =	shalt  }
0x82: {  	_ =	shalt  }
0x83: {  	_ =	shalt  }
0x84: {  	_ =	shalt  }
0x85: {  	_ =	shalt  }
0x86: {  	_ =	shalt  }
0x87: {  	_ =	shalt  }
.Lfunc_end0:
.L_simem_size_0:
called_computation.2_lowered:
.L_overlay_start_0:
0x88: {  	s2 =	sld [smem:$0x3FD9]  }
0x89: {  	s3 =	sld [smem:$0x3FFE];
	_ =	sdelay $0x1  }
0x8a: {  	s1 =	srdreg.scid  }
0x8b: {  	s0 =	sand.u32 $0x1, s1  }
0x8c: {  	s17 =	sshll.u32 s0, $0xA;
	s2 =	sadd.s32 s3, s2  }
0x8d: {  	s2 =	sadd.s32 s2, s17  }
0x8e: {  	[smem:$0x3FC6] =	sst s2  }
0x8f: {  	_ = 	snop  }
0x90: {  	s2 =	sld [smem:$0x3FD0];
	(tm) =	ssettm $0x1  }
0x91: {  	s18 =	sld [smem:$0x3FFB];
	_ =	sdelay $0x3  }
0x92: {  	_ =	strace s18  }
0x93: {  	s3 =	sld [smem:$0x3FFC];
	_ =	sdelay $0x3  }
0x94: {  	_ =	strace s3  }
0x95: {  	s3 =	sld [smem:$0x3FFD];
	_ =	sdelay $0x3  }
0x96: {  	_ =	strace s3  }
0x97: {  	_ =	strace $0x8FFFFFFF  }
0x98: {  	s19 =	sld [smem:$0x3FDB];
	_ =	sdelay $0x1  }
0x99: {  	s4 =	simm.s32 $_scs_section_size  }
0x9a: {  	s5 =	simm.s32 $_size__tile_overlayer_lowered;
	s6 =	simm.s32 $_tile_overlayer_lowered  }
0x9b: {  	s22 =	simm.s32 $0x1BFF;
	s21 =	sshll.u32 s6, $0x1;
	s3 =	sadd.s32 s4, s19  }
0x9c: {  	s7 =	simm.s32 $0x0;
	s20 =	sshll.u32 s5, $0x1;
	s5 =	sadd.s32 s21, s3  }
0x9d: {  	[timem:s7], [sflag:s22] =	dma.local [hbm:s5], s20  }
0x9e: {  	_ =	swait.ge [sflag:s22], s20  }
0x9f: {  	s4 =	ssub.s32 $0x0, s20;
	[sflag:s22] =	ssyncset.done $0x0  }
0xa0: {  	[sflag:s22] =	ssyncadd.s32 s4;
	_ =	sdelay $0x1  }
0xa1: {  	s23 =	simm.s32 $0x1B8B  }
0xa2: {  	_ =	swait.ge [sflag:s23], $0x1  }
0xa3: {  	[sflag:s23] =	ssyncset.done $0x0  }
0xa4: {  	s25 =	simm.s32 $0x1B8E;
	s24 =	sld [smem:$0x3FFE];
	[sflag:s23] =	ssyncadd.s32 $0xFFFFFFFF  }
0xa5: {  	s26 =	simm.s32 $execute0_lowered;
	[smem:$0x3FD2] =	sst s25  }
0xa6: {  	s5 =	sshll.u32 s26, $0x1;
	_ =	strace $0x8000004C;
	[dreg:$0x1] =	wrdreg $0xFFFFFFFF  }
0xa7: {  	s28 =	simm.s32 $_size_execute0_lowered;
	s3 =	sadd.s32 s3, s5;
	[dreg:$0x0] =	wrdreg $0x0  }
0xa8: {  	s5 =	sshll.u32 s28, $0x1;
	[dreg:$0x2] =	wrdreg s3  }
0xa9: {  	[dreg:$0x3] =	wrdreg s5  }
0xaa: {  	[dreg:$0x4] =	wrdreg $0xC0  }
0xab: {  	_ =	task [dreg:s7], $0x5FFFF  }
0xac: {  	[dreg:$0x1] =	wrdreg $0xFFFFFFFF  }
0xad: {  	[dreg:$0x0] =	wrdreg $0x60  }
0xae: {  	[dreg:$0x2] =	wrdreg s24  }
0xaf: {  	[dreg:$0x3] =	wrdreg s2  }
0xb0: {  	[dreg:$0x4] =	wrdreg $0x0  }
0xb1: {  	[dreg:$0x5] =	wrdreg $0x9  }
0xb2: {  	_ =	task.clear_ibuf [dreg:s7], $0x6FFFF;
	_ =	strace $0x9000004C  }
0xb3: {  	s29 =	simm.s32 $0x9;
	_ =	strace $0x8000004E  }
0xb4: {  	_ =	swait.ge [sflag:s29], $0x1  }
0xb5: {  	[sflag:s29] =	ssyncadd.s32 $0xFFFFFFFF  }
0xb6: {  	_ =	strace $0x9000004E  }
0xb7: {  	_ =	sfence  }
0xb8: {  	s30 =	sld [smem:$0x0];
	_ =	sdelay $0x2  }
0xb9: {  	s31 =	sshll.u32 s1, $0xD;
	s1 =	sshrl.u32 s1, $0x2  }
0xba: {  	s3 =	sand.u32 $0x4000, s31;
	s1 =	sadd.s32 s1, s30  }
0xbb: {  	s0 =	sor.u32 s3, s0;
	s1 =	sshll.u32 s1, $0x11  }
0xbc: {  	s0 =	sor.u32 s1, s0  }
0xbd: {  	s0 =	sadd.s32 $0x8F2B, s0  }
0xbe: {  	[sflag:s0] =	ssyncadd.remote.s32 $0x1  }
0xbf: {  	_ =	sfence.sel $0xFFFF  }
0xc0: {  	[dreg:$0x0] =	wrdreg $0xFFFFFFFF;
	(pc) =	sbr.abs _section_cstart, $3  }
0xc1: {  	[dreg:$0x1] =	wrdreg $0xFFFFFFFF  }
0xc2: {  	_ =	task.clear_ibuf [dreg:s7], $0x2FFFF;
	_ =	strace $0x9FFFFFFF  }
0xc3: {  	(tm) =	ssettm $0x7FFFFFFF  }
tec
execute0_lowered:
.L_overlay_start_1:
0x0: {  	(tag) =	ssettag $0x1  }
0x1: {  	s0 =	rddreg [dreg:$0x0]  }
0x2: {  	s1 =	rddreg [dreg:$0x1]  }
0x3: {  	s3 =	rddreg [dreg:$0x2];
	s4 =	simm.s32 $0x0  }
0x4: {  	s14 =	stileid.u32;
	s6 =	srdreg.scid;
	s15 =	simm.s32 $0x1CB20  }
0x5: {  	s16 =	simm.s32 $0x3;
	s17 =	simm.s32 $0x18820;
	s18 =	simm.s32 $0x18920  }
0x6: {  	s19 =	simm.s32 $0x80;
	s20 =	simm.s32 $0x18B20;
	s21 =	simm.s32 $0x188A0  }
0x7: {  	s22 =	simm.s32 $0x1AB20;
	s23 =	simm.s32 $0x1;
	s24 =	simm.s32 $0x18A20  }
0x8: {  	s25 =	simm.s32 $0x18AA0;
	s28 =	simm.s32 $0x1DCA0;
	[smem:$0x7FF] =	sst s4  }
0x9: {  	s2 =	sshll.u32 s14, $0x5;
	s5 =	sadd.s32 $0xF6800, s0;
	s10 =	sand.u32 $0x1, s6  }
0xa: {  	s6 =	sadd.s32 $0x158800, s0;
	s7 =	sadd.s32 $0x32800, s0;
	s13 =	smul.u32 $0x62000, s14  }
0xb: {  	s8 =	sadd.s32 $0x94800, s0;
	_ =	strace $0x8000004D;
	s11 =	smul.u32 $0x61A8, s10  }
0xc: {  	s2 =	sadd.s32 s2, s0;
	s9 =	ssub.s32 $0x2, s10;
	s10 =	smul.u32 $0x6200, s10  }
0xd: {  	s12 =	sshrl.u32 s9, $0x1;
	s31 =	sshrl.u32 s13, $0x2;
	s13 =	sadd.s32 $0x1800, s2  }
0xe: {  	s30 =	ssub.s32 s9, s12;
	s9 =	smul.u32 $0x620, s14;
	s26 =	sadd.s32 $0x61A8, s11  }
0xf: {  	s12 =	sadd.s32 s31, s3;
	s14 =	sadd.s32 $0x1A000, s2;
	s0 =	smax.u32 s30, $0x1  }
0x10: {  	v2 =	vimm.f32 $0.0e+00;
	v0 =	vmov s11;
	s2 =	simm.s32 $0x0;
	v1 =	vmov s26;
	s26 =	simm.s32 $0x2;
	[dreg:$0x4] =	wrdreg s0  }
.LBB2_1:
0x11: {  	[dreg:$0x5] =	wrdreg s2;
	s0 =	simm.s32 $0x0  }
.LBB2_2:
0x12: {  	p0 =	sne.s32 s0, $0x3700  }
.Ltmp0:
0x13: {  	s2 =	sshra.s32 s0, $0x2;
	(pc) =	sbr.rel @p0 .LBB2_2-.Ltmp0, $4  }
0x14: {  	[tilespmem:s2+$0x1CB20] =	vst v2  }
0x15: {  	[tilespmem:s2+$0x1CB30] =	vst v2  }
0x16: {  	[tilespmem:s2+$0x1CB40] =	vst v2  }
0x17: {  	s0 =	sadd.s32 $0x100, s0;
	[tilespmem:s2+$0x1CB50] =	vst v2  }
0x18: {  	s0 =	sadd.s32 $0x0, s12  }
0x19: {  	[spmem:s0] =	stream.linear.scatter [tilespmem:s15], [sflag:$0x3], $0xE00, $0x38;
	[tilespmem:$0x1EAA0] =	vst v63  }
0x1a: {  	s0 =	simm.s32 $0x3800;
	_ =	swait.ge [sflag:s16], $0xE00  }
.LBB2_4:
0x1b: {  	s2 =	sshra.s32 s0, $0x2;
	[sflag:s16] =	ssyncset.done $0x0;
	p0 =	sne.s32 s0, $0x5E800  }
.Ltmp1:
0x1c: {  	s2 =	sadd.s32 s2, s12;
	[sflag:s16] =	ssyncadd.s32 $0xFFFFF200;
	(pc) =	sbr.rel @p0 .LBB2_4-.Ltmp1, $3  }
0x1d: {  	[spmem:s2] =	stream.linear.scatter [tilespmem:s15], [sflag:$0x3], $0xE00, $0x38;
	[tilespmem:$0x1EAA0] =	vst v63  }
0x1e: {  	s0 =	sadd.s32 $0x3800, s0;
	_ =	sdelay $0x1  }
0x1f: {  	_ =	swait.ge [sflag:s16], $0xE00  }
.Ltmp2:
0x20: {  	(pc) =	sbr.rel .LBB2_6-.Ltmp2, $4  }
0x21: {  	[sflag:s16] =	ssyncset.done $0x0  }
0x22: {  	[sflag:s16] =	ssyncadd.s32 $0xFFFFF200  }
0x23: {  	[bflag:$0x0] =	sbarrier.arrive $0xFFFF  }
0x24: {  	s30 =	simm.s32 $0x0;
	s31 =	stileid.u32  }
.LBB2_8:
0x25: {  	s30 =	sadd.s32 $0x200, s30  }
0x26: {  	p0 =	sne.s32 s30, $0x18800  }
.Ltmp3:
0x27: {  	_ = 	snop;
	(pc) =	sbr.rel @!p0 .LBB2_9-.Ltmp3, $2  }
0x28: {  	_ =	sdelay $0x2  }
0x29: {  	s31 =	sadd.s32 $0x10, s31  }
.LBB2_6:
0x2a: {  	p0 =	sgt.u32 s31, $0xC34  }
.Ltmp4:
0x2b: {  	_ = 	snop;
	(pc) =	sbr.rel @p0 .LBB2_8-.Ltmp4, $1  }
0x2c: {  	_ =	sdelay $0x3  }
0x2d: {  	s0 =	sadd.s32 s30, s14  }
0x2e: {  	[tilespmem:s17], [sflag:$0x3] =	stream.linear.gather [hbm4b:s0+s4], $0x100, $0x38;
	[tilespmem:$0x1EAA0] =	vst v63  }
0x2f: {  	_ =	swait.ge [sflag:s16], $0x100  }
0x30: {  	[sflag:s16] =	ssyncset.done $0x0  }
0x31: {  	s29 =	sadd.s32 s30, s13;
	[sflag:s16] =	ssyncadd.s32 $0xFFFFFF00  }
0x32: {  	[tilespmem:s18], [sflag:$0x3] =	stream.linear.gather [hbm4b:s29+s4], $0x100, $0x38;
	[tilespmem:$0x1EAA0] =	vst v63  }
0x33: {  	_ =	swait.ge [sflag:s16], $0x100  }
0x34: {  	[sflag:s16] =	ssyncset.done $0x0  }
0x35: {  	[sflag:s16] =	ssyncadd.s32 $0xFFFFFF00  }
0x36: {  	v3 =	vld [tilespmem:$0x18920]  }
0x37: {  	v4 =	vld [tilespmem:$0x18930]  }
0x38: {  	v5 =	vld [tilespmem:$0x18940]  }
0x39: {  	v6 =	vld [tilespmem:$0x18950]  }
0x3a: {  	v7 =	vld [tilespmem:$0x18960]  }
0x3b: {  	v8 =	vld [tilespmem:$0x18970]  }
0x3c: {  	v9 =	vld [tilespmem:$0x18980]  }
0x3d: {  	v11 =	vld [tilespmem:$0x189A0]  }
0x3e: {  	v12 =	vld [tilespmem:$0x189B0]  }
0x3f: {  	v13 =	vld [tilespmem:$0x189C0];
	vm0 =	vge.s32 v3, v0  }
0x40: {  	v19 =	vld [tilespmem:$0x189D0];
	vm1 =	vlt.s32 v3, v1;
	vm2 =	vge.s32 v4, v0;
	vm3 =	vlt.s32 v4, v1  }
0x41: {  	v22 =	vld [tilespmem:$0x189E0];
	v3 =	vsub.s32 v3, v0;
	v4 =	vsub.s32 v4, v0;
	vm10 =	vge.s32 v5, v0  }
0x42: {  	v25 =	vld [tilespmem:$0x18A00];
	vm11 =	vlt.s32 v5, v1;
	v5 =	vsub.s32 v5, v0;
	vm13 =	vge.s32 v6, v0  }
0x43: {  	vm14 =	vlt.s32 v6, v1;
	v6 =	vsub.s32 v6, v0;
	vm4 =	vge.s32 v7, v0  }
0x44: {  	v10 =	vld [tilespmem:$0x18990];
	vm5 =	vlt.s32 v7, v1;
	vm6 =	vge.s32 v8, v0;
	vm7 =	vlt.s32 v8, v1  }
0x45: {  	v7 =	vsub.s32 v7, v0;
	v8 =	vsub.s32 v8, v0;
	vm8 =	vge.s32 v9, v0  }
0x46: {  	v21 =	vsub.s32 v11, v0;
	v23 =	vsub.s32 v12, v0;
	v26 =	vsub.s32 v13, v0  }
0x47: {  	v27 =	vsub.s32 v19, v0;
	v30 =	vsub.s32 v22, v0;
	v34 =	vsub.s32 v25, v0  }
0x48: {  	vm0 =	vmand vm0, vm1;
	vm9 =	vmand vm2, vm3;
	vm12 =	vmand vm10, vm11  }
0x49: {  	vm15 =	vmand vm13, vm14;
	vm1 =	vmand vm6, vm7;
	vm10 =	vge.s32 v10, v0  }
0x4a: {  	vm11 =	vlt.s32 v10, v1;
	vm13 =	vge.s32 v11, v0;
	vm14 =	vlt.s32 v11, v1  }
0x4b: {  	v24 =	vld [tilespmem:$0x189F0];
	vm7 =	vge.s32 v13, v0;
	v3 =	vnsel vm0, $0x6200, v3;
	v4 =	vnsel vm9, $0x6200, v4  }
0x4c: {  	v5 =	vnsel vm12, $0x6200, v5;
	v6 =	vnsel vm15, $0x6200, v6;
	vm0 =	vmand vm4, vm5;
	[tilespmem:$0x18A20] =	vst v3  }
0x4d: {  	v8 =	vnsel vm1, $0x6200, v8;
	vm9 =	vlt.s32 v9, v1;
	v9 =	vsub.s32 v9, v0;
	[tilespmem:$0x18A30] =	vst v4  }
0x4e: {  	vm12 =	vmand vm10, vm11;
	vm15 =	vmand vm13, vm14;
	vm4 =	vge.s32 v12, v0;
	[tilespmem:$0x18A40] =	vst v5  }
0x4f: {  	vm5 =	vlt.s32 v12, v1;
	vm10 =	vlt.s32 v19, v1;
	vm11 =	vge.s32 v22, v0;
	[tilespmem:$0x18A50] =	vst v6  }
0x50: {  	vm13 =	vge.s32 v24, v0;
	vm14 =	vlt.s32 v24, v1;
	v7 =	vnsel vm0, $0x6200, v7;
	[tilespmem:$0x18A70] =	vst v8  }
0x51: {  	vm0 =	vmand vm8, vm9;
	v3 =	vsub.s32 v10, v0;
	v5 =	vnsel vm15, $0x6200, v21;
	[tilespmem:$0x18A60] =	vst v7  }
0x52: {  	v29 =	vld [tilespmem:$0x18A10];
	vm6 =	vmand vm4, vm5;
	vm8 =	vlt.s32 v13, v1;
	v20 =	vnsel vm0, $0x6200, v9;
	[tilespmem:$0x18AA0] =	vst v5  }
0x53: {  	vm9 =	vge.s32 v19, v0;
	vm15 =	vmand vm13, vm14;
	v3 =	vnsel vm12, $0x6200, v3;
	[tilespmem:$0x18A80] =	vst v20  }
0x54: {  	v6 =	vnsel vm6, $0x6200, v23;
	vm0 =	vmand vm7, vm8;
	vm1 =	vmand vm9, vm10;
	[tilespmem:$0x18A90] =	vst v3  }
0x55: {  	v31 =	vld [tilespmem:$0x18820];
	vm12 =	vlt.s32 v22, v1;
	vm6 =	vge.s32 v25, v0;
	v3 =	vnsel vm0, $0x6200, v26;
	[tilespmem:$0x18AB0] =	vst v6  }
0x56: {  	v32 =	vld [tilespmem:$0x18830];
	vm7 =	vlt.s32 v25, v1;
	v28 =	vnsel vm1, $0x6200, v27;
	vm0 =	vmand vm11, vm12;
	[tilespmem:$0x18AC0] =	vst v3  }
0x57: {  	v33 =	vld [tilespmem:$0x18840];
	vm9 =	vge.s32 v29, v0;
	v3 =	vsub.s32 v24, v0;
	v5 =	vnsel vm0, $0x6200, v30;
	[tilespmem:$0x18AD0] =	vst v28  }
0x58: {  	v35 =	vld [tilespmem:$0x18850];
	vm10 =	vlt.s32 v29, v1;
	vm8 =	vmand vm6, vm7;
	v3 =	vnsel vm15, $0x6200, v3;
	[tilespmem:$0x18AE0] =	vst v5  }
0x59: {  	v36 =	vld [tilespmem:$0x18860];
	vm11 =	vmand vm9, vm10;
	v5 =	vnsel vm8, $0x6200, v34;
	[tilespmem:$0x18AF0] =	vst v3;
	v3 =	vsub.s32 v29, v0  }
0x5a: {  	v38 =	vld [tilespmem:$0x18870];
	v37 =	vadd.s32 $0x58, v31;
	vm12 =	vgt.s32 v31, $0x61A7;
	[tilespmem:$0x18B00] =	vst v5;
	v3 =	vnsel vm11, $0x6200, v3  }
0x5b: {  	v40 =	vld [tilespmem:$0x18880];
	v39 =	vadd.s32 $0x58, v32;
	vm13 =	vgt.s32 v32, $0x61A7;
	[tilespmem:$0x18B10] =	vst v3;
	v3 =	vsel vm12, v37, v31  }
0x5c: {  	v42 =	vld [tilespmem:$0x18890];
	v41 =	vadd.s32 $0x58, v33;
	vm14 =	vgt.s32 v33, $0x61A7;
	[tilespmem:$0x18820] =	vst v3;
	v3 =	vsel vm13, v39, v32  }
0x5d: {  	v44 =	vld [tilespmem:$0x188A0];
	v43 =	vadd.s32 $0x58, v35;
	vm15 =	vgt.s32 v35, $0x61A7;
	[tilespmem:$0x18830] =	vst v3;
	v3 =	vsel vm14, v41, v33  }
0x5e: {  	v46 =	vld [tilespmem:$0x188B0];
	v45 =	vadd.s32 $0x58, v36;
	vm4 =	vgt.s32 v36, $0x61A7;
	[tilespmem:$0x18840] =	vst v3;
	v3 =	vsel vm15, v43, v35  }
0x5f: {  	v48 =	vld [tilespmem:$0x188C0];
	v47 =	vadd.s32 $0x58, v38;
	vm5 =	vgt.s32 v38, $0x61A7;
	[tilespmem:$0x18850] =	vst v3;
	v3 =	vsel vm4, v45, v36  }
0x60: {  	v50 =	vld [tilespmem:$0x188D0];
	v49 =	vadd.s32 $0x58, v40;
	vm6 =	vgt.s32 v40, $0x61A7;
	[tilespmem:$0x18860] =	vst v3;
	v3 =	vsel vm5, v47, v38  }
0x61: {  	v52 =	vld [tilespmem:$0x188E0];
	v51 =	vadd.s32 $0x58, v42;
	vm7 =	vgt.s32 v42, $0x61A7;
	[tilespmem:$0x18870] =	vst v3;
	v3 =	vsel vm6, v49, v40  }
0x62: {  	v54 =	vld [tilespmem:$0x188F0];
	v53 =	vadd.s32 $0x58, v44;
	vm8 =	vgt.s32 v44, $0x61A7;
	[tilespmem:$0x18880] =	vst v3;
	v3 =	vsel vm7, v51, v42  }
0x63: {  	v56 =	vld [tilespmem:$0x18900];
	v55 =	vadd.s32 $0x58, v46;
	vm9 =	vgt.s32 v46, $0x61A7;
	[tilespmem:$0x18890] =	vst v3;
	v3 =	vsel vm8, v53, v44  }
0x64: {  	v58 =	vld [tilespmem:$0x18910];
	v57 =	vadd.s32 $0x58, v48;
	vm10 =	vgt.s32 v48, $0x61A7;
	[tilespmem:$0x188A0] =	vst v3;
	v3 =	vsel vm9, v55, v46  }
0x65: {  	v59 =	vadd.s32 $0x58, v50;
	vm11 =	vgt.s32 v50, $0x61A7;
	[tilespmem:$0x188B0] =	vst v3;
	v3 =	vsel vm10, v57, v48  }
0x66: {  	v60 =	vadd.s32 $0x58, v52;
	vm12 =	vgt.s32 v52, $0x61A7;
	[tilespmem:$0x188C0] =	vst v3;
	v3 =	vsel vm11, v59, v50  }
0x67: {  	v61 =	vadd.s32 $0x58, v54;
	vm13 =	vgt.s32 v54, $0x61A7;
	[tilespmem:$0x188D0] =	vst v3;
	v3 =	vsel vm12, v60, v52  }
0x68: {  	v62 =	vadd.s32 $0x58, v56;
	vm14 =	vgt.s32 v56, $0x61A7;
	[tilespmem:$0x188E0] =	vst v3;
	v3 =	vsel vm13, v61, v54  }
0x69: {  	v63 =	vadd.s32 $0x58, v58;
	vm15 =	vgt.s32 v58, $0x61A7;
	[tilespmem:$0x188F0] =	vst v3;
	v3 =	vsel vm14, v62, v56  }
0x6a: {  	[tilespmem:$0x18900] =	vst v3;
	v3 =	vsel vm15, v63, v58  }
0x6b: {  	[tilespmem:$0x18910] =	vst v3  }
0x6c: {  	[tilespmem:s20], [sflag:$0x1] =	stream.indirect.gather [hbm4b:s5+s19], $0x40, s17, s19, $0xb8;
	[tilespmem:$0x1EAA0] =	vst v63  }
0x6d: {  	_ = 	snop  }
0x6e: {  	[tilespmem:s22], [sflag:$0x1] =	stream.indirect.gather [hbm4b:s5+s19], $0x40, s21, s19, $0xb8;
	[tilespmem:$0x1EAA0] =	vst v63  }
0x6f: {  	_ =	swait.ge [sflag:s23], $0x2000  }
0x70: {  	[sflag:s23] =	ssyncset.done $0x0  }
0x71: {  	[sflag:s23] =	ssyncadd.s32 $0xFFFFE000  }
0x72: {  	_ =	swait.ge [sflag:s23], $0x2000  }
0x73: {  	[sflag:s23] =	ssyncset.done $0x0  }
0x74: {  	[sflag:s23] =	ssyncadd.s32 $0xFFFFE000  }
0x75: {  	[spmem:s3] =	stream.indirect.scatter.add.f32 [tilespmem:s20], [sflag:$0x2], $0x40, s24, s19, $0xb8;
	[tilespmem:$0x1EAA0] =	vst v63  }
0x76: {  	_ = 	snop  }
0x77: {  	[spmem:s3] =	stream.indirect.scatter.add.f32 [tilespmem:s22], [sflag:$0x2], $0x40, s25, s19, $0xb8;
	[tilespmem:$0x1EAA0] =	vst v63  }
0x78: {  	_ =	swait.ge [sflag:s26], $0x2000  }
.Ltmp5:
0x79: {  	[sflag:s26] =	ssyncset.done $0x0;
	(pc) =	sbr.rel .LBB2_8-.Ltmp5, $4  }
0x7a: {  	[sflag:s26] =	ssyncadd.s32 $0xFFFFE000  }
0x7b: {  	_ =	swait.ge [sflag:s26], $0x2000  }
0x7c: {  	[sflag:s26] =	ssyncset.done $0x0  }
0x7d: {  	[sflag:s26] =	ssyncadd.s32 $0xFFFFE000  }
.LBB2_9:
0x7e: {  	[bflag:$0x0] =	sbarrier.arrive $0xFFFF;
	s30 =	simm.s32 $0x0;
	s31 =	simm.s32 $0x0  }
.LBB2_10:
0x7f: {  	s0 =	smul.u32 $0x38, s31;
	_ =	sdelay $0x1  }
0x80: {  	s0 =	sadd.s32 s9, s0  }
0x81: {  	s2 =	sshll.u32 s0, $0x6  }
0x82: {  	s2 =	sand.u32 $0x3FFFFFC0, s2  }
0x83: {  	s2 =	sadd.s32 s2, s3  }
0x84: {  	[tilespmem:s15], [sflag:$0x3] =	stream.linear.gather [spmem:s2], $0xE00, $0x38;
	[tilespmem:$0x1EAA0] =	vst v63  }
0x85: {  	s0 =	sadd.s32 s10, s0;
	_ =	swait.ge [sflag:s16], $0xE00  }
0x86: {  	s11 =	sshll.u32 s0, $0x1;
	[sflag:s16] =	ssyncset.done $0x0  }
0x87: {  	s2 =	sadd.s32 s1, s11;
	s11 =	simm.s32 $0x1D920;
	[sflag:s16] =	ssyncadd.s32 $0xFFFFF200  }
0x88: {  	[tilespmem:s11], [sflag:$0x3] =	stream.linear.gather [hbm4b:s2+s30], $0x380, $0x38;
	[tilespmem:$0x1EAA0] =	vst v63  }
0x89: {  	_ =	swait.ge [sflag:s16], $0x380  }
0x8a: {  	s0 =	sshll.u32 s0, $0x3;
	[sflag:s16] =	ssyncset.done $0x0  }
0x8b: {  	s18 =	sadd.s32 s6, s0;
	[sflag:s16] =	ssyncadd.s32 $0xFFFFFC80  }
0x8c: {  	[tilespmem:s28], [sflag:$0x3] =	stream.linear.gather [hbm4b:s18+s30], $0xE00, $0x38;
	[tilespmem:$0x1EAA0] =	vst v63  }
0x8d: {  	_ =	swait.ge [sflag:s16], $0xE00  }
0x8e: {  	[sflag:s16] =	ssyncset.done $0x0  }
0x8f: {  	s2 =	simm.s32 $0x0;
	[sflag:s16] =	ssyncadd.s32 $0xFFFFF200  }
0x90: {  	v5 =	vld [tilespmem:s2+$0x1CB20]  }
0x91: {  	v4 =	vld [tilespmem:s2+$0x1CB30]  }
0x92: {  	s29 =	simm.s32 $0x100;
	v3 =	vld [tilespmem:s2+$0x1CB40]  }
.LBB2_11:
0x93: {  	p0 =	sne.s32 s29, $0x3700;
	v6 =	vld [tilespmem:s11+$0x0]  }
0x94: {  	v7 =	vld [tilespmem:s2+$0x1DCC0]  }
0x95: {  	v8 =	vld [tilespmem:s2+$0x1DCA0]  }
0x96: {  	v9 =	vld [tilespmem:s2+$0x1DCB0]  }
0x97: {  	v10 =	vld [tilespmem:s2+$0x1CB50]  }
0x98: {  	v11 =	vmul.f32 v6, v6;
	v12 =	vmul.f32 v5, v6  }
0x99: {  	v13 =	vmul.f32 v4, v6;
	v14 =	vmul.f32 v3, v6;
	v15 =	vld [tilespmem:s2+$0x1DCD0]  }
0x9a: {  	v8 =	vadd.f32 v12, v8;
	v5 =	vmul.f32 v11, v5;
	v4 =	vmul.f32 v4, v11  }
0x9b: {  	v7 =	vadd.f32 v14, v7;
	v3 =	vmul.f32 v3, v11;
	v9 =	vadd.f32 v13, v9  }
0x9c: {  	[tilespmem:s2+$0x1DCA0] =	vst v8;
	v6 =	vmul.f32 v10, v6;
	v8 =	vmul.f32 v10, v11  }
0x9d: {  	[tilespmem:s2+$0x18B20] =	vst v5  }
0x9e: {  	[tilespmem:s2+$0x1DCB0] =	vst v9;
	v6 =	vadd.f32 v6, v15  }
.Ltmp6:
0x9f: {  	[tilespmem:s2+$0x18B30] =	vst v4;
	(pc) =	sbr.rel @p0 .LBB2_11-.Ltmp6, $4  }
0xa0: {  	s18 =	sshra.s32 s29, $0x2;
	[tilespmem:s2+$0x1DCC0] =	vst v7  }
0xa1: {  	v5 =	vld [tilespmem:s18+$0x1CB20];
	[tilespmem:s2+$0x18B40] =	vst v3  }
0xa2: {  	v4 =	vld [tilespmem:s18+$0x1CB30];
	[tilespmem:s2+$0x1DCD0] =	vst v6  }
0xa3: {  	s29 =	sadd.s32 $0x100, s29;
	s11 =	sadd.s32 $0x10, s11;
	v3 =	vld [tilespmem:s18+$0x1CB40];
	[tilespmem:s2+$0x18B50] =	vst v8;
	s2 =	smov.u32 s18  }
0xa4: {  	v6 =	vld [tilespmem:s11+$0x0];
	_ =	sdelay $0x1  }
0xa5: {  	v7 =	vld [tilespmem:s2+$0x1DCA0];
	_ =	sdelay $0x1  }
0xa6: {  	v8 =	vld [tilespmem:s2+$0x1DCB0]  }
0xa7: {  	v9 =	vld [tilespmem:s2+$0x1DCC0];
	v10 =	vmul.f32 v5, v6  }
0xa8: {  	v11 =	vld [tilespmem:s2+$0x1CB50];
	v12 =	vmul.f32 v6, v6  }
0xa9: {  	v13 =	vmul.f32 v4, v6;
	v7 =	vadd.f32 v10, v7  }
0xaa: {  	v58 =	vld [tilespmem:s2+$0x1DCD0];
	v59 =	vmul.f32 v12, v5  }
0xab: {  	v14 =	vmul.f32 v3, v6;
	v8 =	vadd.f32 v13, v8;
	[tilespmem:s2+$0x1DCA0] =	vst v7  }
0xac: {  	v60 =	vmul.f32 v4, v12;
	[tilespmem:s2+$0x18B20] =	vst v59  }
0xad: {  	v6 =	vmul.f32 v11, v6;
	v61 =	vadd.f32 v14, v9;
	[tilespmem:s2+$0x1DCB0] =	vst v8  }
0xae: {  	v3 =	vmul.f32 v3, v12;
	[tilespmem:s2+$0x18B30] =	vst v60  }
0xaf: {  	v62 =	vadd.f32 v6, v58;
	[tilespmem:s2+$0x1DCC0] =	vst v61  }
0xb0: {  	v63 =	vmul.f32 v11, v12;
	[tilespmem:s2+$0x18B40] =	vst v3  }
0xb1: {  	[tilespmem:s2+$0x1DCD0] =	vst v62  }
0xb2: {  	s18 =	sadd.s32 s8, s0;
	[tilespmem:s2+$0x18B50] =	vst v63  }
0xb3: {  	[hbm4b:s18+s4] =	stream.linear.scatter [tilespmem:s28], [sflag:$0x3], $0xE00, $0x38;
	[tilespmem:$0x1EAA0] =	vst v63  }
0xb4: {  	s31 =	sadd.s32 $0x1, s31;
	_ =	swait.ge [sflag:s16], $0xE00  }
0xb5: {  	p0 =	sne.s32 s31, $0x1C;
	[sflag:s16] =	ssyncset.done $0x0  }
.Ltmp7:
0xb6: {  	s29 =	sadd.s32 s7, s0;
	[sflag:s16] =	ssyncadd.s32 $0xFFFFF200;
	(pc) =	sbr.rel @p0 .LBB2_10-.Ltmp7, $4  }
0xb7: {  	[hbm4b:s29+s4] =	stream.linear.scatter [tilespmem:s20], [sflag:$0x3], $0xE00, $0x38;
	[tilespmem:$0x1EAA0] =	vst v63  }
0xb8: {  	_ =	swait.ge [sflag:s16], $0xE00  }
0xb9: {  	[sflag:s16] =	ssyncset.done $0x0  }
0xba: {  	[sflag:s16] =	ssyncadd.s32 $0xFFFFF200  }
0xbb: {  	s2 =	rddreg [dreg:$0x5]  }
0xbc: {  	s0 =	rddreg [dreg:$0x4];
	s2 =	sadd.s32 $0x1, s2  }
0xbd: {  	p0 =	sne.s32 s2, s0  }
.Ltmp8:
0xbe: {  	_ = 	snop;
	(pc) =	sbr.rel @p0 .LBB2_1-.Ltmp8, $2  }
0xbf: {  	_ =	sdelay $0x2  }
0xc0: {  	s18 =	simm.s32 $0x18920  }
0xc1: {  	_ =	sfence.sel $0x180000  }
0xc2: {  	[bflag:$0x0] =	sbarrier.arrive $0xFFFF  }
0xc3: {  	_ =	strace $0x9000004D  }
0xc4: {  	s0 =	stileid.u32;
	[bflag:$0x2] =	sbarrier.arrive $0xFFFF  }
0xc5: {  	p0 =	sne.s32 s0, $0x0;
	s0 =	rddreg [dreg:$0x3]  }
0xc6: {  	s0 =	sadd.s32 @!p0 $0x100000, s0  }
0xc7: {  	[sflag:s0] =	ssyncadd.tile.s32 @!p0 $0x1;
	_ =	shalt  }
.Lfunc_end2:
_tile_overlayer_lowered:
.L_overlay_start_2:
0xc8: {  	(tag) =	ssettag $0x2  }
0xc9: {  	s0 =	rddreg [dreg:$0x0];
	s2 =	stileid.u32  }
0xca: {  	s1 =	rddreg [dreg:$0x1];
	p0 =	sne.s32 s2, $0x0  }
0xcb: {  	s3 =	rddreg [dreg:$0x2];
	[bflag:$0x3] =	sbarrier.arrive $0xFFFF;
	s2 =	simm.s32 @!p0 $0x1C03  }
0xcc: {  	[timem:s3], [sflag:s2] =	dma.local @!p0 [hbm:s0], s1  }
0xcd: {  	s0 =	simm.s32 @!p0 $0x3  }
0xce: {  	_ =	swait.ge @!p0 [sflag:s0], s1  }
0xcf: {  	s1 =	ssub.s32 @!p0 $0x0, s1;
	[sflag:s0] =	ssyncset.done @!p0 $0x0  }
0xd0: {  	[sflag:s0] =	ssyncadd.s32 @!p0 s1  }
0xd1: {  	[bflag:$0x3] =	sbarrier.arrive $0xFFFF  }
0xd2: {  	_ =	shalt  }

// kernel: lightgcn_prep.3.cloned.1.call-start
scs
__scs_entry_jumppad:
0x0: {  	(pc) =	sbr.rel $0x88, $3  }
0x1: {  	(tag) =	ssettag $0x0;
	lr =	simm.s32 $0x1  }
0x2: {  	[smem:$0x3F9F] =	sst lr;
	_ =	strace $0xD0000000  }
0x3: {  	_ = 	snop  }
0x4: {  	_ = 	snop  }
0x5: {  	_ = 	snop  }
0x6: {  	_ = 	snop  }
0x7: {  	_ = 	snop  }
__scs_overlays_trampoline_lowered:
0x8: {  	[smem:$0x3FAE] =	sst s0  }
0x9: {  	[smem:$0x3FAF] =	sst s1  }
0xa: {  	[smem:$0x3FB0] =	sst s2  }
0xb: {  	[smem:$0x3FB1] =	sst s3  }
0xc: {  	[smem:$0x3FB2] =	sst s4  }
0xd: {  	[smem:$0x3FB3] =	sst s5  }
0xe: {  	[smem:$0x3FB4] =	sst s6  }
0xf: {  	[smem:$0x3FB5] =	sst s7  }
0x10: {  	[smem:$0x3FB6] =	sst s8  }
0x11: {  	[smem:$0x3FB7] =	sst s9;
	s0 =	simm.s32 @!p0 $0x0  }
0x12: {  	s1 =	sld [smem:$0x3F9D];
	s0 =	simm.s32 @p0 $0x1  }
0x13: {  	[smem:$0x3FB8] =	sst s0;
	s0 =	simm.s32 @!p1 $0x0  }
0x14: {  	s2 =	sld [smem:$0x3F9C];
	s0 =	simm.s32 @p1 $0x1  }
0x15: {  	[smem:$0x3FB9] =	sst s0;
	s0 =	simm.s32 @!p2 $0x0  }
0x16: {  	s3 =	sld [smem:$0x3FDB];
	s0 =	simm.s32 @p2 $0x1  }
0x17: {  	s4 =	simm.s32 $0x1BF5;
	[smem:$0x3FBB] =	sst s0  }
0x18: {  	s0 =	sld [smem:$0x3F9E];
	_ =	swait.ge [sflag:s4], $0x0  }
0x19: {  	s7 =	sld [smem:$0x3F9F]  }
0x1a: {  	s8 =	sadd.s32 $0xFFFFE003, lr  }
0x1b: {  	s9 =	sadd.s32 $0xFFFFFEF7, lr;
	s5 =	simm.s32 $0xFFFFFFFF;
	p2 =	slt.u32 s8, $0xFFFFF086  }
0x1c: {  	p1 =	slt.u32 s9, $0xF7A;
	s5 =	simm.s32 @!p2 $0x0  }
0x1d: {  	s5 =	simm.s32 @p1 $0x1;
	p0 =	seq.s32 s7, s2  }
0x1e: {  	s7 =	smul.u32 @!p0 $0xF7A, s2;
	p2 =	seq.s32 @!p0 s5, $0x0  }
0x1f: {  	s9 =	smul.u32 $0xF7A, s1;
	s8 =	simm.s32 @!p0 $0x1BF5;
	p2 =	por !p2, p0  }
0x20: {  	[sflag:s8] =	ssyncset.s32 @!p0 $0xFFFFF086;
	s6 =	sadd.s32 @!p0 s3, s7;
	s7 =	simm.s32 @!p0 $0x108  }
0x21: {  	s3 =	sadd.s32 s3, s9;
	s6 =	sadd.s32 @!p0 $0x88, s6;
	s7 =	simm.s32 @p2 $0x1082  }
0x22: {  	[simem:s7], [sflag:s8] =	dma.local @!p0 [hbm:s6], $0xF7A  }
0x23: {  	s9 =	sor.u32 $0xD0000000, s2;
	s6 =	simm.s32 $0x108;
	_ =	swait.ge @!p0 [sflag:s8], $0x0  }
0x24: {  	s3 =	sadd.s32 $0x88, s3;
	s6 =	simm.s32 @!p1 $0x1082;
	[sflag:s4] =	ssyncset.s32 $0xFFFFF086  }
0x25: {  	[simem:s6], [sflag:s4] =	dma.local [hbm:s3], $0xF7A  }
0x26: {  	[smem:$0x3F9F] =	sst s1;
	(tag) =	ssettag s2;
	_ =	strace s9  }
0x27: {  	s1 =	sld [smem:$0x3FAF]  }
0x28: {  	s2 =	sld [smem:$0x3FB0]  }
0x29: {  	s4 =	sld [smem:$0x3FB2]  }
0x2a: {  	p0 =	seq.s32 s5, $0x0;
	s5 =	sld [smem:$0x3FB3]  }
0x2b: {  	s6 =	sld [smem:$0x3FB4]  }
0x2c: {  	s7 =	sld [smem:$0x3FB5]  }
0x2d: {  	s3 =	simm.s32 $0x108;
	s8 =	sld [smem:$0x3FB6]  }
0x2e: {  	s3 =	simm.s32 @!p0 $0x1082;
	s9 =	sld [smem:$0x3FB7]  }
0x2f: {  	lr =	sadd.s32 s0, s3;
	s0 =	sld [smem:$0x3FAE]  }
0x30: {  	s3 =	sld [smem:$0x3FB1]  }
0x31: {  	[smem:$0x3FBA] =	sst s10  }
0x32: {  	s10 =	sld [smem:$0x3FB8];
	_ =	sdelay $0x3  }
0x33: {  	p0 =	seq.s32 s10, $0x1;
	s10 =	sld [smem:$0x3FBA];
	_ =	sdelay $0x3  }
0x34: {  	[smem:$0x3FBA] =	sst s10  }
0x35: {  	s10 =	sld [smem:$0x3FB9];
	_ =	sdelay $0x3  }
0x36: {  	p1 =	seq.s32 s10, $0x1;
	s10 =	sld [smem:$0x3FBA];
	_ =	sdelay $0x3  }
0x37: {  	[smem:$0x3FBA] =	sst s10  }
0x38: {  	s10 =	sld [smem:$0x3FBB]  }
0x39: {  	_ = 	snop;
	(pc) =	sbr.ind lr, $3  }
0x3a: {  	_ = 	snop  }
0x3b: {  	_ = 	snop  }
0x3c: {  	p2 =	seq.s32 s10, $0x1;
	s10 =	sld [smem:$0x3FBA]  }
0x3d: {  	_ =	shalt  }
0x3e: {  	_ =	shalt  }
0x3f: {  	_ =	shalt  }
0x40: {  	_ =	shalt  }
0x41: {  	_ =	shalt  }
0x42: {  	_ =	shalt  }
0x43: {  	_ =	shalt  }
0x44: {  	_ =	shalt  }
0x45: {  	_ =	shalt  }
0x46: {  	_ =	shalt  }
0x47: {  	_ =	shalt  }
0x48: {  	_ =	shalt  }
0x49: {  	_ =	shalt  }
0x4a: {  	_ =	shalt  }
0x4b: {  	_ =	shalt  }
0x4c: {  	_ =	shalt  }
0x4d: {  	_ =	shalt  }
0x4e: {  	_ =	shalt  }
0x4f: {  	_ =	shalt  }
0x50: {  	_ =	shalt  }
0x51: {  	_ =	shalt  }
0x52: {  	_ =	shalt  }
0x53: {  	_ =	shalt  }
0x54: {  	_ =	shalt  }
0x55: {  	_ =	shalt  }
0x56: {  	_ =	shalt  }
0x57: {  	_ =	shalt  }
0x58: {  	_ =	shalt  }
0x59: {  	_ =	shalt  }
0x5a: {  	_ =	shalt  }
0x5b: {  	_ =	shalt  }
0x5c: {  	_ =	shalt  }
0x5d: {  	_ =	shalt  }
0x5e: {  	_ =	shalt  }
0x5f: {  	_ =	shalt  }
0x60: {  	_ =	shalt  }
0x61: {  	_ =	shalt  }
0x62: {  	_ =	shalt  }
0x63: {  	_ =	shalt  }
0x64: {  	_ =	shalt  }
0x65: {  	_ =	shalt  }
0x66: {  	_ =	shalt  }
0x67: {  	_ =	shalt  }
0x68: {  	_ =	shalt  }
0x69: {  	_ =	shalt  }
0x6a: {  	_ =	shalt  }
0x6b: {  	_ =	shalt  }
0x6c: {  	_ =	shalt  }
0x6d: {  	_ =	shalt  }
0x6e: {  	_ =	shalt  }
0x6f: {  	_ =	shalt  }
0x70: {  	_ =	shalt  }
0x71: {  	_ =	shalt  }
0x72: {  	_ =	shalt  }
0x73: {  	_ =	shalt  }
0x74: {  	_ =	shalt  }
0x75: {  	_ =	shalt  }
0x76: {  	_ =	shalt  }
0x77: {  	_ =	shalt  }
0x78: {  	_ =	shalt  }
0x79: {  	_ =	shalt  }
0x7a: {  	_ =	shalt  }
0x7b: {  	_ =	shalt  }
0x7c: {  	_ =	shalt  }
0x7d: {  	_ =	shalt  }
0x7e: {  	_ =	shalt  }
0x7f: {  	_ =	shalt  }
0x80: {  	_ =	shalt  }
0x81: {  	_ =	shalt  }
0x82: {  	_ =	shalt  }
0x83: {  	_ =	shalt  }
0x84: {  	_ =	shalt  }
0x85: {  	_ =	shalt  }
0x86: {  	_ =	shalt  }
0x87: {  	_ =	shalt  }
.Lfunc_end0:
.L_simem_size_0:
called_computation_lowered:
.L_overlay_start_0:
0x88: {  	s2 =	sld [smem:$0x3FD9]  }
0x89: {  	s3 =	sld [smem:$0x3FFE];
	_ =	sdelay $0x1  }
0x8a: {  	s1 =	srdreg.scid  }
0x8b: {  	s0 =	sand.u32 $0x1, s1  }
0x8c: {  	s17 =	sshll.u32 s0, $0xA;
	s2 =	sadd.s32 s3, s2  }
0x8d: {  	s2 =	sadd.s32 s2, s17  }
0x8e: {  	[smem:$0x3FC6] =	sst s2  }
0x8f: {  	_ = 	snop  }
0x90: {  	s2 =	sld [smem:$0x3FD0];
	(tm) =	ssettm $0x1  }
0x91: {  	s18 =	sld [smem:$0x3FFB];
	_ =	sdelay $0x3  }
0x92: {  	_ =	strace s18  }
0x93: {  	s3 =	sld [smem:$0x3FFC];
	_ =	sdelay $0x3  }
0x94: {  	_ =	strace s3  }
0x95: {  	s3 =	sld [smem:$0x3FFD];
	_ =	sdelay $0x3  }
0x96: {  	_ =	strace s3  }
0x97: {  	_ =	strace $0x8FFFFFFF  }
0x98: {  	s19 =	sld [smem:$0x3FDB];
	_ =	sdelay $0x1  }
0x99: {  	s4 =	simm.s32 $_scs_section_size  }
0x9a: {  	s5 =	simm.s32 $_size__tile_overlayer_lowered;
	s6 =	simm.s32 $_tile_overlayer_lowered  }
0x9b: {  	s22 =	simm.s32 $0x1BFF;
	s21 =	sshll.u32 s6, $0x1;
	s3 =	sadd.s32 s4, s19  }
0x9c: {  	s7 =	simm.s32 $0x0;
	s20 =	sshll.u32 s5, $0x1;
	s5 =	sadd.s32 s21, s3  }
0x9d: {  	[timem:s7], [sflag:s22] =	dma.local [hbm:s5], s20  }
0x9e: {  	_ =	swait.ge [sflag:s22], s20  }
0x9f: {  	s4 =	ssub.s32 $0x0, s20;
	[sflag:s22] =	ssyncset.done $0x0  }
0xa0: {  	[sflag:s22] =	ssyncadd.s32 s4;
	_ =	sdelay $0x1  }
0xa1: {  	s23 =	simm.s32 $0x1B8B  }
0xa2: {  	_ =	swait.ge [sflag:s23], $0x1  }
0xa3: {  	[sflag:s23] =	ssyncset.done $0x0  }
0xa4: {  	s25 =	simm.s32 $0x1B8E;
	s24 =	sld [smem:$0x3FFE];
	[sflag:s23] =	ssyncadd.s32 $0xFFFFFFFF  }
0xa5: {  	s26 =	simm.s32 $execute0_lowered;
	[smem:$0x3FD2] =	sst s25  }
0xa6: {  	s5 =	sshll.u32 s26, $0x1;
	_ =	strace $0x80000046;
	[dreg:$0x1] =	wrdreg $0xFFFFFFFF  }
0xa7: {  	s28 =	simm.s32 $_size_execute0_lowered;
	s3 =	sadd.s32 s3, s5;
	[dreg:$0x0] =	wrdreg $0x0  }
0xa8: {  	s5 =	sshll.u32 s28, $0x1;
	[dreg:$0x2] =	wrdreg s3  }
0xa9: {  	[dreg:$0x3] =	wrdreg s5  }
0xaa: {  	[dreg:$0x4] =	wrdreg $0xC0  }
0xab: {  	_ =	task [dreg:s7], $0x5FFFF  }
0xac: {  	[dreg:$0x1] =	wrdreg $0xFFFFFFFF  }
0xad: {  	[dreg:$0x0] =	wrdreg $0x60  }
0xae: {  	[dreg:$0x2] =	wrdreg s24  }
0xaf: {  	[dreg:$0x3] =	wrdreg s2  }
0xb0: {  	[dreg:$0x4] =	wrdreg $0x0  }
0xb1: {  	[dreg:$0x5] =	wrdreg $0x9  }
0xb2: {  	_ =	task.clear_ibuf [dreg:s7], $0x6FFFF;
	_ =	strace $0x90000046  }
0xb3: {  	s29 =	simm.s32 $0x9;
	_ =	strace $0x80000048  }
0xb4: {  	_ =	swait.ge [sflag:s29], $0x1  }
0xb5: {  	[sflag:s29] =	ssyncadd.s32 $0xFFFFFFFF  }
0xb6: {  	_ =	strace $0x90000048  }
0xb7: {  	_ =	sfence  }
0xb8: {  	s30 =	sld [smem:$0x0];
	_ =	sdelay $0x2  }
0xb9: {  	s31 =	sshll.u32 s1, $0xD;
	s1 =	sshrl.u32 s1, $0x2  }
0xba: {  	s3 =	sand.u32 $0x4000, s31;
	s1 =	sadd.s32 s1, s30  }
0xbb: {  	s0 =	sor.u32 s3, s0;
	s1 =	sshll.u32 s1, $0x11  }
0xbc: {  	s0 =	sor.u32 s1, s0  }
0xbd: {  	s0 =	sadd.s32 $0x8F2B, s0  }
0xbe: {  	[sflag:s0] =	ssyncadd.remote.s32 $0x1  }
0xbf: {  	_ =	sfence.sel $0xFFFF  }
0xc0: {  	[dreg:$0x0] =	wrdreg $0xFFFFFFFF;
	(pc) =	sbr.abs _section_cstart, $3  }
0xc1: {  	[dreg:$0x1] =	wrdreg $0xFFFFFFFF  }
0xc2: {  	_ =	task.clear_ibuf [dreg:s7], $0x2FFFF;
	_ =	strace $0x9FFFFFFF  }
0xc3: {  	(tm) =	ssettm $0x7FFFFFFF  }
tec
execute0_lowered:
.L_overlay_start_1:
0x0: {  	(tag) =	ssettag $0x1  }
0x1: {  	s0 =	rddreg [dreg:$0x0]  }
0x2: {  	s2 =	rddreg [dreg:$0x1]  }
0x3: {  	s3 =	rddreg [dreg:$0x2]  }
0x4: {  	s4 =	simm.s32 $0x0;
	s1 =	stileid.u32;
	s6 =	srdreg.scid  }
0x5: {  	s12 =	simm.s32 $0x6C08;
	s13 =	simm.s32 $0x2;
	s14 =	simm.s32 $0x6208  }
0x6: {  	s15 =	simm.s32 $0x80;
	s16 =	simm.s32 $0x6308;
	s17 =	simm.s32 $0x6408  }
0x7: {  	s18 =	simm.s32 $0x6388;
	s20 =	simm.s32 $0x6F88;
	s21 =	simm.s32 $0x7688  }
0x8: {  	s23 =	simm.s32 $0x8488;
	s24 =	simm.s32 $0x0;
	[smem:$0x7FF] =	sst s4  }
0x9: {  	s5 =	sshll.u32 s1, $0x5;
	s8 =	sand.u32 $0x1, s6;
	s6 =	sadd.s32 $0x94800, s0  }
0xa: {  	s10 =	smul.u32 $0x18800, s1;
	_ =	strace $0x80000047;
	s9 =	sadd.s32 s5, s0  }
0xb: {  	s5 =	sadd.s32 $0x32800, s0;
	s7 =	ssub.s32 $0x2, s8;
	s19 =	smul.u32 $0x61A8, s8  }
0xc: {  	s8 =	smul.u32 $0x6200, s8;
	s30 =	sshrl.u32 s7, $0x1;
	s31 =	sshrl.u32 s10, $0x2  }
0xd: {  	s11 =	sadd.s32 $0x1800, s9;
	s0 =	ssub.s32 s7, s30;
	s7 =	smul.u32 $0x620, s1  }
0xe: {  	v2 =	vimm.f32 $1.000000000e+00;
	s22 =	sadd.s32 $0x61A8, s19;
	s10 =	sadd.s32 s31, s3;
	s0 =	smax.u32 s0, $0x1  }
0xf: {  	v3 =	vimm.f32 $0.0e+00;
	v0 =	vmov s19;
	s19 =	simm.s32 $0x1;
	v1 =	vmov s22;
	s22 =	simm.s32 $0x7308;
	[dreg:$0x4] =	wrdreg s0  }
.LBB2_1:
0x10: {  	s0 =	simm.s32 $0x40;
	s9 =	simm.s32 $0x0  }
.LBB2_2:
0x11: {  	p0 =	sne.s32 s0, $0x1FC0;
	[tilespmem:s9+$0x6408] =	vst v2;
	s9 =	smov.u32 s0;
	s0 =	sadd.s32 $0x40, s0  }
.Ltmp0:
0x12: {  	(pc) =	sbr.rel @p0 .LBB2_2-.Ltmp0, $2  }
0x13: {  	_ =	sdelay $0x2  }
0x14: {  	s9 =	sshra.s32 s9, $0x2  }
0x15: {  	[tilespmem:s9+$0x6408] =	vst v2;
	s0 =	simm.s32 $0x40;
	s9 =	simm.s32 $0x0  }
.LBB2_4:
0x16: {  	p0 =	sne.s32 s0, $0xDC0;
	[tilespmem:s9+$0x6C08] =	vst v3;
	s9 =	smov.u32 s0;
	s0 =	sadd.s32 $0x40, s0  }
.Ltmp1:
0x17: {  	(pc) =	sbr.rel @p0 .LBB2_4-.Ltmp1, $2  }
0x18: {  	_ =	sdelay $0x2  }
0x19: {  	s9 =	sshra.s32 s9, $0x2  }
0x1a: {  	[tilespmem:s9+$0x6C08] =	vst v3;
	s0 =	sadd.s32 $0x0, s10  }
0x1b: {  	[spmem:s0] =	stream.linear.scatter [tilespmem:s12], [sflag:$0x2], $0x380, $0x38;
	[tilespmem:$0x9288] =	vst v63  }
0x1c: {  	s0 =	simm.s32 $0xE00;
	_ =	swait.ge [sflag:s13], $0x380  }
.LBB2_6:
0x1d: {  	s9 =	sshra.s32 s0, $0x2;
	[sflag:s13] =	ssyncset.done $0x0;
	p0 =	sne.s32 s0, $0x17A00  }
.Ltmp2:
0x1e: {  	s9 =	sadd.s32 s9, s10;
	[sflag:s13] =	ssyncadd.s32 $0xFFFFFC80;
	(pc) =	sbr.rel @p0 .LBB2_6-.Ltmp2, $3  }
0x1f: {  	[spmem:s9] =	stream.linear.scatter [tilespmem:s12], [sflag:$0x2], $0x380, $0x38;
	[tilespmem:$0x9288] =	vst v63  }
0x20: {  	s0 =	sadd.s32 $0xE00, s0;
	_ =	sdelay $0x1  }
0x21: {  	_ =	swait.ge [sflag:s13], $0x380  }
.Ltmp3:
0x22: {  	(pc) =	sbr.rel .LBB2_8-.Ltmp3, $4  }
0x23: {  	[sflag:s13] =	ssyncset.done $0x0  }
0x24: {  	[sflag:s13] =	ssyncadd.s32 $0xFFFFFC80  }
0x25: {  	[bflag:$0x0] =	sbarrier.arrive $0xFFFF  }
0x26: {  	s25 =	simm.s32 $0x0;
	s26 =	smov.u32 s11  }
.LBB2_10:
0x27: {  	s25 =	sadd.s32 $0x10, s25  }
0x28: {  	p0 =	sne.s32 s25, $0xC40  }
.Ltmp4:
0x29: {  	_ = 	snop;
	(pc) =	sbr.rel @!p0 .LBB2_11-.Ltmp4, $2  }
0x2a: {  	_ =	sdelay $0x2  }
0x2b: {  	s26 =	sadd.s32 $0x200, s26  }
.LBB2_8:
0x2c: {  	s0 =	sadd.s32 s25, s1  }
0x2d: {  	p0 =	sgt.u32 s0, $0xC34  }
.Ltmp5:
0x2e: {  	_ = 	snop;
	(pc) =	sbr.rel @p0 .LBB2_10-.Ltmp5, $1  }
0x2f: {  	_ =	sdelay $0x3  }
0x30: {  	[tilespmem:s14], [sflag:$0x2] =	stream.linear.gather [hbm4b:s26+s4], $0x100, $0x38;
	[tilespmem:$0x9288] =	vst v63  }
0x31: {  	_ =	swait.ge [sflag:s13], $0x100  }
0x32: {  	[sflag:s13] =	ssyncset.done $0x0  }
0x33: {  	[sflag:s13] =	ssyncadd.s32 $0xFFFFFF00  }
0x34: {  	v4 =	vld [tilespmem:$0x6208]  }
0x35: {  	v5 =	vld [tilespmem:$0x6218]  }
0x36: {  	v6 =	vld [tilespmem:$0x6228]  }
0x37: {  	v7 =	vld [tilespmem:$0x6238]  }
0x38: {  	v8 =	vld [tilespmem:$0x6248]  }
0x39: {  	v9 =	vld [tilespmem:$0x6258]  }
0x3a: {  	v10 =	vld [tilespmem:$0x6268]  }
0x3b: {  	v12 =	vld [tilespmem:$0x6288];
	vm0 =	vge.s32 v4, v0  }
0x3c: {  	v13 =	vld [tilespmem:$0x6298];
	vm1 =	vlt.s32 v4, v1;
	vm2 =	vge.s32 v5, v0;
	vm3 =	vlt.s32 v5, v1  }
0x3d: {  	v55 =	vld [tilespmem:$0x62B8];
	v4 =	vsub.s32 v4, v0;
	v5 =	vsub.s32 v5, v0;
	vm12 =	vge.s32 v6, v0  }
0x3e: {  	v57 =	vld [tilespmem:$0x62C8];
	vm13 =	vlt.s32 v6, v1;
	v6 =	vsub.s32 v6, v0;
	vm15 =	vge.s32 v7, v0  }
0x3f: {  	vm4 =	vlt.s32 v7, v1;
	v7 =	vsub.s32 v7, v0;
	vm6 =	vge.s32 v8, v0  }
0x40: {  	v11 =	vld [tilespmem:$0x6278];
	vm7 =	vlt.s32 v8, v1;
	vm8 =	vge.s32 v9, v0;
	vm9 =	vlt.s32 v9, v1  }
0x41: {  	v8 =	vsub.s32 v8, v0;
	v9 =	vsub.s32 v9, v0;
	vm10 =	vge.s32 v10, v0  }
0x42: {  	v56 =	vsub.s32 v12, v0;
	v58 =	vsub.s32 v13, v0;
	v61 =	vsub.s32 v55, v0  }
0x43: {  	v63 =	vsub.s32 v57, v0;
	vm0 =	vmand vm0, vm1;
	vm11 =	vmand vm2, vm3  }
0x44: {  	vm14 =	vmand vm12, vm13;
	vm5 =	vmand vm15, vm4;
	vm1 =	vmand vm8, vm9  }
0x45: {  	v14 =	vld [tilespmem:$0x62A8];
	vm12 =	vge.s32 v11, v0;
	vm13 =	vlt.s32 v11, v1;
	vm15 =	vge.s32 v12, v0  }
0x46: {  	vm8 =	vge.s32 v13, v0;
	vm9 =	vlt.s32 v13, v1;
	v4 =	vnsel vm0, $0x6200, v4  }
0x47: {  	v5 =	vnsel vm11, $0x6200, v5;
	v6 =	vnsel vm14, $0x6200, v6;
	v7 =	vnsel vm5, $0x6200, v7  }
0x48: {  	v59 =	vld [tilespmem:$0x62D8];
	vm0 =	vmand vm6, vm7;
	v9 =	vnsel vm1, $0x6200, v9;
	vm11 =	vlt.s32 v10, v1;
	[tilespmem:$0x6308] =	vst v4  }
0x49: {  	v10 =	vsub.s32 v10, v0;
	vm14 =	vmand vm12, vm13;
	vm6 =	vlt.s32 v12, v1;
	[tilespmem:$0x6318] =	vst v5  }
0x4a: {  	vm12 =	vlt.s32 v14, v1;
	vm13 =	vge.s32 v55, v0;
	v8 =	vnsel vm0, $0x6200, v8;
	[tilespmem:$0x6328] =	vst v6  }
0x4b: {  	v60 =	vld [tilespmem:$0x62E8];
	vm0 =	vmand vm10, vm11;
	v4 =	vsub.s32 v11, v0;
	vm7 =	vmand vm15, vm6;
	[tilespmem:$0x6338] =	vst v7  }
0x4c: {  	vm10 =	vmand vm8, vm9;
	vm11 =	vge.s32 v14, v0;
	[tilespmem:$0x6358] =	vst v9;
	vm15 =	vge.s32 v57, v0  }
0x4d: {  	vm6 =	vlt.s32 v57, v1;
	vm8 =	vlt.s32 v59, v1;
	v5 =	vnsel vm0, $0x6200, v10;
	[tilespmem:$0x6348] =	vst v8  }
0x4e: {  	v62 =	vld [tilespmem:$0x62F8];
	v4 =	vnsel vm14, $0x6200, v4;
	v6 =	vnsel vm7, $0x6200, v56;
	v7 =	vnsel vm10, $0x6200, v58;
	[tilespmem:$0x6368] =	vst v5  }
0x4f: {  	vm0 =	vmand vm11, vm12;
	vm14 =	vlt.s32 v55, v1;
	vm7 =	vge.s32 v59, v0;
	[tilespmem:$0x6378] =	vst v4  }
0x50: {  	vm10 =	vge.s32 v60, v0;
	vm11 =	vlt.s32 v60, v1;
	v5 =	vsub.s32 v14, v0;
	[tilespmem:$0x6388] =	vst v6  }
0x51: {  	vm1 =	vmand vm13, vm14;
	[tilespmem:$0x6398] =	vst v7;
	vm9 =	vmand vm7, vm8;
	v4 =	vnsel vm0, $0x6200, v5  }
0x52: {  	vm12 =	vmand vm10, vm11;
	v5 =	vnsel vm1, $0x6200, v61;
	vm0 =	vmand vm15, vm6;
	[tilespmem:$0x63A8] =	vst v4  }
0x53: {  	vm13 =	vge.s32 v62, v0;
	v4 =	vsub.s32 v59, v0;
	v6 =	vnsel vm0, $0x6200, v63;
	[tilespmem:$0x63B8] =	vst v5  }
0x54: {  	vm14 =	vlt.s32 v62, v1;
	v5 =	vsub.s32 v60, v0;
	v4 =	vnsel vm9, $0x6200, v4;
	[tilespmem:$0x63C8] =	vst v6  }
0x55: {  	vm15 =	vmand vm13, vm14;
	v5 =	vnsel vm12, $0x6200, v5;
	[tilespmem:$0x63D8] =	vst v4;
	v4 =	vsub.s32 v62, v0  }
0x56: {  	[tilespmem:$0x63E8] =	vst v5;
	v4 =	vnsel vm15, $0x6200, v4  }
0x57: {  	[tilespmem:$0x63F8] =	vst v4  }
0x58: {  	[spmem:s3] =	stream.indirect.scatter.add.f32 [tilespmem:s17], [sflag:$0x1], $0x10, s16, s15, $0xb8;
	[tilespmem:$0x9288] =	vst v63  }
0x59: {  	_ = 	snop  }
0x5a: {  	[spmem:s3] =	stream.indirect.scatter.add.f32 [tilespmem:s17], [sflag:$0x1], $0x10, s18, s15, $0xb8;
	[tilespmem:$0x9288] =	vst v63  }
0x5b: {  	_ =	swait.ge [sflag:s19], $0x800  }
.Ltmp6:
0x5c: {  	[sflag:s19] =	ssyncset.done $0x0;
	(pc) =	sbr.rel .LBB2_10-.Ltmp6, $4  }
0x5d: {  	[sflag:s19] =	ssyncadd.s32 $0xFFFFF800  }
0x5e: {  	_ =	swait.ge [sflag:s19], $0x800  }
0x5f: {  	[sflag:s19] =	ssyncset.done $0x0  }
0x60: {  	[sflag:s19] =	ssyncadd.s32 $0xFFFFF800  }
.LBB2_11:
0x61: {  	[bflag:$0x0] =	sbarrier.arrive $0xFFFF;
	s25 =	simm.s32 $0x0;
	s26 =	simm.s32 $0x0  }
.LBB2_12:
0x62: {  	s0 =	smul.u32 $0x38, s26;
	_ =	sdelay $0x1  }
0x63: {  	s0 =	sadd.s32 s7, s0  }
0x64: {  	s9 =	sshll.u32 s0, $0x4  }
0x65: {  	s9 =	sand.u32 $0x3FFFFFF0, s9  }
0x66: {  	s9 =	sadd.s32 s9, s3  }
0x67: {  	[tilespmem:s20], [sflag:$0x2] =	stream.linear.gather [spmem:s9], $0x380, $0x38;
	[tilespmem:$0x9288] =	vst v63  }
0x68: {  	s29 =	sadd.s32 s8, s0;
	_ =	swait.ge [sflag:s13], $0x380  }
0x69: {  	s28 =	sshll.u32 s29, $0x3;
	[sflag:s13] =	ssyncset.done $0x0  }
0x6a: {  	s9 =	sadd.s32 s5, s28;
	[sflag:s13] =	ssyncadd.s32 $0xFFFFFC80  }
0x6b: {  	[tilespmem:s21], [sflag:$0x2] =	stream.linear.gather [hbm4b:s9+s25], $0xE00, $0x38;
	[tilespmem:$0x9288] =	vst v63  }
0x6c: {  	_ =	swait.ge [sflag:s13], $0xE00  }
0x6d: {  	[sflag:s13] =	ssyncset.done $0x0  }
0x6e: {  	s9 =	simm.s32 $0x0;
	[sflag:s13] =	ssyncadd.s32 $0xFFFFF200  }
0x6f: {  	v4 =	vld [tilespmem:s9+$0x6F88];
	_ =	sdelay $0x4  }
0x70: {  	v5 =	vshrl.u32 v4, $0x1;
	v6 =	vmul.f32 $5.000000000e-01, v4  }
0x71: {  	v5 =	vsub.s32 $0x5F3759DF, v5  }
0x72: {  	v7 =	vmul.f32 v5, v6;
	_ =	sdelay $0x1  }
0x73: {  	v7 =	vmul.f32 v5, v7;
	_ =	sdelay $0x1  }
0x74: {  	v7 =	vsub.f32 $1.500000000e+00, v7;
	_ =	sdelay $0x1  }
0x75: {  	v5 =	vmul.f32 v5, v7;
	_ =	sdelay $0x1  }
0x76: {  	v7 =	vmul.f32 v5, v6;
	_ =	sdelay $0x1  }
0x77: {  	v7 =	vmul.f32 v7, v5;
	_ =	sdelay $0x1  }
0x78: {  	v7 =	vsub.f32 $1.500000000e+00, v7;
	_ =	sdelay $0x1  }
0x79: {  	v5 =	vmul.f32 v7, v5;
	_ =	sdelay $0x1  }
0x7a: {  	v6 =	vmul.f32 v5, v6;
	_ =	sdelay $0x1  }
0x7b: {  	v6 =	vmul.f32 v6, v5;
	_ =	sdelay $0x1  }
0x7c: {  	v6 =	vsub.f32 $1.500000000e+00, v6;
	_ =	sdelay $0x1  }
0x7d: {  	v5 =	vmul.f32 v6, v5  }
0x7e: {  	vm0 =	vgt.f32 v4, $0.0e+00  }
0x7f: {  	v4 =	vnsel vm0, $0x0, v5  }
0x80: {  	s30 =	simm.s32 $0x76A8;
	[tilespmem:s9+$0x7308] =	vst v4  }
0x81: {  	v5 =	vld [tilespmem:s30+$0xFFFFFFE0];
	_ =	sdelay $0x4  }
0x82: {  	v5 =	vmul.f32 v4, v5  }
0x83: {  	s31 =	simm.s32 $0x84A8  }
0x84: {  	[tilespmem:s31+$0xFFFFFFE0] =	vst v5  }
0x85: {  	v5 =	vld [tilespmem:s30+$0xFFFFFFF0];
	_ =	sdelay $0x4  }
0x86: {  	v5 =	vmul.f32 v4, v5;
	_ =	sdelay $0x1  }
0x87: {  	[tilespmem:s31+$0xFFFFFFF0] =	vst v5  }
0x88: {  	v5 =	vld [tilespmem:s30+$0x0];
	_ =	sdelay $0x4  }
0x89: {  	v5 =	vmul.f32 v4, v5;
	_ =	sdelay $0x1  }
0x8a: {  	[tilespmem:s31+$0x0] =	vst v5  }
0x8b: {  	v5 =	vld [tilespmem:s30+$0x10];
	_ =	sdelay $0x4  }
0x8c: {  	v4 =	vmul.f32 v4, v5;
	_ =	sdelay $0x1  }
0x8d: {  	s0 =	simm.s32 $0x80;
	s9 =	simm.s32 $0x10;
	[tilespmem:s31+$0x10] =	vst v4  }
.LBB2_13:
0x8e: {  	p0 =	sne.s32 s0, $0xDC0;
	v4 =	vld [tilespmem:s9+$0x6F88];
	_ =	sdelay $0x4  }
0x8f: {  	v5 =	vshrl.u32 v4, $0x1;
	v6 =	vmul.f32 $5.000000000e-01, v4  }
0x90: {  	v5 =	vsub.s32 $0x5F3759DF, v5  }
0x91: {  	v7 =	vmul.f32 v5, v6;
	_ =	sdelay $0x1  }
0x92: {  	v7 =	vmul.f32 v5, v7;
	_ =	sdelay $0x1  }
0x93: {  	v7 =	vsub.f32 $1.500000000e+00, v7;
	_ =	sdelay $0x1  }
0x94: {  	v5 =	vmul.f32 v5, v7;
	_ =	sdelay $0x1  }
0x95: {  	v7 =	vmul.f32 v5, v6;
	_ =	sdelay $0x1  }
0x96: {  	v7 =	vmul.f32 v7, v5;
	_ =	sdelay $0x1  }
0x97: {  	v7 =	vsub.f32 $1.500000000e+00, v7;
	_ =	sdelay $0x1  }
0x98: {  	v5 =	vmul.f32 v7, v5;
	_ =	sdelay $0x1  }
0x99: {  	v6 =	vmul.f32 v5, v6;
	_ =	sdelay $0x1  }
0x9a: {  	v6 =	vmul.f32 v6, v5;
	_ =	sdelay $0x1  }
0x9b: {  	v6 =	vsub.f32 $1.500000000e+00, v6;
	_ =	sdelay $0x1  }
0x9c: {  	v5 =	vmul.f32 v6, v5  }
0x9d: {  	vm0 =	vgt.f32 v4, $0.0e+00  }
0x9e: {  	v4 =	vnsel vm0, $0x0, v5  }
0x9f: {  	s30 =	sadd.s32 $0x40, s30;
	[tilespmem:s9+$0x7308] =	vst v4  }
0xa0: {  	v5 =	vld [tilespmem:s30+$0xFFFFFFE0];
	_ =	sdelay $0x4  }
0xa1: {  	v5 =	vmul.f32 v4, v5  }
0xa2: {  	s31 =	sadd.s32 $0x40, s31  }
0xa3: {  	[tilespmem:s31+$0xFFFFFFE0] =	vst v5  }
0xa4: {  	v5 =	vld [tilespmem:s30+$0xFFFFFFF0];
	_ =	sdelay $0x4  }
0xa5: {  	v5 =	vmul.f32 v4, v5;
	_ =	sdelay $0x1  }
0xa6: {  	[tilespmem:s31+$0xFFFFFFF0] =	vst v5  }
0xa7: {  	v5 =	vld [tilespmem:s30+$0x0];
	_ =	sdelay $0x4  }
0xa8: {  	v5 =	vmul.f32 v4, v5;
	_ =	sdelay $0x1  }
0xa9: {  	[tilespmem:s31+$0x0] =	vst v5  }
0xaa: {  	v5 =	vld [tilespmem:s30+$0x10];
	_ =	sdelay $0x2  }
.Ltmp7:
0xab: {  	(pc) =	sbr.rel @p0 .LBB2_13-.Ltmp7, $3  }
0xac: {  	_ = 	snop  }
0xad: {  	v4 =	vmul.f32 v4, v5;
	_ =	sdelay $0x1  }
0xae: {  	s9 =	sshra.s32 s0, $0x2;
	s0 =	sadd.s32 $0x40, s0;
	[tilespmem:s31+$0x10] =	vst v4  }
0xaf: {  	v4 =	vld [tilespmem:s9+$0x6F88];
	_ =	sdelay $0x4  }
0xb0: {  	v5 =	vshrl.u32 v4, $0x1;
	v6 =	vmul.f32 $5.000000000e-01, v4  }
0xb1: {  	v5 =	vsub.s32 $0x5F3759DF, v5  }
0xb2: {  	v7 =	vmul.f32 v5, v6;
	_ =	sdelay $0x1  }
0xb3: {  	v7 =	vmul.f32 v5, v7;
	_ =	sdelay $0x1  }
0xb4: {  	v7 =	vsub.f32 $1.500000000e+00, v7;
	_ =	sdelay $0x1  }
0xb5: {  	v5 =	vmul.f32 v5, v7;
	_ =	sdelay $0x1  }
0xb6: {  	v7 =	vmul.f32 v5, v6;
	_ =	sdelay $0x1  }
0xb7: {  	v7 =	vmul.f32 v7, v5;
	_ =	sdelay $0x1  }
0xb8: {  	v7 =	vsub.f32 $1.500000000e+00, v7;
	_ =	sdelay $0x1  }
0xb9: {  	v5 =	vmul.f32 v7, v5;
	_ =	sdelay $0x1  }
0xba: {  	v6 =	vmul.f32 v5, v6;
	_ =	sdelay $0x1  }
0xbb: {  	v6 =	vmul.f32 v6, v5;
	_ =	sdelay $0x1  }
0xbc: {  	v6 =	vsub.f32 $1.500000000e+00, v6;
	_ =	sdelay $0x1  }
0xbd: {  	v5 =	vmul.f32 v6, v5  }
0xbe: {  	vm0 =	vgt.f32 v4, $0.0e+00  }
0xbf: {  	v4 =	vnsel vm0, $0x0, v5  }
0xc0: {  	s0 =	sadd.s32 $0x40, s30;
	[tilespmem:s9+$0x7308] =	vst v4  }
0xc1: {  	v5 =	vld [tilespmem:s0+$0xFFFFFFE0];
	_ =	sdelay $0x4  }
0xc2: {  	v5 =	vmul.f32 v4, v5  }
0xc3: {  	s31 =	sadd.s32 $0x40, s31  }
0xc4: {  	[tilespmem:s31+$0xFFFFFFE0] =	vst v5  }
0xc5: {  	v5 =	vld [tilespmem:s0+$0xFFFFFFF0];
	_ =	sdelay $0x4  }
0xc6: {  	v5 =	vmul.f32 v4, v5;
	_ =	sdelay $0x1  }
0xc7: {  	[tilespmem:s31+$0xFFFFFFF0] =	vst v5  }
0xc8: {  	v5 =	vld [tilespmem:s0+$0x0];
	_ =	sdelay $0x4  }
0xc9: {  	v5 =	vmul.f32 v4, v5;
	_ =	sdelay $0x1  }
0xca: {  	[tilespmem:s31+$0x0] =	vst v5  }
0xcb: {  	v5 =	vld [tilespmem:s0+$0x10];
	_ =	sdelay $0x4  }
0xcc: {  	v4 =	vmul.f32 v4, v5  }
0xcd: {  	s30 =	sshll.u32 s29, $0x1  }
0xce: {  	s0 =	sadd.s32 s2, s30;
	[tilespmem:s31+$0x10] =	vst v4  }
0xcf: {  	[hbm4b:s0+s4] =	stream.linear.scatter [tilespmem:s22], [sflag:$0x2], $0x380, $0x38;
	[tilespmem:$0x9288] =	vst v63  }
0xd0: {  	s26 =	sadd.s32 $0x1, s26;
	_ =	swait.ge [sflag:s13], $0x380  }
0xd1: {  	p0 =	sne.s32 s26, $0x1C;
	[sflag:s13] =	ssyncset.done $0x0  }
.Ltmp8:
0xd2: {  	s31 =	sadd.s32 s6, s28;
	[sflag:s13] =	ssyncadd.s32 $0xFFFFFC80;
	(pc) =	sbr.rel @p0 .LBB2_12-.Ltmp8, $4  }
0xd3: {  	[hbm4b:s31+s4] =	stream.linear.scatter [tilespmem:s23], [sflag:$0x2], $0xE00, $0x38;
	[tilespmem:$0x9288] =	vst v63  }
0xd4: {  	_ =	swait.ge [sflag:s13], $0xE00  }
0xd5: {  	[sflag:s13] =	ssyncset.done $0x0  }
0xd6: {  	[sflag:s13] =	ssyncadd.s32 $0xFFFFF200  }
0xd7: {  	s24 =	sadd.s32 $0x1, s24;
	s0 =	rddreg [dreg:$0x4]  }
0xd8: {  	p0 =	sne.s32 s24, s0  }
.Ltmp9:
0xd9: {  	_ = 	snop;
	(pc) =	sbr.rel @p0 .LBB2_1-.Ltmp9, $1  }
0xda: {  	_ =	sdelay $0x3  }
0xdb: {  	_ =	sfence.sel $0x180000  }
0xdc: {  	[bflag:$0x0] =	sbarrier.arrive $0xFFFF  }
0xdd: {  	_ =	strace $0x90000047  }
0xde: {  	[bflag:$0x2] =	sbarrier.arrive $0xFFFF  }
0xdf: {  	p0 =	sne.s32 s1, $0x0;
	s0 =	rddreg [dreg:$0x3]  }
0xe0: {  	s0 =	sadd.s32 @!p0 $0x100000, s0  }
0xe1: {  	[sflag:s0] =	ssyncadd.tile.s32 @!p0 $0x1;
	_ =	shalt  }
.Lfunc_end2:
_tile_overlayer_lowered:
.L_overlay_start_2:
0xe2: {  	(tag) =	ssettag $0x2  }
0xe3: {  	s0 =	rddreg [dreg:$0x0];
	s2 =	stileid.u32  }
0xe4: {  	s1 =	rddreg [dreg:$0x1];
	p0 =	sne.s32 s2, $0x0  }
0xe5: {  	s3 =	rddreg [dreg:$0x2];
	[bflag:$0x3] =	sbarrier.arrive $0xFFFF;
	s2 =	simm.s32 @!p0 $0x1C02  }
0xe6: {  	[timem:s3], [sflag:s2] =	dma.local @!p0 [hbm:s0], s1  }
0xe7: {  	s0 =	simm.s32 @!p0 $0x2  }
0xe8: {  	_ =	swait.ge @!p0 [sflag:s0], s1  }
0xe9: {  	s1 =	ssub.s32 @!p0 $0x0, s1;
	[sflag:s0] =	ssyncset.done @!p0 $0x0  }
0xea: {  	[sflag:s0] =	ssyncadd.s32 @!p0 s1  }
0xeb: {  	[bflag:$0x3] =	sbarrier.arrive $0xFFFF  }
0xec: {  	_ =	shalt  }

</sc_bundles>
